<compile_context>
chip_gen: v7x
topology: tpu7x:2x2x1
jax: 0.10.2.dev20260603
libtpu: 0.0.44.dev20260713+nightly
codegen_flags: <defaults>
</compile_context>

<pallas_src>
import jax
import jax.numpy as jnp
from jax import lax
from jax.experimental import pallas as pl
from jax.experimental.pallas import tpu as pltpu
from jax.experimental.pallas import tpu_sc as plsc

CROP_H = 14
CROP_W = 14

B = 4
C = 256
H = 224
W = 224
NBOX = 512
HW = H * W

NC = 2
NS = 16
NW = NC * NS
BPW = NBOX // NW
LANES = 16
NU = BPW * CROP_H
DEPTH = 4


def _sc_body(table, boxes_f, box_ind, out,
             bx_v, bi_v, rT_a, rB_a, at_a, ab_a,
             colL_a, colR_a, cl_a, cr_a,
             idx0, idx1, taps0, taps1, ob0, ob1, wbuf,
             ts0, ts1, os0, os1):
    cid = lax.axis_index("c")
    sid = lax.axis_index("s")
    wid = sid * NC + cid
    base = wid * BPW

    idx_r = (idx0, idx1)
    taps_r = (taps0, taps1)
    ob_r = (ob0, ob1)
    ts = (ts0, ts1)
    os_ = (os0, os1)

    pltpu.sync_copy(boxes_f.at[pl.ds(base * 4, 4 * BPW)], bx_v)
    pltpu.sync_copy(box_ind.at[pl.ds(base, BPW)], bi_v)

    iota = lax.iota(jnp.int32, LANES)
    iotaf = iota.astype(jnp.float32)

    y1 = plsc.load_gather(bx_v, [iota * 4])
    x1 = plsc.load_gather(bx_v, [iota * 4 + 1])
    y2 = plsc.load_gather(bx_v, [iota * 4 + 2])
    x2 = plsc.load_gather(bx_v, [iota * 4 + 3])
    bbase = bi_v[...] * HW

    hs = (y2 - y1) * float(H - 1) / float(CROP_H - 1)
    by = y1 * float(H - 1)

    def yrow(i, _):
        in_y = by + lax.convert_element_type(i, jnp.float32) * hs
        vy = (in_y >= 0.0) & (in_y <= float(H - 1))
        iyc = jnp.clip(in_y, 0.0, float(H - 1))
        top = iyc.astype(jnp.int32)
        ly = iyc - top.astype(jnp.float32)
        bot = jnp.minimum(top + 1, H - 1)
        vyf = jnp.where(vy, 1.0, 0.0).astype(jnp.float32)
        rT_a[pl.ds(LANES + i * LANES, LANES)] = bbase + top * W
        rB_a[pl.ds(LANES + i * LANES, LANES)] = bbase + bot * W
        at_a[pl.ds(LANES + i * LANES, LANES)] = (1.0 - ly) * vyf
        ab_a[pl.ds(LANES + i * LANES, LANES)] = ly * vyf
        return 0

    lax.fori_loop(0, CROP_H, yrow, 0)

    def xrow(b, _):
        x1b = plsc.load_gather(bx_v, [jnp.full((LANES,), 0, jnp.int32) + b * 4 + 1])
        x2b = plsc.load_gather(bx_v, [jnp.full((LANES,), 0, jnp.int32) + b * 4 + 3])
        wsb = (x2b - x1b) * float(W - 1) / float(CROP_W - 1)
        in_x = x1b * float(W - 1) + iotaf * wsb
        vx = (in_x >= 0.0) & (in_x <= float(W - 1))
        ixc = jnp.clip(in_x, 0.0, float(W - 1))
        left = ixc.astype(jnp.int32)
        lx = ixc - left.astype(jnp.float32)
        right = jnp.minimum(left + 1, W - 1)
        vxf = jnp.where(vx, 1.0, 0.0).astype(jnp.float32)
        colL_a[pl.ds(b * LANES, LANES)] = left
        colR_a[pl.ds(b * LANES, LANES)] = right
        cl_a[pl.ds(b * LANES, LANES)] = (1.0 - lx) * vxf
        cr_a[pl.ds(b * LANES, LANES)] = lx * vxf
        return 0

    lax.fori_loop(0, BPW, xrow, 0)

    def issue(u, s):
        b = u // CROP_H
        i = u % CROP_H
        fb = LANES + i * LANES + b
        splat = jnp.full((LANES,), 0, jnp.int32) + fb
        rT = plsc.load_gather(rT_a, [splat])
        rB = plsc.load_gather(rB_a, [splat])
        colL = colL_a[pl.ds(b * LANES, LANES)]
        colR = colR_a[pl.ds(b * LANES, LANES)]
        m14 = iota < CROP_W
        plsc.store_scatter(idx_r[s], [iota], rT + colL, mask=m14)
        plsc.store_scatter(idx_r[s], [iota + CROP_W], rT + colR, mask=m14)
        plsc.store_scatter(idx_r[s], [iota + 2 * CROP_W], rB + colL, mask=m14)
        plsc.store_scatter(idx_r[s], [iota + 3 * CROP_W], rB + colR, mask=m14)
        pltpu.async_copy(table.at[idx_r[s]], taps_r[s], ts[s])

    def wait_taps(s):
        pltpu.make_async_copy(table.at[idx_r[s]], taps_r[s], ts[s]).wait()

    def wait_out(s):
        pltpu.make_async_copy(ob_r[s], out.at[0], os_[s]).wait()

    def compute(u, s):
        b = u // CROP_H
        i = u % CROP_H
        fb = LANES + i * LANES + b
        splat = jnp.full((LANES,), 0, jnp.int32) + fb
        atw = plsc.load_gather(at_a, [splat])
        abw = plsc.load_gather(ab_a, [splat])
        cl = cl_a[pl.ds(b * LANES, LANES)]
        cr = cr_a[pl.ds(b * LANES, LANES)]
        wbuf[pl.ds(0, LANES)] = atw * cl
        wbuf[pl.ds(LANES, LANES)] = atw * cr
        wbuf[pl.ds(2 * LANES, LANES)] = abw * cl
        wbuf[pl.ds(3 * LANES, LANES)] = abw * cr
        taps = taps_r[s]
        ob = ob_r[s]

        @plsc.parallel_loop(0, CROP_W, 1, unroll=2)
        def jloop(j):
            sj = jnp.full((LANES,), 0, jnp.int32) + j
            w_tl = plsc.load_gather(wbuf, [sj])
            w_tr = plsc.load_gather(wbuf, [sj + LANES])
            w_bl = plsc.load_gather(wbuf, [sj + 2 * LANES])
            w_br = plsc.load_gather(wbuf, [sj + 3 * LANES])
            for c in range(C // LANES):
                ttl = taps[j, pl.ds(c * LANES, LANES)]
                ttr = taps[CROP_W + j, pl.ds(c * LANES, LANES)]
                tbl = taps[2 * CROP_W + j, pl.ds(c * LANES, LANES)]
                tbr = taps[3 * CROP_W + j, pl.ds(c * LANES, LANES)]
                val = ttl * w_tl + ttr * w_tr + tbl * w_bl + tbr * w_br
                ob[pl.ds(j * C + c * LANES, LANES)] = val
        pltpu.async_copy(ob, out.at[(base + b) * CROP_H + i], os_[s])

    issue(0, 0)

    def pair(uu, _):
        u0 = 2 * uu
        issue(u0 + 1, 1)
        wait_taps(0)

        @pl.when(uu >= 1)
        def _():
            wait_out(0)

        compute(u0, 0)

        @pl.when(uu <= NU // 2 - 2)
        def _():
            issue(u0 + 2, 0)

        wait_taps(1)

        @pl.when(uu >= 1)
        def _():
            wait_out(1)

        compute(u0 + 1, 1)
        return 0

    lax.fori_loop(0, NU // 2, pair, 0)
    wait_out(0)
    wait_out(1)


def kernel(image, boxes, box_ind):
    table = jnp.transpose(image, (0, 2, 3, 1)).reshape(B * HW, C)
    boxes_f = boxes.reshape(-1)
    mesh = plsc.VectorSubcoreMesh(core_axis_name="c", subcore_axis_name="s")
    run = pl.kernel(
        _sc_body,
        out_type=jax.ShapeDtypeStruct((NBOX * CROP_H, CROP_W * C), jnp.float32),
        mesh=mesh,
        compiler_params=pltpu.CompilerParams(needs_layout_passes=False),
        scratch_types=[
            pltpu.VMEM((4 * BPW,), jnp.float32),
            pltpu.VMEM((BPW,), jnp.int32),
            pltpu.VMEM(((CROP_H + 1) * LANES,), jnp.int32),
            pltpu.VMEM(((CROP_H + 1) * LANES,), jnp.int32),
            pltpu.VMEM(((CROP_H + 1) * LANES,), jnp.float32),
            pltpu.VMEM(((CROP_H + 1) * LANES,), jnp.float32),
            pltpu.VMEM((BPW * LANES,), jnp.int32),
            pltpu.VMEM((BPW * LANES,), jnp.int32),
            pltpu.VMEM((BPW * LANES,), jnp.float32),
            pltpu.VMEM((BPW * LANES,), jnp.float32),
            pltpu.VMEM((4 * CROP_W,), jnp.int32),
            pltpu.VMEM((4 * CROP_W,), jnp.int32),
            pltpu.VMEM((4 * CROP_W, C), jnp.float32),
            pltpu.VMEM((4 * CROP_W, C), jnp.float32),
            pltpu.VMEM((CROP_W * C,), jnp.float32),
            pltpu.VMEM((CROP_W * C,), jnp.float32),
            pltpu.VMEM((4 * LANES,), jnp.float32),
            pltpu.SemaphoreType.DMA,
            pltpu.SemaphoreType.DMA,
            pltpu.SemaphoreType.DMA,
            pltpu.SemaphoreType.DMA,
        ],
    )
    out = run(table, boxes_f, box_ind)
    out = out.reshape(NBOX, CROP_H, CROP_W, C)
    return jnp.transpose(out, (0, 3, 1, 2))

# --- scband reference (transcript-rebuilt; emitter-appended) ---
"""Pipeline reference for scband-crop-and-resize-79766132621686 (READ-ONLY COPY).

The authoritative reference and input builder live on the scoring server;
editing this copy changes nothing except your own understanding.
"""

import jax, jax.numpy as jnp
import numpy as np

CROP_H = 14
CROP_W = 14
EXTRAP = 0.0


def setup_inputs(seed: int = 0) -> dict:
    key = jax.random.key(seed)
    k1, k2, k3 = jax.random.split(key, 3)
    image = jax.random.normal(k1, (4, 256, 224, 224), dtype=jnp.float32)
    # TF-style normalized boxes (y1, x1, y2, x2) in [0, 1]
    boxes = jax.random.uniform(k2, (512, 4), dtype=jnp.float32)
    box_ind = jax.random.randint(k3, (512,), 0, 4, dtype=jnp.int32)
    return {"image": image, "boxes": boxes, "box_ind": box_ind}


def _crop_and_resize(image, boxes, box_ind):
    # image: [B, C, H, W]; boxes: [N, 4] normalized (y1, x1, y2, x2); box_ind: [N]
    H = image.shape[2]
    W = image.shape[3]
    dt = image.dtype
    y1 = boxes[:, 0]
    x1 = boxes[:, 1]
    y2 = boxes[:, 2]
    x2 = boxes[:, 3]
    h_scale = (y2 - y1) * (H - 1) / (CROP_H - 1)
    w_scale = (x2 - x1) * (W - 1) / (CROP_W - 1)
    ys = jnp.arange(CROP_H, dtype=dt)
    xs = jnp.arange(CROP_W, dtype=dt)
    in_y = y1[:, None] * (H - 1) + ys[None, :] * h_scale[:, None]   # [N, CH]
    in_x = x1[:, None] * (W - 1) + xs[None, :] * w_scale[:, None]   # [N, CW]
    valid_y = (in_y >= 0) & (in_y <= H - 1)
    valid_x = (in_x >= 0) & (in_x <= W - 1)
    in_y_c = jnp.clip(in_y, 0.0, H - 1)
    in_x_c = jnp.clip(in_x, 0.0, W - 1)
    top = jnp.floor(in_y_c).astype(jnp.int32)
    bot = jnp.clip(top + 1, 0, H - 1)
    left = jnp.floor(in_x_c).astype(jnp.int32)
    right = jnp.clip(left + 1, 0, W - 1)
    ly = in_y_c - top.astype(dt)   # [N, CH]
    lx = in_x_c - left.astype(dt)  # [N, CW]
    b = box_ind[:, None, None]           # [N, 1, 1]
    yT = top[:, :, None]                 # [N, CH, 1]
    yB = bot[:, :, None]
    xL = left[:, None, :]                # [N, 1, CW]
    xR = right[:, None, :]
    # mixed advanced indexing: result shape [N, CH, CW, C]
    tl = image[b, :, yT, xL]
    tr = image[b, :, yT, xR]
    bl = image[b, :, yB, xL]
    br = image[b, :, yB, xR]
    lx_b = lx[:, None, :, None]
    ly_b = ly[:, :, None, None]
    top_i = tl + (tr - tl) * lx_b
    bot_i = bl + (br - bl) * lx_b
    out = top_i + (bot_i - top_i) * ly_b
    mask = valid_y[:, :, None, None] & valid_x[:, None, :, None]
    out = jnp.where(mask, out, jnp.asarray(EXTRAP, dtype=dt))
    # -> [N, C, CH, CW]
    return jnp.transpose(out, (0, 3, 1, 2))


def reference(image, boxes, box_ind):
    return _crop_and_resize(image, boxes, box_ind)

if __name__ == "__main__":
    import jax
    _d = setup_inputs()
    print(jax.jit(kernel)(*tuple(_d.values())))

</pallas_src>

<mosaic_0001>
#map = affine_map<(d0, d1) -> (0, 0)>
#map1 = affine_map<(d0, d1) -> (0)>
module attributes {stable_mosaic.version = 14 : i64} {
  func.func @_sc_body(%arg0: i32, %arg1: i32, %arg2: memref<200704x256xf32, #tpu.memory_space<hbm>>, %arg3: memref<2048xf32, #tpu.memory_space<hbm>>, %arg4: memref<512xi32, #tpu.memory_space<hbm>>, %arg5: memref<7168x3584xf32, #tpu.memory_space<hbm>>, %arg6: memref<64xf32, #tpu.memory_space<vmem>>, %arg7: memref<16xi32, #tpu.memory_space<vmem>>, %arg8: memref<240xi32, #tpu.memory_space<vmem>>, %arg9: memref<240xi32, #tpu.memory_space<vmem>>, %arg10: memref<240xf32, #tpu.memory_space<vmem>>, %arg11: memref<240xf32, #tpu.memory_space<vmem>>, %arg12: memref<256xi32, #tpu.memory_space<vmem>>, %arg13: memref<256xi32, #tpu.memory_space<vmem>>, %arg14: memref<256xf32, #tpu.memory_space<vmem>>, %arg15: memref<256xf32, #tpu.memory_space<vmem>>, %arg16: memref<56xi32, #tpu.memory_space<vmem>>, %arg17: memref<56xi32, #tpu.memory_space<vmem>>, %arg18: memref<56x256xf32, #tpu.memory_space<vmem>>, %arg19: memref<56x256xf32, #tpu.memory_space<vmem>>, %arg20: memref<3584xf32, #tpu.memory_space<vmem>>, %arg21: memref<3584xf32, #tpu.memory_space<vmem>>, %arg22: memref<64xf32, #tpu.memory_space<vmem>>, %arg23: memref<!tpu.dma_semaphore, #tpu.memory_space<semaphore_mem>>, %arg24: memref<!tpu.dma_semaphore, #tpu.memory_space<semaphore_mem>>, %arg25: memref<!tpu.dma_semaphore, #tpu.memory_space<semaphore_mem>>, %arg26: memref<!tpu.dma_semaphore, #tpu.memory_space<semaphore_mem>>) attributes {dimension_semantics = [#tpu.dimension_semantics<core_parallel>, #tpu.dimension_semantics<subcore_parallel>], iteration_bounds = array<i64: 2, 16>, scalar_prefetch = 0 : i64, scratch_operands = 21 : i64, tpu.core_type = #tpu.core_type<sc_vector_subcore>, window_params = [{transform_indices = #map}, {transform_indices = #map1}, {transform_indices = #map1}, {transform_indices = #map}]} {
    %mul3A = arith.constant 2 : i32
    %mul3A_0 = arith.muli %arg1, %mul3A : i32
    %add3A = arith.addi %mul3A_0, %arg0 : i32
    %mul3A_1 = arith.constant 16 : i32
    %mul3A_2 = arith.muli %add3A, %mul3A_1 : i32
    %mul3A_3 = arith.constant 4 : i32
    %mul3A_4 = arith.muli %mul3A_2, %mul3A_3 : i32
    "tpu.region"() ({
      %run_scoped3A = tpu.sem_alloc : memref<!tpu.dma_semaphore, #tpu.memory_space<semaphore_mem>>
      %dma_start3A_101 = tpu.memref_slice %arg3[%mul3A_4] : memref<2048xf32, #tpu.memory_space<hbm>> -> memref<64xf32, #tpu.memory_space<hbm>>
      %dma_start3A_102 = tpu.memref_slice %arg3[%mul3A_4] : memref<2048xf32, #tpu.memory_space<hbm>> -> memref<64xf32, #tpu.memory_space<hbm>>
      tpu.enqueue_dma source(%dma_start3A_102 : memref<64xf32, #tpu.memory_space<hbm>>) target(%arg6 : memref<64xf32, #tpu.memory_space<vmem>>) target_semaphore(%run_scoped3A : memref<!tpu.dma_semaphore, #tpu.memory_space<semaphore_mem>>)
      %dma_wait3A_103 = tpu.memref_slice %arg3[%mul3A_4] : memref<2048xf32, #tpu.memory_space<hbm>> -> memref<64xf32, #tpu.memory_space<hbm>>
      %dma_wait3A_104 = tpu.memref_slice %arg3[%mul3A_4] : memref<2048xf32, #tpu.memory_space<hbm>> -> memref<64xf32, #tpu.memory_space<hbm>>
      tpu.wait_dma2 semaphore(%run_scoped3A : memref<!tpu.dma_semaphore, #tpu.memory_space<semaphore_mem>>) src(%dma_wait3A_104 : memref<64xf32, #tpu.memory_space<hbm>>) dst(%arg6 : memref<64xf32, #tpu.memory_space<vmem>>)
      tpu.yield
    }) : () -> ()
    "tpu.region"() ({
      %run_scoped3A = tpu.sem_alloc : memref<!tpu.dma_semaphore, #tpu.memory_space<semaphore_mem>>
      %dma_start3A_101 = tpu.memref_slice %arg4[%mul3A_2] : memref<512xi32, #tpu.memory_space<hbm>> -> memref<16xi32, #tpu.memory_space<hbm>>
      %dma_start3A_102 = tpu.memref_slice %arg4[%mul3A_2] : memref<512xi32, #tpu.memory_space<hbm>> -> memref<16xi32, #tpu.memory_space<hbm>>
      tpu.enqueue_dma source(%dma_start3A_102 : memref<16xi32, #tpu.memory_space<hbm>>) target(%arg7 : memref<16xi32, #tpu.memory_space<vmem>>) target_semaphore(%run_scoped3A : memref<!tpu.dma_semaphore, #tpu.memory_space<semaphore_mem>>)
      %dma_wait3A_103 = tpu.memref_slice %arg4[%mul3A_2] : memref<512xi32, #tpu.memory_space<hbm>> -> memref<16xi32, #tpu.memory_space<hbm>>
      %dma_wait3A_104 = tpu.memref_slice %arg4[%mul3A_2] : memref<512xi32, #tpu.memory_space<hbm>> -> memref<16xi32, #tpu.memory_space<hbm>>
      tpu.wait_dma2 semaphore(%run_scoped3A : memref<!tpu.dma_semaphore, #tpu.memory_space<semaphore_mem>>) src(%dma_wait3A_104 : memref<16xi32, #tpu.memory_space<hbm>>) dst(%arg7 : memref<16xi32, #tpu.memory_space<vmem>>)
      tpu.yield
    }) : () -> ()
    %iota3A = tpu.iota {dimensions = array<i32: 0>} : vector<16xi32>
    %convert_element_type3A = arith.sitofp %iota3A : vector<16xi32> to vector<16xf32>
    %mul3A_5 = arith.constant 4 : i32
    %mul3A_6 = vector.broadcast %mul3A_5 : i32 to vector<16xi32>
    %mul3A_7 = arith.muli %iota3A, %mul3A_6 : vector<16xi32>
    %gather3A = tpu.vector_load_idx %arg6[%mul3A_7] : memref<64xf32, #tpu.memory_space<vmem>>[vector<16xi32>], vector<16xf32>,
    %mul3A_8 = arith.constant 4 : i32
    %mul3A_9 = vector.broadcast %mul3A_8 : i32 to vector<16xi32>
    %mul3A_10 = arith.muli %iota3A, %mul3A_9 : vector<16xi32>
    %add3A_11 = arith.constant 1 : i32
    %add3A_12 = vector.broadcast %add3A_11 : i32 to vector<16xi32>
    %add3A_13 = arith.addi %mul3A_10, %add3A_12 : vector<16xi32>
    %gather3A_14 = tpu.vector_load_idx %arg6[%add3A_13] : memref<64xf32, #tpu.memory_space<vmem>>[vector<16xi32>], vector<16xf32>,
    %mul3A_15 = arith.constant 4 : i32
    %mul3A_16 = vector.broadcast %mul3A_15 : i32 to vector<16xi32>
    %mul3A_17 = arith.muli %iota3A, %mul3A_16 : vector<16xi32>
    %add3A_18 = arith.constant 2 : i32
    %add3A_19 = vector.broadcast %add3A_18 : i32 to vector<16xi32>
    %add3A_20 = arith.addi %mul3A_17, %add3A_19 : vector<16xi32>
    %gather3A_21 = tpu.vector_load_idx %arg6[%add3A_20] : memref<64xf32, #tpu.memory_space<vmem>>[vector<16xi32>], vector<16xf32>,
    %mul3A_22 = arith.constant 4 : i32
    %mul3A_23 = vector.broadcast %mul3A_22 : i32 to vector<16xi32>
    %mul3A_24 = arith.muli %iota3A, %mul3A_23 : vector<16xi32>
    %add3A_25 = arith.constant 3 : i32
    %add3A_26 = vector.broadcast %add3A_25 : i32 to vector<16xi32>
    %add3A_27 = arith.addi %mul3A_24, %add3A_26 : vector<16xi32>
    %gather3A_28 = tpu.vector_load_idx %arg6[%add3A_27] : memref<64xf32, #tpu.memory_space<vmem>>[vector<16xi32>], vector<16xf32>,
    %get3A = arith.constant 0 : index
    %get3A_29 = tpu.vector_load %arg7[%get3A] {strides = array<i32>} : memref<16xi32, #tpu.memory_space<vmem>>, vector<16xi32>,
    %mul3A_30 = arith.constant 50176 : i32
    %mul3A_31 = vector.broadcast %mul3A_30 : i32 to vector<16xi32>
    %mul3A_32 = arith.muli %get3A_29, %mul3A_31 : vector<16xi32>
    %sub3A = arith.subf %gather3A_21, %gather3A : vector<16xf32>
    %mul3A_33 = arith.constant 2.230000e+02 : f32
    %mul3A_34 = vector.broadcast %mul3A_33 : f32 to vector<16xf32>
    %mul3A_35 = arith.mulf %sub3A, %mul3A_34 : vector<16xf32>
    %div3A = arith.constant 1.300000e+01 : f32
    %div3A_36 = vector.broadcast %div3A : f32 to vector<16xf32>
    %div3A_37 = arith.divf %mul3A_35, %div3A_36 : vector<16xf32>
    %mul3A_38 = arith.constant 2.230000e+02 : f32
    %mul3A_39 = vector.broadcast %mul3A_38 : f32 to vector<16xf32>
    %mul3A_40 = arith.mulf %gather3A, %mul3A_39 : vector<16xf32>
    %scan3A = arith.constant 0 : i32
    %scan3A_41 = arith.constant 0 : i32
    %scan3A_42 = arith.constant 14 : i32
    %scan3A_43 = arith.addi %scan3A_41, %scan3A_42 : i32
    %scan3A_44 = arith.constant 1 : i32
    %scan3A_45 = scf.for %scan3A_101 = %scan3A_41 to %scan3A_43 step %scan3A_44 iter_args(%scan3A_102 = %scan3A) -> (i32)  : i32 {
      %convert_element_type3A_103 = arith.sitofp %scan3A_101 : i32 to f32
      %mul3A_104 = vector.broadcast %convert_element_type3A_103 : f32 to vector<16xf32>
      %mul3A_105 = arith.mulf %mul3A_104, %div3A_37 : vector<16xf32>
      %add3A_106 = arith.addf %mul3A_40, %mul3A_105 : vector<16xf32>
      %ge3A = arith.constant 0.000000e+00 : f32
      %ge3A_107 = vector.broadcast %ge3A : f32 to vector<16xf32>
      %ge3A_108 = arith.cmpf oge, %add3A_106, %ge3A_107 : vector<16xf32>
      %le3A = arith.constant 2.230000e+02 : f32
      %le3A_109 = vector.broadcast %le3A : f32 to vector<16xf32>
      %le3A_110 = arith.cmpf ole, %add3A_106, %le3A_109 : vector<16xf32>
      %and3A = arith.andi %ge3A_108, %le3A_110 : vector<16xi1>
      %jit3A = arith.constant 0.000000e+00 : f32
      %jit3A_111 = arith.constant 2.230000e+02 : f32
      %max3A = vector.broadcast %jit3A : f32 to vector<16xf32>
      %max3A_112 = arith.maximumf %max3A, %add3A_106 : vector<16xf32>
      %min3A = vector.broadcast %jit3A_111 : f32 to vector<16xf32>
      %min3A_113 = arith.minimumf %min3A, %max3A_112 : vector<16xf32>
      %convert_element_type3A_114 = arith.fptosi %min3A_113 : vector<16xf32> to vector<16xi32>
      %convert_element_type3A_115 = arith.sitofp %convert_element_type3A_114 : vector<16xi32> to vector<16xf32>
      %sub3A_116 = arith.subf %min3A_113, %convert_element_type3A_115 : vector<16xf32>
      %add3A_117 = arith.constant 1 : i32
      %add3A_118 = vector.broadcast %add3A_117 : i32 to vector<16xi32>
      %add3A_119 = arith.addi %convert_element_type3A_114, %add3A_118 : vector<16xi32>
      %min3A_120 = arith.constant 223 : i32
      %min3A_121 = vector.broadcast %min3A_120 : i32 to vector<16xi32>
      %min3A_122 = arith.minsi %add3A_119, %min3A_121 : vector<16xi32>
      %jit3A_123 = arith.constant 1.000000e+00 : f32
      %jit3A_124 = arith.constant 0.000000e+00 : f32
      %broadcast_in_dim3A_125 = vector.broadcast %jit3A_123 : f32 to vector<16xf32>
      %broadcast_in_dim3A_126 = vector.broadcast %jit3A_124 : f32 to vector<16xf32>
      %select_n3A = arith.select %and3A, %broadcast_in_dim3A_125, %broadcast_in_dim3A_126 : vector<16xi1>, vector<16xf32>
      %mul3A_127 = arith.constant 224 : i32
      %mul3A_128 = vector.broadcast %mul3A_127 : i32 to vector<16xi32>
      %mul3A_129 = arith.muli %convert_element_type3A_114, %mul3A_128 : vector<16xi32>
      %add3A_130 = arith.addi %mul3A_32, %mul3A_129 : vector<16xi32>
      %mul3A_131 = arith.constant 16 : i32
      %mul3A_132 = arith.muli %scan3A_101, %mul3A_131 : i32
      %add3A_133 = arith.constant 16 : i32
      %add3A_134 = arith.addi %add3A_133, %mul3A_132 : i32
      %swap3A = arith.index_cast %add3A_134 : i32 to index
      %swap3A_135 = tpu.vector_load %arg8[%swap3A] {strides = array<i32>} : memref<240xi32, #tpu.memory_space<vmem>>, vector<16xi32>,
      tpu.vector_store %arg8[%swap3A], %add3A_130 {strides = array<i32>} : memref<240xi32, #tpu.memory_space<vmem>>, vector<16xi32>,
      %mul3A_136 = arith.constant 224 : i32
      %mul3A_137 = vector.broadcast %mul3A_136 : i32 to vector<16xi32>
      %mul3A_138 = arith.muli %min3A_122, %mul3A_137 : vector<16xi32>
      %add3A_139 = arith.addi %mul3A_32, %mul3A_138 : vector<16xi32>
      %mul3A_140 = arith.constant 16 : i32
      %mul3A_141 = arith.muli %scan3A_101, %mul3A_140 : i32
      %add3A_142 = arith.constant 16 : i32
      %add3A_143 = arith.addi %add3A_142, %mul3A_141 : i32
      %swap3A_144 = arith.index_cast %add3A_143 : i32 to index
      %swap3A_145 = tpu.vector_load %arg9[%swap3A_144] {strides = array<i32>} : memref<240xi32, #tpu.memory_space<vmem>>, vector<16xi32>,
      tpu.vector_store %arg9[%swap3A_144], %add3A_139 {strides = array<i32>} : memref<240xi32, #tpu.memory_space<vmem>>, vector<16xi32>,
      %sub3A_146 = arith.constant 1.000000e+00 : f32
      %sub3A_147 = vector.broadcast %sub3A_146 : f32 to vector<16xf32>
      %sub3A_148 = arith.subf %sub3A_147, %sub3A_116 : vector<16xf32>
      %mul3A_149 = arith.mulf %sub3A_148, %select_n3A : vector<16xf32>
      %mul3A_150 = arith.constant 16 : i32
      %mul3A_151 = arith.muli %scan3A_101, %mul3A_150 : i32
      %add3A_152 = arith.constant 16 : i32
      %add3A_153 = arith.addi %add3A_152, %mul3A_151 : i32
      %swap3A_154 = arith.index_cast %add3A_153 : i32 to index
      %swap3A_155 = tpu.vector_load %arg10[%swap3A_154] {strides = array<i32>} : memref<240xf32, #tpu.memory_space<vmem>>, vector<16xf32>,
      tpu.vector_store %arg10[%swap3A_154], %mul3A_149 {strides = array<i32>} : memref<240xf32, #tpu.memory_space<vmem>>, vector<16xf32>,
      %mul3A_156 = arith.mulf %sub3A_116, %select_n3A : vector<16xf32>
      %mul3A_157 = arith.constant 16 : i32
      %mul3A_158 = arith.muli %scan3A_101, %mul3A_157 : i32
      %add3A_159 = arith.constant 16 : i32
      %add3A_160 = arith.addi %add3A_159, %mul3A_158 : i32
      %swap3A_161 = arith.index_cast %add3A_160 : i32 to index
      %swap3A_162 = tpu.vector_load %arg11[%swap3A_161] {strides = array<i32>} : memref<240xf32, #tpu.memory_space<vmem>>, vector<16xf32>,
      tpu.vector_store %arg11[%swap3A_161], %mul3A_156 {strides = array<i32>} : memref<240xf32, #tpu.memory_space<vmem>>, vector<16xf32>,
      %scan3A_163 = arith.constant 0 : i32
      scf.yield %scan3A_163 : i32
    }
    %scan3A_46 = arith.constant 14 : i32
    %scan3A_47 = arith.constant 0 : i32
    %scan3A_48 = arith.constant 0 : i32
    %scan3A_49 = arith.constant 16 : i32
    %scan3A_50 = arith.addi %scan3A_48, %scan3A_49 : i32
    %scan3A_51 = arith.constant 1 : i32
    %scan3A_52 = scf.for %scan3A_101 = %scan3A_48 to %scan3A_50 step %scan3A_51 iter_args(%scan3A_102 = %scan3A_47) -> (i32)  : i32 {
      %broadcast_in_dim3A_103 = arith.constant 0 : i32
      %broadcast_in_dim3A_104 = vector.broadcast %broadcast_in_dim3A_103 : i32 to vector<16xi32>
      %mul3A_105 = arith.constant 4 : i32
      %mul3A_106 = arith.muli %scan3A_101, %mul3A_105 : i32
      %add3A_107 = vector.broadcast %mul3A_106 : i32 to vector<16xi32>
      %add3A_108 = arith.addi %broadcast_in_dim3A_104, %add3A_107 : vector<16xi32>
      %add3A_109 = arith.constant 1 : i32
      %add3A_110 = vector.broadcast %add3A_109 : i32 to vector<16xi32>
      %add3A_111 = arith.addi %add3A_108, %add3A_110 : vector<16xi32>
      %gather3A_112 = tpu.vector_load_idx %arg6[%add3A_111] : memref<64xf32, #tpu.memory_space<vmem>>[vector<16xi32>], vector<16xf32>,
      %broadcast_in_dim3A_113 = arith.constant 0 : i32
      %broadcast_in_dim3A_114 = vector.broadcast %broadcast_in_dim3A_113 : i32 to vector<16xi32>
      %mul3A_115 = arith.constant 4 : i32
      %mul3A_116 = arith.muli %scan3A_101, %mul3A_115 : i32
      %add3A_117 = vector.broadcast %mul3A_116 : i32 to vector<16xi32>
      %add3A_118 = arith.addi %broadcast_in_dim3A_114, %add3A_117 : vector<16xi32>
      %add3A_119 = arith.constant 3 : i32
      %add3A_120 = vector.broadcast %add3A_119 : i32 to vector<16xi32>
      %add3A_121 = arith.addi %add3A_118, %add3A_120 : vector<16xi32>
      %gather3A_122 = tpu.vector_load_idx %arg6[%add3A_121] : memref<64xf32, #tpu.memory_space<vmem>>[vector<16xi32>], vector<16xf32>,
      %sub3A_123 = arith.subf %gather3A_122, %gather3A_112 : vector<16xf32>
      %mul3A_124 = arith.constant 2.230000e+02 : f32
      %mul3A_125 = vector.broadcast %mul3A_124 : f32 to vector<16xf32>
      %mul3A_126 = arith.mulf %sub3A_123, %mul3A_125 : vector<16xf32>
      %div3A_127 = arith.constant 1.300000e+01 : f32
      %div3A_128 = vector.broadcast %div3A_127 : f32 to vector<16xf32>
      %div3A_129 = arith.divf %mul3A_126, %div3A_128 : vector<16xf32>
      %mul3A_130 = arith.constant 2.230000e+02 : f32
      %mul3A_131 = vector.broadcast %mul3A_130 : f32 to vector<16xf32>
      %mul3A_132 = arith.mulf %gather3A_112, %mul3A_131 : vector<16xf32>
      %mul3A_133 = arith.mulf %convert_element_type3A, %div3A_129 : vector<16xf32>
      %add3A_134 = arith.addf %mul3A_132, %mul3A_133 : vector<16xf32>
      %ge3A = arith.constant 0.000000e+00 : f32
      %ge3A_135 = vector.broadcast %ge3A : f32 to vector<16xf32>
      %ge3A_136 = arith.cmpf oge, %add3A_134, %ge3A_135 : vector<16xf32>
      %le3A = arith.constant 2.230000e+02 : f32
      %le3A_137 = vector.broadcast %le3A : f32 to vector<16xf32>
      %le3A_138 = arith.cmpf ole, %add3A_134, %le3A_137 : vector<16xf32>
      %and3A = arith.andi %ge3A_136, %le3A_138 : vector<16xi1>
      %jit3A = arith.constant 0.000000e+00 : f32
      %jit3A_139 = arith.constant 2.230000e+02 : f32
      %max3A = vector.broadcast %jit3A : f32 to vector<16xf32>
      %max3A_140 = arith.maximumf %max3A, %add3A_134 : vector<16xf32>
      %min3A = vector.broadcast %jit3A_139 : f32 to vector<16xf32>
      %min3A_141 = arith.minimumf %min3A, %max3A_140 : vector<16xf32>
      %convert_element_type3A_142 = arith.fptosi %min3A_141 : vector<16xf32> to vector<16xi32>
      %convert_element_type3A_143 = arith.sitofp %convert_element_type3A_142 : vector<16xi32> to vector<16xf32>
      %sub3A_144 = arith.subf %min3A_141, %convert_element_type3A_143 : vector<16xf32>
      %add3A_145 = arith.constant 1 : i32
      %add3A_146 = vector.broadcast %add3A_145 : i32 to vector<16xi32>
      %add3A_147 = arith.addi %convert_element_type3A_142, %add3A_146 : vector<16xi32>
      %min3A_148 = arith.constant 223 : i32
      %min3A_149 = vector.broadcast %min3A_148 : i32 to vector<16xi32>
      %min3A_150 = arith.minsi %add3A_147, %min3A_149 : vector<16xi32>
      %jit3A_151 = arith.constant 1.000000e+00 : f32
      %jit3A_152 = arith.constant 0.000000e+00 : f32
      %broadcast_in_dim3A_153 = vector.broadcast %jit3A_151 : f32 to vector<16xf32>
      %broadcast_in_dim3A_154 = vector.broadcast %jit3A_152 : f32 to vector<16xf32>
      %select_n3A = arith.select %and3A, %broadcast_in_dim3A_153, %broadcast_in_dim3A_154 : vector<16xi1>, vector<16xf32>
      %mul3A_155 = arith.constant 16 : i32
      %mul3A_156 = arith.muli %scan3A_101, %mul3A_155 : i32
      %swap3A = arith.index_cast %mul3A_156 : i32 to index
      %swap3A_157 = tpu.vector_load %arg12[%swap3A] {strides = array<i32>} : memref<256xi32, #tpu.memory_space<vmem>>, vector<16xi32>,
      tpu.vector_store %arg12[%swap3A], %convert_element_type3A_142 {strides = array<i32>} : memref<256xi32, #tpu.memory_space<vmem>>, vector<16xi32>,
      %mul3A_158 = arith.constant 16 : i32
      %mul3A_159 = arith.muli %scan3A_101, %mul3A_158 : i32
      %swap3A_160 = arith.index_cast %mul3A_159 : i32 to index
      %swap3A_161 = tpu.vector_load %arg13[%swap3A_160] {strides = array<i32>} : memref<256xi32, #tpu.memory_space<vmem>>, vector<16xi32>,
      tpu.vector_store %arg13[%swap3A_160], %min3A_150 {strides = array<i32>} : memref<256xi32, #tpu.memory_space<vmem>>, vector<16xi32>,
      %sub3A_162 = arith.constant 1.000000e+00 : f32
      %sub3A_163 = vector.broadcast %sub3A_162 : f32 to vector<16xf32>
      %sub3A_164 = arith.subf %sub3A_163, %sub3A_144 : vector<16xf32>
      %mul3A_165 = arith.mulf %sub3A_164, %select_n3A : vector<16xf32>
      %mul3A_166 = arith.constant 16 : i32
      %mul3A_167 = arith.muli %scan3A_101, %mul3A_166 : i32
      %swap3A_168 = arith.index_cast %mul3A_167 : i32 to index
      %swap3A_169 = tpu.vector_load %arg14[%swap3A_168] {strides = array<i32>} : memref<256xf32, #tpu.memory_space<vmem>>, vector<16xf32>,
      tpu.vector_store %arg14[%swap3A_168], %mul3A_165 {strides = array<i32>} : memref<256xf32, #tpu.memory_space<vmem>>, vector<16xf32>,
      %mul3A_170 = arith.mulf %sub3A_144, %select_n3A : vector<16xf32>
      %mul3A_171 = arith.constant 16 : i32
      %mul3A_172 = arith.muli %scan3A_101, %mul3A_171 : i32
      %swap3A_173 = arith.index_cast %mul3A_172 : i32 to index
      %swap3A_174 = tpu.vector_load %arg15[%swap3A_173] {strides = array<i32>} : memref<256xf32, #tpu.memory_space<vmem>>, vector<16xf32>,
      tpu.vector_store %arg15[%swap3A_173], %mul3A_170 {strides = array<i32>} : memref<256xf32, #tpu.memory_space<vmem>>, vector<16xf32>,
      %scan3A_175 = arith.constant 0 : i32
      scf.yield %scan3A_175 : i32
    }
    %scan3A_53 = arith.constant 16 : i32
    %broadcast_in_dim3A = arith.constant 0 : i32
    %broadcast_in_dim3A_54 = vector.broadcast %broadcast_in_dim3A : i32 to vector<16xi32>
    %add3A_55 = arith.constant 16 : i32
    %add3A_56 = vector.broadcast %add3A_55 : i32 to vector<16xi32>
    %add3A_57 = arith.addi %broadcast_in_dim3A_54, %add3A_56 : vector<16xi32>
    %gather3A_58 = tpu.vector_load_idx %arg8[%add3A_57] : memref<240xi32, #tpu.memory_space<vmem>>[vector<16xi32>], vector<16xi32>,
    %gather3A_59 = tpu.vector_load_idx %arg9[%add3A_57] : memref<240xi32, #tpu.memory_space<vmem>>[vector<16xi32>], vector<16xi32>,
    %get3A_60 = arith.constant 0 : index
    %get3A_61 = tpu.vector_load %arg12[%get3A_60] {strides = array<i32>} : memref<256xi32, #tpu.memory_space<vmem>>, vector<16xi32>,
    %get3A_62 = arith.constant 0 : index
    %get3A_63 = tpu.vector_load %arg13[%get3A_62] {strides = array<i32>} : memref<256xi32, #tpu.memory_space<vmem>>, vector<16xi32>,
    %lt3A = arith.constant 14 : i32
    %lt3A_64 = vector.broadcast %lt3A : i32 to vector<16xi32>
    %lt3A_65 = arith.cmpi slt, %iota3A, %lt3A_64 : vector<16xi32>
    %add3A_66 = arith.addi %gather3A_58, %get3A_61 : vector<16xi32>
    tpu.vector_store_idx %arg16[%iota3A], %add3A_66 masked %lt3A_65 : memref<56xi32, #tpu.memory_space<vmem>>[vector<16xi32>], vector<16xi32>, vector<16xi1>
    %add3A_67 = arith.constant 14 : i32
    %add3A_68 = vector.broadcast %add3A_67 : i32 to vector<16xi32>
    %add3A_69 = arith.addi %iota3A, %add3A_68 : vector<16xi32>
    %add3A_70 = arith.addi %gather3A_58, %get3A_63 : vector<16xi32>
    tpu.vector_store_idx %arg16[%add3A_69], %add3A_70 masked %lt3A_65 : memref<56xi32, #tpu.memory_space<vmem>>[vector<16xi32>], vector<16xi32>, vector<16xi1>
    %add3A_71 = arith.constant 28 : i32
    %add3A_72 = vector.broadcast %add3A_71 : i32 to vector<16xi32>
    %add3A_73 = arith.addi %iota3A, %add3A_72 : vector<16xi32>
    %add3A_74 = arith.addi %gather3A_59, %get3A_61 : vector<16xi32>
    tpu.vector_store_idx %arg16[%add3A_73], %add3A_74 masked %lt3A_65 : memref<56xi32, #tpu.memory_space<vmem>>[vector<16xi32>], vector<16xi32>, vector<16xi1>
    %add3A_75 = arith.constant 42 : i32
    %add3A_76 = vector.broadcast %add3A_75 : i32 to vector<16xi32>
    %add3A_77 = arith.addi %iota3A, %add3A_76 : vector<16xi32>
    %add3A_78 = arith.addi %gather3A_59, %get3A_63 : vector<16xi32>
    tpu.vector_store_idx %arg16[%add3A_77], %add3A_78 masked %lt3A_65 : memref<56xi32, #tpu.memory_space<vmem>>[vector<16xi32>], vector<16xi32>, vector<16xi1>
    %dma_start3A = arith.constant 0 : i32
    %dma_start3A_79 = arith.constant 0 : i32
    %dma_start3A_80 = tpu.memref_slice %arg2[%dma_start3A, %dma_start3A_79] : memref<200704x256xf32, #tpu.memory_space<hbm>> -> memref<200704x256xf32, #tpu.memory_space<hbm>>
    tpu.enqueue_indirect_dma source(%dma_start3A_80 : memref<200704x256xf32, #tpu.memory_space<hbm>>) target(%arg18 : memref<56x256xf32, #tpu.memory_space<vmem>>) offsets(%arg16 : memref<56xi32, #tpu.memory_space<vmem>>) semaphore(%arg23 : memref<!tpu.dma_semaphore, #tpu.memory_space<semaphore_mem>>)
    %scan3A_81 = arith.constant 0 : i32
    %scan3A_82 = arith.constant 0 : i32
    %scan3A_83 = arith.constant 112 : i32
    %scan3A_84 = arith.addi %scan3A_82, %scan3A_83 : i32
    %scan3A_85 = arith.constant 1 : i32
    %scan3A_86 = scf.for %scan3A_101 = %scan3A_82 to %scan3A_84 step %scan3A_85 iter_args(%scan3A_102 = %scan3A_81) -> (i32)  : i32 {
      %mul3A_103 = arith.constant 2 : i32
      %mul3A_104 = arith.muli %mul3A_103, %scan3A_101 : i32
      %add3A_105 = arith.constant 1 : i32
      %add3A_106 = arith.addi %mul3A_104, %add3A_105 : i32
      %jit3A = arith.constant 14 : i32
      %div3A_107 = arith.divsi %add3A_106, %jit3A : i32
      %sign3A = arith.constant 0 : i32
      %sign3A_108 = arith.cmpi sgt, %add3A_106, %sign3A : i32
      %sign3A_109 = arith.extui %sign3A_108 : i1 to i32
      %sign3A_110 = arith.constant 0 : i32
      %sign3A_111 = arith.cmpi slt, %add3A_106, %sign3A_110 : i32
      %sign3A_112 = arith.extui %sign3A_111 : i1 to i32
      %sign3A_113 = arith.subi %sign3A_109, %sign3A_112 : i32
      %sign3A_114 = arith.constant 0 : i32
      %sign3A_115 = arith.cmpi sgt, %jit3A, %sign3A_114 : i32
      %sign3A_116 = arith.extui %sign3A_115 : i1 to i32
      %sign3A_117 = arith.constant 0 : i32
      %sign3A_118 = arith.cmpi slt, %jit3A, %sign3A_117 : i32
      %sign3A_119 = arith.extui %sign3A_118 : i1 to i32
      %sign3A_120 = arith.subi %sign3A_116, %sign3A_119 : i32
      %ne3A = arith.cmpi ne, %sign3A_113, %sign3A_120 : i32
      %rem3A = arith.remsi %add3A_106, %jit3A : i32
      %ne3A_121 = arith.constant 0 : i32
      %ne3A_122 = arith.cmpi ne, %rem3A, %ne3A_121 : i32
      %and3A = arith.andi %ne3A, %ne3A_122 : i1
      %sub3A_123 = arith.constant 1 : i32
      %sub3A_124 = arith.subi %div3A_107, %sub3A_123 : i32
      %select_n3A = arith.select %and3A, %sub3A_124, %div3A_107 : i32
      %jit3A_125 = arith.constant 14 : i32
      %eq3A = arith.constant 0 : i32
      %eq3A_126 = arith.cmpi eq, %jit3A_125, %eq3A : i32
      %jit3A_127 = arith.constant 1 : i32
      %select_n3A_128 = arith.select %eq3A_126, %jit3A_127, %jit3A_125 : i32
      %rem3A_129 = arith.remsi %add3A_106, %select_n3A_128 : i32
      %ne3A_130 = arith.constant 0 : i32
      %ne3A_131 = arith.cmpi ne, %rem3A_129, %ne3A_130 : i32
      %lt3A_132 = arith.constant 0 : i32
      %lt3A_133 = arith.cmpi slt, %rem3A_129, %lt3A_132 : i32
      %lt3A_134 = arith.constant 0 : i32
      %lt3A_135 = arith.cmpi slt, %select_n3A_128, %lt3A_134 : i32
      %ne3A_136 = arith.xori %lt3A_133, %lt3A_135 : i1
      %and3A_137 = arith.andi %ne3A_136, %ne3A_131 : i1
      %add3A_138 = arith.addi %rem3A_129, %select_n3A_128 : i32
      %select_n3A_139 = arith.select %and3A_137, %add3A_138, %rem3A_129 : i32
      %mul3A_140 = arith.constant 16 : i32
      %mul3A_141 = arith.muli %select_n3A_139, %mul3A_140 : i32
      %add3A_142 = arith.constant 16 : i32
      %add3A_143 = arith.addi %add3A_142, %mul3A_141 : i32
      %add3A_144 = arith.addi %add3A_143, %select_n3A : i32
      %broadcast_in_dim3A_145 = arith.constant 0 : i32
      %broadcast_in_dim3A_146 = vector.broadcast %broadcast_in_dim3A_145 : i32 to vector<16xi32>
      %add3A_147 = vector.broadcast %add3A_144 : i32 to vector<16xi32>
      %add3A_148 = arith.addi %broadcast_in_dim3A_146, %add3A_147 : vector<16xi32>
      %gather3A_149 = tpu.vector_load_idx %arg8[%add3A_148] : memref<240xi32, #tpu.memory_space<vmem>>[vector<16xi32>], vector<16xi32>,
      %gather3A_150 = tpu.vector_load_idx %arg9[%add3A_148] : memref<240xi32, #tpu.memory_space<vmem>>[vector<16xi32>], vector<16xi32>,
      %mul3A_151 = arith.constant 16 : i32
      %mul3A_152 = arith.muli %select_n3A, %mul3A_151 : i32
      %get3A_153 = arith.index_cast %mul3A_152 : i32 to index
      %get3A_154 = tpu.vector_load %arg12[%get3A_153] {strides = array<i32>} : memref<256xi32, #tpu.memory_space<vmem>>, vector<16xi32>,
      %mul3A_155 = arith.constant 16 : i32
      %mul3A_156 = arith.muli %select_n3A, %mul3A_155 : i32
      %get3A_157 = arith.index_cast %mul3A_156 : i32 to index
      %get3A_158 = tpu.vector_load %arg13[%get3A_157] {strides = array<i32>} : memref<256xi32, #tpu.memory_space<vmem>>, vector<16xi32>,
      %lt3A_159 = arith.constant 14 : i32
      %lt3A_160 = vector.broadcast %lt3A_159 : i32 to vector<16xi32>
      %lt3A_161 = arith.cmpi slt, %iota3A, %lt3A_160 : vector<16xi32>
      %add3A_162 = arith.addi %gather3A_149, %get3A_154 : vector<16xi32>
      tpu.vector_store_idx %arg17[%iota3A], %add3A_162 masked %lt3A_161 : memref<56xi32, #tpu.memory_space<vmem>>[vector<16xi32>], vector<16xi32>, vector<16xi1>
      %add3A_163 = arith.constant 14 : i32
      %add3A_164 = vector.broadcast %add3A_163 : i32 to vector<16xi32>
      %add3A_165 = arith.addi %iota3A, %add3A_164 : vector<16xi32>
      %add3A_166 = arith.addi %gather3A_149, %get3A_158 : vector<16xi32>
      tpu.vector_store_idx %arg17[%add3A_165], %add3A_166 masked %lt3A_161 : memref<56xi32, #tpu.memory_space<vmem>>[vector<16xi32>], vector<16xi32>, vector<16xi1>
      %add3A_167 = arith.constant 28 : i32
      %add3A_168 = vector.broadcast %add3A_167 : i32 to vector<16xi32>
      %add3A_169 = arith.addi %iota3A, %add3A_168 : vector<16xi32>
      %add3A_170 = arith.addi %gather3A_150, %get3A_154 : vector<16xi32>
      tpu.vector_store_idx %arg17[%add3A_169], %add3A_170 masked %lt3A_161 : memref<56xi32, #tpu.memory_space<vmem>>[vector<16xi32>], vector<16xi32>, vector<16xi1>
      %add3A_171 = arith.constant 42 : i32
      %add3A_172 = vector.broadcast %add3A_171 : i32 to vector<16xi32>
      %add3A_173 = arith.addi %iota3A, %add3A_172 : vector<16xi32>
      %add3A_174 = arith.addi %gather3A_150, %get3A_158 : vector<16xi32>
      tpu.vector_store_idx %arg17[%add3A_173], %add3A_174 masked %lt3A_161 : memref<56xi32, #tpu.memory_space<vmem>>[vector<16xi32>], vector<16xi32>, vector<16xi1>
      %dma_start3A_175 = arith.constant 0 : i32
      %dma_start3A_176 = arith.constant 0 : i32
      %dma_start3A_177 = tpu.memref_slice %arg2[%dma_start3A_175, %dma_start3A_176] : memref<200704x256xf32, #tpu.memory_space<hbm>> -> memref<200704x256xf32, #tpu.memory_space<hbm>>
      tpu.enqueue_indirect_dma source(%dma_start3A_177 : memref<200704x256xf32, #tpu.memory_space<hbm>>) target(%arg19 : memref<56x256xf32, #tpu.memory_space<vmem>>) offsets(%arg17 : memref<56xi32, #tpu.memory_space<vmem>>) semaphore(%arg24 : memref<!tpu.dma_semaphore, #tpu.memory_space<semaphore_mem>>)
      %dma_wait3A_178 = arith.constant 0 : i32
      %dma_wait3A_179 = arith.constant 0 : i32
      %dma_wait3A_180 = tpu.memref_slice %arg2[%dma_wait3A_178, %dma_wait3A_179] : memref<200704x256xf32, #tpu.memory_space<hbm>> -> memref<200704x256xf32, #tpu.memory_space<hbm>>
      tpu.wait_indirect_dma semaphore(%arg23 : memref<!tpu.dma_semaphore, #tpu.memory_space<semaphore_mem>>) src(%dma_wait3A_180 : memref<200704x256xf32, #tpu.memory_space<hbm>>) dst(%arg18 : memref<56x256xf32, #tpu.memory_space<vmem>>)
      %ge3A = arith.constant 1 : i32
      %ge3A_181 = arith.cmpi sge, %scan3A_101, %ge3A : i32
      %convert_element_type3A_182 = arith.extui %ge3A_181 : i1 to i32
      %cond3A = arith.constant 0 : i32
      %cond3A_183 = arith.cmpi ne, %convert_element_type3A_182, %cond3A : i32
      scf.if %cond3A_183 {
        %dma_wait3A_365 = arith.constant 0 : i32
        %dma_wait3A_366 = arith.constant 0 : i32
        %dma_wait3A_367 = tpu.memref_slice %arg5[%dma_wait3A_365, %dma_wait3A_366] : memref<7168x3584xf32, #tpu.memory_space<hbm>> -> memref<1x3584xf32, #tpu.memory_space<hbm>>
        %dma_wait3A_368 = tpu.memref_squeeze %dma_wait3A_367 : memref<1x3584xf32, #tpu.memory_space<hbm>> -> memref<3584xf32, #tpu.memory_space<hbm>>
        %dma_wait3A_369 = arith.constant 0 : i32
        %dma_wait3A_370 = tpu.memref_slice %arg5[%dma_wait3A_365, %dma_wait3A_369] : memref<7168x3584xf32, #tpu.memory_space<hbm>> -> memref<1x3584xf32, #tpu.memory_space<hbm>>
        %dma_wait3A_371 = tpu.memref_squeeze %dma_wait3A_370 : memref<1x3584xf32, #tpu.memory_space<hbm>> -> memref<3584xf32, #tpu.memory_space<hbm>>
        tpu.wait_dma2 semaphore(%arg25 : memref<!tpu.dma_semaphore, #tpu.memory_space<semaphore_mem>>) src(%arg20 : memref<3584xf32, #tpu.memory_space<vmem>>) dst(%dma_wait3A_371 : memref<3584xf32, #tpu.memory_space<hbm>>)
      } else {
      }
      %jit3A_184 = arith.constant 14 : i32
      %div3A_185 = arith.divsi %mul3A_104, %jit3A_184 : i32
      %sign3A_186 = arith.constant 0 : i32
      %sign3A_187 = arith.cmpi sgt, %mul3A_104, %sign3A_186 : i32
      %sign3A_188 = arith.extui %sign3A_187 : i1 to i32
      %sign3A_189 = arith.constant 0 : i32
      %sign3A_190 = arith.cmpi slt, %mul3A_104, %sign3A_189 : i32
      %sign3A_191 = arith.extui %sign3A_190 : i1 to i32
      %sign3A_192 = arith.subi %sign3A_188, %sign3A_191 : i32
      %sign3A_193 = arith.constant 0 : i32
      %sign3A_194 = arith.cmpi sgt, %jit3A_184, %sign3A_193 : i32
      %sign3A_195 = arith.extui %sign3A_194 : i1 to i32
      %sign3A_196 = arith.constant 0 : i32
      %sign3A_197 = arith.cmpi slt, %jit3A_184, %sign3A_196 : i32
      %sign3A_198 = arith.extui %sign3A_197 : i1 to i32
      %sign3A_199 = arith.subi %sign3A_195, %sign3A_198 : i32
      %ne3A_200 = arith.cmpi ne, %sign3A_192, %sign3A_199 : i32
      %rem3A_201 = arith.remsi %mul3A_104, %jit3A_184 : i32
      %ne3A_202 = arith.constant 0 : i32
      %ne3A_203 = arith.cmpi ne, %rem3A_201, %ne3A_202 : i32
      %and3A_204 = arith.andi %ne3A_200, %ne3A_203 : i1
      %sub3A_205 = arith.constant 1 : i32
      %sub3A_206 = arith.subi %div3A_185, %sub3A_205 : i32
      %select_n3A_207 = arith.select %and3A_204, %sub3A_206, %div3A_185 : i32
      %jit3A_208 = arith.constant 14 : i32
      %eq3A_209 = arith.constant 0 : i32
      %eq3A_210 = arith.cmpi eq, %jit3A_208, %eq3A_209 : i32
      %jit3A_211 = arith.constant 1 : i32
      %select_n3A_212 = arith.select %eq3A_210, %jit3A_211, %jit3A_208 : i32
      %rem3A_213 = arith.remsi %mul3A_104, %select_n3A_212 : i32
      %ne3A_214 = arith.constant 0 : i32
      %ne3A_215 = arith.cmpi ne, %rem3A_213, %ne3A_214 : i32
      %lt3A_216 = arith.constant 0 : i32
      %lt3A_217 = arith.cmpi slt, %rem3A_213, %lt3A_216 : i32
      %lt3A_218 = arith.constant 0 : i32
      %lt3A_219 = arith.cmpi slt, %select_n3A_212, %lt3A_218 : i32
      %ne3A_220 = arith.xori %lt3A_217, %lt3A_219 : i1
      %and3A_221 = arith.andi %ne3A_220, %ne3A_215 : i1
      %add3A_222 = arith.addi %rem3A_213, %select_n3A_212 : i32
      %select_n3A_223 = arith.select %and3A_221, %add3A_222, %rem3A_213 : i32
      %mul3A_224 = arith.constant 16 : i32
      %mul3A_225 = arith.muli %select_n3A_223, %mul3A_224 : i32
      %add3A_226 = arith.constant 16 : i32
      %add3A_227 = arith.addi %add3A_226, %mul3A_225 : i32
      %add3A_228 = arith.addi %add3A_227, %select_n3A_207 : i32
      %broadcast_in_dim3A_229 = arith.constant 0 : i32
      %broadcast_in_dim3A_230 = vector.broadcast %broadcast_in_dim3A_229 : i32 to vector<16xi32>
      %add3A_231 = vector.broadcast %add3A_228 : i32 to vector<16xi32>
      %add3A_232 = arith.addi %broadcast_in_dim3A_230, %add3A_231 : vector<16xi32>
      %gather3A_233 = tpu.vector_load_idx %arg10[%add3A_232] : memref<240xf32, #tpu.memory_space<vmem>>[vector<16xi32>], vector<16xf32>,
      %gather3A_234 = tpu.vector_load_idx %arg11[%add3A_232] : memref<240xf32, #tpu.memory_space<vmem>>[vector<16xi32>], vector<16xf32>,
      %mul3A_235 = arith.constant 16 : i32
      %mul3A_236 = arith.muli %select_n3A_207, %mul3A_235 : i32
      %get3A_237 = arith.index_cast %mul3A_236 : i32 to index
      %get3A_238 = tpu.vector_load %arg14[%get3A_237] {strides = array<i32>} : memref<256xf32, #tpu.memory_space<vmem>>, vector<16xf32>,
      %mul3A_239 = arith.constant 16 : i32
      %mul3A_240 = arith.muli %select_n3A_207, %mul3A_239 : i32
      %get3A_241 = arith.index_cast %mul3A_240 : i32 to index
      %get3A_242 = tpu.vector_load %arg15[%get3A_241] {strides = array<i32>} : memref<256xf32, #tpu.memory_space<vmem>>, vector<16xf32>,
      %mul3A_243 = arith.mulf %gather3A_233, %get3A_238 : vector<16xf32>
      %swap3A = arith.constant 0 : index
      %swap3A_244 = tpu.vector_load %arg22[%swap3A] {strides = array<i32>} : memref<64xf32, #tpu.memory_space<vmem>>, vector<16xf32>,
      tpu.vector_store %arg22[%swap3A], %mul3A_243 {strides = array<i32>} : memref<64xf32, #tpu.memory_space<vmem>>, vector<16xf32>,
      %mul3A_245 = arith.mulf %gather3A_233, %get3A_242 : vector<16xf32>
      %swap3A_246 = arith.constant 16 : index
      %swap3A_247 = tpu.vector_load %arg22[%swap3A_246] {strides = array<i32>} : memref<64xf32, #tpu.memory_space<vmem>>, vector<16xf32>,
      tpu.vector_store %arg22[%swap3A_246], %mul3A_245 {strides = array<i32>} : memref<64xf32, #tpu.memory_space<vmem>>, vector<16xf32>,
      %mul3A_248 = arith.mulf %gather3A_234, %get3A_238 : vector<16xf32>
      %swap3A_249 = arith.constant 32 : index
      %swap3A_250 = tpu.vector_load %arg22[%swap3A_249] {strides = array<i32>} : memref<64xf32, #tpu.memory_space<vmem>>, vector<16xf32>,
      tpu.vector_store %arg22[%swap3A_249], %mul3A_248 {strides = array<i32>} : memref<64xf32, #tpu.memory_space<vmem>>, vector<16xf32>,
      %mul3A_251 = arith.mulf %gather3A_234, %get3A_242 : vector<16xf32>
      %swap3A_252 = arith.constant 48 : index
      %swap3A_253 = tpu.vector_load %arg22[%swap3A_252] {strides = array<i32>} : memref<64xf32, #tpu.memory_space<vmem>>, vector<16xf32>,
      tpu.vector_store %arg22[%swap3A_252], %mul3A_251 {strides = array<i32>} : memref<64xf32, #tpu.memory_space<vmem>>, vector<16xf32>,
      %parallel_loop3A = arith.constant 0 : i32
      %parallel_loop3A_254 = arith.constant 14 : i32
      %parallel_loop3A_255 = arith.constant 1 : i32
      scf.for %parallel_loop3A_365 = %parallel_loop3A to %parallel_loop3A_254 step %parallel_loop3A_255  : i32 {
        %parallel_loop3A_366 = arith.constant 0 : i32
        %parallel_loop3A_367 = vector.broadcast %parallel_loop3A_366 : i32 to vector<16xi32>
        %parallel_loop3A_368 = vector.broadcast %parallel_loop3A_365 : i32 to vector<16xi32>
        %parallel_loop3A_369 = arith.addi %parallel_loop3A_367, %parallel_loop3A_368 : vector<16xi32>
        %parallel_loop3A_370 = tpu.vector_load_idx %arg22[%parallel_loop3A_369] : memref<64xf32, #tpu.memory_space<vmem>>[vector<16xi32>], vector<16xf32>,
        %parallel_loop3A_371 = arith.constant 16 : i32
        %parallel_loop3A_372 = vector.broadcast %parallel_loop3A_371 : i32 to vector<16xi32>
        %parallel_loop3A_373 = arith.addi %parallel_loop3A_369, %parallel_loop3A_372 : vector<16xi32>
        %parallel_loop3A_374 = tpu.vector_load_idx %arg22[%parallel_loop3A_373] : memref<64xf32, #tpu.memory_space<vmem>>[vector<16xi32>], vector<16xf32>,
        %parallel_loop3A_375 = arith.constant 32 : i32
        %parallel_loop3A_376 = vector.broadcast %parallel_loop3A_375 : i32 to vector<16xi32>
        %parallel_loop3A_377 = arith.addi %parallel_loop3A_369, %parallel_loop3A_376 : vector<16xi32>
        %parallel_loop3A_378 = tpu.vector_load_idx %arg22[%parallel_loop3A_377] : memref<64xf32, #tpu.memory_space<vmem>>[vector<16xi32>], vector<16xf32>,
        %parallel_loop3A_379 = arith.constant 48 : i32
        %parallel_loop3A_380 = vector.broadcast %parallel_loop3A_379 : i32 to vector<16xi32>
        %parallel_loop3A_381 = arith.addi %parallel_loop3A_369, %parallel_loop3A_380 : vector<16xi32>
        %parallel_loop3A_382 = tpu.vector_load_idx %arg22[%parallel_loop3A_381] : memref<64xf32, #tpu.memory_space<vmem>>[vector<16xi32>], vector<16xf32>,
        %parallel_loop3A_383 = arith.index_cast %parallel_loop3A_365 : i32 to index
        %parallel_loop3A_384 = arith.constant 0 : index
        %parallel_loop3A_385 = tpu.vector_load %arg18[%parallel_loop3A_383, %parallel_loop3A_384] {strides = array<i32>} : memref<56x256xf32, #tpu.memory_space<vmem>>, vector<16xf32>,
        %parallel_loop3A_386 = arith.constant 14 : i32
        %parallel_loop3A_387 = arith.addi %parallel_loop3A_386, %parallel_loop3A_365 : i32
        %parallel_loop3A_388 = arith.index_cast %parallel_loop3A_387 : i32 to index
        %parallel_loop3A_389 = arith.constant 0 : index
        %parallel_loop3A_390 = tpu.vector_load %arg18[%parallel_loop3A_388, %parallel_loop3A_389] {strides = array<i32>} : memref<56x256xf32, #tpu.memory_space<vmem>>, vector<16xf32>,
        %parallel_loop3A_391 = arith.constant 28 : i32
        %parallel_loop3A_392 = arith.addi %parallel_loop3A_391, %parallel_loop3A_365 : i32
        %parallel_loop3A_393 = arith.index_cast %parallel_loop3A_392 : i32 to index
        %parallel_loop3A_394 = arith.constant 0 : index
        %parallel_loop3A_395 = tpu.vector_load %arg18[%parallel_loop3A_393, %parallel_loop3A_394] {strides = array<i32>} : memref<56x256xf32, #tpu.memory_space<vmem>>, vector<16xf32>,
        %parallel_loop3A_396 = arith.constant 42 : i32
        %parallel_loop3A_397 = arith.addi %parallel_loop3A_396, %parallel_loop3A_365 : i32
        %parallel_loop3A_398 = arith.index_cast %parallel_loop3A_397 : i32 to index
        %parallel_loop3A_399 = arith.constant 0 : index
        %parallel_loop3A_400 = tpu.vector_load %arg18[%parallel_loop3A_398, %parallel_loop3A_399] {strides = array<i32>} : memref<56x256xf32, #tpu.memory_space<vmem>>, vector<16xf32>,
        %parallel_loop3A_401 = arith.mulf %parallel_loop3A_385, %parallel_loop3A_370 : vector<16xf32>
        %parallel_loop3A_402 = arith.mulf %parallel_loop3A_390, %parallel_loop3A_374 : vector<16xf32>
        %parallel_loop3A_403 = arith.addf %parallel_loop3A_401, %parallel_loop3A_402 : vector<16xf32>
        %parallel_loop3A_404 = arith.mulf %parallel_loop3A_395, %parallel_loop3A_378 : vector<16xf32>
        %parallel_loop3A_405 = arith.addf %parallel_loop3A_403, %parallel_loop3A_404 : vector<16xf32>
        %parallel_loop3A_406 = arith.mulf %parallel_loop3A_400, %parallel_loop3A_382 : vector<16xf32>
        %parallel_loop3A_407 = arith.addf %parallel_loop3A_405, %parallel_loop3A_406 : vector<16xf32>
        %parallel_loop3A_408 = arith.constant 256 : i32
        %parallel_loop3A_409 = arith.muli %parallel_loop3A_365, %parallel_loop3A_408 : i32
        %parallel_loop3A_410 = arith.constant 0 : i32
        %parallel_loop3A_411 = arith.addi %parallel_loop3A_409, %parallel_loop3A_410 : i32
        %parallel_loop3A_412 = arith.index_cast %parallel_loop3A_411 : i32 to index
        %parallel_loop3A_413 = tpu.vector_load %arg20[%parallel_loop3A_412] {strides = array<i32>} : memref<3584xf32, #tpu.memory_space<vmem>>, vector<16xf32>,
        tpu.vector_store %arg20[%parallel_loop3A_412], %parallel_loop3A_407 {strides = array<i32>} : memref<3584xf32, #tpu.memory_space<vmem>>, vector<16xf32>,
        %parallel_loop3A_414 = arith.index_cast %parallel_loop3A_365 : i32 to index
        %parallel_loop3A_415 = arith.constant 16 : index
        %parallel_loop3A_416 = tpu.vector_load %arg18[%parallel_loop3A_414, %parallel_loop3A_415] {strides = array<i32>} : memref<56x256xf32, #tpu.memory_space<vmem>>, vector<16xf32>,
        %parallel_loop3A_417 = arith.constant 14 : i32
        %parallel_loop3A_418 = arith.addi %parallel_loop3A_417, %parallel_loop3A_365 : i32
        %parallel_loop3A_419 = arith.index_cast %parallel_loop3A_418 : i32 to index
        %parallel_loop3A_420 = arith.constant 16 : index
        %parallel_loop3A_421 = tpu.vector_load %arg18[%parallel_loop3A_419, %parallel_loop3A_420] {strides = array<i32>} : memref<56x256xf32, #tpu.memory_space<vmem>>, vector<16xf32>,
        %parallel_loop3A_422 = arith.constant 28 : i32
        %parallel_loop3A_423 = arith.addi %parallel_loop3A_422, %parallel_loop3A_365 : i32
        %parallel_loop3A_424 = arith.index_cast %parallel_loop3A_423 : i32 to index
        %parallel_loop3A_425 = arith.constant 16 : index
        %parallel_loop3A_426 = tpu.vector_load %arg18[%parallel_loop3A_424, %parallel_loop3A_425] {strides = array<i32>} : memref<56x256xf32, #tpu.memory_space<vmem>>, vector<16xf32>,
        %parallel_loop3A_427 = arith.constant 42 : i32
        %parallel_loop3A_428 = arith.addi %parallel_loop3A_427, %parallel_loop3A_365 : i32
        %parallel_loop3A_429 = arith.index_cast %parallel_loop3A_428 : i32 to index
        %parallel_loop3A_430 = arith.constant 16 : index
        %parallel_loop3A_431 = tpu.vector_load %arg18[%parallel_loop3A_429, %parallel_loop3A_430] {strides = array<i32>} : memref<56x256xf32, #tpu.memory_space<vmem>>, vector<16xf32>,
        %parallel_loop3A_432 = arith.mulf %parallel_loop3A_416, %parallel_loop3A_370 : vector<16xf32>
        %parallel_loop3A_433 = arith.mulf %parallel_loop3A_421, %parallel_loop3A_374 : vector<16xf32>
        %parallel_loop3A_434 = arith.addf %parallel_loop3A_432, %parallel_loop3A_433 : vector<16xf32>
        %parallel_loop3A_435 = arith.mulf %parallel_loop3A_426, %parallel_loop3A_378 : vector<16xf32>
        %parallel_loop3A_436 = arith.addf %parallel_loop3A_434, %parallel_loop3A_435 : vector<16xf32>
        %parallel_loop3A_437 = arith.mulf %parallel_loop3A_431, %parallel_loop3A_382 : vector<16xf32>
        %parallel_loop3A_438 = arith.addf %parallel_loop3A_436, %parallel_loop3A_437 : vector<16xf32>
        %parallel_loop3A_439 = arith.constant 256 : i32
        %parallel_loop3A_440 = arith.muli %parallel_loop3A_365, %parallel_loop3A_439 : i32
        %parallel_loop3A_441 = arith.constant 16 : i32
        %parallel_loop3A_442 = arith.addi %parallel_loop3A_440, %parallel_loop3A_441 : i32
        %parallel_loop3A_443 = arith.index_cast %parallel_loop3A_442 : i32 to index
        %parallel_loop3A_444 = tpu.vector_load %arg20[%parallel_loop3A_443] {strides = array<i32>} : memref<3584xf32, #tpu.memory_space<vmem>>, vector<16xf32>,
        tpu.vector_store %arg20[%parallel_loop3A_443], %parallel_loop3A_438 {strides = array<i32>} : memref<3584xf32, #tpu.memory_space<vmem>>, vector<16xf32>,
        %parallel_loop3A_445 = arith.index_cast %parallel_loop3A_365 : i32 to index
        %parallel_loop3A_446 = arith.constant 32 : index
        %parallel_loop3A_447 = tpu.vector_load %arg18[%parallel_loop3A_445, %parallel_loop3A_446] {strides = array<i32>} : memref<56x256xf32, #tpu.memory_space<vmem>>, vector<16xf32>,
        %parallel_loop3A_448 = arith.constant 14 : i32
        %parallel_loop3A_449 = arith.addi %parallel_loop3A_448, %parallel_loop3A_365 : i32
        %parallel_loop3A_450 = arith.index_cast %parallel_loop3A_449 : i32 to index
        %parallel_loop3A_451 = arith.constant 32 : index
        %parallel_loop3A_452 = tpu.vector_load %arg18[%parallel_loop3A_450, %parallel_loop3A_451] {strides = array<i32>} : memref<56x256xf32, #tpu.memory_space<vmem>>, vector<16xf32>,
        %parallel_loop3A_453 = arith.constant 28 : i32
        %parallel_loop3A_454 = arith.addi %parallel_loop3A_453, %parallel_loop3A_365 : i32
        %parallel_loop3A_455 = arith.index_cast %parallel_loop3A_454 : i32 to index
        %parallel_loop3A_456 = arith.constant 32 : index
        %parallel_loop3A_457 = tpu.vector_load %arg18[%parallel_loop3A_455, %parallel_loop3A_456] {strides = array<i32>} : memref<56x256xf32, #tpu.memory_space<vmem>>, vector<16xf32>,
        %parallel_loop3A_458 = arith.constant 42 : i32
        %parallel_loop3A_459 = arith.addi %parallel_loop3A_458, %parallel_loop3A_365 : i32
        %parallel_loop3A_460 = arith.index_cast %parallel_loop3A_459 : i32 to index
        %parallel_loop3A_461 = arith.constant 32 : index
        %parallel_loop3A_462 = tpu.vector_load %arg18[%parallel_loop3A_460, %parallel_loop3A_461] {strides = array<i32>} : memref<56x256xf32, #tpu.memory_space<vmem>>, vector<16xf32>,
        %parallel_loop3A_463 = arith.mulf %parallel_loop3A_447, %parallel_loop3A_370 : vector<16xf32>
        %parallel_loop3A_464 = arith.mulf %parallel_loop3A_452, %parallel_loop3A_374 : vector<16xf32>
        %parallel_loop3A_465 = arith.addf %parallel_loop3A_463, %parallel_loop3A_464 : vector<16xf32>
        %parallel_loop3A_466 = arith.mulf %parallel_loop3A_457, %parallel_loop3A_378 : vector<16xf32>
        %parallel_loop3A_467 = arith.addf %parallel_loop3A_465, %parallel_loop3A_466 : vector<16xf32>
        %parallel_loop3A_468 = arith.mulf %parallel_loop3A_462, %parallel_loop3A_382 : vector<16xf32>
        %parallel_loop3A_469 = arith.addf %parallel_loop3A_467, %parallel_loop3A_468 : vector<16xf32>
        %parallel_loop3A_470 = arith.constant 256 : i32
        %parallel_loop3A_471 = arith.muli %parallel_loop3A_365, %parallel_loop3A_470 : i32
        %parallel_loop3A_472 = arith.constant 32 : i32
        %parallel_loop3A_473 = arith.addi %parallel_loop3A_471, %parallel_loop3A_472 : i32
        %parallel_loop3A_474 = arith.index_cast %parallel_loop3A_473 : i32 to index
        %parallel_loop3A_475 = tpu.vector_load %arg20[%parallel_loop3A_474] {strides = array<i32>} : memref<3584xf32, #tpu.memory_space<vmem>>, vector<16xf32>,
        tpu.vector_store %arg20[%parallel_loop3A_474], %parallel_loop3A_469 {strides = array<i32>} : memref<3584xf32, #tpu.memory_space<vmem>>, vector<16xf32>,
        %parallel_loop3A_476 = arith.index_cast %parallel_loop3A_365 : i32 to index
        %parallel_loop3A_477 = arith.constant 48 : index
        %parallel_loop3A_478 = tpu.vector_load %arg18[%parallel_loop3A_476, %parallel_loop3A_477] {strides = array<i32>} : memref<56x256xf32, #tpu.memory_space<vmem>>, vector<16xf32>,
        %parallel_loop3A_479 = arith.constant 14 : i32
        %parallel_loop3A_480 = arith.addi %parallel_loop3A_479, %parallel_loop3A_365 : i32
        %parallel_loop3A_481 = arith.index_cast %parallel_loop3A_480 : i32 to index
        %parallel_loop3A_482 = arith.constant 48 : index
        %parallel_loop3A_483 = tpu.vector_load %arg18[%parallel_loop3A_481, %parallel_loop3A_482] {strides = array<i32>} : memref<56x256xf32, #tpu.memory_space<vmem>>, vector<16xf32>,
        %parallel_loop3A_484 = arith.constant 28 : i32
        %parallel_loop3A_485 = arith.addi %parallel_loop3A_484, %parallel_loop3A_365 : i32
        %parallel_loop3A_486 = arith.index_cast %parallel_loop3A_485 : i32 to index
        %parallel_loop3A_487 = arith.constant 48 : index
        %parallel_loop3A_488 = tpu.vector_load %arg18[%parallel_loop3A_486, %parallel_loop3A_487] {strides = array<i32>} : memref<56x256xf32, #tpu.memory_space<vmem>>, vector<16xf32>,
        %parallel_loop3A_489 = arith.constant 42 : i32
        %parallel_loop3A_490 = arith.addi %parallel_loop3A_489, %parallel_loop3A_365 : i32
        %parallel_loop3A_491 = arith.index_cast %parallel_loop3A_490 : i32 to index
        %parallel_loop3A_492 = arith.constant 48 : index
        %parallel_loop3A_493 = tpu.vector_load %arg18[%parallel_loop3A_491, %parallel_loop3A_492] {strides = array<i32>} : memref<56x256xf32, #tpu.memory_space<vmem>>, vector<16xf32>,
        %parallel_loop3A_494 = arith.mulf %parallel_loop3A_478, %parallel_loop3A_370 : vector<16xf32>
        %parallel_loop3A_495 = arith.mulf %parallel_loop3A_483, %parallel_loop3A_374 : vector<16xf32>
        %parallel_loop3A_496 = arith.addf %parallel_loop3A_494, %parallel_loop3A_495 : vector<16xf32>
        %parallel_loop3A_497 = arith.mulf %parallel_loop3A_488, %parallel_loop3A_378 : vector<16xf32>
        %parallel_loop3A_498 = arith.addf %parallel_loop3A_496, %parallel_loop3A_497 : vector<16xf32>
        %parallel_loop3A_499 = arith.mulf %parallel_loop3A_493, %parallel_loop3A_382 : vector<16xf32>
        %parallel_loop3A_500 = arith.addf %parallel_loop3A_498, %parallel_loop3A_499 : vector<16xf32>
        %parallel_loop3A_501 = arith.constant 256 : i32
        %parallel_loop3A_502 = arith.muli %parallel_loop3A_365, %parallel_loop3A_501 : i32
        %parallel_loop3A_503 = arith.constant 48 : i32
        %parallel_loop3A_504 = arith.addi %parallel_loop3A_502, %parallel_loop3A_503 : i32
        %parallel_loop3A_505 = arith.index_cast %parallel_loop3A_504 : i32 to index
        %parallel_loop3A_506 = tpu.vector_load %arg20[%parallel_loop3A_505] {strides = array<i32>} : memref<3584xf32, #tpu.memory_space<vmem>>, vector<16xf32>,
        tpu.vector_store %arg20[%parallel_loop3A_505], %parallel_loop3A_500 {strides = array<i32>} : memref<3584xf32, #tpu.memory_space<vmem>>, vector<16xf32>,
        %parallel_loop3A_507 = arith.index_cast %parallel_loop3A_365 : i32 to index
        %parallel_loop3A_508 = arith.constant 64 : index
        %parallel_loop3A_509 = tpu.vector_load %arg18[%parallel_loop3A_507, %parallel_loop3A_508] {strides = array<i32>} : memref<56x256xf32, #tpu.memory_space<vmem>>, vector<16xf32>,
        %parallel_loop3A_510 = arith.constant 14 : i32
        %parallel_loop3A_511 = arith.addi %parallel_loop3A_510, %parallel_loop3A_365 : i32
        %parallel_loop3A_512 = arith.index_cast %parallel_loop3A_511 : i32 to index
        %parallel_loop3A_513 = arith.constant 64 : index
        %parallel_loop3A_514 = tpu.vector_load %arg18[%parallel_loop3A_512, %parallel_loop3A_513] {strides = array<i32>} : memref<56x256xf32, #tpu.memory_space<vmem>>, vector<16xf32>,
        %parallel_loop3A_515 = arith.constant 28 : i32
        %parallel_loop3A_516 = arith.addi %parallel_loop3A_515, %parallel_loop3A_365 : i32
        %parallel_loop3A_517 = arith.index_cast %parallel_loop3A_516 : i32 to index
        %parallel_loop3A_518 = arith.constant 64 : index
        %parallel_loop3A_519 = tpu.vector_load %arg18[%parallel_loop3A_517, %parallel_loop3A_518] {strides = array<i32>} : memref<56x256xf32, #tpu.memory_space<vmem>>, vector<16xf32>,
        %parallel_loop3A_520 = arith.constant 42 : i32
        %parallel_loop3A_521 = arith.addi %parallel_loop3A_520, %parallel_loop3A_365 : i32
        %parallel_loop3A_522 = arith.index_cast %parallel_loop3A_521 : i32 to index
        %parallel_loop3A_523 = arith.constant 64 : index
        %parallel_loop3A_524 = tpu.vector_load %arg18[%parallel_loop3A_522, %parallel_loop3A_523] {strides = array<i32>} : memref<56x256xf32, #tpu.memory_space<vmem>>, vector<16xf32>,
        %parallel_loop3A_525 = arith.mulf %parallel_loop3A_509, %parallel_loop3A_370 : vector<16xf32>
        %parallel_loop3A_526 = arith.mulf %parallel_loop3A_514, %parallel_loop3A_374 : vector<16xf32>
        %parallel_loop3A_527 = arith.addf %parallel_loop3A_525, %parallel_loop3A_526 : vector<16xf32>
        %parallel_loop3A_528 = arith.mulf %parallel_loop3A_519, %parallel_loop3A_378 : vector<16xf32>
        %parallel_loop3A_529 = arith.addf %parallel_loop3A_527, %parallel_loop3A_528 : vector<16xf32>
        %parallel_loop3A_530 = arith.mulf %parallel_loop3A_524, %parallel_loop3A_382 : vector<16xf32>
        %parallel_loop3A_531 = arith.addf %parallel_loop3A_529, %parallel_loop3A_530 : vector<16xf32>
        %parallel_loop3A_532 = arith.constant 256 : i32
        %parallel_loop3A_533 = arith.muli %parallel_loop3A_365, %parallel_loop3A_532 : i32
        %parallel_loop3A_534 = arith.constant 64 : i32
        %parallel_loop3A_535 = arith.addi %parallel_loop3A_533, %parallel_loop3A_534 : i32
        %parallel_loop3A_536 = arith.index_cast %parallel_loop3A_535 : i32 to index
        %parallel_loop3A_537 = tpu.vector_load %arg20[%parallel_loop3A_536] {strides = array<i32>} : memref<3584xf32, #tpu.memory_space<vmem>>, vector<16xf32>,
        tpu.vector_store %arg20[%parallel_loop3A_536], %parallel_loop3A_531 {strides = array<i32>} : memref<3584xf32, #tpu.memory_space<vmem>>, vector<16xf32>,
        %parallel_loop3A_538 = arith.index_cast %parallel_loop3A_365 : i32 to index
        %parallel_loop3A_539 = arith.constant 80 : index
        %parallel_loop3A_540 = tpu.vector_load %arg18[%parallel_loop3A_538, %parallel_loop3A_539] {strides = array<i32>} : memref<56x256xf32, #tpu.memory_space<vmem>>, vector<16xf32>,
        %parallel_loop3A_541 = arith.constant 14 : i32
        %parallel_loop3A_542 = arith.addi %parallel_loop3A_541, %parallel_loop3A_365 : i32
        %parallel_loop3A_543 = arith.index_cast %parallel_loop3A_542 : i32 to index
        %parallel_loop3A_544 = arith.constant 80 : index
        %parallel_loop3A_545 = tpu.vector_load %arg18[%parallel_loop3A_543, %parallel_loop3A_544] {strides = array<i32>} : memref<56x256xf32, #tpu.memory_space<vmem>>, vector<16xf32>,
        %parallel_loop3A_546 = arith.constant 28 : i32
        %parallel_loop3A_547 = arith.addi %parallel_loop3A_546, %parallel_loop3A_365 : i32
        %parallel_loop3A_548 = arith.index_cast %parallel_loop3A_547 : i32 to index
        %parallel_loop3A_549 = arith.constant 80 : index
        %parallel_loop3A_550 = tpu.vector_load %arg18[%parallel_loop3A_548, %parallel_loop3A_549] {strides = array<i32>} : memref<56x256xf32, #tpu.memory_space<vmem>>, vector<16xf32>,
        %parallel_loop3A_551 = arith.constant 42 : i32
        %parallel_loop3A_552 = arith.addi %parallel_loop3A_551, %parallel_loop3A_365 : i32
        %parallel_loop3A_553 = arith.index_cast %parallel_loop3A_552 : i32 to index
        %parallel_loop3A_554 = arith.constant 80 : index
        %parallel_loop3A_555 = tpu.vector_load %arg18[%parallel_loop3A_553, %parallel_loop3A_554] {strides = array<i32>} : memref<56x256xf32, #tpu.memory_space<vmem>>, vector<16xf32>,
        %parallel_loop3A_556 = arith.mulf %parallel_loop3A_540, %parallel_loop3A_370 : vector<16xf32>
        %parallel_loop3A_557 = arith.mulf %parallel_loop3A_545, %parallel_loop3A_374 : vector<16xf32>
        %parallel_loop3A_558 = arith.addf %parallel_loop3A_556, %parallel_loop3A_557 : vector<16xf32>
        %parallel_loop3A_559 = arith.mulf %parallel_loop3A_550, %parallel_loop3A_378 : vector<16xf32>
        %parallel_loop3A_560 = arith.addf %parallel_loop3A_558, %parallel_loop3A_559 : vector<16xf32>
        %parallel_loop3A_561 = arith.mulf %parallel_loop3A_555, %parallel_loop3A_382 : vector<16xf32>
        %parallel_loop3A_562 = arith.addf %parallel_loop3A_560, %parallel_loop3A_561 : vector<16xf32>
        %parallel_loop3A_563 = arith.constant 256 : i32
        %parallel_loop3A_564 = arith.muli %parallel_loop3A_365, %parallel_loop3A_563 : i32
        %parallel_loop3A_565 = arith.constant 80 : i32
        %parallel_loop3A_566 = arith.addi %parallel_loop3A_564, %parallel_loop3A_565 : i32
        %parallel_loop3A_567 = arith.index_cast %parallel_loop3A_566 : i32 to index
        %parallel_loop3A_568 = tpu.vector_load %arg20[%parallel_loop3A_567] {strides = array<i32>} : memref<3584xf32, #tpu.memory_space<vmem>>, vector<16xf32>,
        tpu.vector_store %arg20[%parallel_loop3A_567], %parallel_loop3A_562 {strides = array<i32>} : memref<3584xf32, #tpu.memory_space<vmem>>, vector<16xf32>,
        %parallel_loop3A_569 = arith.index_cast %parallel_loop3A_365 : i32 to index
        %parallel_loop3A_570 = arith.constant 96 : index
        %parallel_loop3A_571 = tpu.vector_load %arg18[%parallel_loop3A_569, %parallel_loop3A_570] {strides = array<i32>} : memref<56x256xf32, #tpu.memory_space<vmem>>, vector<16xf32>,
        %parallel_loop3A_572 = arith.constant 14 : i32
        %parallel_loop3A_573 = arith.addi %parallel_loop3A_572, %parallel_loop3A_365 : i32
        %parallel_loop3A_574 = arith.index_cast %parallel_loop3A_573 : i32 to index
        %parallel_loop3A_575 = arith.constant 96 : index
        %parallel_loop3A_576 = tpu.vector_load %arg18[%parallel_loop3A_574, %parallel_loop3A_575] {strides = array<i32>} : memref<56x256xf32, #tpu.memory_space<vmem>>, vector<16xf32>,
        %parallel_loop3A_577 = arith.constant 28 : i32
        %parallel_loop3A_578 = arith.addi %parallel_loop3A_577, %parallel_loop3A_365 : i32
        %parallel_loop3A_579 = arith.index_cast %parallel_loop3A_578 : i32 to index
        %parallel_loop3A_580 = arith.constant 96 : index
        %parallel_loop3A_581 = tpu.vector_load %arg18[%parallel_loop3A_579, %parallel_loop3A_580] {strides = array<i32>} : memref<56x256xf32, #tpu.memory_space<vmem>>, vector<16xf32>,
        %parallel_loop3A_582 = arith.constant 42 : i32
        %parallel_loop3A_583 = arith.addi %parallel_loop3A_582, %parallel_loop3A_365 : i32
        %parallel_loop3A_584 = arith.index_cast %parallel_loop3A_583 : i32 to index
        %parallel_loop3A_585 = arith.constant 96 : index
        %parallel_loop3A_586 = tpu.vector_load %arg18[%parallel_loop3A_584, %parallel_loop3A_585] {strides = array<i32>} : memref<56x256xf32, #tpu.memory_space<vmem>>, vector<16xf32>,
        %parallel_loop3A_587 = arith.mulf %parallel_loop3A_571, %parallel_loop3A_370 : vector<16xf32>
        %parallel_loop3A_588 = arith.mulf %parallel_loop3A_576, %parallel_loop3A_374 : vector<16xf32>
        %parallel_loop3A_589 = arith.addf %parallel_loop3A_587, %parallel_loop3A_588 : vector<16xf32>
        %parallel_loop3A_590 = arith.mulf %parallel_loop3A_581, %parallel_loop3A_378 : vector<16xf32>
        %parallel_loop3A_591 = arith.addf %parallel_loop3A_589, %parallel_loop3A_590 : vector<16xf32>
        %parallel_loop3A_592 = arith.mulf %parallel_loop3A_586, %parallel_loop3A_382 : vector<16xf32>
        %parallel_loop3A_593 = arith.addf %parallel_loop3A_591, %parallel_loop3A_592 : vector<16xf32>
        %parallel_loop3A_594 = arith.constant 256 : i32
        %parallel_loop3A_595 = arith.muli %parallel_loop3A_365, %parallel_loop3A_594 : i32
        %parallel_loop3A_596 = arith.constant 96 : i32
        %parallel_loop3A_597 = arith.addi %parallel_loop3A_595, %parallel_loop3A_596 : i32
        %parallel_loop3A_598 = arith.index_cast %parallel_loop3A_597 : i32 to index
        %parallel_loop3A_599 = tpu.vector_load %arg20[%parallel_loop3A_598] {strides = array<i32>} : memref<3584xf32, #tpu.memory_space<vmem>>, vector<16xf32>,
        tpu.vector_store %arg20[%parallel_loop3A_598], %parallel_loop3A_593 {strides = array<i32>} : memref<3584xf32, #tpu.memory_space<vmem>>, vector<16xf32>,
        %parallel_loop3A_600 = arith.index_cast %parallel_loop3A_365 : i32 to index
        %parallel_loop3A_601 = arith.constant 112 : index
        %parallel_loop3A_602 = tpu.vector_load %arg18[%parallel_loop3A_600, %parallel_loop3A_601] {strides = array<i32>} : memref<56x256xf32, #tpu.memory_space<vmem>>, vector<16xf32>,
        %parallel_loop3A_603 = arith.constant 14 : i32
        %parallel_loop3A_604 = arith.addi %parallel_loop3A_603, %parallel_loop3A_365 : i32
        %parallel_loop3A_605 = arith.index_cast %parallel_loop3A_604 : i32 to index
        %parallel_loop3A_606 = arith.constant 112 : index
        %parallel_loop3A_607 = tpu.vector_load %arg18[%parallel_loop3A_605, %parallel_loop3A_606] {strides = array<i32>} : memref<56x256xf32, #tpu.memory_space<vmem>>, vector<16xf32>,
        %parallel_loop3A_608 = arith.constant 28 : i32
        %parallel_loop3A_609 = arith.addi %parallel_loop3A_608, %parallel_loop3A_365 : i32
        %parallel_loop3A_610 = arith.index_cast %parallel_loop3A_609 : i32 to index
        %parallel_loop3A_611 = arith.constant 112 : index
        %parallel_loop3A_612 = tpu.vector_load %arg18[%parallel_loop3A_610, %parallel_loop3A_611] {strides = array<i32>} : memref<56x256xf32, #tpu.memory_space<vmem>>, vector<16xf32>,
        %parallel_loop3A_613 = arith.constant 42 : i32
        %parallel_loop3A_614 = arith.addi %parallel_loop3A_613, %parallel_loop3A_365 : i32
        %parallel_loop3A_615 = arith.index_cast %parallel_loop3A_614 : i32 to index
        %parallel_loop3A_616 = arith.constant 112 : index
        %parallel_loop3A_617 = tpu.vector_load %arg18[%parallel_loop3A_615, %parallel_loop3A_616] {strides = array<i32>} : memref<56x256xf32, #tpu.memory_space<vmem>>, vector<16xf32>,
        %parallel_loop3A_618 = arith.mulf %parallel_loop3A_602, %parallel_loop3A_370 : vector<16xf32>
        %parallel_loop3A_619 = arith.mulf %parallel_loop3A_607, %parallel_loop3A_374 : vector<16xf32>
        %parallel_loop3A_620 = arith.addf %parallel_loop3A_618, %parallel_loop3A_619 : vector<16xf32>
        %parallel_loop3A_621 = arith.mulf %parallel_loop3A_612, %parallel_loop3A_378 : vector<16xf32>
        %parallel_loop3A_622 = arith.addf %parallel_loop3A_620, %parallel_loop3A_621 : vector<16xf32>
        %parallel_loop3A_623 = arith.mulf %parallel_loop3A_617, %parallel_loop3A_382 : vector<16xf32>
        %parallel_loop3A_624 = arith.addf %parallel_loop3A_622, %parallel_loop3A_623 : vector<16xf32>
        %parallel_loop3A_625 = arith.constant 256 : i32
        %parallel_loop3A_626 = arith.muli %parallel_loop3A_365, %parallel_loop3A_625 : i32
        %parallel_loop3A_627 = arith.constant 112 : i32
        %parallel_loop3A_628 = arith.addi %parallel_loop3A_626, %parallel_loop3A_627 : i32
        %parallel_loop3A_629 = arith.index_cast %parallel_loop3A_628 : i32 to index
        %parallel_loop3A_630 = tpu.vector_load %arg20[%parallel_loop3A_629] {strides = array<i32>} : memref<3584xf32, #tpu.memory_space<vmem>>, vector<16xf32>,
        tpu.vector_store %arg20[%parallel_loop3A_629], %parallel_loop3A_624 {strides = array<i32>} : memref<3584xf32, #tpu.memory_space<vmem>>, vector<16xf32>,
        %parallel_loop3A_631 = arith.index_cast %parallel_loop3A_365 : i32 to index
        %parallel_loop3A_632 = arith.constant 128 : index
        %parallel_loop3A_633 = tpu.vector_load %arg18[%parallel_loop3A_631, %parallel_loop3A_632] {strides = array<i32>} : memref<56x256xf32, #tpu.memory_space<vmem>>, vector<16xf32>,
        %parallel_loop3A_634 = arith.constant 14 : i32
        %parallel_loop3A_635 = arith.addi %parallel_loop3A_634, %parallel_loop3A_365 : i32
        %parallel_loop3A_636 = arith.index_cast %parallel_loop3A_635 : i32 to index
        %parallel_loop3A_637 = arith.constant 128 : index
        %parallel_loop3A_638 = tpu.vector_load %arg18[%parallel_loop3A_636, %parallel_loop3A_637] {strides = array<i32>} : memref<56x256xf32, #tpu.memory_space<vmem>>, vector<16xf32>,
        %parallel_loop3A_639 = arith.constant 28 : i32
        %parallel_loop3A_640 = arith.addi %parallel_loop3A_639, %parallel_loop3A_365 : i32
        %parallel_loop3A_641 = arith.index_cast %parallel_loop3A_640 : i32 to index
        %parallel_loop3A_642 = arith.constant 128 : index
        %parallel_loop3A_643 = tpu.vector_load %arg18[%parallel_loop3A_641, %parallel_loop3A_642] {strides = array<i32>} : memref<56x256xf32, #tpu.memory_space<vmem>>, vector<16xf32>,
        %parallel_loop3A_644 = arith.constant 42 : i32
        %parallel_loop3A_645 = arith.addi %parallel_loop3A_644, %parallel_loop3A_365 : i32
        %parallel_loop3A_646 = arith.index_cast %parallel_loop3A_645 : i32 to index
        %parallel_loop3A_647 = arith.constant 128 : index
        %parallel_loop3A_648 = tpu.vector_load %arg18[%parallel_loop3A_646, %parallel_loop3A_647] {strides = array<i32>} : memref<56x256xf32, #tpu.memory_space<vmem>>, vector<16xf32>,
        %parallel_loop3A_649 = arith.mulf %parallel_loop3A_633, %parallel_loop3A_370 : vector<16xf32>
        %parallel_loop3A_650 = arith.mulf %parallel_loop3A_638, %parallel_loop3A_374 : vector<16xf32>
        %parallel_loop3A_651 = arith.addf %parallel_loop3A_649, %parallel_loop3A_650 : vector<16xf32>
        %parallel_loop3A_652 = arith.mulf %parallel_loop3A_643, %parallel_loop3A_378 : vector<16xf32>
        %parallel_loop3A_653 = arith.addf %parallel_loop3A_651, %parallel_loop3A_652 : vector<16xf32>
        %parallel_loop3A_654 = arith.mulf %parallel_loop3A_648, %parallel_loop3A_382 : vector<16xf32>
        %parallel_loop3A_655 = arith.addf %parallel_loop3A_653, %parallel_loop3A_654 : vector<16xf32>
        %parallel_loop3A_656 = arith.constant 256 : i32
        %parallel_loop3A_657 = arith.muli %parallel_loop3A_365, %parallel_loop3A_656 : i32
        %parallel_loop3A_658 = arith.constant 128 : i32
        %parallel_loop3A_659 = arith.addi %parallel_loop3A_657, %parallel_loop3A_658 : i32
        %parallel_loop3A_660 = arith.index_cast %parallel_loop3A_659 : i32 to index
        %parallel_loop3A_661 = tpu.vector_load %arg20[%parallel_loop3A_660] {strides = array<i32>} : memref<3584xf32, #tpu.memory_space<vmem>>, vector<16xf32>,
        tpu.vector_store %arg20[%parallel_loop3A_660], %parallel_loop3A_655 {strides = array<i32>} : memref<3584xf32, #tpu.memory_space<vmem>>, vector<16xf32>,
        %parallel_loop3A_662 = arith.index_cast %parallel_loop3A_365 : i32 to index
        %parallel_loop3A_663 = arith.constant 144 : index
        %parallel_loop3A_664 = tpu.vector_load %arg18[%parallel_loop3A_662, %parallel_loop3A_663] {strides = array<i32>} : memref<56x256xf32, #tpu.memory_space<vmem>>, vector<16xf32>,
        %parallel_loop3A_665 = arith.constant 14 : i32
        %parallel_loop3A_666 = arith.addi %parallel_loop3A_665, %parallel_loop3A_365 : i32
        %parallel_loop3A_667 = arith.index_cast %parallel_loop3A_666 : i32 to index
        %parallel_loop3A_668 = arith.constant 144 : index
        %parallel_loop3A_669 = tpu.vector_load %arg18[%parallel_loop3A_667, %parallel_loop3A_668] {strides = array<i32>} : memref<56x256xf32, #tpu.memory_space<vmem>>, vector<16xf32>,
        %parallel_loop3A_670 = arith.constant 28 : i32
        %parallel_loop3A_671 = arith.addi %parallel_loop3A_670, %parallel_loop3A_365 : i32
        %parallel_loop3A_672 = arith.index_cast %parallel_loop3A_671 : i32 to index
        %parallel_loop3A_673 = arith.constant 144 : index
        %parallel_loop3A_674 = tpu.vector_load %arg18[%parallel_loop3A_672, %parallel_loop3A_673] {strides = array<i32>} : memref<56x256xf32, #tpu.memory_space<vmem>>, vector<16xf32>,
        %parallel_loop3A_675 = arith.constant 42 : i32
        %parallel_loop3A_676 = arith.addi %parallel_loop3A_675, %parallel_loop3A_365 : i32
        %parallel_loop3A_677 = arith.index_cast %parallel_loop3A_676 : i32 to index
        %parallel_loop3A_678 = arith.constant 144 : index
        %parallel_loop3A_679 = tpu.vector_load %arg18[%parallel_loop3A_677, %parallel_loop3A_678] {strides = array<i32>} : memref<56x256xf32, #tpu.memory_space<vmem>>, vector<16xf32>,
        %parallel_loop3A_680 = arith.mulf %parallel_loop3A_664, %parallel_loop3A_370 : vector<16xf32>
        %parallel_loop3A_681 = arith.mulf %parallel_loop3A_669, %parallel_loop3A_374 : vector<16xf32>
        %parallel_loop3A_682 = arith.addf %parallel_loop3A_680, %parallel_loop3A_681 : vector<16xf32>
        %parallel_loop3A_683 = arith.mulf %parallel_loop3A_674, %parallel_loop3A_378 : vector<16xf32>
        %parallel_loop3A_684 = arith.addf %parallel_loop3A_682, %parallel_loop3A_683 : vector<16xf32>
        %parallel_loop3A_685 = arith.mulf %parallel_loop3A_679, %parallel_loop3A_382 : vector<16xf32>
        %parallel_loop3A_686 = arith.addf %parallel_loop3A_684, %parallel_loop3A_685 : vector<16xf32>
        %parallel_loop3A_687 = arith.constant 256 : i32
        %parallel_loop3A_688 = arith.muli %parallel_loop3A_365, %parallel_loop3A_687 : i32
        %parallel_loop3A_689 = arith.constant 144 : i32
        %parallel_loop3A_690 = arith.addi %parallel_loop3A_688, %parallel_loop3A_689 : i32
        %parallel_loop3A_691 = arith.index_cast %parallel_loop3A_690 : i32 to index
        %parallel_loop3A_692 = tpu.vector_load %arg20[%parallel_loop3A_691] {strides = array<i32>} : memref<3584xf32, #tpu.memory_space<vmem>>, vector<16xf32>,
        tpu.vector_store %arg20[%parallel_loop3A_691], %parallel_loop3A_686 {strides = array<i32>} : memref<3584xf32, #tpu.memory_space<vmem>>, vector<16xf32>,
        %parallel_loop3A_693 = arith.index_cast %parallel_loop3A_365 : i32 to index
        %parallel_loop3A_694 = arith.constant 160 : index
        %parallel_loop3A_695 = tpu.vector_load %arg18[%parallel_loop3A_693, %parallel_loop3A_694] {strides = array<i32>} : memref<56x256xf32, #tpu.memory_space<vmem>>, vector<16xf32>,
        %parallel_loop3A_696 = arith.constant 14 : i32
        %parallel_loop3A_697 = arith.addi %parallel_loop3A_696, %parallel_loop3A_365 : i32
        %parallel_loop3A_698 = arith.index_cast %parallel_loop3A_697 : i32 to index
        %parallel_loop3A_699 = arith.constant 160 : index
        %parallel_loop3A_700 = tpu.vector_load %arg18[%parallel_loop3A_698, %parallel_loop3A_699] {strides = array<i32>} : memref<56x256xf32, #tpu.memory_space<vmem>>, vector<16xf32>,
        %parallel_loop3A_701 = arith.constant 28 : i32
        %parallel_loop3A_702 = arith.addi %parallel_loop3A_701, %parallel_loop3A_365 : i32
        %parallel_loop3A_703 = arith.index_cast %parallel_loop3A_702 : i32 to index
        %parallel_loop3A_704 = arith.constant 160 : index
        %parallel_loop3A_705 = tpu.vector_load %arg18[%parallel_loop3A_703, %parallel_loop3A_704] {strides = array<i32>} : memref<56x256xf32, #tpu.memory_space<vmem>>, vector<16xf32>,
        %parallel_loop3A_706 = arith.constant 42 : i32
        %parallel_loop3A_707 = arith.addi %parallel_loop3A_706, %parallel_loop3A_365 : i32
        %parallel_loop3A_708 = arith.index_cast %parallel_loop3A_707 : i32 to index
        %parallel_loop3A_709 = arith.constant 160 : index
        %parallel_loop3A_710 = tpu.vector_load %arg18[%parallel_loop3A_708, %parallel_loop3A_709] {strides = array<i32>} : memref<56x256xf32, #tpu.memory_space<vmem>>, vector<16xf32>,
        %parallel_loop3A_711 = arith.mulf %parallel_loop3A_695, %parallel_loop3A_370 : vector<16xf32>
        %parallel_loop3A_712 = arith.mulf %parallel_loop3A_700, %parallel_loop3A_374 : vector<16xf32>
        %parallel_loop3A_713 = arith.addf %parallel_loop3A_711, %parallel_loop3A_712 : vector<16xf32>
        %parallel_loop3A_714 = arith.mulf %parallel_loop3A_705, %parallel_loop3A_378 : vector<16xf32>
        %parallel_loop3A_715 = arith.addf %parallel_loop3A_713, %parallel_loop3A_714 : vector<16xf32>
        %parallel_loop3A_716 = arith.mulf %parallel_loop3A_710, %parallel_loop3A_382 : vector<16xf32>
        %parallel_loop3A_717 = arith.addf %parallel_loop3A_715, %parallel_loop3A_716 : vector<16xf32>
        %parallel_loop3A_718 = arith.constant 256 : i32
        %parallel_loop3A_719 = arith.muli %parallel_loop3A_365, %parallel_loop3A_718 : i32
        %parallel_loop3A_720 = arith.constant 160 : i32
        %parallel_loop3A_721 = arith.addi %parallel_loop3A_719, %parallel_loop3A_720 : i32
        %parallel_loop3A_722 = arith.index_cast %parallel_loop3A_721 : i32 to index
        %parallel_loop3A_723 = tpu.vector_load %arg20[%parallel_loop3A_722] {strides = array<i32>} : memref<3584xf32, #tpu.memory_space<vmem>>, vector<16xf32>,
        tpu.vector_store %arg20[%parallel_loop3A_722], %parallel_loop3A_717 {strides = array<i32>} : memref<3584xf32, #tpu.memory_space<vmem>>, vector<16xf32>,
        %parallel_loop3A_724 = arith.index_cast %parallel_loop3A_365 : i32 to index
        %parallel_loop3A_725 = arith.constant 176 : index
        %parallel_loop3A_726 = tpu.vector_load %arg18[%parallel_loop3A_724, %parallel_loop3A_725] {strides = array<i32>} : memref<56x256xf32, #tpu.memory_space<vmem>>, vector<16xf32>,
        %parallel_loop3A_727 = arith.constant 14 : i32
        %parallel_loop3A_728 = arith.addi %parallel_loop3A_727, %parallel_loop3A_365 : i32
        %parallel_loop3A_729 = arith.index_cast %parallel_loop3A_728 : i32 to index
        %parallel_loop3A_730 = arith.constant 176 : index
        %parallel_loop3A_731 = tpu.vector_load %arg18[%parallel_loop3A_729, %parallel_loop3A_730] {strides = array<i32>} : memref<56x256xf32, #tpu.memory_space<vmem>>, vector<16xf32>,
        %parallel_loop3A_732 = arith.constant 28 : i32
        %parallel_loop3A_733 = arith.addi %parallel_loop3A_732, %parallel_loop3A_365 : i32
        %parallel_loop3A_734 = arith.index_cast %parallel_loop3A_733 : i32 to index
        %parallel_loop3A_735 = arith.constant 176 : index
        %parallel_loop3A_736 = tpu.vector_load %arg18[%parallel_loop3A_734, %parallel_loop3A_735] {strides = array<i32>} : memref<56x256xf32, #tpu.memory_space<vmem>>, vector<16xf32>,
        %parallel_loop3A_737 = arith.constant 42 : i32
        %parallel_loop3A_738 = arith.addi %parallel_loop3A_737, %parallel_loop3A_365 : i32
        %parallel_loop3A_739 = arith.index_cast %parallel_loop3A_738 : i32 to index
        %parallel_loop3A_740 = arith.constant 176 : index
        %parallel_loop3A_741 = tpu.vector_load %arg18[%parallel_loop3A_739, %parallel_loop3A_740] {strides = array<i32>} : memref<56x256xf32, #tpu.memory_space<vmem>>, vector<16xf32>,
        %parallel_loop3A_742 = arith.mulf %parallel_loop3A_726, %parallel_loop3A_370 : vector<16xf32>
        %parallel_loop3A_743 = arith.mulf %parallel_loop3A_731, %parallel_loop3A_374 : vector<16xf32>
        %parallel_loop3A_744 = arith.addf %parallel_loop3A_742, %parallel_loop3A_743 : vector<16xf32>
        %parallel_loop3A_745 = arith.mulf %parallel_loop3A_736, %parallel_loop3A_378 : vector<16xf32>
        %parallel_loop3A_746 = arith.addf %parallel_loop3A_744, %parallel_loop3A_745 : vector<16xf32>
        %parallel_loop3A_747 = arith.mulf %parallel_loop3A_741, %parallel_loop3A_382 : vector<16xf32>
        %parallel_loop3A_748 = arith.addf %parallel_loop3A_746, %parallel_loop3A_747 : vector<16xf32>
        %parallel_loop3A_749 = arith.constant 256 : i32
        %parallel_loop3A_750 = arith.muli %parallel_loop3A_365, %parallel_loop3A_749 : i32
        %parallel_loop3A_751 = arith.constant 176 : i32
        %parallel_loop3A_752 = arith.addi %parallel_loop3A_750, %parallel_loop3A_751 : i32
        %parallel_loop3A_753 = arith.index_cast %parallel_loop3A_752 : i32 to index
        %parallel_loop3A_754 = tpu.vector_load %arg20[%parallel_loop3A_753] {strides = array<i32>} : memref<3584xf32, #tpu.memory_space<vmem>>, vector<16xf32>,
        tpu.vector_store %arg20[%parallel_loop3A_753], %parallel_loop3A_748 {strides = array<i32>} : memref<3584xf32, #tpu.memory_space<vmem>>, vector<16xf32>,
        %parallel_loop3A_755 = arith.index_cast %parallel_loop3A_365 : i32 to index
        %parallel_loop3A_756 = arith.constant 192 : index
        %parallel_loop3A_757 = tpu.vector_load %arg18[%parallel_loop3A_755, %parallel_loop3A_756] {strides = array<i32>} : memref<56x256xf32, #tpu.memory_space<vmem>>, vector<16xf32>,
        %parallel_loop3A_758 = arith.constant 14 : i32
        %parallel_loop3A_759 = arith.addi %parallel_loop3A_758, %parallel_loop3A_365 : i32
        %parallel_loop3A_760 = arith.index_cast %parallel_loop3A_759 : i32 to index
        %parallel_loop3A_761 = arith.constant 192 : index
        %parallel_loop3A_762 = tpu.vector_load %arg18[%parallel_loop3A_760, %parallel_loop3A_761] {strides = array<i32>} : memref<56x256xf32, #tpu.memory_space<vmem>>, vector<16xf32>,
        %parallel_loop3A_763 = arith.constant 28 : i32
        %parallel_loop3A_764 = arith.addi %parallel_loop3A_763, %parallel_loop3A_365 : i32
        %parallel_loop3A_765 = arith.index_cast %parallel_loop3A_764 : i32 to index
        %parallel_loop3A_766 = arith.constant 192 : index
        %parallel_loop3A_767 = tpu.vector_load %arg18[%parallel_loop3A_765, %parallel_loop3A_766] {strides = array<i32>} : memref<56x256xf32, #tpu.memory_space<vmem>>, vector<16xf32>,
        %parallel_loop3A_768 = arith.constant 42 : i32
        %parallel_loop3A_769 = arith.addi %parallel_loop3A_768, %parallel_loop3A_365 : i32
        %parallel_loop3A_770 = arith.index_cast %parallel_loop3A_769 : i32 to index
        %parallel_loop3A_771 = arith.constant 192 : index
        %parallel_loop3A_772 = tpu.vector_load %arg18[%parallel_loop3A_770, %parallel_loop3A_771] {strides = array<i32>} : memref<56x256xf32, #tpu.memory_space<vmem>>, vector<16xf32>,
        %parallel_loop3A_773 = arith.mulf %parallel_loop3A_757, %parallel_loop3A_370 : vector<16xf32>
        %parallel_loop3A_774 = arith.mulf %parallel_loop3A_762, %parallel_loop3A_374 : vector<16xf32>
        %parallel_loop3A_775 = arith.addf %parallel_loop3A_773, %parallel_loop3A_774 : vector<16xf32>
        %parallel_loop3A_776 = arith.mulf %parallel_loop3A_767, %parallel_loop3A_378 : vector<16xf32>
        %parallel_loop3A_777 = arith.addf %parallel_loop3A_775, %parallel_loop3A_776 : vector<16xf32>
        %parallel_loop3A_778 = arith.mulf %parallel_loop3A_772, %parallel_loop3A_382 : vector<16xf32>
        %parallel_loop3A_779 = arith.addf %parallel_loop3A_777, %parallel_loop3A_778 : vector<16xf32>
        %parallel_loop3A_780 = arith.constant 256 : i32
        %parallel_loop3A_781 = arith.muli %parallel_loop3A_365, %parallel_loop3A_780 : i32
        %parallel_loop3A_782 = arith.constant 192 : i32
        %parallel_loop3A_783 = arith.addi %parallel_loop3A_781, %parallel_loop3A_782 : i32
        %parallel_loop3A_784 = arith.index_cast %parallel_loop3A_783 : i32 to index
        %parallel_loop3A_785 = tpu.vector_load %arg20[%parallel_loop3A_784] {strides = array<i32>} : memref<3584xf32, #tpu.memory_space<vmem>>, vector<16xf32>,
        tpu.vector_store %arg20[%parallel_loop3A_784], %parallel_loop3A_779 {strides = array<i32>} : memref<3584xf32, #tpu.memory_space<vmem>>, vector<16xf32>,
        %parallel_loop3A_786 = arith.index_cast %parallel_loop3A_365 : i32 to index
        %parallel_loop3A_787 = arith.constant 208 : index
        %parallel_loop3A_788 = tpu.vector_load %arg18[%parallel_loop3A_786, %parallel_loop3A_787] {strides = array<i32>} : memref<56x256xf32, #tpu.memory_space<vmem>>, vector<16xf32>,
        %parallel_loop3A_789 = arith.constant 14 : i32
        %parallel_loop3A_790 = arith.addi %parallel_loop3A_789, %parallel_loop3A_365 : i32
        %parallel_loop3A_791 = arith.index_cast %parallel_loop3A_790 : i32 to index
        %parallel_loop3A_792 = arith.constant 208 : index
        %parallel_loop3A_793 = tpu.vector_load %arg18[%parallel_loop3A_791, %parallel_loop3A_792] {strides = array<i32>} : memref<56x256xf32, #tpu.memory_space<vmem>>, vector<16xf32>,
        %parallel_loop3A_794 = arith.constant 28 : i32
        %parallel_loop3A_795 = arith.addi %parallel_loop3A_794, %parallel_loop3A_365 : i32
        %parallel_loop3A_796 = arith.index_cast %parallel_loop3A_795 : i32 to index
        %parallel_loop3A_797 = arith.constant 208 : index
        %parallel_loop3A_798 = tpu.vector_load %arg18[%parallel_loop3A_796, %parallel_loop3A_797] {strides = array<i32>} : memref<56x256xf32, #tpu.memory_space<vmem>>, vector<16xf32>,
        %parallel_loop3A_799 = arith.constant 42 : i32
        %parallel_loop3A_800 = arith.addi %parallel_loop3A_799, %parallel_loop3A_365 : i32
        %parallel_loop3A_801 = arith.index_cast %parallel_loop3A_800 : i32 to index
        %parallel_loop3A_802 = arith.constant 208 : index
        %parallel_loop3A_803 = tpu.vector_load %arg18[%parallel_loop3A_801, %parallel_loop3A_802] {strides = array<i32>} : memref<56x256xf32, #tpu.memory_space<vmem>>, vector<16xf32>,
        %parallel_loop3A_804 = arith.mulf %parallel_loop3A_788, %parallel_loop3A_370 : vector<16xf32>
        %parallel_loop3A_805 = arith.mulf %parallel_loop3A_793, %parallel_loop3A_374 : vector<16xf32>
        %parallel_loop3A_806 = arith.addf %parallel_loop3A_804, %parallel_loop3A_805 : vector<16xf32>
        %parallel_loop3A_807 = arith.mulf %parallel_loop3A_798, %parallel_loop3A_378 : vector<16xf32>
        %parallel_loop3A_808 = arith.addf %parallel_loop3A_806, %parallel_loop3A_807 : vector<16xf32>
        %parallel_loop3A_809 = arith.mulf %parallel_loop3A_803, %parallel_loop3A_382 : vector<16xf32>
        %parallel_loop3A_810 = arith.addf %parallel_loop3A_808, %parallel_loop3A_809 : vector<16xf32>
        %parallel_loop3A_811 = arith.constant 256 : i32
        %parallel_loop3A_812 = arith.muli %parallel_loop3A_365, %parallel_loop3A_811 : i32
        %parallel_loop3A_813 = arith.constant 208 : i32
        %parallel_loop3A_814 = arith.addi %parallel_loop3A_812, %parallel_loop3A_813 : i32
        %parallel_loop3A_815 = arith.index_cast %parallel_loop3A_814 : i32 to index
        %parallel_loop3A_816 = tpu.vector_load %arg20[%parallel_loop3A_815] {strides = array<i32>} : memref<3584xf32, #tpu.memory_space<vmem>>, vector<16xf32>,
        tpu.vector_store %arg20[%parallel_loop3A_815], %parallel_loop3A_810 {strides = array<i32>} : memref<3584xf32, #tpu.memory_space<vmem>>, vector<16xf32>,
        %parallel_loop3A_817 = arith.index_cast %parallel_loop3A_365 : i32 to index
        %parallel_loop3A_818 = arith.constant 224 : index
        %parallel_loop3A_819 = tpu.vector_load %arg18[%parallel_loop3A_817, %parallel_loop3A_818] {strides = array<i32>} : memref<56x256xf32, #tpu.memory_space<vmem>>, vector<16xf32>,
        %parallel_loop3A_820 = arith.constant 14 : i32
        %parallel_loop3A_821 = arith.addi %parallel_loop3A_820, %parallel_loop3A_365 : i32
        %parallel_loop3A_822 = arith.index_cast %parallel_loop3A_821 : i32 to index
        %parallel_loop3A_823 = arith.constant 224 : index
        %parallel_loop3A_824 = tpu.vector_load %arg18[%parallel_loop3A_822, %parallel_loop3A_823] {strides = array<i32>} : memref<56x256xf32, #tpu.memory_space<vmem>>, vector<16xf32>,
        %parallel_loop3A_825 = arith.constant 28 : i32
        %parallel_loop3A_826 = arith.addi %parallel_loop3A_825, %parallel_loop3A_365 : i32
        %parallel_loop3A_827 = arith.index_cast %parallel_loop3A_826 : i32 to index
        %parallel_loop3A_828 = arith.constant 224 : index
        %parallel_loop3A_829 = tpu.vector_load %arg18[%parallel_loop3A_827, %parallel_loop3A_828] {strides = array<i32>} : memref<56x256xf32, #tpu.memory_space<vmem>>, vector<16xf32>,
        %parallel_loop3A_830 = arith.constant 42 : i32
        %parallel_loop3A_831 = arith.addi %parallel_loop3A_830, %parallel_loop3A_365 : i32
        %parallel_loop3A_832 = arith.index_cast %parallel_loop3A_831 : i32 to index
        %parallel_loop3A_833 = arith.constant 224 : index
        %parallel_loop3A_834 = tpu.vector_load %arg18[%parallel_loop3A_832, %parallel_loop3A_833] {strides = array<i32>} : memref<56x256xf32, #tpu.memory_space<vmem>>, vector<16xf32>,
        %parallel_loop3A_835 = arith.mulf %parallel_loop3A_819, %parallel_loop3A_370 : vector<16xf32>
        %parallel_loop3A_836 = arith.mulf %parallel_loop3A_824, %parallel_loop3A_374 : vector<16xf32>
        %parallel_loop3A_837 = arith.addf %parallel_loop3A_835, %parallel_loop3A_836 : vector<16xf32>
        %parallel_loop3A_838 = arith.mulf %parallel_loop3A_829, %parallel_loop3A_378 : vector<16xf32>
        %parallel_loop3A_839 = arith.addf %parallel_loop3A_837, %parallel_loop3A_838 : vector<16xf32>
        %parallel_loop3A_840 = arith.mulf %parallel_loop3A_834, %parallel_loop3A_382 : vector<16xf32>
        %parallel_loop3A_841 = arith.addf %parallel_loop3A_839, %parallel_loop3A_840 : vector<16xf32>
        %parallel_loop3A_842 = arith.constant 256 : i32
        %parallel_loop3A_843 = arith.muli %parallel_loop3A_365, %parallel_loop3A_842 : i32
        %parallel_loop3A_844 = arith.constant 224 : i32
        %parallel_loop3A_845 = arith.addi %parallel_loop3A_843, %parallel_loop3A_844 : i32
        %parallel_loop3A_846 = arith.index_cast %parallel_loop3A_845 : i32 to index
        %parallel_loop3A_847 = tpu.vector_load %arg20[%parallel_loop3A_846] {strides = array<i32>} : memref<3584xf32, #tpu.memory_space<vmem>>, vector<16xf32>,
        tpu.vector_store %arg20[%parallel_loop3A_846], %parallel_loop3A_841 {strides = array<i32>} : memref<3584xf32, #tpu.memory_space<vmem>>, vector<16xf32>,
        %parallel_loop3A_848 = arith.index_cast %parallel_loop3A_365 : i32 to index
        %parallel_loop3A_849 = arith.constant 240 : index
        %parallel_loop3A_850 = tpu.vector_load %arg18[%parallel_loop3A_848, %parallel_loop3A_849] {strides = array<i32>} : memref<56x256xf32, #tpu.memory_space<vmem>>, vector<16xf32>,
        %parallel_loop3A_851 = arith.constant 14 : i32
        %parallel_loop3A_852 = arith.addi %parallel_loop3A_851, %parallel_loop3A_365 : i32
        %parallel_loop3A_853 = arith.index_cast %parallel_loop3A_852 : i32 to index
        %parallel_loop3A_854 = arith.constant 240 : index
        %parallel_loop3A_855 = tpu.vector_load %arg18[%parallel_loop3A_853, %parallel_loop3A_854] {strides = array<i32>} : memref<56x256xf32, #tpu.memory_space<vmem>>, vector<16xf32>,
        %parallel_loop3A_856 = arith.constant 28 : i32
        %parallel_loop3A_857 = arith.addi %parallel_loop3A_856, %parallel_loop3A_365 : i32
        %parallel_loop3A_858 = arith.index_cast %parallel_loop3A_857 : i32 to index
        %parallel_loop3A_859 = arith.constant 240 : index
        %parallel_loop3A_860 = tpu.vector_load %arg18[%parallel_loop3A_858, %parallel_loop3A_859] {strides = array<i32>} : memref<56x256xf32, #tpu.memory_space<vmem>>, vector<16xf32>,
        %parallel_loop3A_861 = arith.constant 42 : i32
        %parallel_loop3A_862 = arith.addi %parallel_loop3A_861, %parallel_loop3A_365 : i32
        %parallel_loop3A_863 = arith.index_cast %parallel_loop3A_862 : i32 to index
        %parallel_loop3A_864 = arith.constant 240 : index
        %parallel_loop3A_865 = tpu.vector_load %arg18[%parallel_loop3A_863, %parallel_loop3A_864] {strides = array<i32>} : memref<56x256xf32, #tpu.memory_space<vmem>>, vector<16xf32>,
        %parallel_loop3A_866 = arith.mulf %parallel_loop3A_850, %parallel_loop3A_370 : vector<16xf32>
        %parallel_loop3A_867 = arith.mulf %parallel_loop3A_855, %parallel_loop3A_374 : vector<16xf32>
        %parallel_loop3A_868 = arith.addf %parallel_loop3A_866, %parallel_loop3A_867 : vector<16xf32>
        %parallel_loop3A_869 = arith.mulf %parallel_loop3A_860, %parallel_loop3A_378 : vector<16xf32>
        %parallel_loop3A_870 = arith.addf %parallel_loop3A_868, %parallel_loop3A_869 : vector<16xf32>
        %parallel_loop3A_871 = arith.mulf %parallel_loop3A_865, %parallel_loop3A_382 : vector<16xf32>
        %parallel_loop3A_872 = arith.addf %parallel_loop3A_870, %parallel_loop3A_871 : vector<16xf32>
        %parallel_loop3A_873 = arith.constant 256 : i32
        %parallel_loop3A_874 = arith.muli %parallel_loop3A_365, %parallel_loop3A_873 : i32
        %parallel_loop3A_875 = arith.constant 240 : i32
        %parallel_loop3A_876 = arith.addi %parallel_loop3A_874, %parallel_loop3A_875 : i32
        %parallel_loop3A_877 = arith.index_cast %parallel_loop3A_876 : i32 to index
        %parallel_loop3A_878 = tpu.vector_load %arg20[%parallel_loop3A_877] {strides = array<i32>} : memref<3584xf32, #tpu.memory_space<vmem>>, vector<16xf32>,
        tpu.vector_store %arg20[%parallel_loop3A_877], %parallel_loop3A_872 {strides = array<i32>} : memref<3584xf32, #tpu.memory_space<vmem>>, vector<16xf32>,
      } {sc.loop_unroll_factor = 2 : i64, sc.parallel_access}
      %add3A_256 = arith.addi %mul3A_2, %select_n3A_207 : i32
      %mul3A_257 = arith.constant 14 : i32
      %mul3A_258 = arith.muli %add3A_256, %mul3A_257 : i32
      %add3A_259 = arith.addi %mul3A_258, %select_n3A_223 : i32
      %dma_start3A_260 = arith.constant 0 : i32
      %dma_start3A_261 = tpu.memref_slice %arg5[%add3A_259, %dma_start3A_260] : memref<7168x3584xf32, #tpu.memory_space<hbm>> -> memref<1x3584xf32, #tpu.memory_space<hbm>>
      %dma_start3A_262 = tpu.memref_squeeze %dma_start3A_261 : memref<1x3584xf32, #tpu.memory_space<hbm>> -> memref<3584xf32, #tpu.memory_space<hbm>>
      %dma_start3A_263 = arith.constant 0 : i32
      %dma_start3A_264 = tpu.memref_slice %arg5[%add3A_259, %dma_start3A_263] : memref<7168x3584xf32, #tpu.memory_space<hbm>> -> memref<1x3584xf32, #tpu.memory_space<hbm>>
      %dma_start3A_265 = tpu.memref_squeeze %dma_start3A_264 : memref<1x3584xf32, #tpu.memory_space<hbm>> -> memref<3584xf32, #tpu.memory_space<hbm>>
      tpu.enqueue_dma source(%arg20 : memref<3584xf32, #tpu.memory_space<vmem>>) target(%dma_start3A_265 : memref<3584xf32, #tpu.memory_space<hbm>>) target_semaphore(%arg25 : memref<!tpu.dma_semaphore, #tpu.memory_space<semaphore_mem>>)
      %le3A = arith.constant 110 : i32
      %le3A_266 = arith.cmpi sle, %scan3A_101, %le3A : i32
      %convert_element_type3A_267 = arith.extui %le3A_266 : i1 to i32
      %cond3A_268 = arith.constant 0 : i32
      %cond3A_269 = arith.cmpi ne, %convert_element_type3A_267, %cond3A_268 : i32
      scf.if %cond3A_269 {
        %add3A_365 = arith.constant 2 : i32
        %add3A_366 = arith.addi %mul3A_104, %add3A_365 : i32
        %jit3A_367 = arith.constant 14 : i32
        %div3A_368 = arith.divsi %add3A_366, %jit3A_367 : i32
        %sign3A_369 = arith.constant 0 : i32
        %sign3A_370 = arith.cmpi sgt, %add3A_366, %sign3A_369 : i32
        %sign3A_371 = arith.extui %sign3A_370 : i1 to i32
        %sign3A_372 = arith.constant 0 : i32
        %sign3A_373 = arith.cmpi slt, %add3A_366, %sign3A_372 : i32
        %sign3A_374 = arith.extui %sign3A_373 : i1 to i32
        %sign3A_375 = arith.subi %sign3A_371, %sign3A_374 : i32
        %sign3A_376 = arith.constant 0 : i32
        %sign3A_377 = arith.cmpi sgt, %jit3A_367, %sign3A_376 : i32
        %sign3A_378 = arith.extui %sign3A_377 : i1 to i32
        %sign3A_379 = arith.constant 0 : i32
        %sign3A_380 = arith.cmpi slt, %jit3A_367, %sign3A_379 : i32
        %sign3A_381 = arith.extui %sign3A_380 : i1 to i32
        %sign3A_382 = arith.subi %sign3A_378, %sign3A_381 : i32
        %ne3A_383 = arith.cmpi ne, %sign3A_375, %sign3A_382 : i32
        %rem3A_384 = arith.remsi %add3A_366, %jit3A_367 : i32
        %ne3A_385 = arith.constant 0 : i32
        %ne3A_386 = arith.cmpi ne, %rem3A_384, %ne3A_385 : i32
        %and3A_387 = arith.andi %ne3A_383, %ne3A_386 : i1
        %sub3A_388 = arith.constant 1 : i32
        %sub3A_389 = arith.subi %div3A_368, %sub3A_388 : i32
        %select_n3A_390 = arith.select %and3A_387, %sub3A_389, %div3A_368 : i32
        %jit3A_391 = arith.constant 14 : i32
        %eq3A_392 = arith.constant 0 : i32
        %eq3A_393 = arith.cmpi eq, %jit3A_391, %eq3A_392 : i32
        %jit3A_394 = arith.constant 1 : i32
        %select_n3A_395 = arith.select %eq3A_393, %jit3A_394, %jit3A_391 : i32
        %rem3A_396 = arith.remsi %add3A_366, %select_n3A_395 : i32
        %ne3A_397 = arith.constant 0 : i32
        %ne3A_398 = arith.cmpi ne, %rem3A_396, %ne3A_397 : i32
        %lt3A_399 = arith.constant 0 : i32
        %lt3A_400 = arith.cmpi slt, %rem3A_396, %lt3A_399 : i32
        %lt3A_401 = arith.constant 0 : i32
        %lt3A_402 = arith.cmpi slt, %select_n3A_395, %lt3A_401 : i32
        %ne3A_403 = arith.xori %lt3A_400, %lt3A_402 : i1
        %and3A_404 = arith.andi %ne3A_403, %ne3A_398 : i1
        %add3A_405 = arith.addi %rem3A_396, %select_n3A_395 : i32
        %select_n3A_406 = arith.select %and3A_404, %add3A_405, %rem3A_396 : i32
        %mul3A_407 = arith.constant 16 : i32
        %mul3A_408 = arith.muli %select_n3A_406, %mul3A_407 : i32
        %add3A_409 = arith.constant 16 : i32
        %add3A_410 = arith.addi %add3A_409, %mul3A_408 : i32
        %add3A_411 = arith.addi %add3A_410, %select_n3A_390 : i32
        %broadcast_in_dim3A_412 = arith.constant 0 : i32
        %broadcast_in_dim3A_413 = vector.broadcast %broadcast_in_dim3A_412 : i32 to vector<16xi32>
        %add3A_414 = vector.broadcast %add3A_411 : i32 to vector<16xi32>
        %add3A_415 = arith.addi %broadcast_in_dim3A_413, %add3A_414 : vector<16xi32>
        %gather3A_416 = tpu.vector_load_idx %arg8[%add3A_415] : memref<240xi32, #tpu.memory_space<vmem>>[vector<16xi32>], vector<16xi32>,
        %gather3A_417 = tpu.vector_load_idx %arg9[%add3A_415] : memref<240xi32, #tpu.memory_space<vmem>>[vector<16xi32>], vector<16xi32>,
        %mul3A_418 = arith.constant 16 : i32
        %mul3A_419 = arith.muli %select_n3A_390, %mul3A_418 : i32
        %get3A_420 = arith.index_cast %mul3A_419 : i32 to index
        %get3A_421 = tpu.vector_load %arg12[%get3A_420] {strides = array<i32>} : memref<256xi32, #tpu.memory_space<vmem>>, vector<16xi32>,
        %mul3A_422 = arith.constant 16 : i32
        %mul3A_423 = arith.muli %select_n3A_390, %mul3A_422 : i32
        %get3A_424 = arith.index_cast %mul3A_423 : i32 to index
        %get3A_425 = tpu.vector_load %arg13[%get3A_424] {strides = array<i32>} : memref<256xi32, #tpu.memory_space<vmem>>, vector<16xi32>,
        %lt3A_426 = arith.constant 14 : i32
        %lt3A_427 = vector.broadcast %lt3A_426 : i32 to vector<16xi32>
        %lt3A_428 = arith.cmpi slt, %iota3A, %lt3A_427 : vector<16xi32>
        %add3A_429 = arith.addi %gather3A_416, %get3A_421 : vector<16xi32>
        tpu.vector_store_idx %arg16[%iota3A], %add3A_429 masked %lt3A_428 : memref<56xi32, #tpu.memory_space<vmem>>[vector<16xi32>], vector<16xi32>, vector<16xi1>
        %add3A_430 = arith.constant 14 : i32
        %add3A_431 = vector.broadcast %add3A_430 : i32 to vector<16xi32>
        %add3A_432 = arith.addi %iota3A, %add3A_431 : vector<16xi32>
        %add3A_433 = arith.addi %gather3A_416, %get3A_425 : vector<16xi32>
        tpu.vector_store_idx %arg16[%add3A_432], %add3A_433 masked %lt3A_428 : memref<56xi32, #tpu.memory_space<vmem>>[vector<16xi32>], vector<16xi32>, vector<16xi1>
        %add3A_434 = arith.constant 28 : i32
        %add3A_435 = vector.broadcast %add3A_434 : i32 to vector<16xi32>
        %add3A_436 = arith.addi %iota3A, %add3A_435 : vector<16xi32>
        %add3A_437 = arith.addi %gather3A_417, %get3A_421 : vector<16xi32>
        tpu.vector_store_idx %arg16[%add3A_436], %add3A_437 masked %lt3A_428 : memref<56xi32, #tpu.memory_space<vmem>>[vector<16xi32>], vector<16xi32>, vector<16xi1>
        %add3A_438 = arith.constant 42 : i32
        %add3A_439 = vector.broadcast %add3A_438 : i32 to vector<16xi32>
        %add3A_440 = arith.addi %iota3A, %add3A_439 : vector<16xi32>
        %add3A_441 = arith.addi %gather3A_417, %get3A_425 : vector<16xi32>
        tpu.vector_store_idx %arg16[%add3A_440], %add3A_441 masked %lt3A_428 : memref<56xi32, #tpu.memory_space<vmem>>[vector<16xi32>], vector<16xi32>, vector<16xi1>
        %dma_start3A_442 = arith.constant 0 : i32
        %dma_start3A_443 = arith.constant 0 : i32
        %dma_start3A_444 = tpu.memref_slice %arg2[%dma_start3A_442, %dma_start3A_443] : memref<200704x256xf32, #tpu.memory_space<hbm>> -> memref<200704x256xf32, #tpu.memory_space<hbm>>
        tpu.enqueue_indirect_dma source(%dma_start3A_444 : memref<200704x256xf32, #tpu.memory_space<hbm>>) target(%arg18 : memref<56x256xf32, #tpu.memory_space<vmem>>) offsets(%arg16 : memref<56xi32, #tpu.memory_space<vmem>>) semaphore(%arg23 : memref<!tpu.dma_semaphore, #tpu.memory_space<semaphore_mem>>)
      } else {
      }
      %dma_wait3A_270 = arith.constant 0 : i32
      %dma_wait3A_271 = arith.constant 0 : i32
      %dma_wait3A_272 = tpu.memref_slice %arg2[%dma_wait3A_270, %dma_wait3A_271] : memref<200704x256xf32, #tpu.memory_space<hbm>> -> memref<200704x256xf32, #tpu.memory_space<hbm>>
      tpu.wait_indirect_dma semaphore(%arg24 : memref<!tpu.dma_semaphore, #tpu.memory_space<semaphore_mem>>) src(%dma_wait3A_272 : memref<200704x256xf32, #tpu.memory_space<hbm>>) dst(%arg19 : memref<56x256xf32, #tpu.memory_space<vmem>>)
      %ge3A_273 = arith.constant 1 : i32
      %ge3A_274 = arith.cmpi sge, %scan3A_101, %ge3A_273 : i32
      %convert_element_type3A_275 = arith.extui %ge3A_274 : i1 to i32
      %cond3A_276 = arith.constant 0 : i32
      %cond3A_277 = arith.cmpi ne, %convert_element_type3A_275, %cond3A_276 : i32
      scf.if %cond3A_277 {
        %dma_wait3A_365 = arith.constant 0 : i32
        %dma_wait3A_366 = arith.constant 0 : i32
        %dma_wait3A_367 = tpu.memref_slice %arg5[%dma_wait3A_365, %dma_wait3A_366] : memref<7168x3584xf32, #tpu.memory_space<hbm>> -> memref<1x3584xf32, #tpu.memory_space<hbm>>
        %dma_wait3A_368 = tpu.memref_squeeze %dma_wait3A_367 : memref<1x3584xf32, #tpu.memory_space<hbm>> -> memref<3584xf32, #tpu.memory_space<hbm>>
        %dma_wait3A_369 = arith.constant 0 : i32
        %dma_wait3A_370 = tpu.memref_slice %arg5[%dma_wait3A_365, %dma_wait3A_369] : memref<7168x3584xf32, #tpu.memory_space<hbm>> -> memref<1x3584xf32, #tpu.memory_space<hbm>>
        %dma_wait3A_371 = tpu.memref_squeeze %dma_wait3A_370 : memref<1x3584xf32, #tpu.memory_space<hbm>> -> memref<3584xf32, #tpu.memory_space<hbm>>
        tpu.wait_dma2 semaphore(%arg26 : memref<!tpu.dma_semaphore, #tpu.memory_space<semaphore_mem>>) src(%arg21 : memref<3584xf32, #tpu.memory_space<vmem>>) dst(%dma_wait3A_371 : memref<3584xf32, #tpu.memory_space<hbm>>)
      } else {
      }
      %add3A_278 = arith.constant 1 : i32
      %add3A_279 = arith.addi %mul3A_104, %add3A_278 : i32
      %jit3A_280 = arith.constant 14 : i32
      %div3A_281 = arith.divsi %add3A_279, %jit3A_280 : i32
      %sign3A_282 = arith.constant 0 : i32
      %sign3A_283 = arith.cmpi sgt, %add3A_279, %sign3A_282 : i32
      %sign3A_284 = arith.extui %sign3A_283 : i1 to i32
      %sign3A_285 = arith.constant 0 : i32
      %sign3A_286 = arith.cmpi slt, %add3A_279, %sign3A_285 : i32
      %sign3A_287 = arith.extui %sign3A_286 : i1 to i32
      %sign3A_288 = arith.subi %sign3A_284, %sign3A_287 : i32
      %sign3A_289 = arith.constant 0 : i32
      %sign3A_290 = arith.cmpi sgt, %jit3A_280, %sign3A_289 : i32
      %sign3A_291 = arith.extui %sign3A_290 : i1 to i32
      %sign3A_292 = arith.constant 0 : i32
      %sign3A_293 = arith.cmpi slt, %jit3A_280, %sign3A_292 : i32
      %sign3A_294 = arith.extui %sign3A_293 : i1 to i32
      %sign3A_295 = arith.subi %sign3A_291, %sign3A_294 : i32
      %ne3A_296 = arith.cmpi ne, %sign3A_288, %sign3A_295 : i32
      %rem3A_297 = arith.remsi %add3A_279, %jit3A_280 : i32
      %ne3A_298 = arith.constant 0 : i32
      %ne3A_299 = arith.cmpi ne, %rem3A_297, %ne3A_298 : i32
      %and3A_300 = arith.andi %ne3A_296, %ne3A_299 : i1
      %sub3A_301 = arith.constant 1 : i32
      %sub3A_302 = arith.subi %div3A_281, %sub3A_301 : i32
      %select_n3A_303 = arith.select %and3A_300, %sub3A_302, %div3A_281 : i32
      %jit3A_304 = arith.constant 14 : i32
      %eq3A_305 = arith.constant 0 : i32
      %eq3A_306 = arith.cmpi eq, %jit3A_304, %eq3A_305 : i32
      %jit3A_307 = arith.constant 1 : i32
      %select_n3A_308 = arith.select %eq3A_306, %jit3A_307, %jit3A_304 : i32
      %rem3A_309 = arith.remsi %add3A_279, %select_n3A_308 : i32
      %ne3A_310 = arith.constant 0 : i32
      %ne3A_311 = arith.cmpi ne, %rem3A_309, %ne3A_310 : i32
      %lt3A_312 = arith.constant 0 : i32
      %lt3A_313 = arith.cmpi slt, %rem3A_309, %lt3A_312 : i32
      %lt3A_314 = arith.constant 0 : i32
      %lt3A_315 = arith.cmpi slt, %select_n3A_308, %lt3A_314 : i32
      %ne3A_316 = arith.xori %lt3A_313, %lt3A_315 : i1
      %and3A_317 = arith.andi %ne3A_316, %ne3A_311 : i1
      %add3A_318 = arith.addi %rem3A_309, %select_n3A_308 : i32
      %select_n3A_319 = arith.select %and3A_317, %add3A_318, %rem3A_309 : i32
      %mul3A_320 = arith.constant 16 : i32
      %mul3A_321 = arith.muli %select_n3A_319, %mul3A_320 : i32
      %add3A_322 = arith.constant 16 : i32
      %add3A_323 = arith.addi %add3A_322, %mul3A_321 : i32
      %add3A_324 = arith.addi %add3A_323, %select_n3A_303 : i32
      %broadcast_in_dim3A_325 = arith.constant 0 : i32
      %broadcast_in_dim3A_326 = vector.broadcast %broadcast_in_dim3A_325 : i32 to vector<16xi32>
      %add3A_327 = vector.broadcast %add3A_324 : i32 to vector<16xi32>
      %add3A_328 = arith.addi %broadcast_in_dim3A_326, %add3A_327 : vector<16xi32>
      %gather3A_329 = tpu.vector_load_idx %arg10[%add3A_328] : memref<240xf32, #tpu.memory_space<vmem>>[vector<16xi32>], vector<16xf32>,
      %gather3A_330 = tpu.vector_load_idx %arg11[%add3A_328] : memref<240xf32, #tpu.memory_space<vmem>>[vector<16xi32>], vector<16xf32>,
      %mul3A_331 = arith.constant 16 : i32
      %mul3A_332 = arith.muli %select_n3A_303, %mul3A_331 : i32
      %get3A_333 = arith.index_cast %mul3A_332 : i32 to index
      %get3A_334 = tpu.vector_load %arg14[%get3A_333] {strides = array<i32>} : memref<256xf32, #tpu.memory_space<vmem>>, vector<16xf32>,
      %mul3A_335 = arith.constant 16 : i32
      %mul3A_336 = arith.muli %select_n3A_303, %mul3A_335 : i32
      %get3A_337 = arith.index_cast %mul3A_336 : i32 to index
      %get3A_338 = tpu.vector_load %arg15[%get3A_337] {strides = array<i32>} : memref<256xf32, #tpu.memory_space<vmem>>, vector<16xf32>,
      %mul3A_339 = arith.mulf %gather3A_329, %get3A_334 : vector<16xf32>
      %swap3A_340 = arith.constant 0 : index
      %swap3A_341 = tpu.vector_load %arg22[%swap3A_340] {strides = array<i32>} : memref<64xf32, #tpu.memory_space<vmem>>, vector<16xf32>,
      tpu.vector_store %arg22[%swap3A_340], %mul3A_339 {strides = array<i32>} : memref<64xf32, #tpu.memory_space<vmem>>, vector<16xf32>,
      %mul3A_342 = arith.mulf %gather3A_329, %get3A_338 : vector<16xf32>
      %swap3A_343 = arith.constant 16 : index
      %swap3A_344 = tpu.vector_load %arg22[%swap3A_343] {strides = array<i32>} : memref<64xf32, #tpu.memory_space<vmem>>, vector<16xf32>,
      tpu.vector_store %arg22[%swap3A_343], %mul3A_342 {strides = array<i32>} : memref<64xf32, #tpu.memory_space<vmem>>, vector<16xf32>,
      %mul3A_345 = arith.mulf %gather3A_330, %get3A_334 : vector<16xf32>
      %swap3A_346 = arith.constant 32 : index
      %swap3A_347 = tpu.vector_load %arg22[%swap3A_346] {strides = array<i32>} : memref<64xf32, #tpu.memory_space<vmem>>, vector<16xf32>,
      tpu.vector_store %arg22[%swap3A_346], %mul3A_345 {strides = array<i32>} : memref<64xf32, #tpu.memory_space<vmem>>, vector<16xf32>,
      %mul3A_348 = arith.mulf %gather3A_330, %get3A_338 : vector<16xf32>
      %swap3A_349 = arith.constant 48 : index
      %swap3A_350 = tpu.vector_load %arg22[%swap3A_349] {strides = array<i32>} : memref<64xf32, #tpu.memory_space<vmem>>, vector<16xf32>,
      tpu.vector_store %arg22[%swap3A_349], %mul3A_348 {strides = array<i32>} : memref<64xf32, #tpu.memory_space<vmem>>, vector<16xf32>,
      %parallel_loop3A_351 = arith.constant 0 : i32
      %parallel_loop3A_352 = arith.constant 14 : i32
      %parallel_loop3A_353 = arith.constant 1 : i32
      scf.for %parallel_loop3A_365 = %parallel_loop3A_351 to %parallel_loop3A_352 step %parallel_loop3A_353  : i32 {
        %parallel_loop3A_366 = arith.constant 0 : i32
        %parallel_loop3A_367 = vector.broadcast %parallel_loop3A_366 : i32 to vector<16xi32>
        %parallel_loop3A_368 = vector.broadcast %parallel_loop3A_365 : i32 to vector<16xi32>
        %parallel_loop3A_369 = arith.addi %parallel_loop3A_367, %parallel_loop3A_368 : vector<16xi32>
        %parallel_loop3A_370 = tpu.vector_load_idx %arg22[%parallel_loop3A_369] : memref<64xf32, #tpu.memory_space<vmem>>[vector<16xi32>], vector<16xf32>,
        %parallel_loop3A_371 = arith.constant 16 : i32
        %parallel_loop3A_372 = vector.broadcast %parallel_loop3A_371 : i32 to vector<16xi32>
        %parallel_loop3A_373 = arith.addi %parallel_loop3A_369, %parallel_loop3A_372 : vector<16xi32>
        %parallel_loop3A_374 = tpu.vector_load_idx %arg22[%parallel_loop3A_373] : memref<64xf32, #tpu.memory_space<vmem>>[vector<16xi32>], vector<16xf32>,
        %parallel_loop3A_375 = arith.constant 32 : i32
        %parallel_loop3A_376 = vector.broadcast %parallel_loop3A_375 : i32 to vector<16xi32>
        %parallel_loop3A_377 = arith.addi %parallel_loop3A_369, %parallel_loop3A_376 : vector<16xi32>
        %parallel_loop3A_378 = tpu.vector_load_idx %arg22[%parallel_loop3A_377] : memref<64xf32, #tpu.memory_space<vmem>>[vector<16xi32>], vector<16xf32>,
        %parallel_loop3A_379 = arith.constant 48 : i32
        %parallel_loop3A_380 = vector.broadcast %parallel_loop3A_379 : i32 to vector<16xi32>
        %parallel_loop3A_381 = arith.addi %parallel_loop3A_369, %parallel_loop3A_380 : vector<16xi32>
        %parallel_loop3A_382 = tpu.vector_load_idx %arg22[%parallel_loop3A_381] : memref<64xf32, #tpu.memory_space<vmem>>[vector<16xi32>], vector<16xf32>,
        %parallel_loop3A_383 = arith.index_cast %parallel_loop3A_365 : i32 to index
        %parallel_loop3A_384 = arith.constant 0 : index
        %parallel_loop3A_385 = tpu.vector_load %arg19[%parallel_loop3A_383, %parallel_loop3A_384] {strides = array<i32>} : memref<56x256xf32, #tpu.memory_space<vmem>>, vector<16xf32>,
        %parallel_loop3A_386 = arith.constant 14 : i32
        %parallel_loop3A_387 = arith.addi %parallel_loop3A_386, %parallel_loop3A_365 : i32
        %parallel_loop3A_388 = arith.index_cast %parallel_loop3A_387 : i32 to index
        %parallel_loop3A_389 = arith.constant 0 : index
        %parallel_loop3A_390 = tpu.vector_load %arg19[%parallel_loop3A_388, %parallel_loop3A_389] {strides = array<i32>} : memref<56x256xf32, #tpu.memory_space<vmem>>, vector<16xf32>,
        %parallel_loop3A_391 = arith.constant 28 : i32
        %parallel_loop3A_392 = arith.addi %parallel_loop3A_391, %parallel_loop3A_365 : i32
        %parallel_loop3A_393 = arith.index_cast %parallel_loop3A_392 : i32 to index
        %parallel_loop3A_394 = arith.constant 0 : index
        %parallel_loop3A_395 = tpu.vector_load %arg19[%parallel_loop3A_393, %parallel_loop3A_394] {strides = array<i32>} : memref<56x256xf32, #tpu.memory_space<vmem>>, vector<16xf32>,
        %parallel_loop3A_396 = arith.constant 42 : i32
        %parallel_loop3A_397 = arith.addi %parallel_loop3A_396, %parallel_loop3A_365 : i32
        %parallel_loop3A_398 = arith.index_cast %parallel_loop3A_397 : i32 to index
        %parallel_loop3A_399 = arith.constant 0 : index
        %parallel_loop3A_400 = tpu.vector_load %arg19[%parallel_loop3A_398, %parallel_loop3A_399] {strides = array<i32>} : memref<56x256xf32, #tpu.memory_space<vmem>>, vector<16xf32>,
        %parallel_loop3A_401 = arith.mulf %parallel_loop3A_385, %parallel_loop3A_370 : vector<16xf32>
        %parallel_loop3A_402 = arith.mulf %parallel_loop3A_390, %parallel_loop3A_374 : vector<16xf32>
        %parallel_loop3A_403 = arith.addf %parallel_loop3A_401, %parallel_loop3A_402 : vector<16xf32>
        %parallel_loop3A_404 = arith.mulf %parallel_loop3A_395, %parallel_loop3A_378 : vector<16xf32>
        %parallel_loop3A_405 = arith.addf %parallel_loop3A_403, %parallel_loop3A_404 : vector<16xf32>
        %parallel_loop3A_406 = arith.mulf %parallel_loop3A_400, %parallel_loop3A_382 : vector<16xf32>
        %parallel_loop3A_407 = arith.addf %parallel_loop3A_405, %parallel_loop3A_406 : vector<16xf32>
        %parallel_loop3A_408 = arith.constant 256 : i32
        %parallel_loop3A_409 = arith.muli %parallel_loop3A_365, %parallel_loop3A_408 : i32
        %parallel_loop3A_410 = arith.constant 0 : i32
        %parallel_loop3A_411 = arith.addi %parallel_loop3A_409, %parallel_loop3A_410 : i32
        %parallel_loop3A_412 = arith.index_cast %parallel_loop3A_411 : i32 to index
        %parallel_loop3A_413 = tpu.vector_load %arg21[%parallel_loop3A_412] {strides = array<i32>} : memref<3584xf32, #tpu.memory_space<vmem>>, vector<16xf32>,
        tpu.vector_store %arg21[%parallel_loop3A_412], %parallel_loop3A_407 {strides = array<i32>} : memref<3584xf32, #tpu.memory_space<vmem>>, vector<16xf32>,
        %parallel_loop3A_414 = arith.index_cast %parallel_loop3A_365 : i32 to index
        %parallel_loop3A_415 = arith.constant 16 : index
        %parallel_loop3A_416 = tpu.vector_load %arg19[%parallel_loop3A_414, %parallel_loop3A_415] {strides = array<i32>} : memref<56x256xf32, #tpu.memory_space<vmem>>, vector<16xf32>,
        %parallel_loop3A_417 = arith.constant 14 : i32
        %parallel_loop3A_418 = arith.addi %parallel_loop3A_417, %parallel_loop3A_365 : i32
        %parallel_loop3A_419 = arith.index_cast %parallel_loop3A_418 : i32 to index
        %parallel_loop3A_420 = arith.constant 16 : index
        %parallel_loop3A_421 = tpu.vector_load %arg19[%parallel_loop3A_419, %parallel_loop3A_420] {strides = array<i32>} : memref<56x256xf32, #tpu.memory_space<vmem>>, vector<16xf32>,
        %parallel_loop3A_422 = arith.constant 28 : i32
        %parallel_loop3A_423 = arith.addi %parallel_loop3A_422, %parallel_loop3A_365 : i32
        %parallel_loop3A_424 = arith.index_cast %parallel_loop3A_423 : i32 to index
        %parallel_loop3A_425 = arith.constant 16 : index
        %parallel_loop3A_426 = tpu.vector_load %arg19[%parallel_loop3A_424, %parallel_loop3A_425] {strides = array<i32>} : memref<56x256xf32, #tpu.memory_space<vmem>>, vector<16xf32>,
        %parallel_loop3A_427 = arith.constant 42 : i32
        %parallel_loop3A_428 = arith.addi %parallel_loop3A_427, %parallel_loop3A_365 : i32
        %parallel_loop3A_429 = arith.index_cast %parallel_loop3A_428 : i32 to index
        %parallel_loop3A_430 = arith.constant 16 : index
        %parallel_loop3A_431 = tpu.vector_load %arg19[%parallel_loop3A_429, %parallel_loop3A_430] {strides = array<i32>} : memref<56x256xf32, #tpu.memory_space<vmem>>, vector<16xf32>,
        %parallel_loop3A_432 = arith.mulf %parallel_loop3A_416, %parallel_loop3A_370 : vector<16xf32>
        %parallel_loop3A_433 = arith.mulf %parallel_loop3A_421, %parallel_loop3A_374 : vector<16xf32>
        %parallel_loop3A_434 = arith.addf %parallel_loop3A_432, %parallel_loop3A_433 : vector<16xf32>
        %parallel_loop3A_435 = arith.mulf %parallel_loop3A_426, %parallel_loop3A_378 : vector<16xf32>
        %parallel_loop3A_436 = arith.addf %parallel_loop3A_434, %parallel_loop3A_435 : vector<16xf32>
        %parallel_loop3A_437 = arith.mulf %parallel_loop3A_431, %parallel_loop3A_382 : vector<16xf32>
        %parallel_loop3A_438 = arith.addf %parallel_loop3A_436, %parallel_loop3A_437 : vector<16xf32>
        %parallel_loop3A_439 = arith.constant 256 : i32
        %parallel_loop3A_440 = arith.muli %parallel_loop3A_365, %parallel_loop3A_439 : i32
        %parallel_loop3A_441 = arith.constant 16 : i32
        %parallel_loop3A_442 = arith.addi %parallel_loop3A_440, %parallel_loop3A_441 : i32
        %parallel_loop3A_443 = arith.index_cast %parallel_loop3A_442 : i32 to index
        %parallel_loop3A_444 = tpu.vector_load %arg21[%parallel_loop3A_443] {strides = array<i32>} : memref<3584xf32, #tpu.memory_space<vmem>>, vector<16xf32>,
        tpu.vector_store %arg21[%parallel_loop3A_443], %parallel_loop3A_438 {strides = array<i32>} : memref<3584xf32, #tpu.memory_space<vmem>>, vector<16xf32>,
        %parallel_loop3A_445 = arith.index_cast %parallel_loop3A_365 : i32 to index
        %parallel_loop3A_446 = arith.constant 32 : index
        %parallel_loop3A_447 = tpu.vector_load %arg19[%parallel_loop3A_445, %parallel_loop3A_446] {strides = array<i32>} : memref<56x256xf32, #tpu.memory_space<vmem>>, vector<16xf32>,
        %parallel_loop3A_448 = arith.constant 14 : i32
        %parallel_loop3A_449 = arith.addi %parallel_loop3A_448, %parallel_loop3A_365 : i32
        %parallel_loop3A_450 = arith.index_cast %parallel_loop3A_449 : i32 to index
        %parallel_loop3A_451 = arith.constant 32 : index
        %parallel_loop3A_452 = tpu.vector_load %arg19[%parallel_loop3A_450, %parallel_loop3A_451] {strides = array<i32>} : memref<56x256xf32, #tpu.memory_space<vmem>>, vector<16xf32>,
        %parallel_loop3A_453 = arith.constant 28 : i32
        %parallel_loop3A_454 = arith.addi %parallel_loop3A_453, %parallel_loop3A_365 : i32
        %parallel_loop3A_455 = arith.index_cast %parallel_loop3A_454 : i32 to index
        %parallel_loop3A_456 = arith.constant 32 : index
        %parallel_loop3A_457 = tpu.vector_load %arg19[%parallel_loop3A_455, %parallel_loop3A_456] {strides = array<i32>} : memref<56x256xf32, #tpu.memory_space<vmem>>, vector<16xf32>,
        %parallel_loop3A_458 = arith.constant 42 : i32
        %parallel_loop3A_459 = arith.addi %parallel_loop3A_458, %parallel_loop3A_365 : i32
        %parallel_loop3A_460 = arith.index_cast %parallel_loop3A_459 : i32 to index
        %parallel_loop3A_461 = arith.constant 32 : index
        %parallel_loop3A_462 = tpu.vector_load %arg19[%parallel_loop3A_460, %parallel_loop3A_461] {strides = array<i32>} : memref<56x256xf32, #tpu.memory_space<vmem>>, vector<16xf32>,
        %parallel_loop3A_463 = arith.mulf %parallel_loop3A_447, %parallel_loop3A_370 : vector<16xf32>
        %parallel_loop3A_464 = arith.mulf %parallel_loop3A_452, %parallel_loop3A_374 : vector<16xf32>
        %parallel_loop3A_465 = arith.addf %parallel_loop3A_463, %parallel_loop3A_464 : vector<16xf32>
        %parallel_loop3A_466 = arith.mulf %parallel_loop3A_457, %parallel_loop3A_378 : vector<16xf32>
        %parallel_loop3A_467 = arith.addf %parallel_loop3A_465, %parallel_loop3A_466 : vector<16xf32>
        %parallel_loop3A_468 = arith.mulf %parallel_loop3A_462, %parallel_loop3A_382 : vector<16xf32>
        %parallel_loop3A_469 = arith.addf %parallel_loop3A_467, %parallel_loop3A_468 : vector<16xf32>
        %parallel_loop3A_470 = arith.constant 256 : i32
        %parallel_loop3A_471 = arith.muli %parallel_loop3A_365, %parallel_loop3A_470 : i32
        %parallel_loop3A_472 = arith.constant 32 : i32
        %parallel_loop3A_473 = arith.addi %parallel_loop3A_471, %parallel_loop3A_472 : i32
        %parallel_loop3A_474 = arith.index_cast %parallel_loop3A_473 : i32 to index
        %parallel_loop3A_475 = tpu.vector_load %arg21[%parallel_loop3A_474] {strides = array<i32>} : memref<3584xf32, #tpu.memory_space<vmem>>, vector<16xf32>,
        tpu.vector_store %arg21[%parallel_loop3A_474], %parallel_loop3A_469 {strides = array<i32>} : memref<3584xf32, #tpu.memory_space<vmem>>, vector<16xf32>,
        %parallel_loop3A_476 = arith.index_cast %parallel_loop3A_365 : i32 to index
        %parallel_loop3A_477 = arith.constant 48 : index
        %parallel_loop3A_478 = tpu.vector_load %arg19[%parallel_loop3A_476, %parallel_loop3A_477] {strides = array<i32>} : memref<56x256xf32, #tpu.memory_space<vmem>>, vector<16xf32>,
        %parallel_loop3A_479 = arith.constant 14 : i32
        %parallel_loop3A_480 = arith.addi %parallel_loop3A_479, %parallel_loop3A_365 : i32
        %parallel_loop3A_481 = arith.index_cast %parallel_loop3A_480 : i32 to index
        %parallel_loop3A_482 = arith.constant 48 : index
        %parallel_loop3A_483 = tpu.vector_load %arg19[%parallel_loop3A_481, %parallel_loop3A_482] {strides = array<i32>} : memref<56x256xf32, #tpu.memory_space<vmem>>, vector<16xf32>,
        %parallel_loop3A_484 = arith.constant 28 : i32
        %parallel_loop3A_485 = arith.addi %parallel_loop3A_484, %parallel_loop3A_365 : i32
        %parallel_loop3A_486 = arith.index_cast %parallel_loop3A_485 : i32 to index
        %parallel_loop3A_487 = arith.constant 48 : index
        %parallel_loop3A_488 = tpu.vector_load %arg19[%parallel_loop3A_486, %parallel_loop3A_487] {strides = array<i32>} : memref<56x256xf32, #tpu.memory_space<vmem>>, vector<16xf32>,
        %parallel_loop3A_489 = arith.constant 42 : i32
        %parallel_loop3A_490 = arith.addi %parallel_loop3A_489, %parallel_loop3A_365 : i32
        %parallel_loop3A_491 = arith.index_cast %parallel_loop3A_490 : i32 to index
        %parallel_loop3A_492 = arith.constant 48 : index
        %parallel_loop3A_493 = tpu.vector_load %arg19[%parallel_loop3A_491, %parallel_loop3A_492] {strides = array<i32>} : memref<56x256xf32, #tpu.memory_space<vmem>>, vector<16xf32>,
        %parallel_loop3A_494 = arith.mulf %parallel_loop3A_478, %parallel_loop3A_370 : vector<16xf32>
        %parallel_loop3A_495 = arith.mulf %parallel_loop3A_483, %parallel_loop3A_374 : vector<16xf32>
        %parallel_loop3A_496 = arith.addf %parallel_loop3A_494, %parallel_loop3A_495 : vector<16xf32>
        %parallel_loop3A_497 = arith.mulf %parallel_loop3A_488, %parallel_loop3A_378 : vector<16xf32>
        %parallel_loop3A_498 = arith.addf %parallel_loop3A_496, %parallel_loop3A_497 : vector<16xf32>
        %parallel_loop3A_499 = arith.mulf %parallel_loop3A_493, %parallel_loop3A_382 : vector<16xf32>
        %parallel_loop3A_500 = arith.addf %parallel_loop3A_498, %parallel_loop3A_499 : vector<16xf32>
        %parallel_loop3A_501 = arith.constant 256 : i32
        %parallel_loop3A_502 = arith.muli %parallel_loop3A_365, %parallel_loop3A_501 : i32
        %parallel_loop3A_503 = arith.constant 48 : i32
        %parallel_loop3A_504 = arith.addi %parallel_loop3A_502, %parallel_loop3A_503 : i32
        %parallel_loop3A_505 = arith.index_cast %parallel_loop3A_504 : i32 to index
        %parallel_loop3A_506 = tpu.vector_load %arg21[%parallel_loop3A_505] {strides = array<i32>} : memref<3584xf32, #tpu.memory_space<vmem>>, vector<16xf32>,
        tpu.vector_store %arg21[%parallel_loop3A_505], %parallel_loop3A_500 {strides = array<i32>} : memref<3584xf32, #tpu.memory_space<vmem>>, vector<16xf32>,
        %parallel_loop3A_507 = arith.index_cast %parallel_loop3A_365 : i32 to index
        %parallel_loop3A_508 = arith.constant 64 : index
        %parallel_loop3A_509 = tpu.vector_load %arg19[%parallel_loop3A_507, %parallel_loop3A_508] {strides = array<i32>} : memref<56x256xf32, #tpu.memory_space<vmem>>, vector<16xf32>,
        %parallel_loop3A_510 = arith.constant 14 : i32
        %parallel_loop3A_511 = arith.addi %parallel_loop3A_510, %parallel_loop3A_365 : i32
        %parallel_loop3A_512 = arith.index_cast %parallel_loop3A_511 : i32 to index
        %parallel_loop3A_513 = arith.constant 64 : index
        %parallel_loop3A_514 = tpu.vector_load %arg19[%parallel_loop3A_512, %parallel_loop3A_513] {strides = array<i32>} : memref<56x256xf32, #tpu.memory_space<vmem>>, vector<16xf32>,
        %parallel_loop3A_515 = arith.constant 28 : i32
        %parallel_loop3A_516 = arith.addi %parallel_loop3A_515, %parallel_loop3A_365 : i32
        %parallel_loop3A_517 = arith.index_cast %parallel_loop3A_516 : i32 to index
        %parallel_loop3A_518 = arith.constant 64 : index
        %parallel_loop3A_519 = tpu.vector_load %arg19[%parallel_loop3A_517, %parallel_loop3A_518] {strides = array<i32>} : memref<56x256xf32, #tpu.memory_space<vmem>>, vector<16xf32>,
        %parallel_loop3A_520 = arith.constant 42 : i32
        %parallel_loop3A_521 = arith.addi %parallel_loop3A_520, %parallel_loop3A_365 : i32
        %parallel_loop3A_522 = arith.index_cast %parallel_loop3A_521 : i32 to index
        %parallel_loop3A_523 = arith.constant 64 : index
        %parallel_loop3A_524 = tpu.vector_load %arg19[%parallel_loop3A_522, %parallel_loop3A_523] {strides = array<i32>} : memref<56x256xf32, #tpu.memory_space<vmem>>, vector<16xf32>,
        %parallel_loop3A_525 = arith.mulf %parallel_loop3A_509, %parallel_loop3A_370 : vector<16xf32>
        %parallel_loop3A_526 = arith.mulf %parallel_loop3A_514, %parallel_loop3A_374 : vector<16xf32>
        %parallel_loop3A_527 = arith.addf %parallel_loop3A_525, %parallel_loop3A_526 : vector<16xf32>
        %parallel_loop3A_528 = arith.mulf %parallel_loop3A_519, %parallel_loop3A_378 : vector<16xf32>
        %parallel_loop3A_529 = arith.addf %parallel_loop3A_527, %parallel_loop3A_528 : vector<16xf32>
        %parallel_loop3A_530 = arith.mulf %parallel_loop3A_524, %parallel_loop3A_382 : vector<16xf32>
        %parallel_loop3A_531 = arith.addf %parallel_loop3A_529, %parallel_loop3A_530 : vector<16xf32>
        %parallel_loop3A_532 = arith.constant 256 : i32
        %parallel_loop3A_533 = arith.muli %parallel_loop3A_365, %parallel_loop3A_532 : i32
        %parallel_loop3A_534 = arith.constant 64 : i32
        %parallel_loop3A_535 = arith.addi %parallel_loop3A_533, %parallel_loop3A_534 : i32
        %parallel_loop3A_536 = arith.index_cast %parallel_loop3A_535 : i32 to index
        %parallel_loop3A_537 = tpu.vector_load %arg21[%parallel_loop3A_536] {strides = array<i32>} : memref<3584xf32, #tpu.memory_space<vmem>>, vector<16xf32>,
        tpu.vector_store %arg21[%parallel_loop3A_536], %parallel_loop3A_531 {strides = array<i32>} : memref<3584xf32, #tpu.memory_space<vmem>>, vector<16xf32>,
        %parallel_loop3A_538 = arith.index_cast %parallel_loop3A_365 : i32 to index
        %parallel_loop3A_539 = arith.constant 80 : index
        %parallel_loop3A_540 = tpu.vector_load %arg19[%parallel_loop3A_538, %parallel_loop3A_539] {strides = array<i32>} : memref<56x256xf32, #tpu.memory_space<vmem>>, vector<16xf32>,
        %parallel_loop3A_541 = arith.constant 14 : i32
        %parallel_loop3A_542 = arith.addi %parallel_loop3A_541, %parallel_loop3A_365 : i32
        %parallel_loop3A_543 = arith.index_cast %parallel_loop3A_542 : i32 to index
        %parallel_loop3A_544 = arith.constant 80 : index
        %parallel_loop3A_545 = tpu.vector_load %arg19[%parallel_loop3A_543, %parallel_loop3A_544] {strides = array<i32>} : memref<56x256xf32, #tpu.memory_space<vmem>>, vector<16xf32>,
        %parallel_loop3A_546 = arith.constant 28 : i32
        %parallel_loop3A_547 = arith.addi %parallel_loop3A_546, %parallel_loop3A_365 : i32
        %parallel_loop3A_548 = arith.index_cast %parallel_loop3A_547 : i32 to index
        %parallel_loop3A_549 = arith.constant 80 : index
        %parallel_loop3A_550 = tpu.vector_load %arg19[%parallel_loop3A_548, %parallel_loop3A_549] {strides = array<i32>} : memref<56x256xf32, #tpu.memory_space<vmem>>, vector<16xf32>,
        %parallel_loop3A_551 = arith.constant 42 : i32
        %parallel_loop3A_552 = arith.addi %parallel_loop3A_551, %parallel_loop3A_365 : i32
        %parallel_loop3A_553 = arith.index_cast %parallel_loop3A_552 : i32 to index
        %parallel_loop3A_554 = arith.constant 80 : index
        %parallel_loop3A_555 = tpu.vector_load %arg19[%parallel_loop3A_553, %parallel_loop3A_554] {strides = array<i32>} : memref<56x256xf32, #tpu.memory_space<vmem>>, vector<16xf32>,
        %parallel_loop3A_556 = arith.mulf %parallel_loop3A_540, %parallel_loop3A_370 : vector<16xf32>
        %parallel_loop3A_557 = arith.mulf %parallel_loop3A_545, %parallel_loop3A_374 : vector<16xf32>
        %parallel_loop3A_558 = arith.addf %parallel_loop3A_556, %parallel_loop3A_557 : vector<16xf32>
        %parallel_loop3A_559 = arith.mulf %parallel_loop3A_550, %parallel_loop3A_378 : vector<16xf32>
        %parallel_loop3A_560 = arith.addf %parallel_loop3A_558, %parallel_loop3A_559 : vector<16xf32>
        %parallel_loop3A_561 = arith.mulf %parallel_loop3A_555, %parallel_loop3A_382 : vector<16xf32>
        %parallel_loop3A_562 = arith.addf %parallel_loop3A_560, %parallel_loop3A_561 : vector<16xf32>
        %parallel_loop3A_563 = arith.constant 256 : i32
        %parallel_loop3A_564 = arith.muli %parallel_loop3A_365, %parallel_loop3A_563 : i32
        %parallel_loop3A_565 = arith.constant 80 : i32
        %parallel_loop3A_566 = arith.addi %parallel_loop3A_564, %parallel_loop3A_565 : i32
        %parallel_loop3A_567 = arith.index_cast %parallel_loop3A_566 : i32 to index
        %parallel_loop3A_568 = tpu.vector_load %arg21[%parallel_loop3A_567] {strides = array<i32>} : memref<3584xf32, #tpu.memory_space<vmem>>, vector<16xf32>,
        tpu.vector_store %arg21[%parallel_loop3A_567], %parallel_loop3A_562 {strides = array<i32>} : memref<3584xf32, #tpu.memory_space<vmem>>, vector<16xf32>,
        %parallel_loop3A_569 = arith.index_cast %parallel_loop3A_365 : i32 to index
        %parallel_loop3A_570 = arith.constant 96 : index
        %parallel_loop3A_571 = tpu.vector_load %arg19[%parallel_loop3A_569, %parallel_loop3A_570] {strides = array<i32>} : memref<56x256xf32, #tpu.memory_space<vmem>>, vector<16xf32>,
        %parallel_loop3A_572 = arith.constant 14 : i32
        %parallel_loop3A_573 = arith.addi %parallel_loop3A_572, %parallel_loop3A_365 : i32
        %parallel_loop3A_574 = arith.index_cast %parallel_loop3A_573 : i32 to index
        %parallel_loop3A_575 = arith.constant 96 : index
        %parallel_loop3A_576 = tpu.vector_load %arg19[%parallel_loop3A_574, %parallel_loop3A_575] {strides = array<i32>} : memref<56x256xf32, #tpu.memory_space<vmem>>, vector<16xf32>,
        %parallel_loop3A_577 = arith.constant 28 : i32
        %parallel_loop3A_578 = arith.addi %parallel_loop3A_577, %parallel_loop3A_365 : i32
        %parallel_loop3A_579 = arith.index_cast %parallel_loop3A_578 : i32 to index
        %parallel_loop3A_580 = arith.constant 96 : index
        %parallel_loop3A_581 = tpu.vector_load %arg19[%parallel_loop3A_579, %parallel_loop3A_580] {strides = array<i32>} : memref<56x256xf32, #tpu.memory_space<vmem>>, vector<16xf32>,
        %parallel_loop3A_582 = arith.constant 42 : i32
        %parallel_loop3A_583 = arith.addi %parallel_loop3A_582, %parallel_loop3A_365 : i32
        %parallel_loop3A_584 = arith.index_cast %parallel_loop3A_583 : i32 to index
        %parallel_loop3A_585 = arith.constant 96 : index
        %parallel_loop3A_586 = tpu.vector_load %arg19[%parallel_loop3A_584, %parallel_loop3A_585] {strides = array<i32>} : memref<56x256xf32, #tpu.memory_space<vmem>>, vector<16xf32>,
        %parallel_loop3A_587 = arith.mulf %parallel_loop3A_571, %parallel_loop3A_370 : vector<16xf32>
        %parallel_loop3A_588 = arith.mulf %parallel_loop3A_576, %parallel_loop3A_374 : vector<16xf32>
        %parallel_loop3A_589 = arith.addf %parallel_loop3A_587, %parallel_loop3A_588 : vector<16xf32>
        %parallel_loop3A_590 = arith.mulf %parallel_loop3A_581, %parallel_loop3A_378 : vector<16xf32>
        %parallel_loop3A_591 = arith.addf %parallel_loop3A_589, %parallel_loop3A_590 : vector<16xf32>
        %parallel_loop3A_592 = arith.mulf %parallel_loop3A_586, %parallel_loop3A_382 : vector<16xf32>
        %parallel_loop3A_593 = arith.addf %parallel_loop3A_591, %parallel_loop3A_592 : vector<16xf32>
        %parallel_loop3A_594 = arith.constant 256 : i32
        %parallel_loop3A_595 = arith.muli %parallel_loop3A_365, %parallel_loop3A_594 : i32
        %parallel_loop3A_596 = arith.constant 96 : i32
        %parallel_loop3A_597 = arith.addi %parallel_loop3A_595, %parallel_loop3A_596 : i32
        %parallel_loop3A_598 = arith.index_cast %parallel_loop3A_597 : i32 to index
        %parallel_loop3A_599 = tpu.vector_load %arg21[%parallel_loop3A_598] {strides = array<i32>} : memref<3584xf32, #tpu.memory_space<vmem>>, vector<16xf32>,
        tpu.vector_store %arg21[%parallel_loop3A_598], %parallel_loop3A_593 {strides = array<i32>} : memref<3584xf32, #tpu.memory_space<vmem>>, vector<16xf32>,
        %parallel_loop3A_600 = arith.index_cast %parallel_loop3A_365 : i32 to index
        %parallel_loop3A_601 = arith.constant 112 : index
        %parallel_loop3A_602 = tpu.vector_load %arg19[%parallel_loop3A_600, %parallel_loop3A_601] {strides = array<i32>} : memref<56x256xf32, #tpu.memory_space<vmem>>, vector<16xf32>,
        %parallel_loop3A_603 = arith.constant 14 : i32
        %parallel_loop3A_604 = arith.addi %parallel_loop3A_603, %parallel_loop3A_365 : i32
        %parallel_loop3A_605 = arith.index_cast %parallel_loop3A_604 : i32 to index
        %parallel_loop3A_606 = arith.constant 112 : index
        %parallel_loop3A_607 = tpu.vector_load %arg19[%parallel_loop3A_605, %parallel_loop3A_606] {strides = array<i32>} : memref<56x256xf32, #tpu.memory_space<vmem>>, vector<16xf32>,
        %parallel_loop3A_608 = arith.constant 28 : i32
        %parallel_loop3A_609 = arith.addi %parallel_loop3A_608, %parallel_loop3A_365 : i32
        %parallel_loop3A_610 = arith.index_cast %parallel_loop3A_609 : i32 to index
        %parallel_loop3A_611 = arith.constant 112 : index
        %parallel_loop3A_612 = tpu.vector_load %arg19[%parallel_loop3A_610, %parallel_loop3A_611] {strides = array<i32>} : memref<56x256xf32, #tpu.memory_space<vmem>>, vector<16xf32>,
        %parallel_loop3A_613 = arith.constant 42 : i32
        %parallel_loop3A_614 = arith.addi %parallel_loop3A_613, %parallel_loop3A_365 : i32
        %parallel_loop3A_615 = arith.index_cast %parallel_loop3A_614 : i32 to index
        %parallel_loop3A_616 = arith.constant 112 : index
        %parallel_loop3A_617 = tpu.vector_load %arg19[%parallel_loop3A_615, %parallel_loop3A_616] {strides = array<i32>} : memref<56x256xf32, #tpu.memory_space<vmem>>, vector<16xf32>,
        %parallel_loop3A_618 = arith.mulf %parallel_loop3A_602, %parallel_loop3A_370 : vector<16xf32>
        %parallel_loop3A_619 = arith.mulf %parallel_loop3A_607, %parallel_loop3A_374 : vector<16xf32>
        %parallel_loop3A_620 = arith.addf %parallel_loop3A_618, %parallel_loop3A_619 : vector<16xf32>
        %parallel_loop3A_621 = arith.mulf %parallel_loop3A_612, %parallel_loop3A_378 : vector<16xf32>
        %parallel_loop3A_622 = arith.addf %parallel_loop3A_620, %parallel_loop3A_621 : vector<16xf32>
        %parallel_loop3A_623 = arith.mulf %parallel_loop3A_617, %parallel_loop3A_382 : vector<16xf32>
        %parallel_loop3A_624 = arith.addf %parallel_loop3A_622, %parallel_loop3A_623 : vector<16xf32>
        %parallel_loop3A_625 = arith.constant 256 : i32
        %parallel_loop3A_626 = arith.muli %parallel_loop3A_365, %parallel_loop3A_625 : i32
        %parallel_loop3A_627 = arith.constant 112 : i32
        %parallel_loop3A_628 = arith.addi %parallel_loop3A_626, %parallel_loop3A_627 : i32
        %parallel_loop3A_629 = arith.index_cast %parallel_loop3A_628 : i32 to index
        %parallel_loop3A_630 = tpu.vector_load %arg21[%parallel_loop3A_629] {strides = array<i32>} : memref<3584xf32, #tpu.memory_space<vmem>>, vector<16xf32>,
        tpu.vector_store %arg21[%parallel_loop3A_629], %parallel_loop3A_624 {strides = array<i32>} : memref<3584xf32, #tpu.memory_space<vmem>>, vector<16xf32>,
        %parallel_loop3A_631 = arith.index_cast %parallel_loop3A_365 : i32 to index
        %parallel_loop3A_632 = arith.constant 128 : index
        %parallel_loop3A_633 = tpu.vector_load %arg19[%parallel_loop3A_631, %parallel_loop3A_632] {strides = array<i32>} : memref<56x256xf32, #tpu.memory_space<vmem>>, vector<16xf32>,
        %parallel_loop3A_634 = arith.constant 14 : i32
        %parallel_loop3A_635 = arith.addi %parallel_loop3A_634, %parallel_loop3A_365 : i32
        %parallel_loop3A_636 = arith.index_cast %parallel_loop3A_635 : i32 to index
        %parallel_loop3A_637 = arith.constant 128 : index
        %parallel_loop3A_638 = tpu.vector_load %arg19[%parallel_loop3A_636, %parallel_loop3A_637] {strides = array<i32>} : memref<56x256xf32, #tpu.memory_space<vmem>>, vector<16xf32>,
        %parallel_loop3A_639 = arith.constant 28 : i32
        %parallel_loop3A_640 = arith.addi %parallel_loop3A_639, %parallel_loop3A_365 : i32
        %parallel_loop3A_641 = arith.index_cast %parallel_loop3A_640 : i32 to index
        %parallel_loop3A_642 = arith.constant 128 : index
        %parallel_loop3A_643 = tpu.vector_load %arg19[%parallel_loop3A_641, %parallel_loop3A_642] {strides = array<i32>} : memref<56x256xf32, #tpu.memory_space<vmem>>, vector<16xf32>,
        %parallel_loop3A_644 = arith.constant 42 : i32
        %parallel_loop3A_645 = arith.addi %parallel_loop3A_644, %parallel_loop3A_365 : i32
        %parallel_loop3A_646 = arith.index_cast %parallel_loop3A_645 : i32 to index
        %parallel_loop3A_647 = arith.constant 128 : index
        %parallel_loop3A_648 = tpu.vector_load %arg19[%parallel_loop3A_646, %parallel_loop3A_647] {strides = array<i32>} : memref<56x256xf32, #tpu.memory_space<vmem>>, vector<16xf32>,
        %parallel_loop3A_649 = arith.mulf %parallel_loop3A_633, %parallel_loop3A_370 : vector<16xf32>
        %parallel_loop3A_650 = arith.mulf %parallel_loop3A_638, %parallel_loop3A_374 : vector<16xf32>
        %parallel_loop3A_651 = arith.addf %parallel_loop3A_649, %parallel_loop3A_650 : vector<16xf32>
        %parallel_loop3A_652 = arith.mulf %parallel_loop3A_643, %parallel_loop3A_378 : vector<16xf32>
        %parallel_loop3A_653 = arith.addf %parallel_loop3A_651, %parallel_loop3A_652 : vector<16xf32>
        %parallel_loop3A_654 = arith.mulf %parallel_loop3A_648, %parallel_loop3A_382 : vector<16xf32>
        %parallel_loop3A_655 = arith.addf %parallel_loop3A_653, %parallel_loop3A_654 : vector<16xf32>
        %parallel_loop3A_656 = arith.constant 256 : i32
        %parallel_loop3A_657 = arith.muli %parallel_loop3A_365, %parallel_loop3A_656 : i32
        %parallel_loop3A_658 = arith.constant 128 : i32
        %parallel_loop3A_659 = arith.addi %parallel_loop3A_657, %parallel_loop3A_658 : i32
        %parallel_loop3A_660 = arith.index_cast %parallel_loop3A_659 : i32 to index
        %parallel_loop3A_661 = tpu.vector_load %arg21[%parallel_loop3A_660] {strides = array<i32>} : memref<3584xf32, #tpu.memory_space<vmem>>, vector<16xf32>,
        tpu.vector_store %arg21[%parallel_loop3A_660], %parallel_loop3A_655 {strides = array<i32>} : memref<3584xf32, #tpu.memory_space<vmem>>, vector<16xf32>,
        %parallel_loop3A_662 = arith.index_cast %parallel_loop3A_365 : i32 to index
        %parallel_loop3A_663 = arith.constant 144 : index
        %parallel_loop3A_664 = tpu.vector_load %arg19[%parallel_loop3A_662, %parallel_loop3A_663] {strides = array<i32>} : memref<56x256xf32, #tpu.memory_space<vmem>>, vector<16xf32>,
        %parallel_loop3A_665 = arith.constant 14 : i32
        %parallel_loop3A_666 = arith.addi %parallel_loop3A_665, %parallel_loop3A_365 : i32
        %parallel_loop3A_667 = arith.index_cast %parallel_loop3A_666 : i32 to index
        %parallel_loop3A_668 = arith.constant 144 : index
        %parallel_loop3A_669 = tpu.vector_load %arg19[%parallel_loop3A_667, %parallel_loop3A_668] {strides = array<i32>} : memref<56x256xf32, #tpu.memory_space<vmem>>, vector<16xf32>,
        %parallel_loop3A_670 = arith.constant 28 : i32
        %parallel_loop3A_671 = arith.addi %parallel_loop3A_670, %parallel_loop3A_365 : i32
        %parallel_loop3A_672 = arith.index_cast %parallel_loop3A_671 : i32 to index
        %parallel_loop3A_673 = arith.constant 144 : index
        %parallel_loop3A_674 = tpu.vector_load %arg19[%parallel_loop3A_672, %parallel_loop3A_673] {strides = array<i32>} : memref<56x256xf32, #tpu.memory_space<vmem>>, vector<16xf32>,
        %parallel_loop3A_675 = arith.constant 42 : i32
        %parallel_loop3A_676 = arith.addi %parallel_loop3A_675, %parallel_loop3A_365 : i32
        %parallel_loop3A_677 = arith.index_cast %parallel_loop3A_676 : i32 to index
        %parallel_loop3A_678 = arith.constant 144 : index
        %parallel_loop3A_679 = tpu.vector_load %arg19[%parallel_loop3A_677, %parallel_loop3A_678] {strides = array<i32>} : memref<56x256xf32, #tpu.memory_space<vmem>>, vector<16xf32>,
        %parallel_loop3A_680 = arith.mulf %parallel_loop3A_664, %parallel_loop3A_370 : vector<16xf32>
        %parallel_loop3A_681 = arith.mulf %parallel_loop3A_669, %parallel_loop3A_374 : vector<16xf32>
        %parallel_loop3A_682 = arith.addf %parallel_loop3A_680, %parallel_loop3A_681 : vector<16xf32>
        %parallel_loop3A_683 = arith.mulf %parallel_loop3A_674, %parallel_loop3A_378 : vector<16xf32>
        %parallel_loop3A_684 = arith.addf %parallel_loop3A_682, %parallel_loop3A_683 : vector<16xf32>
        %parallel_loop3A_685 = arith.mulf %parallel_loop3A_679, %parallel_loop3A_382 : vector<16xf32>
        %parallel_loop3A_686 = arith.addf %parallel_loop3A_684, %parallel_loop3A_685 : vector<16xf32>
        %parallel_loop3A_687 = arith.constant 256 : i32
        %parallel_loop3A_688 = arith.muli %parallel_loop3A_365, %parallel_loop3A_687 : i32
        %parallel_loop3A_689 = arith.constant 144 : i32
        %parallel_loop3A_690 = arith.addi %parallel_loop3A_688, %parallel_loop3A_689 : i32
        %parallel_loop3A_691 = arith.index_cast %parallel_loop3A_690 : i32 to index
        %parallel_loop3A_692 = tpu.vector_load %arg21[%parallel_loop3A_691] {strides = array<i32>} : memref<3584xf32, #tpu.memory_space<vmem>>, vector<16xf32>,
        tpu.vector_store %arg21[%parallel_loop3A_691], %parallel_loop3A_686 {strides = array<i32>} : memref<3584xf32, #tpu.memory_space<vmem>>, vector<16xf32>,
        %parallel_loop3A_693 = arith.index_cast %parallel_loop3A_365 : i32 to index
        %parallel_loop3A_694 = arith.constant 160 : index
        %parallel_loop3A_695 = tpu.vector_load %arg19[%parallel_loop3A_693, %parallel_loop3A_694] {strides = array<i32>} : memref<56x256xf32, #tpu.memory_space<vmem>>, vector<16xf32>,
        %parallel_loop3A_696 = arith.constant 14 : i32
        %parallel_loop3A_697 = arith.addi %parallel_loop3A_696, %parallel_loop3A_365 : i32
        %parallel_loop3A_698 = arith.index_cast %parallel_loop3A_697 : i32 to index
        %parallel_loop3A_699 = arith.constant 160 : index
        %parallel_loop3A_700 = tpu.vector_load %arg19[%parallel_loop3A_698, %parallel_loop3A_699] {strides = array<i32>} : memref<56x256xf32, #tpu.memory_space<vmem>>, vector<16xf32>,
        %parallel_loop3A_701 = arith.constant 28 : i32
        %parallel_loop3A_702 = arith.addi %parallel_loop3A_701, %parallel_loop3A_365 : i32
        %parallel_loop3A_703 = arith.index_cast %parallel_loop3A_702 : i32 to index
        %parallel_loop3A_704 = arith.constant 160 : index
        %parallel_loop3A_705 = tpu.vector_load %arg19[%parallel_loop3A_703, %parallel_loop3A_704] {strides = array<i32>} : memref<56x256xf32, #tpu.memory_space<vmem>>, vector<16xf32>,
        %parallel_loop3A_706 = arith.constant 42 : i32
        %parallel_loop3A_707 = arith.addi %parallel_loop3A_706, %parallel_loop3A_365 : i32
        %parallel_loop3A_708 = arith.index_cast %parallel_loop3A_707 : i32 to index
        %parallel_loop3A_709 = arith.constant 160 : index
        %parallel_loop3A_710 = tpu.vector_load %arg19[%parallel_loop3A_708, %parallel_loop3A_709] {strides = array<i32>} : memref<56x256xf32, #tpu.memory_space<vmem>>, vector<16xf32>,
        %parallel_loop3A_711 = arith.mulf %parallel_loop3A_695, %parallel_loop3A_370 : vector<16xf32>
        %parallel_loop3A_712 = arith.mulf %parallel_loop3A_700, %parallel_loop3A_374 : vector<16xf32>
        %parallel_loop3A_713 = arith.addf %parallel_loop3A_711, %parallel_loop3A_712 : vector<16xf32>
        %parallel_loop3A_714 = arith.mulf %parallel_loop3A_705, %parallel_loop3A_378 : vector<16xf32>
        %parallel_loop3A_715 = arith.addf %parallel_loop3A_713, %parallel_loop3A_714 : vector<16xf32>
        %parallel_loop3A_716 = arith.mulf %parallel_loop3A_710, %parallel_loop3A_382 : vector<16xf32>
        %parallel_loop3A_717 = arith.addf %parallel_loop3A_715, %parallel_loop3A_716 : vector<16xf32>
        %parallel_loop3A_718 = arith.constant 256 : i32
        %parallel_loop3A_719 = arith.muli %parallel_loop3A_365, %parallel_loop3A_718 : i32
        %parallel_loop3A_720 = arith.constant 160 : i32
        %parallel_loop3A_721 = arith.addi %parallel_loop3A_719, %parallel_loop3A_720 : i32
        %parallel_loop3A_722 = arith.index_cast %parallel_loop3A_721 : i32 to index
        %parallel_loop3A_723 = tpu.vector_load %arg21[%parallel_loop3A_722] {strides = array<i32>} : memref<3584xf32, #tpu.memory_space<vmem>>, vector<16xf32>,
        tpu.vector_store %arg21[%parallel_loop3A_722], %parallel_loop3A_717 {strides = array<i32>} : memref<3584xf32, #tpu.memory_space<vmem>>, vector<16xf32>,
        %parallel_loop3A_724 = arith.index_cast %parallel_loop3A_365 : i32 to index
        %parallel_loop3A_725 = arith.constant 176 : index
        %parallel_loop3A_726 = tpu.vector_load %arg19[%parallel_loop3A_724, %parallel_loop3A_725] {strides = array<i32>} : memref<56x256xf32, #tpu.memory_space<vmem>>, vector<16xf32>,
        %parallel_loop3A_727 = arith.constant 14 : i32
        %parallel_loop3A_728 = arith.addi %parallel_loop3A_727, %parallel_loop3A_365 : i32
        %parallel_loop3A_729 = arith.index_cast %parallel_loop3A_728 : i32 to index
        %parallel_loop3A_730 = arith.constant 176 : index
        %parallel_loop3A_731 = tpu.vector_load %arg19[%parallel_loop3A_729, %parallel_loop3A_730] {strides = array<i32>} : memref<56x256xf32, #tpu.memory_space<vmem>>, vector<16xf32>,
        %parallel_loop3A_732 = arith.constant 28 : i32
        %parallel_loop3A_733 = arith.addi %parallel_loop3A_732, %parallel_loop3A_365 : i32
        %parallel_loop3A_734 = arith.index_cast %parallel_loop3A_733 : i32 to index
        %parallel_loop3A_735 = arith.constant 176 : index
        %parallel_loop3A_736 = tpu.vector_load %arg19[%parallel_loop3A_734, %parallel_loop3A_735] {strides = array<i32>} : memref<56x256xf32, #tpu.memory_space<vmem>>, vector<16xf32>,
        %parallel_loop3A_737 = arith.constant 42 : i32
        %parallel_loop3A_738 = arith.addi %parallel_loop3A_737, %parallel_loop3A_365 : i32
        %parallel_loop3A_739 = arith.index_cast %parallel_loop3A_738 : i32 to index
        %parallel_loop3A_740 = arith.constant 176 : index
        %parallel_loop3A_741 = tpu.vector_load %arg19[%parallel_loop3A_739, %parallel_loop3A_740] {strides = array<i32>} : memref<56x256xf32, #tpu.memory_space<vmem>>, vector<16xf32>,
        %parallel_loop3A_742 = arith.mulf %parallel_loop3A_726, %parallel_loop3A_370 : vector<16xf32>
        %parallel_loop3A_743 = arith.mulf %parallel_loop3A_731, %parallel_loop3A_374 : vector<16xf32>
        %parallel_loop3A_744 = arith.addf %parallel_loop3A_742, %parallel_loop3A_743 : vector<16xf32>
        %parallel_loop3A_745 = arith.mulf %parallel_loop3A_736, %parallel_loop3A_378 : vector<16xf32>
        %parallel_loop3A_746 = arith.addf %parallel_loop3A_744, %parallel_loop3A_745 : vector<16xf32>
        %parallel_loop3A_747 = arith.mulf %parallel_loop3A_741, %parallel_loop3A_382 : vector<16xf32>
        %parallel_loop3A_748 = arith.addf %parallel_loop3A_746, %parallel_loop3A_747 : vector<16xf32>
        %parallel_loop3A_749 = arith.constant 256 : i32
        %parallel_loop3A_750 = arith.muli %parallel_loop3A_365, %parallel_loop3A_749 : i32
        %parallel_loop3A_751 = arith.constant 176 : i32
        %parallel_loop3A_752 = arith.addi %parallel_loop3A_750, %parallel_loop3A_751 : i32
        %parallel_loop3A_753 = arith.index_cast %parallel_loop3A_752 : i32 to index
        %parallel_loop3A_754 = tpu.vector_load %arg21[%parallel_loop3A_753] {strides = array<i32>} : memref<3584xf32, #tpu.memory_space<vmem>>, vector<16xf32>,
        tpu.vector_store %arg21[%parallel_loop3A_753], %parallel_loop3A_748 {strides = array<i32>} : memref<3584xf32, #tpu.memory_space<vmem>>, vector<16xf32>,
        %parallel_loop3A_755 = arith.index_cast %parallel_loop3A_365 : i32 to index
        %parallel_loop3A_756 = arith.constant 192 : index
        %parallel_loop3A_757 = tpu.vector_load %arg19[%parallel_loop3A_755, %parallel_loop3A_756] {strides = array<i32>} : memref<56x256xf32, #tpu.memory_space<vmem>>, vector<16xf32>,
        %parallel_loop3A_758 = arith.constant 14 : i32
        %parallel_loop3A_759 = arith.addi %parallel_loop3A_758, %parallel_loop3A_365 : i32
        %parallel_loop3A_760 = arith.index_cast %parallel_loop3A_759 : i32 to index
        %parallel_loop3A_761 = arith.constant 192 : index
        %parallel_loop3A_762 = tpu.vector_load %arg19[%parallel_loop3A_760, %parallel_loop3A_761] {strides = array<i32>} : memref<56x256xf32, #tpu.memory_space<vmem>>, vector<16xf32>,
        %parallel_loop3A_763 = arith.constant 28 : i32
        %parallel_loop3A_764 = arith.addi %parallel_loop3A_763, %parallel_loop3A_365 : i32
        %parallel_loop3A_765 = arith.index_cast %parallel_loop3A_764 : i32 to index
        %parallel_loop3A_766 = arith.constant 192 : index
        %parallel_loop3A_767 = tpu.vector_load %arg19[%parallel_loop3A_765, %parallel_loop3A_766] {strides = array<i32>} : memref<56x256xf32, #tpu.memory_space<vmem>>, vector<16xf32>,
        %parallel_loop3A_768 = arith.constant 42 : i32
        %parallel_loop3A_769 = arith.addi %parallel_loop3A_768, %parallel_loop3A_365 : i32
        %parallel_loop3A_770 = arith.index_cast %parallel_loop3A_769 : i32 to index
        %parallel_loop3A_771 = arith.constant 192 : index
        %parallel_loop3A_772 = tpu.vector_load %arg19[%parallel_loop3A_770, %parallel_loop3A_771] {strides = array<i32>} : memref<56x256xf32, #tpu.memory_space<vmem>>, vector<16xf32>,
        %parallel_loop3A_773 = arith.mulf %parallel_loop3A_757, %parallel_loop3A_370 : vector<16xf32>
        %parallel_loop3A_774 = arith.mulf %parallel_loop3A_762, %parallel_loop3A_374 : vector<16xf32>
        %parallel_loop3A_775 = arith.addf %parallel_loop3A_773, %parallel_loop3A_774 : vector<16xf32>
        %parallel_loop3A_776 = arith.mulf %parallel_loop3A_767, %parallel_loop3A_378 : vector<16xf32>
        %parallel_loop3A_777 = arith.addf %parallel_loop3A_775, %parallel_loop3A_776 : vector<16xf32>
        %parallel_loop3A_778 = arith.mulf %parallel_loop3A_772, %parallel_loop3A_382 : vector<16xf32>
        %parallel_loop3A_779 = arith.addf %parallel_loop3A_777, %parallel_loop3A_778 : vector<16xf32>
        %parallel_loop3A_780 = arith.constant 256 : i32
        %parallel_loop3A_781 = arith.muli %parallel_loop3A_365, %parallel_loop3A_780 : i32
        %parallel_loop3A_782 = arith.constant 192 : i32
        %parallel_loop3A_783 = arith.addi %parallel_loop3A_781, %parallel_loop3A_782 : i32
        %parallel_loop3A_784 = arith.index_cast %parallel_loop3A_783 : i32 to index
        %parallel_loop3A_785 = tpu.vector_load %arg21[%parallel_loop3A_784] {strides = array<i32>} : memref<3584xf32, #tpu.memory_space<vmem>>, vector<16xf32>,
        tpu.vector_store %arg21[%parallel_loop3A_784], %parallel_loop3A_779 {strides = array<i32>} : memref<3584xf32, #tpu.memory_space<vmem>>, vector<16xf32>,
        %parallel_loop3A_786 = arith.index_cast %parallel_loop3A_365 : i32 to index
        %parallel_loop3A_787 = arith.constant 208 : index
        %parallel_loop3A_788 = tpu.vector_load %arg19[%parallel_loop3A_786, %parallel_loop3A_787] {strides = array<i32>} : memref<56x256xf32, #tpu.memory_space<vmem>>, vector<16xf32>,
        %parallel_loop3A_789 = arith.constant 14 : i32
        %parallel_loop3A_790 = arith.addi %parallel_loop3A_789, %parallel_loop3A_365 : i32
        %parallel_loop3A_791 = arith.index_cast %parallel_loop3A_790 : i32 to index
        %parallel_loop3A_792 = arith.constant 208 : index
        %parallel_loop3A_793 = tpu.vector_load %arg19[%parallel_loop3A_791, %parallel_loop3A_792] {strides = array<i32>} : memref<56x256xf32, #tpu.memory_space<vmem>>, vector<16xf32>,
        %parallel_loop3A_794 = arith.constant 28 : i32
        %parallel_loop3A_795 = arith.addi %parallel_loop3A_794, %parallel_loop3A_365 : i32
        %parallel_loop3A_796 = arith.index_cast %parallel_loop3A_795 : i32 to index
        %parallel_loop3A_797 = arith.constant 208 : index
        %parallel_loop3A_798 = tpu.vector_load %arg19[%parallel_loop3A_796, %parallel_loop3A_797] {strides = array<i32>} : memref<56x256xf32, #tpu.memory_space<vmem>>, vector<16xf32>,
        %parallel_loop3A_799 = arith.constant 42 : i32
        %parallel_loop3A_800 = arith.addi %parallel_loop3A_799, %parallel_loop3A_365 : i32
        %parallel_loop3A_801 = arith.index_cast %parallel_loop3A_800 : i32 to index
        %parallel_loop3A_802 = arith.constant 208 : index
        %parallel_loop3A_803 = tpu.vector_load %arg19[%parallel_loop3A_801, %parallel_loop3A_802] {strides = array<i32>} : memref<56x256xf32, #tpu.memory_space<vmem>>, vector<16xf32>,
        %parallel_loop3A_804 = arith.mulf %parallel_loop3A_788, %parallel_loop3A_370 : vector<16xf32>
        %parallel_loop3A_805 = arith.mulf %parallel_loop3A_793, %parallel_loop3A_374 : vector<16xf32>
        %parallel_loop3A_806 = arith.addf %parallel_loop3A_804, %parallel_loop3A_805 : vector<16xf32>
        %parallel_loop3A_807 = arith.mulf %parallel_loop3A_798, %parallel_loop3A_378 : vector<16xf32>
        %parallel_loop3A_808 = arith.addf %parallel_loop3A_806, %parallel_loop3A_807 : vector<16xf32>
        %parallel_loop3A_809 = arith.mulf %parallel_loop3A_803, %parallel_loop3A_382 : vector<16xf32>
        %parallel_loop3A_810 = arith.addf %parallel_loop3A_808, %parallel_loop3A_809 : vector<16xf32>
        %parallel_loop3A_811 = arith.constant 256 : i32
        %parallel_loop3A_812 = arith.muli %parallel_loop3A_365, %parallel_loop3A_811 : i32
        %parallel_loop3A_813 = arith.constant 208 : i32
        %parallel_loop3A_814 = arith.addi %parallel_loop3A_812, %parallel_loop3A_813 : i32
        %parallel_loop3A_815 = arith.index_cast %parallel_loop3A_814 : i32 to index
        %parallel_loop3A_816 = tpu.vector_load %arg21[%parallel_loop3A_815] {strides = array<i32>} : memref<3584xf32, #tpu.memory_space<vmem>>, vector<16xf32>,
        tpu.vector_store %arg21[%parallel_loop3A_815], %parallel_loop3A_810 {strides = array<i32>} : memref<3584xf32, #tpu.memory_space<vmem>>, vector<16xf32>,
        %parallel_loop3A_817 = arith.index_cast %parallel_loop3A_365 : i32 to index
        %parallel_loop3A_818 = arith.constant 224 : index
        %parallel_loop3A_819 = tpu.vector_load %arg19[%parallel_loop3A_817, %parallel_loop3A_818] {strides = array<i32>} : memref<56x256xf32, #tpu.memory_space<vmem>>, vector<16xf32>,
        %parallel_loop3A_820 = arith.constant 14 : i32
        %parallel_loop3A_821 = arith.addi %parallel_loop3A_820, %parallel_loop3A_365 : i32
        %parallel_loop3A_822 = arith.index_cast %parallel_loop3A_821 : i32 to index
        %parallel_loop3A_823 = arith.constant 224 : index
        %parallel_loop3A_824 = tpu.vector_load %arg19[%parallel_loop3A_822, %parallel_loop3A_823] {strides = array<i32>} : memref<56x256xf32, #tpu.memory_space<vmem>>, vector<16xf32>,
        %parallel_loop3A_825 = arith.constant 28 : i32
        %parallel_loop3A_826 = arith.addi %parallel_loop3A_825, %parallel_loop3A_365 : i32
        %parallel_loop3A_827 = arith.index_cast %parallel_loop3A_826 : i32 to index
        %parallel_loop3A_828 = arith.constant 224 : index
        %parallel_loop3A_829 = tpu.vector_load %arg19[%parallel_loop3A_827, %parallel_loop3A_828] {strides = array<i32>} : memref<56x256xf32, #tpu.memory_space<vmem>>, vector<16xf32>,
        %parallel_loop3A_830 = arith.constant 42 : i32
        %parallel_loop3A_831 = arith.addi %parallel_loop3A_830, %parallel_loop3A_365 : i32
        %parallel_loop3A_832 = arith.index_cast %parallel_loop3A_831 : i32 to index
        %parallel_loop3A_833 = arith.constant 224 : index
        %parallel_loop3A_834 = tpu.vector_load %arg19[%parallel_loop3A_832, %parallel_loop3A_833] {strides = array<i32>} : memref<56x256xf32, #tpu.memory_space<vmem>>, vector<16xf32>,
        %parallel_loop3A_835 = arith.mulf %parallel_loop3A_819, %parallel_loop3A_370 : vector<16xf32>
        %parallel_loop3A_836 = arith.mulf %parallel_loop3A_824, %parallel_loop3A_374 : vector<16xf32>
        %parallel_loop3A_837 = arith.addf %parallel_loop3A_835, %parallel_loop3A_836 : vector<16xf32>
        %parallel_loop3A_838 = arith.mulf %parallel_loop3A_829, %parallel_loop3A_378 : vector<16xf32>
        %parallel_loop3A_839 = arith.addf %parallel_loop3A_837, %parallel_loop3A_838 : vector<16xf32>
        %parallel_loop3A_840 = arith.mulf %parallel_loop3A_834, %parallel_loop3A_382 : vector<16xf32>
        %parallel_loop3A_841 = arith.addf %parallel_loop3A_839, %parallel_loop3A_840 : vector<16xf32>
        %parallel_loop3A_842 = arith.constant 256 : i32
        %parallel_loop3A_843 = arith.muli %parallel_loop3A_365, %parallel_loop3A_842 : i32
        %parallel_loop3A_844 = arith.constant 224 : i32
        %parallel_loop3A_845 = arith.addi %parallel_loop3A_843, %parallel_loop3A_844 : i32
        %parallel_loop3A_846 = arith.index_cast %parallel_loop3A_845 : i32 to index
        %parallel_loop3A_847 = tpu.vector_load %arg21[%parallel_loop3A_846] {strides = array<i32>} : memref<3584xf32, #tpu.memory_space<vmem>>, vector<16xf32>,
        tpu.vector_store %arg21[%parallel_loop3A_846], %parallel_loop3A_841 {strides = array<i32>} : memref<3584xf32, #tpu.memory_space<vmem>>, vector<16xf32>,
        %parallel_loop3A_848 = arith.index_cast %parallel_loop3A_365 : i32 to index
        %parallel_loop3A_849 = arith.constant 240 : index
        %parallel_loop3A_850 = tpu.vector_load %arg19[%parallel_loop3A_848, %parallel_loop3A_849] {strides = array<i32>} : memref<56x256xf32, #tpu.memory_space<vmem>>, vector<16xf32>,
        %parallel_loop3A_851 = arith.constant 14 : i32
        %parallel_loop3A_852 = arith.addi %parallel_loop3A_851, %parallel_loop3A_365 : i32
        %parallel_loop3A_853 = arith.index_cast %parallel_loop3A_852 : i32 to index
        %parallel_loop3A_854 = arith.constant 240 : index
        %parallel_loop3A_855 = tpu.vector_load %arg19[%parallel_loop3A_853, %parallel_loop3A_854] {strides = array<i32>} : memref<56x256xf32, #tpu.memory_space<vmem>>, vector<16xf32>,
        %parallel_loop3A_856 = arith.constant 28 : i32
        %parallel_loop3A_857 = arith.addi %parallel_loop3A_856, %parallel_loop3A_365 : i32
        %parallel_loop3A_858 = arith.index_cast %parallel_loop3A_857 : i32 to index
        %parallel_loop3A_859 = arith.constant 240 : index
        %parallel_loop3A_860 = tpu.vector_load %arg19[%parallel_loop3A_858, %parallel_loop3A_859] {strides = array<i32>} : memref<56x256xf32, #tpu.memory_space<vmem>>, vector<16xf32>,
        %parallel_loop3A_861 = arith.constant 42 : i32
        %parallel_loop3A_862 = arith.addi %parallel_loop3A_861, %parallel_loop3A_365 : i32
        %parallel_loop3A_863 = arith.index_cast %parallel_loop3A_862 : i32 to index
        %parallel_loop3A_864 = arith.constant 240 : index
        %parallel_loop3A_865 = tpu.vector_load %arg19[%parallel_loop3A_863, %parallel_loop3A_864] {strides = array<i32>} : memref<56x256xf32, #tpu.memory_space<vmem>>, vector<16xf32>,
        %parallel_loop3A_866 = arith.mulf %parallel_loop3A_850, %parallel_loop3A_370 : vector<16xf32>
        %parallel_loop3A_867 = arith.mulf %parallel_loop3A_855, %parallel_loop3A_374 : vector<16xf32>
        %parallel_loop3A_868 = arith.addf %parallel_loop3A_866, %parallel_loop3A_867 : vector<16xf32>
        %parallel_loop3A_869 = arith.mulf %parallel_loop3A_860, %parallel_loop3A_378 : vector<16xf32>
        %parallel_loop3A_870 = arith.addf %parallel_loop3A_868, %parallel_loop3A_869 : vector<16xf32>
        %parallel_loop3A_871 = arith.mulf %parallel_loop3A_865, %parallel_loop3A_382 : vector<16xf32>
        %parallel_loop3A_872 = arith.addf %parallel_loop3A_870, %parallel_loop3A_871 : vector<16xf32>
        %parallel_loop3A_873 = arith.constant 256 : i32
        %parallel_loop3A_874 = arith.muli %parallel_loop3A_365, %parallel_loop3A_873 : i32
        %parallel_loop3A_875 = arith.constant 240 : i32
        %parallel_loop3A_876 = arith.addi %parallel_loop3A_874, %parallel_loop3A_875 : i32
        %parallel_loop3A_877 = arith.index_cast %parallel_loop3A_876 : i32 to index
        %parallel_loop3A_878 = tpu.vector_load %arg21[%parallel_loop3A_877] {strides = array<i32>} : memref<3584xf32, #tpu.memory_space<vmem>>, vector<16xf32>,
        tpu.vector_store %arg21[%parallel_loop3A_877], %parallel_loop3A_872 {strides = array<i32>} : memref<3584xf32, #tpu.memory_space<vmem>>, vector<16xf32>,
      } {sc.loop_unroll_factor = 2 : i64, sc.parallel_access}
      %add3A_354 = arith.addi %mul3A_2, %select_n3A_303 : i32
      %mul3A_355 = arith.constant 14 : i32
      %mul3A_356 = arith.muli %add3A_354, %mul3A_355 : i32
      %add3A_357 = arith.addi %mul3A_356, %select_n3A_319 : i32
      %dma_start3A_358 = arith.constant 0 : i32
      %dma_start3A_359 = tpu.memref_slice %arg5[%add3A_357, %dma_start3A_358] : memref<7168x3584xf32, #tpu.memory_space<hbm>> -> memref<1x3584xf32, #tpu.memory_space<hbm>>
      %dma_start3A_360 = tpu.memref_squeeze %dma_start3A_359 : memref<1x3584xf32, #tpu.memory_space<hbm>> -> memref<3584xf32, #tpu.memory_space<hbm>>
      %dma_start3A_361 = arith.constant 0 : i32
      %dma_start3A_362 = tpu.memref_slice %arg5[%add3A_357, %dma_start3A_361] : memref<7168x3584xf32, #tpu.memory_space<hbm>> -> memref<1x3584xf32, #tpu.memory_space<hbm>>
      %dma_start3A_363 = tpu.memref_squeeze %dma_start3A_362 : memref<1x3584xf32, #tpu.memory_space<hbm>> -> memref<3584xf32, #tpu.memory_space<hbm>>
      tpu.enqueue_dma source(%arg21 : memref<3584xf32, #tpu.memory_space<vmem>>) target(%dma_start3A_363 : memref<3584xf32, #tpu.memory_space<hbm>>) target_semaphore(%arg26 : memref<!tpu.dma_semaphore, #tpu.memory_space<semaphore_mem>>)
      %scan3A_364 = arith.constant 0 : i32
      scf.yield %scan3A_364 : i32
    }
    %scan3A_87 = arith.constant 112 : i32
    %dma_wait3A = arith.constant 0 : i32
    %dma_wait3A_88 = arith.constant 0 : i32
    %dma_wait3A_89 = tpu.memref_slice %arg5[%dma_wait3A, %dma_wait3A_88] : memref<7168x3584xf32, #tpu.memory_space<hbm>> -> memref<1x3584xf32, #tpu.memory_space<hbm>>
    %dma_wait3A_90 = tpu.memref_squeeze %dma_wait3A_89 : memref<1x3584xf32, #tpu.memory_space<hbm>> -> memref<3584xf32, #tpu.memory_space<hbm>>
    %dma_wait3A_91 = arith.constant 0 : i32
    %dma_wait3A_92 = tpu.memref_slice %arg5[%dma_wait3A, %dma_wait3A_91] : memref<7168x3584xf32, #tpu.memory_space<hbm>> -> memref<1x3584xf32, #tpu.memory_space<hbm>>
    %dma_wait3A_93 = tpu.memref_squeeze %dma_wait3A_92 : memref<1x3584xf32, #tpu.memory_space<hbm>> -> memref<3584xf32, #tpu.memory_space<hbm>>
    tpu.wait_dma2 semaphore(%arg25 : memref<!tpu.dma_semaphore, #tpu.memory_space<semaphore_mem>>) src(%arg20 : memref<3584xf32, #tpu.memory_space<vmem>>) dst(%dma_wait3A_93 : memref<3584xf32, #tpu.memory_space<hbm>>)
    %dma_wait3A_94 = arith.constant 0 : i32
    %dma_wait3A_95 = arith.constant 0 : i32
    %dma_wait3A_96 = tpu.memref_slice %arg5[%dma_wait3A_94, %dma_wait3A_95] : memref<7168x3584xf32, #tpu.memory_space<hbm>> -> memref<1x3584xf32, #tpu.memory_space<hbm>>
    %dma_wait3A_97 = tpu.memref_squeeze %dma_wait3A_96 : memref<1x3584xf32, #tpu.memory_space<hbm>> -> memref<3584xf32, #tpu.memory_space<hbm>>
    %dma_wait3A_98 = arith.constant 0 : i32
    %dma_wait3A_99 = tpu.memref_slice %arg5[%dma_wait3A_94, %dma_wait3A_98] : memref<7168x3584xf32, #tpu.memory_space<hbm>> -> memref<1x3584xf32, #tpu.memory_space<hbm>>
    %dma_wait3A_100 = tpu.memref_squeeze %dma_wait3A_99 : memref<1x3584xf32, #tpu.memory_space<hbm>> -> memref<3584xf32, #tpu.memory_space<hbm>>
    tpu.wait_dma2 semaphore(%arg26 : memref<!tpu.dma_semaphore, #tpu.memory_space<semaphore_mem>>) src(%arg21 : memref<3584xf32, #tpu.memory_space<vmem>>) dst(%dma_wait3A_100 : memref<3584xf32, #tpu.memory_space<hbm>>)
    return
  }
}

</mosaic_0001>

<sc_bundles>
// kernel: kernel.3.cloned.1.call-start
scs
__scs_entry_jumppad:
0x0: {  	(pc) =	sbr.rel $0x88, $3  }
0x1: {  	(tag) =	ssettag $0x0;
	lr =	simm.s32 $0x1  }
0x2: {  	[smem:$0x3F9E] =	sst lr;
	_ =	strace $0xD0000000  }
0x3: {  	_ = 	snop  }
0x4: {  	_ = 	snop  }
0x5: {  	_ = 	snop  }
0x6: {  	_ = 	snop  }
0x7: {  	_ = 	snop  }
__scs_overlays_trampoline_lowered:
0x8: {  	[smem:$0x3FAD] =	sst s0  }
0x9: {  	[smem:$0x3FAE] =	sst s1  }
0xa: {  	[smem:$0x3FAF] =	sst s2  }
0xb: {  	[smem:$0x3FB0] =	sst s3  }
0xc: {  	[smem:$0x3FB1] =	sst s4  }
0xd: {  	[smem:$0x3FB2] =	sst s5  }
0xe: {  	[smem:$0x3FB3] =	sst s6  }
0xf: {  	[smem:$0x3FB4] =	sst s7  }
0x10: {  	[smem:$0x3FB5] =	sst s8  }
0x11: {  	[smem:$0x3FB6] =	sst s9;
	s0 =	simm.s32 @!p0 $0x0  }
0x12: {  	s1 =	sld [smem:$0x3F9C];
	s0 =	simm.s32 @p0 $0x1  }
0x13: {  	[smem:$0x3FB7] =	sst s0;
	s0 =	simm.s32 @!p1 $0x0  }
0x14: {  	s2 =	sld [smem:$0x3F9B];
	s0 =	simm.s32 @p1 $0x1  }
0x15: {  	[smem:$0x3FB8] =	sst s0;
	s0 =	simm.s32 @!p2 $0x0  }
0x16: {  	s3 =	sld [smem:$0x3FDB];
	s0 =	simm.s32 @p2 $0x1  }
0x17: {  	s4 =	simm.s32 $0x1BF5;
	[smem:$0x3FBA] =	sst s0  }
0x18: {  	s0 =	sld [smem:$0x3F9D];
	_ =	swait.ge [sflag:s4], $0x0  }
0x19: {  	s7 =	sld [smem:$0x3F9E]  }
0x1a: {  	s8 =	sadd.s32 $0xFFFFE003, lr  }
0x1b: {  	s9 =	sadd.s32 $0xFFFFFEF7, lr;
	s5 =	simm.s32 $0xFFFFFFFF;
	p2 =	slt.u32 s8, $0xFFFFF086  }
0x1c: {  	p1 =	slt.u32 s9, $0xF7A;
	s5 =	simm.s32 @!p2 $0x0  }
0x1d: {  	s5 =	simm.s32 @p1 $0x1;
	p0 =	seq.s32 s7, s2  }
0x1e: {  	s7 =	smul.u32 @!p0 $0xF7A, s2;
	p2 =	seq.s32 @!p0 s5, $0x0  }
0x1f: {  	s9 =	smul.u32 $0xF7A, s1;
	s8 =	simm.s32 @!p0 $0x1BF5;
	p2 =	por !p2, p0  }
0x20: {  	[sflag:s8] =	ssyncset.s32 @!p0 $0xFFFFF086;
	s6 =	sadd.s32 @!p0 s3, s7;
	s7 =	simm.s32 @!p0 $0x108  }
0x21: {  	s3 =	sadd.s32 s3, s9;
	s6 =	sadd.s32 @!p0 $0x88, s6;
	s7 =	simm.s32 @p2 $0x1082  }
0x22: {  	[simem:s7], [sflag:s8] =	dma.local @!p0 [hbm:s6], $0xF7A  }
0x23: {  	s9 =	sor.u32 $0xD0000000, s2;
	s6 =	simm.s32 $0x108;
	_ =	swait.ge @!p0 [sflag:s8], $0x0  }
0x24: {  	s3 =	sadd.s32 $0x88, s3;
	s6 =	simm.s32 @!p1 $0x1082;
	[sflag:s4] =	ssyncset.s32 $0xFFFFF086  }
0x25: {  	[simem:s6], [sflag:s4] =	dma.local [hbm:s3], $0xF7A  }
0x26: {  	[smem:$0x3F9E] =	sst s1;
	(tag) =	ssettag s2;
	_ =	strace s9  }
0x27: {  	s1 =	sld [smem:$0x3FAE]  }
0x28: {  	s2 =	sld [smem:$0x3FAF]  }
0x29: {  	s4 =	sld [smem:$0x3FB1]  }
0x2a: {  	p0 =	seq.s32 s5, $0x0;
	s5 =	sld [smem:$0x3FB2]  }
0x2b: {  	s6 =	sld [smem:$0x3FB3]  }
0x2c: {  	s7 =	sld [smem:$0x3FB4]  }
0x2d: {  	s3 =	simm.s32 $0x108;
	s8 =	sld [smem:$0x3FB5]  }
0x2e: {  	s3 =	simm.s32 @!p0 $0x1082;
	s9 =	sld [smem:$0x3FB6]  }
0x2f: {  	lr =	sadd.s32 s0, s3;
	s0 =	sld [smem:$0x3FAD]  }
0x30: {  	s3 =	sld [smem:$0x3FB0]  }
0x31: {  	[smem:$0x3FB9] =	sst s10  }
0x32: {  	s10 =	sld [smem:$0x3FB7];
	_ =	sdelay $0x3  }
0x33: {  	p0 =	seq.s32 s10, $0x1;
	s10 =	sld [smem:$0x3FB9];
	_ =	sdelay $0x3  }
0x34: {  	[smem:$0x3FB9] =	sst s10  }
0x35: {  	s10 =	sld [smem:$0x3FB8];
	_ =	sdelay $0x3  }
0x36: {  	p1 =	seq.s32 s10, $0x1;
	s10 =	sld [smem:$0x3FB9];
	_ =	sdelay $0x3  }
0x37: {  	[smem:$0x3FB9] =	sst s10  }
0x38: {  	s10 =	sld [smem:$0x3FBA]  }
0x39: {  	_ = 	snop;
	(pc) =	sbr.ind lr, $3  }
0x3a: {  	_ = 	snop  }
0x3b: {  	_ = 	snop  }
0x3c: {  	p2 =	seq.s32 s10, $0x1;
	s10 =	sld [smem:$0x3FB9]  }
0x3d: {  	_ =	shalt  }
0x3e: {  	_ =	shalt  }
0x3f: {  	_ =	shalt  }
0x40: {  	_ =	shalt  }
0x41: {  	_ =	shalt  }
0x42: {  	_ =	shalt  }
0x43: {  	_ =	shalt  }
0x44: {  	_ =	shalt  }
0x45: {  	_ =	shalt  }
0x46: {  	_ =	shalt  }
0x47: {  	_ =	shalt  }
0x48: {  	_ =	shalt  }
0x49: {  	_ =	shalt  }
0x4a: {  	_ =	shalt  }
0x4b: {  	_ =	shalt  }
0x4c: {  	_ =	shalt  }
0x4d: {  	_ =	shalt  }
0x4e: {  	_ =	shalt  }
0x4f: {  	_ =	shalt  }
0x50: {  	_ =	shalt  }
0x51: {  	_ =	shalt  }
0x52: {  	_ =	shalt  }
0x53: {  	_ =	shalt  }
0x54: {  	_ =	shalt  }
0x55: {  	_ =	shalt  }
0x56: {  	_ =	shalt  }
0x57: {  	_ =	shalt  }
0x58: {  	_ =	shalt  }
0x59: {  	_ =	shalt  }
0x5a: {  	_ =	shalt  }
0x5b: {  	_ =	shalt  }
0x5c: {  	_ =	shalt  }
0x5d: {  	_ =	shalt  }
0x5e: {  	_ =	shalt  }
0x5f: {  	_ =	shalt  }
0x60: {  	_ =	shalt  }
0x61: {  	_ =	shalt  }
0x62: {  	_ =	shalt  }
0x63: {  	_ =	shalt  }
0x64: {  	_ =	shalt  }
0x65: {  	_ =	shalt  }
0x66: {  	_ =	shalt  }
0x67: {  	_ =	shalt  }
0x68: {  	_ =	shalt  }
0x69: {  	_ =	shalt  }
0x6a: {  	_ =	shalt  }
0x6b: {  	_ =	shalt  }
0x6c: {  	_ =	shalt  }
0x6d: {  	_ =	shalt  }
0x6e: {  	_ =	shalt  }
0x6f: {  	_ =	shalt  }
0x70: {  	_ =	shalt  }
0x71: {  	_ =	shalt  }
0x72: {  	_ =	shalt  }
0x73: {  	_ =	shalt  }
0x74: {  	_ =	shalt  }
0x75: {  	_ =	shalt  }
0x76: {  	_ =	shalt  }
0x77: {  	_ =	shalt  }
0x78: {  	_ =	shalt  }
0x79: {  	_ =	shalt  }
0x7a: {  	_ =	shalt  }
0x7b: {  	_ =	shalt  }
0x7c: {  	_ =	shalt  }
0x7d: {  	_ =	shalt  }
0x7e: {  	_ =	shalt  }
0x7f: {  	_ =	shalt  }
0x80: {  	_ =	shalt  }
0x81: {  	_ =	shalt  }
0x82: {  	_ =	shalt  }
0x83: {  	_ =	shalt  }
0x84: {  	_ =	shalt  }
0x85: {  	_ =	shalt  }
0x86: {  	_ =	shalt  }
0x87: {  	_ =	shalt  }
.Lfunc_end0:
.L_simem_size_0:
called_computation.1_lowered:
.L_overlay_start_0:
0x88: {  	s2 =	sld [smem:$0x3FD9]  }
0x89: {  	s3 =	sld [smem:$0x3FFE];
	_ =	sdelay $0x1  }
0x8a: {  	s1 =	srdreg.scid  }
0x8b: {  	s0 =	sand.u32 $0x1, s1  }
0x8c: {  	s17 =	sshll.u32 s0, $0xA;
	s2 =	sadd.s32 s3, s2  }
0x8d: {  	s2 =	sadd.s32 s2, s17  }
0x8e: {  	[smem:$0x3FC5] =	sst s2  }
0x8f: {  	_ = 	snop  }
0x90: {  	s2 =	sld [smem:$0x3FC9]  }
0x91: {  	s18 =	sld [smem:$0x3FC7]  }
0x92: {  	s4 =	sld [smem:$0x3FD0];
	(tm) =	ssettm $0x1  }
0x93: {  	s5 =	sld [smem:$0x3FFB];
	_ =	sdelay $0x3  }
0x94: {  	_ =	strace s5  }
0x95: {  	s5 =	sld [smem:$0x3FFC];
	_ =	sdelay $0x3  }
0x96: {  	_ =	strace s5  }
0x97: {  	s5 =	sld [smem:$0x3FFD];
	_ =	sdelay $0x3  }
0x98: {  	_ =	strace s5  }
0x99: {  	_ =	strace $0x8FFFFFFF  }
0x9a: {  	s19 =	sld [smem:$0x3FDB];
	_ =	sdelay $0x1  }
0x9b: {  	s6 =	simm.s32 $_scs_section_size  }
0x9c: {  	s7 =	simm.s32 $_size__tile_overlayer_lowered;
	s8 =	simm.s32 $_tile_overlayer_lowered  }
0x9d: {  	s22 =	simm.s32 $0x1BFF;
	s21 =	sshll.u32 s8, $0x1;
	s5 =	sadd.s32 s6, s19  }
0x9e: {  	s9 =	simm.s32 $0x0;
	s20 =	sshll.u32 s7, $0x1;
	s7 =	sadd.s32 s21, s5  }
0x9f: {  	[timem:s9], [sflag:s22] =	dma.local [hbm:s7], s20  }
0xa0: {  	_ =	swait.ge [sflag:s22], s20  }
0xa1: {  	s6 =	ssub.s32 $0x0, s20;
	[sflag:s22] =	ssyncset.done $0x0  }
0xa2: {  	[sflag:s22] =	ssyncadd.s32 s6;
	_ =	sdelay $0x1  }
0xa3: {  	s23 =	simm.s32 $0x1B8B  }
0xa4: {  	_ =	swait.ge [sflag:s23], $0x1  }
0xa5: {  	[sflag:s23] =	ssyncset.done $0x0  }
0xa6: {  	s25 =	simm.s32 $0x1B8E;
	s24 =	sld [smem:$0x3FFE];
	[sflag:s23] =	ssyncadd.s32 $0xFFFFFFFF  }
0xa7: {  	s26 =	simm.s32 $execute0_lowered;
	[smem:$0x3FD2] =	sst s25  }
0xa8: {  	s7 =	sshll.u32 s26, $0x1;
	_ =	strace $0x80000046;
	[dreg:$0x1] =	wrdreg $0xFFFFFFFF  }
0xa9: {  	s28 =	simm.s32 $_size_execute0_lowered;
	s5 =	sadd.s32 s5, s7;
	[dreg:$0x0] =	wrdreg $0x0  }
0xaa: {  	s7 =	sshll.u32 s28, $0x1;
	[dreg:$0x2] =	wrdreg s5  }
0xab: {  	[dreg:$0x3] =	wrdreg s7  }
0xac: {  	[dreg:$0x4] =	wrdreg $0xC0  }
0xad: {  	_ =	task [dreg:s9], $0x5FFFF  }
0xae: {  	[dreg:$0x1] =	wrdreg $0xFFFFFFFF  }
0xaf: {  	[dreg:$0x0] =	wrdreg $0x60  }
0xb0: {  	[dreg:$0x2] =	wrdreg s2  }
0xb1: {  	[dreg:$0x3] =	wrdreg s24  }
0xb2: {  	[dreg:$0x4] =	wrdreg s18  }
0xb3: {  	[dreg:$0x5] =	wrdreg s4  }
0xb4: {  	[dreg:$0x6] =	wrdreg $0x9  }
0xb5: {  	_ =	task.clear_ibuf [dreg:s9], $0x7FFFF;
	_ =	strace $0x90000046  }
0xb6: {  	s29 =	simm.s32 $0x9;
	_ =	strace $0x80000048  }
0xb7: {  	_ =	swait.ge [sflag:s29], $0x1  }
0xb8: {  	[sflag:s29] =	ssyncadd.s32 $0xFFFFFFFF  }
0xb9: {  	_ =	strace $0x90000048  }
0xba: {  	_ =	sfence  }
0xbb: {  	s30 =	sld [smem:$0x0];
	_ =	sdelay $0x2  }
0xbc: {  	s31 =	sshll.u32 s1, $0xD;
	s1 =	sshrl.u32 s1, $0x2  }
0xbd: {  	s3 =	sand.u32 $0x4000, s31;
	s1 =	sadd.s32 s1, s30  }
0xbe: {  	s0 =	sor.u32 s3, s0;
	s1 =	sshll.u32 s1, $0x11  }
0xbf: {  	s0 =	sor.u32 s1, s0  }
0xc0: {  	s0 =	sadd.s32 $0x8F2B, s0  }
0xc1: {  	[sflag:s0] =	ssyncadd.remote.s32 $0x1  }
0xc2: {  	_ =	sfence.sel $0xFFFF  }
0xc3: {  	[dreg:$0x0] =	wrdreg $0xFFFFFFFF;
	(pc) =	sbr.abs _section_cstart, $3  }
0xc4: {  	[dreg:$0x1] =	wrdreg $0xFFFFFFFF  }
0xc5: {  	_ =	task.clear_ibuf [dreg:s9], $0x2FFFF;
	_ =	strace $0x9FFFFFFF  }
0xc6: {  	(tm) =	ssettm $0x7FFFFFFF  }
0xc7: {  	_ =	shalt  }
tec
execute0_lowered:
.L_overlay_start_1:
0x0: {  	(tag) =	ssettag $0x1  }
0x1: {  	v0 =	vimm.f32 $1.500000000e+01;
	vm0 =	vcmask $0x300  }
0x2: {  	v0 =	vsel vm0, $0x0, v0;
	vm0 =	vcmask $0x704  }
0x3: {  	v0 =	vsel vm0, $0x3F800000, v0;
	vm0 =	vcmask $0xB08  }
0x4: {  	v0 =	vsel vm0, $0x40000000, v0;
	vm0 =	vcmask $0xF0C  }
0x5: {  	v0 =	vsel vm0, $0x40400000, v0;
	vm0 =	vcmask $0x1310  }
0x6: {  	s0 =	rddreg [dreg:$0x1];
	s4 =	simm.s32 $0x0;
	v0 =	vsel vm0, $0x40800000, v0;
	vm0 =	vcmask $0x1714  }
0x7: {  	[smem:$0x7FF] =	sst s4;
	v0 =	vsel vm0, $0x40A00000, v0;
	vm0 =	vcmask $0x1B18  }
0x8: {  	s1 =	rddreg [dreg:$0x2];
	v1 =	vimm.f32 $1.300000000e+01;
	_ =	strace $0x80000047;
	v0 =	vsel vm0, $0x40C00000, v0;
	vm0 =	vcmask $0x1F1C  }
0x9: {  	(erf) = vrcp.f32 v1;
	v0 =	vsel vm0, $0x40E00000, v0;
	vm0 =	vcmask $0x2320  }
0xa: {  	s2 =	srdreg.scid;
	s3 =	stileid.u32;
	v0 =	vsel vm0, $0x41000000, v0;
	vm0 =	vcmask $0x2724  }
0xb: {  	v3 =	vimm.f32 $0.0e+00;
	s2 =	sand.u32 $0x1, s2;
	s3 =	sshll.u32 s3, $0x1;
	v0 =	vsel vm0, $0x41100000, v0;
	vm0 =	vcmask $0x2B28  }
0xc: {  	v5 =	vimm.s32 $0x10;
	s3 =	sor.u32 s2, s3;
	v1 =	vsel vm0, $0x41200000, v0;
	vm0 =	vcmask $0x2F2C  }
0xd: {  	s2 =	ssub.s32 $0x2, s2;
	s5 =	sshll.u32 s3, $0x3;
	v0 =	vlaneseq.u32;
	v2 =	vsel vm0, $0x41300000, v1;
	vm0 =	vcmask $0x3330  }
0xe: {  	s28 =	sshrl.u32 s2, $0x1;
	s29 =	sshll.u32 s3, $0x4;
	s3 =	sshll.u32 s3, $0x1;
	v1 =	vmul.u32 $0x4, v0;
	v6 =	vadd.s32 $0xE, v0;
	v7 =	vadd.s32 $0x1C, v0  }
0xf: {  	s0 =	sadd.s32 s5, s0;
	[dreg:$0x5] =	wrdreg s29;
	s30 =	sadd.s32 s1, s3;
	v8 =	vadd.s32 $0x2A, v0;
	v11 =	vshrl.u32 v0, $0x3;
	v10 =	vand.u32 $0x7, v0  }
0x10: {  	s2 =	ssub.s32 s2, s28;
	s0 =	sadd.s32 $0x800, s0;
	[dreg:$0x7] =	wrdreg s30;
	v12 =	vor.u32 $0x8, v0;
	v2 =	vsel vm0, $0x41400000, v2;
	vm0 =	vcmask $0x3734  }
0x11: {  	s11 =	simm.s32 $0x400;
	s31 =	smax.u32 s2, $0x1;
	[dreg:$0x6] =	wrdreg s0;
	v11 =	vmul.u32 $0x8, v11;
	v4 =	vsel vm0, $0x41500000, v2;
	vm0 =	vcmask $0x3B38  }
0x12: {  	s1 =	simm.s32 $0x9600;
	s3 =	simm.s32 $0x0;
	[dreg:$0x8] =	wrdreg s31;
	v9 =	vpop (erf);
	v2 =	vor.u32 $0x2, v1;
	v4 =	vsel vm0, $0x41600000, v4;
	vm0 =	vmmov $0xffff  }
.LBB2_1:
0x13: {  	[dreg:$0x9] =	wrdreg s3  }
0x14: {  	s0 =	rddreg [dreg:$0x6];
	s2 =	simm.s32 $0x5  }
0x15: {  	[tilespmem:s4], [sflag:$0x5] =	stream.linear.gather [hbm4b:s0+s4], $0x40, $0x38;
	[tilespmem:$0x9680] =	vst v63  }
0x16: {  	_ =	swait.ge [sflag:s2], $0x40  }
0x17: {  	[sflag:s2] =	ssyncset.done $0x0  }
0x18: {  	s24 =	simm.s32 $0x80;
	s23 =	rddreg [dreg:$0x7];
	[sflag:s2] =	ssyncadd.s32 $0xFFFFFFC0  }
0x19: {  	[tilespmem:s24], [sflag:$0x5] =	stream.linear.gather [hbm4b:s23+s4], $0x10, $0x38;
	[tilespmem:$0x9680] =	vst v63  }
0x1a: {  	_ =	swait.ge [sflag:s2], $0x10  }
0x1b: {  	[sflag:s2] =	ssyncset.done $0x0  }
0x1c: {  	[sflag:s2] =	ssyncadd.s32 $0xFFFFFFF0  }
0x1d: {  	v13 =	vld.idx.msk [tilespmem:v1+s4+$0x0], $0xffff  }
0x1e: {  	v14 =	vld.idx.msk [tilespmem:v2+s4+$0x0], $0xffff;
	_ =	sdelay $0x4  }
0x1f: {  	v14 =	vsub.f32 v14, v13;
	_ =	sdelay $0x1  }
0x20: {  	v14 =	vmul.f32 $2.230000000e+02, v14;
	_ =	sdelay $0x1  }
0x21: {  	s25 =	scvt.s32.f32 s4;
	v14 =	vmul.f32 v14, v9;
	_ =	sdelay $0x1  }
0x22: {  	v15 =	vmul.f32 $2.230000000e+02, v13;
	v13 =	vmul.f32 s25, v14;
	_ =	sdelay $0x1  }
0x23: {  	v16 =	vadd.f32 v13, v15;
	_ =	sdelay $0x1  }
0x24: {  	s26 =	simm.s32 $0x1;
	v13 =	vmax.f32 v16, $0.0e+00  }
0x25: {  	s0 =	scvt.s32.f32 s26;
	v17 =	vld [tilespmem:$0x80];
	v18 =	vmin.f32 v13, $2.230000000e+02  }
0x26: {  	v13 =	vtrunc.f32 v18  }
0x27: {  	v19 =	vcvt.f32.s32 v13;
	v13 =	vmul.f32 s0, v14  }
0x28: {  	vm1 =	vge.f32 v16, $0.0e+00;
	vm2 =	vle.f32 v16, $2.230000000e+02  }
0x29: {  	s28 =	simm.s32 $0x2;
	vm1 =	vmand vm1, vm2;
	v20 =	vadd.f32 v13, v15;
	v21 =	vcvt.s32.f32 v19  }
0x2a: {  	v23 =	vsel vm1, $0x3F800000, v3;
	s0 =	scvt.s32.f32 s28;
	v13 =	vmul.u32 $0xC400, v17;
	v17 =	vmul.u32 $0xE0, v19  }
0x2b: {  	v19 =	vadd.s32 $0x1, v19;
	v22 =	vmax.f32 v20, $0.0e+00;
	v18 =	vsub.f32 v18, v21  }
0x2c: {  	v24 =	vmul.f32 s0, v14;
	vm3 =	vlt.s32 v19, $0xDF;
	v16 =	vmin.f32 v22, $2.230000000e+02  }
0x2d: {  	v19 =	vnsel vm3, $0xDF, v19;
	v21 =	vtrunc.f32 v16;
	v22 =	vsub.f32 $1.000000000e+00, v18  }
0x2e: {  	v25 =	vadd.s32 v13, v17;
	v17 =	vadd.f32 v24, v15;
	v21 =	vcvt.f32.s32 v21  }
0x2f: {  	vm1 =	vge.f32 v20, $0.0e+00;
	v19 =	vmul.u32 $0xE0, v19;
	v22 =	vmul.f32 v22, v23  }
0x30: {  	vm2 =	vle.f32 v20, $2.230000000e+02;
	v23 =	vmul.f32 v18, v23;
	v18 =	vcvt.s32.f32 v21  }
0x31: {  	s29 =	simm.s32 $0x110;
	vm1 =	vmand vm1, vm2;
	v19 =	vadd.s32 v13, v19;
	v20 =	vadd.s32 $0x1, v21  }
0x32: {  	s30 =	simm.s32 $0x210;
	[tilespmem:s29+$0x0] =	vst v25;
	vm2 =	vlt.s32 v20, $0xDF;
	v16 =	vsub.f32 v16, v18;
	v18 =	vmax.f32 v17, $0.0e+00  }
0x33: {  	s31 =	simm.s32 $0x3;
	s0 =	simm.s32 $0x310;
	[tilespmem:s30+$0x0] =	vst v19;
	v19 =	vmul.u32 $0xE0, v21;
	v20 =	vnsel vm2, $0xDF, v20;
	v18 =	vmin.f32 v18, $2.230000000e+02  }
0x34: {  	s5 =	scvt.s32.f32 s31;
	s2 =	simm.s32 $0x410;
	[tilespmem:s0+$0x0] =	vst v22;
	v22 =	vmul.u32 $0xE0, v20;
	v21 =	vtrunc.f32 v18;
	v62 =	vsub.f32 $1.000000000e+00, v16  }
0x35: {  	s3 =	simm.s32 $0x120;
	v63 =	vadd.s32 v13, v19;
	[tilespmem:s2+$0x0] =	vst v23;
	v20 =	vsel vm1, $0x3F800000, v3;
	v19 =	vcvt.f32.s32 v21  }
0x36: {  	s6 =	simm.s32 $0x4;
	v23 =	vmul.f32 s5, v14;
	s5 =	simm.s32 $0x220;
	[tilespmem:s3+$0x0] =	vst v63;
	v22 =	vadd.s32 v13, v22;
	v21 =	vmul.f32 v62, v20  }
.LBB2_2:
0x37: {  	p0 =	sne.s32 s6, $0xD;
	v24 =	vmul.u32 $0xE0, v19;
	[tilespmem:s5+$0x0] =	vst v22;
	v16 =	vmul.f32 v16, v20;
	s0 =	sadd.s32 $0x10, s0  }
0x38: {  	vm1 =	vge.f32 v17, $0.0e+00;
	v22 =	vcvt.s32.f32 v19;
	s2 =	sadd.s32 $0x10, s2;
	v20 =	vadd.f32 v23, v15;
	[tilespmem:s0+$0x0] =	vst v21  }
0x39: {  	vm2 =	vle.f32 v17, $2.230000000e+02;
	v19 =	vadd.s32 $0x1, v19;
	s3 =	sadd.s32 $0x10, s3;
	v23 =	vadd.s32 v13, v24;
	[tilespmem:s2+$0x0] =	vst v16  }
.Ltmp0:
0x3a: {  	vm3 =	vlt.s32 v19, $0xDF;
	v16 =	vsub.f32 v18, v22;
	v21 =	vmax.f32 v20, $0.0e+00;
	[tilespmem:s3+$0x0] =	vst v23;
	v17 =	vmovc v20;
	(pc) =	sbr.rel @p0 .LBB2_2-.Ltmp0, $4  }
0x3b: {  	vm1 =	vmand vm1, vm2;
	v19 =	vnsel vm3, $0xDF, v19;
	v18 =	vmin.f32 v21, $2.230000000e+02  }
0x3c: {  	s7 =	scvt.s32.f32 s6;
	v21 =	vmul.u32 $0xE0, v19;
	v24 =	vsub.f32 $1.000000000e+00, v16;
	v20 =	vtrunc.f32 v18  }
0x3d: {  	v19 =	vcvt.f32.s32 v20;
	v20 =	vsel vm1, $0x3F800000, v3  }
0x3e: {  	s6 =	sadd.s32 $0x1, s6;
	s5 =	sadd.s32 $0x10, s5;
	v23 =	vmul.f32 s7, v14;
	v22 =	vadd.s32 v13, v21;
	v21 =	vmul.f32 v24, v20  }
0x3f: {  	_ = 	snop  }
0x40: {  	v14 =	vadd.f32 v23, v15  }
0x41: {  	vm1 =	vge.f32 v17, $0.0e+00;
	v58 =	vcvt.s32.f32 v19;
	vm2 =	vle.f32 v17, $2.230000000e+02  }
0x42: {  	v17 =	vadd.s32 $0x1, v19;
	v15 =	vmul.u32 $0xE0, v19;
	v19 =	vmax.f32 v14, $0.0e+00  }
0x43: {  	v16 =	vmul.f32 v16, v20;
	vm3 =	vlt.s32 v17, $0xDF;
	v19 =	vmin.f32 v19, $2.230000000e+02  }
0x44: {  	vm1 =	vmand vm1, vm2;
	v18 =	vsub.f32 v18, v58;
	v59 =	vtrunc.f32 v19  }
0x45: {  	v17 =	vnsel vm3, $0xDF, v17;
	v60 =	vsel vm1, $0x3F800000, v3;
	v23 =	vcvt.f32.s32 v59  }
0x46: {  	[tilespmem:s5+$0x0] =	vst v22;
	s0 =	sadd.s32 $0x10, s0;
	v17 =	vmul.u32 $0xE0, v17;
	v15 =	vadd.s32 v13, v15;
	vm1 =	vge.f32 v14, $0.0e+00  }
0x47: {  	s2 =	sadd.s32 $0x10, s2;
	[tilespmem:s0+$0x0] =	vst v21;
	vm2 =	vle.f32 v14, $2.230000000e+02;
	v24 =	vsub.f32 $1.000000000e+00, v18;
	v62 =	vcvt.s32.f32 v23  }
0x48: {  	s3 =	sadd.s32 $0x10, s3;
	[tilespmem:s2+$0x0] =	vst v16;
	v17 =	vadd.s32 v13, v17;
	v16 =	vmul.u32 $0xE0, v23;
	v23 =	vadd.s32 $0x1, v23  }
0x49: {  	s28 =	sadd.s32 $0x10, s5;
	[tilespmem:s3+$0x0] =	vst v15;
	v61 =	vmul.f32 v24, v60;
	vm3 =	vlt.s32 v23, $0xDF;
	v14 =	vsub.f32 v19, v62  }
0x4a: {  	s6 =	simm.s32 $0x0;
	s0 =	sadd.s32 $0x10, s0;
	v15 =	vmul.f32 v18, v60;
	vm1 =	vmand vm1, vm2;
	[tilespmem:s28+$0x0] =	vst v17;
	v17 =	vnsel vm3, $0xDF, v23  }
0x4b: {  	s2 =	sadd.s32 $0x10, s2;
	[tilespmem:s0+$0x0] =	vst v61;
	v19 =	vmov s6;
	v17 =	vmul.u32 $0xE0, v17;
	v18 =	vsub.f32 $1.000000000e+00, v14  }
0x4c: {  	s3 =	sadd.s32 $0x10, s3;
	[tilespmem:s2+$0x0] =	vst v15;
	v15 =	vsel vm1, $0x3F800000, v3;
	v16 =	vadd.s32 v13, v16;
	v63 =	vor.u32 $0x1, v19  }
0x4d: {  	s29 =	sadd.s32 $0x10, s28;
	[tilespmem:s3+$0x0] =	vst v16;
	v13 =	vadd.s32 v13, v17;
	v17 =	vor.u32 $0x3, v19;
	v16 =	vmul.f32 v18, v15  }
0x4e: {  	s0 =	sadd.s32 $0x10, s0;
	[tilespmem:s29+$0x0] =	vst v13;
	v13 =	vmul.f32 v14, v15  }
0x4f: {  	s30 =	sadd.s32 $0x10, s2;
	[tilespmem:s0+$0x0] =	vst v16  }
0x50: {  	[tilespmem:s30+$0x0] =	vst v13  }
0x51: {  	v13 =	vld.idx.msk [tilespmem:v63+s4+$0x0], $0xffff  }
0x52: {  	v14 =	vld.idx.msk [tilespmem:v17+s4+$0x0], $0xffff;
	_ =	sdelay $0x4  }
0x53: {  	v14 =	vsub.f32 v14, v13;
	_ =	sdelay $0x1  }
0x54: {  	v14 =	vmul.f32 $2.230000000e+02, v14;
	_ =	sdelay $0x1  }
0x55: {  	v14 =	vmul.f32 v14, v9;
	_ =	sdelay $0x1  }
0x56: {  	v13 =	vmul.f32 $2.230000000e+02, v13;
	v14 =	vmul.f32 v4, v14;
	_ =	sdelay $0x1  }
0x57: {  	v13 =	vadd.f32 v14, v13;
	_ =	sdelay $0x1  }
0x58: {  	v14 =	vmax.f32 v13, $0.0e+00  }
0x59: {  	v14 =	vmin.f32 v14, $2.230000000e+02  }
0x5a: {  	v15 =	vtrunc.f32 v14  }
0x5b: {  	v15 =	vcvt.f32.s32 v15;
	_ =	sdelay $0x1  }
0x5c: {  	v16 =	vcvt.s32.f32 v15;
	_ =	sdelay $0x1  }
0x5d: {  	vm1 =	vge.f32 v13, $0.0e+00;
	vm2 =	vle.f32 v13, $2.230000000e+02;
	v17 =	vsub.f32 v14, v16  }
0x5e: {  	s31 =	simm.s32 $0x4;
	vm1 =	vmand vm1, vm2;
	v13 =	vadd.s32 $0x1, v15  }
0x5f: {  	s0 =	simm.s32 $0x500;
	vm2 =	vlt.s32 v13, $0xDF;
	v14 =	vmov s31;
	v16 =	vsub.f32 $1.000000000e+00, v17  }
0x60: {  	s7 =	simm.s32 $0x700;
	s9 =	simm.s32 $0x8;
	s2 =	simm.s32 $0x600;
	[tilespmem:s0+$0x0] =	vst v15;
	v15 =	vsel vm1, $0x3F800000, v3;
	v18 =	vnsel vm2, $0xDF, v13;
	v13 =	vor.u32 $0x1, v14  }
0x61: {  	s5 =	simm.s32 $0x810;
	s6 =	simm.s32 $0x800;
	s3 =	simm.s32 $0x710;
	[tilespmem:s2+$0x0] =	vst v18;
	v14 =	vor.u32 $0x3, v14;
	v16 =	vmul.f32 v16, v15;
	v15 =	vmul.f32 v17, v15  }
.LBB2_4:
0x62: {  	s0 =	sadd.s32 $0x10, s0;
	s2 =	sadd.s32 $0x10, s2  }
0x63: {  	[tilespmem:s7+$0x0] =	vst v16;
	s10 =	smov.u32 s9;
	s8 =	sadd.s32 $0x4, s9;
	s7 =	smov.u32 s3  }
0x64: {  	p0 =	sne.s32 s9, $0x3C;
	[tilespmem:s6+$0x0] =	vst v15;
	s6 =	smov.u32 s5  }
0x65: {  	v13 =	vld.idx.msk [tilespmem:v13+s4+$0x0], $0xffff  }
0x66: {  	v14 =	vld.idx.msk [tilespmem:v14+s4+$0x0], $0xffff;
	_ =	sdelay $0x5  }
0x67: {  	v14 =	vsub.f32 v14, v13;
	_ =	sdelay $0x1  }
0x68: {  	v14 =	vmul.f32 $2.230000000e+02, v14;
	_ =	sdelay $0x1  }
0x69: {  	v14 =	vmul.f32 v14, v9  }
0x6a: {  	v13 =	vmul.f32 $2.230000000e+02, v13  }
0x6b: {  	v14 =	vmul.f32 v4, v14;
	_ =	sdelay $0x1  }
0x6c: {  	v13 =	vadd.f32 v14, v13;
	_ =	sdelay $0x1  }
0x6d: {  	vm1 =	vge.f32 v13, $0.0e+00;
	vm2 =	vle.f32 v13, $2.230000000e+02;
	v13 =	vmax.f32 v13, $0.0e+00  }
0x6e: {  	vm1 =	vmand vm1, vm2;
	v13 =	vmin.f32 v13, $2.230000000e+02  }
0x6f: {  	v14 =	vtrunc.f32 v13  }
0x70: {  	v14 =	vcvt.f32.s32 v14;
	_ =	sdelay $0x1  }
0x71: {  	v15 =	vcvt.s32.f32 v14;
	v16 =	vadd.s32 $0x1, v14  }
0x72: {  	vm2 =	vlt.s32 v16, $0xDF  }
0x73: {  	v15 =	vsub.f32 v13, v15;
	v13 =	vnsel vm2, $0xDF, v16;
	[tilespmem:s0+$0x0] =	vst v14  }
.Ltmp1:
0x74: {  	[tilespmem:s2+$0x0] =	vst v13;
	(pc) =	sbr.rel @p0 .LBB2_4-.Ltmp1, $4  }
0x75: {  	v17 =	vsel vm1, $0x3F800000, v3;
	v14 =	vmov s10;
	v16 =	vsub.f32 $1.000000000e+00, v15  }
0x76: {  	v13 =	vor.u32 $0x1, v14;
	v14 =	vor.u32 $0x3, v14  }
0x77: {  	v15 =	vmul.f32 v15, v17;
	v16 =	vmul.f32 v16, v17  }
0x78: {  	s3 =	sadd.s32 $0x10, s3;
	s5 =	sadd.s32 $0x10, s5;
	s9 =	smov.u32 s8  }
0x79: {  	_ =	sdelay $0x1  }
0x7a: {  	[tilespmem:s7+$0x0] =	vst v16  }
0x7b: {  	[tilespmem:s6+$0x0] =	vst v15  }
0x7c: {  	v13 =	vld.idx.msk [tilespmem:v13+s4+$0x0], $0xffff  }
0x7d: {  	v14 =	vld.idx.msk [tilespmem:v14+s4+$0x0], $0xffff;
	_ =	sdelay $0x4  }
0x7e: {  	v14 =	vsub.f32 v14, v13;
	_ =	sdelay $0x1  }
0x7f: {  	v14 =	vmul.f32 $2.230000000e+02, v14;
	_ =	sdelay $0x1  }
0x80: {  	v14 =	vmul.f32 v14, v9;
	_ =	sdelay $0x1  }
0x81: {  	v13 =	vmul.f32 $2.230000000e+02, v13;
	v14 =	vmul.f32 v4, v14;
	_ =	sdelay $0x1  }
0x82: {  	v13 =	vadd.f32 v14, v13;
	_ =	sdelay $0x1  }
0x83: {  	v14 =	vmax.f32 v13, $0.0e+00  }
0x84: {  	v14 =	vmin.f32 v14, $2.230000000e+02  }
0x85: {  	v15 =	vtrunc.f32 v14  }
0x86: {  	v15 =	vcvt.f32.s32 v15;
	_ =	sdelay $0x1  }
0x87: {  	v61 =	vcvt.s32.f32 v15;
	_ =	sdelay $0x1  }
0x88: {  	v14 =	vsub.f32 v14, v61  }
0x89: {  	vm1 =	vge.f32 v13, $0.0e+00;
	vm2 =	vle.f32 v13, $2.230000000e+02  }
0x8a: {  	vm1 =	vmand vm1, vm2;
	v13 =	vadd.s32 $0x1, v15;
	v16 =	vsub.f32 $1.000000000e+00, v14  }
0x8b: {  	s0 =	sadd.s32 $0x10, s0;
	v17 =	vsel vm1, $0x3F800000, v3;
	vm2 =	vlt.s32 v13, $0xDF  }
0x8c: {  	s2 =	sadd.s32 $0x10, s2;
	[tilespmem:s0+$0x0] =	vst v15;
	v13 =	vnsel vm2, $0xDF, v13;
	v15 =	vmul.f32 v16, v17  }
0x8d: {  	[tilespmem:s2+$0x0] =	vst v13;
	v13 =	vmul.f32 v14, v17  }
0x8e: {  	[tilespmem:s3+$0x0] =	vst v15  }
0x8f: {  	s19 =	simm.s32 $0x100;
	[tilespmem:s5+$0x0] =	vst v13  }
0x90: {  	v13 =	vld.idx.msk [tilespmem:v5+s19+$0x0], $0xffff  }
0x91: {  	v14 =	vld [tilespmem:$0x500]  }
0x92: {  	s20 =	simm.s32 $0x200;
	v15 =	vld [tilespmem:$0x600]  }
0x93: {  	v62 =	vld.idx.msk [tilespmem:v5+s20+$0x0], $0xffff;
	_ =	sdelay $0x2  }
0x94: {  	s21 =	simm.s32 $0x900;
	v63 =	vadd.s32 v13, v14  }
0x95: {  	v13 =	vadd.s32 v13, v15;
	[tilespmem:v0+s21+$0x0] =	vst.idx.msk $0x3fff, v63  }
0x96: {  	[tilespmem:v6+s21+$0x0] =	vst.idx.msk $0x3fff, v13;
	v13 =	vadd.s32 v62, v14  }
0x97: {  	[tilespmem:v7+s21+$0x0] =	vst.idx.msk $0x3fff, v13;
	v13 =	vadd.s32 v62, v15  }
0x98: {  	[tilespmem:v8+s21+$0x0] =	vst.idx.msk $0x3fff, v13  }
0x99: {  	v13 =	vld [tilespmem:$0x900];
	_ =	sdelay $0x4  }
0x9a: {  	v14 =	vshll.u32 v13, $0x1  }
0x9b: {  	v13 =	vand.u32 $0x7, v13;
	v14 =	vand.u32 $0xFFFFFFF0, v14  }
0x9c: {  	v13 =	vor.u32 v13, v14  }
0x9d: {  	v14 =	vperm.xlane v13, v10;
	_ =	sdelay $0x1  }
0x9e: {  	v13 =	vperm.xlane v13, v12;
	v14 =	vadd.s32 v11, v14;
	_ =	sdelay $0x1  }
0x9f: {  	v13 =	vadd.s32 v11, v13;
	_ =	sdelay $0x1  }
0xa0: {  	s22 =	simm.s32 $0x0;
	s23 =	rddreg [dreg:$0x0];
	s24 =	simm.s32 $0xA00  }
0xa1: {  	[tilespmem:s24], [sflag:$0x1] =	stream.indirect_vreg.gather [hbm4b:s23+s22], $0x80, v14, vm0, $0xb8;
	[tilespmem:$0x9680] =	vst v63  }
0xa2: {  	s25 =	simm.s32 $0x1200  }
0xa3: {  	[tilespmem:s25], [sflag:$0x1] =	stream.indirect_vreg.gather [hbm4b:s23+s22], $0x80, v13, vm0, $0xb8;
	[tilespmem:$0x9680] =	vst v63  }
0xa4: {  	v13 =	vld [tilespmem:$0x910];
	_ =	sdelay $0x4  }
0xa5: {  	v14 =	vshll.u32 v13, $0x1  }
0xa6: {  	v13 =	vand.u32 $0x7, v13;
	v14 =	vand.u32 $0xFFFFFFF0, v14  }
0xa7: {  	v13 =	vor.u32 v13, v14  }
0xa8: {  	v14 =	vperm.xlane v13, v10;
	_ =	sdelay $0x1  }
0xa9: {  	v13 =	vperm.xlane v13, v12;
	v14 =	vadd.s32 v11, v14;
	_ =	sdelay $0x1  }
0xaa: {  	v13 =	vadd.s32 v11, v13;
	_ =	sdelay $0x1  }
0xab: {  	s26 =	simm.s32 $0x1A00  }
0xac: {  	[tilespmem:s26], [sflag:$0x1] =	stream.indirect_vreg.gather [hbm4b:s23+s22], $0x80, v14, vm0, $0xb8;
	[tilespmem:$0x9680] =	vst v63  }
0xad: {  	s28 =	simm.s32 $0x2200  }
0xae: {  	[tilespmem:s28], [sflag:$0x1] =	stream.indirect_vreg.gather [hbm4b:s23+s22], $0x80, v13, vm0, $0xb8;
	[tilespmem:$0x9680] =	vst v63  }
0xaf: {  	v13 =	vld [tilespmem:$0x920];
	_ =	sdelay $0x4  }
0xb0: {  	v14 =	vshll.u32 v13, $0x1  }
0xb1: {  	v13 =	vand.u32 $0x7, v13;
	v14 =	vand.u32 $0xFFFFFFF0, v14  }
0xb2: {  	v13 =	vor.u32 v13, v14  }
0xb3: {  	v14 =	vperm.xlane v13, v10;
	_ =	sdelay $0x1  }
0xb4: {  	v13 =	vperm.xlane v13, v12;
	v14 =	vadd.s32 v11, v14;
	_ =	sdelay $0x1  }
0xb5: {  	v13 =	vadd.s32 v11, v13;
	_ =	sdelay $0x1  }
0xb6: {  	s29 =	simm.s32 $0x2A00  }
0xb7: {  	[tilespmem:s29], [sflag:$0x1] =	stream.indirect_vreg.gather [hbm4b:s23+s22], $0x80, v14, vm0, $0xb8;
	[tilespmem:$0x9680] =	vst v63  }
0xb8: {  	s30 =	simm.s32 $0x3200  }
0xb9: {  	[tilespmem:s30], [sflag:$0x1] =	stream.indirect_vreg.gather [hbm4b:s23+s22], $0x80, v13, vm0, $0xb8;
	[tilespmem:$0x9680] =	vst v63  }
0xba: {  	v13 =	vld.msk [tilespmem:$0x930], $0xff;
	_ =	sdelay $0x4  }
0xbb: {  	v14 =	vshll.u32 v13, $0x1  }
0xbc: {  	v13 =	vand.u32 $0x7, v13;
	v14 =	vand.u32 $0xFFFFFFF0, v14  }
0xbd: {  	v13 =	vor.u32 v13, v14  }
0xbe: {  	v13 =	vperm.xlane v13, v10;
	_ =	sdelay $0x1  }
0xbf: {  	v13 =	vadd.s32 v11, v13;
	_ =	sdelay $0x3  }
0xc0: {  	s31 =	simm.s32 $0x3A00;
	s6 =	simm.s32 $0x0  }
0xc1: {  	[tilespmem:s31], [sflag:$0x1] =	stream.indirect_vreg.gather [hbm4b:s23+s22], $0x80, v13, vm0, $0xb8;
	[tilespmem:$0x9680] =	vst v63  }
.LBB2_6:
0xc2: {  	s0 =	smul.u32 $0x25, s6;
	s2 =	sand.u32 $0x7F, s6  }
0xc3: {  	s2 =	smul.u32 $0x93, s2  }
0xc4: {  	s0 =	sshrl.u32 s0, $0x8  }
0xc5: {  	s3 =	ssub.s32 s6, s0;
	s2 =	sshrl.u32 s2, $0xA  }
0xc6: {  	s3 =	sand.u32 $0xFE, s3;
	s2 =	smul.u32 $0xE, s2  }
0xc7: {  	s5 =	sshllo.u32 s6, $0x1;
	s3 =	sshrl.u32 s3, $0x1  }
0xc8: {  	s0 =	sadd.s32 s0, s3;
	s2 =	ssub.s32 s5, s2  }
0xc9: {  	s0 =	sand.u32 $0xFC, s0;
	s2 =	sand.u32 $0xFF, s2  }
0xca: {  	s7 =	sshrl.u32 s0, $0x2;
	s15 =	sshll.u32 s2, $0x4  }
0xcb: {  	s0 =	sadd.s32 s7, s15  }
0xcc: {  	s0 =	sadd.s32 $0x10, s0  }
0xcd: {  	v13 =	vmov s0;
	_ =	sdelay $0x2  }
0xce: {  	s17 =	sshll.u32 s7, $0x4  }
0xcf: {  	s16 =	simm.s32 $0x100;
	v15 =	vld [tilespmem:s17+$0x500]  }
0xd0: {  	v14 =	vld.idx.msk [tilespmem:v13+s16+$0x0], $0xffff  }
0xd1: {  	s18 =	simm.s32 $0x200;
	v16 =	vld [tilespmem:s17+$0x600]  }
0xd2: {  	v17 =	vld.idx.msk [tilespmem:v13+s18+$0x0], $0xffff;
	_ =	sdelay $0x2  }
0xd3: {  	s19 =	simm.s32 $0x980;
	v18 =	vadd.s32 v14, v15  }
0xd4: {  	v14 =	vadd.s32 v14, v16;
	[tilespmem:v0+s19+$0x0] =	vst.idx.msk $0x3fff, v18  }
0xd5: {  	[tilespmem:v6+s19+$0x0] =	vst.idx.msk $0x3fff, v14;
	v14 =	vadd.s32 v17, v15  }
0xd6: {  	[tilespmem:v7+s19+$0x0] =	vst.idx.msk $0x3fff, v14;
	v14 =	vadd.s32 v17, v16  }
0xd7: {  	[tilespmem:v8+s19+$0x0] =	vst.idx.msk $0x3fff, v14  }
0xd8: {  	v14 =	vld [tilespmem:$0x980];
	_ =	sdelay $0x4  }
0xd9: {  	v15 =	vshll.u32 v14, $0x1  }
0xda: {  	v14 =	vand.u32 $0x7, v14;
	v15 =	vand.u32 $0xFFFFFFF0, v15  }
0xdb: {  	v14 =	vor.u32 v14, v15  }
0xdc: {  	v15 =	vperm.xlane v14, v10;
	_ =	sdelay $0x1  }
0xdd: {  	v14 =	vperm.xlane v14, v12;
	v15 =	vadd.s32 v11, v15;
	_ =	sdelay $0x1  }
0xde: {  	v14 =	vadd.s32 v11, v14;
	_ =	sdelay $0x1  }
0xdf: {  	s20 =	rddreg [dreg:$0x0];
	s21 =	simm.s32 $0x4200  }
0xe0: {  	[tilespmem:s21], [sflag:$0x2] =	stream.indirect_vreg.gather [hbm4b:s20+s4], $0x80, v15, vm0, $0xb8;
	[tilespmem:$0x9680] =	vst v63  }
0xe1: {  	s22 =	simm.s32 $0x4A00  }
0xe2: {  	[tilespmem:s22], [sflag:$0x2] =	stream.indirect_vreg.gather [hbm4b:s20+s4], $0x80, v14, vm0, $0xb8;
	[tilespmem:$0x9680] =	vst v63  }
0xe3: {  	v14 =	vld [tilespmem:$0x990];
	_ =	sdelay $0x4  }
0xe4: {  	v15 =	vshll.u32 v14, $0x1  }
0xe5: {  	v14 =	vand.u32 $0x7, v14;
	v15 =	vand.u32 $0xFFFFFFF0, v15  }
0xe6: {  	v14 =	vor.u32 v14, v15  }
0xe7: {  	v15 =	vperm.xlane v14, v10;
	_ =	sdelay $0x1  }
0xe8: {  	v14 =	vperm.xlane v14, v12;
	v15 =	vadd.s32 v11, v15;
	_ =	sdelay $0x1  }
0xe9: {  	v14 =	vadd.s32 v11, v14;
	_ =	sdelay $0x1  }
0xea: {  	s23 =	simm.s32 $0x5200  }
0xeb: {  	[tilespmem:s23], [sflag:$0x2] =	stream.indirect_vreg.gather [hbm4b:s20+s4], $0x80, v15, vm0, $0xb8;
	[tilespmem:$0x9680] =	vst v63  }
0xec: {  	s24 =	simm.s32 $0x5A00  }
0xed: {  	[tilespmem:s24], [sflag:$0x2] =	stream.indirect_vreg.gather [hbm4b:s20+s4], $0x80, v14, vm0, $0xb8;
	[tilespmem:$0x9680] =	vst v63  }
0xee: {  	v14 =	vld [tilespmem:$0x9A0];
	_ =	sdelay $0x4  }
0xef: {  	v15 =	vshll.u32 v14, $0x1  }
0xf0: {  	v14 =	vand.u32 $0x7, v14;
	v15 =	vand.u32 $0xFFFFFFF0, v15  }
0xf1: {  	v14 =	vor.u32 v14, v15  }
0xf2: {  	v15 =	vperm.xlane v14, v10;
	_ =	sdelay $0x1  }
0xf3: {  	v14 =	vperm.xlane v14, v12;
	v15 =	vadd.s32 v11, v15;
	_ =	sdelay $0x1  }
0xf4: {  	v14 =	vadd.s32 v11, v14;
	_ =	sdelay $0x1  }
0xf5: {  	s25 =	simm.s32 $0x6200  }
0xf6: {  	[tilespmem:s25], [sflag:$0x2] =	stream.indirect_vreg.gather [hbm4b:s20+s4], $0x80, v15, vm0, $0xb8;
	[tilespmem:$0x9680] =	vst v63  }
0xf7: {  	s26 =	simm.s32 $0x6A00  }
0xf8: {  	[tilespmem:s26], [sflag:$0x2] =	stream.indirect_vreg.gather [hbm4b:s20+s4], $0x80, v14, vm0, $0xb8;
	[tilespmem:$0x9680] =	vst v63  }
0xf9: {  	v14 =	vld.msk [tilespmem:$0x9B0], $0xff;
	_ =	sdelay $0x2  }
0xfa: {  	s8 =	sshll.u32 s6, $0x1  }
0xfb: {  	s3 =	sand.u32 $0xFE, s8  }
0xfc: {  	s0 =	sshrl.u32 s3, $0x1;
	v15 =	vshll.u32 v14, $0x1  }
0xfd: {  	s0 =	smul.u32 $0x93, s0;
	v14 =	vand.u32 $0x7, v14;
	v15 =	vand.u32 $0xFFFFFFF0, v15  }
0xfe: {  	v14 =	vor.u32 v14, v15  }
0xff: {  	s0 =	sshrl.u32 s0, $0xA;
	v14 =	vperm.xlane v14, v10  }
0x100: {  	s0 =	smul.u32 $0xE, s0  }
0x101: {  	v14 =	vadd.s32 v11, v14  }
0x102: {  	[dreg:$0xf] =	wrdreg s8;
	s0 =	ssub.s32 s8, s0  }
0x103: {  	[dreg:$0xb] =	wrdreg s2;
	s0 =	sand.u32 $0xFF, s0  }
0x104: {  	s9 =	simm.s32 $0x7200;
	[dreg:$0x10] =	wrdreg s0;
	s0 =	sshll.u32 s0, $0x4  }
0x105: {  	s10 =	simm.s32 $0x1;
	[dreg:$0xe] =	wrdreg s7;
	s0 =	sadd.s32 s0, s7  }
0x106: {  	[tilespmem:s9], [sflag:$0x2] =	stream.indirect_vreg.gather [hbm4b:s20+s4], $0x80, v14, vm0, $0xb8;
	[tilespmem:$0x9680] =	vst v63  }
0x107: {  	s0 =	sadd.s32 $0x10, s0;
	_ =	swait.ge [sflag:s10], $0x3800  }
0x108: {  	p0 =	seq.s32 s6, $0x0;
	v14 =	vmov s0;
	[sflag:s10] =	ssyncset.done $0x0  }
0x109: {  	s0 =	simm.s32 @!p0 $0x3;
	[dreg:$0xa] =	wrdreg s6;
	[sflag:s10] =	ssyncadd.s32 $0xFFFFC800  }
0x10a: {  	_ =	swait.ge @!p0 [sflag:s0], $0xE00  }
0x10b: {  	[sflag:s0] =	ssyncset.done @!p0 $0x0  }
0x10c: {  	s12 =	simm.s32 $0x300;
	[sflag:s0] =	ssyncadd.s32 @!p0 $0xFFFFF200  }
0x10d: {  	v15 =	vld.idx.msk [tilespmem:v14+s12+$0x0], $0xffff  }
0x10e: {  	v16 =	vld [tilespmem:s17+$0x700]  }
0x10f: {  	v17 =	vld [tilespmem:s17+$0x800]  }
0x110: {  	v14 =	vld.idx.msk [tilespmem:v14+s11+$0x0], $0xffff;
	_ =	sdelay $0x2  }
0x111: {  	s13 =	simm.s32 $0x1;
	v18 =	vmul.f32 v16, v15  }
0x112: {  	v19 =	vmov s13;
	v15 =	vmul.f32 v17, v15  }
0x113: {  	v16 =	vmul.f32 v16, v14;
	[tilespmem:$0x9600] =	vst v18  }
0x114: {  	s14 =	simm.s32 $0x80;
	s15 =	simm.s32 $0x0;
	v14 =	vmul.f32 v17, v14;
	[tilespmem:$0x9610] =	vst v15  }
0x115: {  	s16 =	simm.s32 $0xF00;
	[dreg:$0xc] =	wrdreg s17;
	s17 =	simm.s32 $0x780;
	v18 =	vor.u32 $0x10, v19;
	[tilespmem:$0x9620] =	vst v16  }
0x116: {  	s2 =	sand.u32 $0x800, s15;
	s3 =	sand.u32 $0x1800, s16;
	s5 =	sand.u32 $0x380, s17;
	[tilespmem:$0x9630] =	vst v14;
	v14 =	vor.u32 $0x20, v19  }
0x117: {  	s18 =	sadd.s32 $0xA00, s2;
	s0 =	sand.u32 $0x380, s14;
	s5 =	sor.u32 s5, s3;
	v34 =	vld.idx.msk [tilespmem:v19+s1+$0x0], $0xffff  }
0x118: {  	s19 =	simm.s32 $0x1D00;
	s7 =	sadd.s32 s0, s18;
	v16 =	vld [tilespmem:s5+$0xA00]  }
0x119: {  	s21 =	sand.u32 $0x3800, s19;
	s23 =	simm.s32 $0x1580;
	s20 =	simm.s32 $0xE80;
	v15 =	vor.u32 $0x30, v19;
	v17 =	vld [tilespmem:s7+$0x0]  }
0x11a: {  	s24 =	simm.s32 $0x2B00;
	s25 =	simm.s32 $0x0;
	s22 =	sand.u32 $0x380, s20;
	v36 =	vld.idx.msk [tilespmem:v18+s1+$0x0], $0xffff  }
0x11b: {  	s26 =	sand.u32 $0x3800, s24;
	s2 =	sor.u32 s22, s21;
	s3 =	sand.u32 $0x380, s23;
	v35 =	vld.idx.msk [tilespmem:v14+s1+$0x0], $0xffff  }
0x11c: {  	s0 =	sor.u32 s3, s26;
	v14 =	vmov s25;
	v18 =	vld [tilespmem:s2+$0xA00]  }
0x11d: {  	v20 =	vld [tilespmem:s0+$0xA00];
	v19 =	vor.u32 $0x30, v14  }
0x11e: {  	v37 =	vld.idx.msk [tilespmem:v15+s1+$0x0], $0xffff;
	v15 =	vor.u32 $0x20, v14  }
0x11f: {  	v17 =	vmul.f32 v17, v34;
	v22 =	vmul.f32 v16, v36  }
0x120: {  	v21 =	vor.u32 $0x10, v14  }
0x121: {  	s8 =	simm.s32 $0x0;
	v16 =	vld.idx.msk [tilespmem:v14+s1+$0x0], $0xffff;
	v18 =	vmul.f32 v18, v35;
	v17 =	vadd.f32 v22, v17  }
0x122: {  	s9 =	simm.s32 $0x700;
	s3 =	sand.u32 $0x300, s8;
	v14 =	vld.idx.msk [tilespmem:v19+s1+$0x0], $0xffff  }
0x123: {  	s9 =	sand.u32 $0x300, s9;
	s10 =	simm.s32 $0xE00;
	s26 =	sadd.s32 s3, s18;
	v15 =	vld.idx.msk [tilespmem:v15+s1+$0x0], $0xffff;
	v19 =	vmul.f32 v20, v37;
	v18 =	vadd.f32 v18, v17  }
0x124: {  	s11 =	simm.s32 $0x1C00;
	s12 =	simm.s32 $0xE00;
	s8 =	sand.u32 $0x1800, s10;
	v20 =	vld [tilespmem:s26+$0x0]  }
0x125: {  	s6 =	sand.u32 $0x300, s12;
	s3 =	sand.u32 $0x3800, s11;
	s25 =	sor.u32 s9, s8;
	v17 =	vld.idx.msk [tilespmem:v21+s1+$0x0], $0xffff;
	v18 =	vadd.f32 v19, v18  }
0x126: {  	s22 =	simm.s32 $0x7B00;
	s23 =	sor.u32 s6, s3;
	v19 =	vld [tilespmem:s25+$0xA00]  }
0x127: {  	s13 =	simm.s32 $0x2A00;
	s14 =	simm.s32 $0x1500;
	v21 =	vld [tilespmem:s23+$0xA00];
	[tilespmem:s22+$0x0] =	vst v18  }
0x128: {  	s3 =	sand.u32 $0x3800, s13;
	s6 =	sand.u32 $0x300, s14;
	v18 =	vld [tilespmem:s7+$0x10]  }
0x129: {  	s24 =	sor.u32 s6, s3;
	v22 =	vld [tilespmem:s5+$0xA10]  }
0x12a: {  	v23 =	vld [tilespmem:s24+$0xA00]  }
0x12b: {  	v20 =	vmul.f32 v20, v16;
	v24 =	vld [tilespmem:s2+$0xA10];
	v19 =	vmul.f32 v19, v17;
	_ =	sdelay $0x1  }
0x12c: {  	v21 =	vmul.f32 v21, v15;
	v19 =	vadd.f32 v19, v20;
	v20 =	vld [tilespmem:s0+$0xA10]  }
0x12d: {  	v18 =	vmul.f32 v18, v34;
	v22 =	vmul.f32 v22, v36  }
0x12e: {  	v23 =	vmul.f32 v23, v14;
	v19 =	vadd.f32 v21, v19  }
0x12f: {  	v21 =	vmul.f32 v24, v35;
	v18 =	vadd.f32 v22, v18  }
0x130: {  	v19 =	vadd.f32 v23, v19  }
0x131: {  	v18 =	vadd.f32 v21, v18;
	v20 =	vmul.f32 v20, v37  }
0x132: {  	[tilespmem:s22+$0xFFFFFF00] =	vst v19  }
0x133: {  	v19 =	vld [tilespmem:s26+$0x10];
	v18 =	vadd.f32 v20, v18  }
0x134: {  	v20 =	vld [tilespmem:s25+$0xA10]  }
0x135: {  	v21 =	vld [tilespmem:s23+$0xA10];
	[tilespmem:s22+$0x10] =	vst v18  }
0x136: {  	v18 =	vld [tilespmem:s7+$0x20]  }
0x137: {  	v22 =	vld [tilespmem:s5+$0xA20]  }
0x138: {  	v23 =	vld [tilespmem:s24+$0xA10]  }
0x139: {  	v24 =	vld [tilespmem:s2+$0xA20];
	v19 =	vmul.f32 v19, v16;
	v20 =	vmul.f32 v20, v17;
	_ =	sdelay $0x1  }
0x13a: {  	v21 =	vmul.f32 v21, v15;
	v19 =	vadd.f32 v20, v19;
	v20 =	vld [tilespmem:s0+$0xA20]  }
0x13b: {  	v18 =	vmul.f32 v18, v34;
	v22 =	vmul.f32 v22, v36  }
0x13c: {  	v23 =	vmul.f32 v23, v14;
	v19 =	vadd.f32 v21, v19  }
0x13d: {  	v21 =	vmul.f32 v24, v35;
	v18 =	vadd.f32 v22, v18  }
0x13e: {  	v19 =	vadd.f32 v23, v19  }
0x13f: {  	v18 =	vadd.f32 v21, v18;
	v20 =	vmul.f32 v20, v37  }
0x140: {  	[tilespmem:s22+$0xFFFFFF10] =	vst v19  }
0x141: {  	v19 =	vld [tilespmem:s26+$0x20];
	v18 =	vadd.f32 v20, v18  }
0x142: {  	v20 =	vld [tilespmem:s25+$0xA20]  }
0x143: {  	v21 =	vld [tilespmem:s23+$0xA20];
	[tilespmem:s22+$0x20] =	vst v18  }
0x144: {  	v18 =	vld [tilespmem:s7+$0x30]  }
0x145: {  	v22 =	vld [tilespmem:s5+$0xA30]  }
0x146: {  	v23 =	vld [tilespmem:s24+$0xA20]  }
0x147: {  	v24 =	vld [tilespmem:s2+$0xA30];
	v19 =	vmul.f32 v19, v16;
	v20 =	vmul.f32 v20, v17;
	_ =	sdelay $0x1  }
0x148: {  	v21 =	vmul.f32 v21, v15;
	v19 =	vadd.f32 v20, v19;
	v20 =	vld [tilespmem:s0+$0xA30]  }
0x149: {  	v18 =	vmul.f32 v18, v34;
	v22 =	vmul.f32 v22, v36  }
0x14a: {  	v23 =	vmul.f32 v23, v14;
	v19 =	vadd.f32 v21, v19  }
0x14b: {  	v21 =	vmul.f32 v24, v35;
	v18 =	vadd.f32 v22, v18  }
0x14c: {  	v19 =	vadd.f32 v23, v19  }
0x14d: {  	v18 =	vadd.f32 v21, v18;
	v20 =	vmul.f32 v20, v37  }
0x14e: {  	[tilespmem:s22+$0xFFFFFF20] =	vst v19  }
0x14f: {  	v19 =	vld [tilespmem:s26+$0x30];
	v18 =	vadd.f32 v20, v18  }
0x150: {  	v20 =	vld [tilespmem:s25+$0xA30]  }
0x151: {  	v21 =	vld [tilespmem:s23+$0xA30];
	[tilespmem:s22+$0x30] =	vst v18  }
0x152: {  	v18 =	vld [tilespmem:s7+$0x40]  }
0x153: {  	v22 =	vld [tilespmem:s5+$0xA40]  }
0x154: {  	v23 =	vld [tilespmem:s24+$0xA30]  }
0x155: {  	v24 =	vld [tilespmem:s2+$0xA40];
	v19 =	vmul.f32 v19, v16;
	v20 =	vmul.f32 v20, v17;
	_ =	sdelay $0x1  }
0x156: {  	v21 =	vmul.f32 v21, v15;
	v19 =	vadd.f32 v20, v19;
	v20 =	vld [tilespmem:s0+$0xA40]  }
0x157: {  	v18 =	vmul.f32 v18, v34;
	v22 =	vmul.f32 v22, v36  }
0x158: {  	v23 =	vmul.f32 v23, v14;
	v19 =	vadd.f32 v21, v19  }
0x159: {  	v21 =	vmul.f32 v24, v35;
	v18 =	vadd.f32 v22, v18  }
0x15a: {  	v19 =	vadd.f32 v23, v19  }
0x15b: {  	v20 =	vmul.f32 v20, v37;
	v18 =	vadd.f32 v21, v18  }
0x15c: {  	[tilespmem:s22+$0xFFFFFF30] =	vst v19  }
0x15d: {  	v19 =	vld [tilespmem:s26+$0x40];
	v18 =	vadd.f32 v20, v18  }
0x15e: {  	v20 =	vld [tilespmem:s25+$0xA40]  }
0x15f: {  	v21 =	vld [tilespmem:s23+$0xA40];
	[tilespmem:s22+$0x40] =	vst v18  }
0x160: {  	v18 =	vld [tilespmem:s7+$0x50]  }
0x161: {  	v22 =	vld [tilespmem:s5+$0xA50]  }
0x162: {  	v23 =	vld [tilespmem:s24+$0xA40]  }
0x163: {  	v24 =	vld [tilespmem:s2+$0xA50];
	v19 =	vmul.f32 v19, v16;
	v20 =	vmul.f32 v20, v17;
	_ =	sdelay $0x1  }
0x164: {  	v21 =	vmul.f32 v21, v15;
	v19 =	vadd.f32 v20, v19;
	v20 =	vld [tilespmem:s0+$0xA50]  }
0x165: {  	v18 =	vmul.f32 v18, v34;
	v22 =	vmul.f32 v22, v36  }
0x166: {  	v23 =	vmul.f32 v23, v14;
	v19 =	vadd.f32 v21, v19  }
0x167: {  	v21 =	vmul.f32 v24, v35;
	v18 =	vadd.f32 v22, v18  }
0x168: {  	v19 =	vadd.f32 v23, v19  }
0x169: {  	v18 =	vadd.f32 v21, v18;
	v20 =	vmul.f32 v20, v37  }
0x16a: {  	[tilespmem:s22+$0xFFFFFF40] =	vst v19  }
0x16b: {  	v19 =	vld [tilespmem:s26+$0x50];
	v18 =	vadd.f32 v20, v18  }
0x16c: {  	v20 =	vld [tilespmem:s25+$0xA50]  }
0x16d: {  	v21 =	vld [tilespmem:s23+$0xA50];
	[tilespmem:s22+$0x50] =	vst v18  }
0x16e: {  	v18 =	vld [tilespmem:s7+$0x60]  }
0x16f: {  	v22 =	vld [tilespmem:s5+$0xA60]  }
0x170: {  	v23 =	vld [tilespmem:s24+$0xA50]  }
0x171: {  	v24 =	vld [tilespmem:s2+$0xA60]  }
0x172: {  	v19 =	vmul.f32 v19, v16;
	v20 =	vmul.f32 v20, v17  }
0x173: {  	v25 =	vld [tilespmem:s0+$0xA60];
	v21 =	vmul.f32 v21, v15  }
0x174: {  	v19 =	vadd.f32 v20, v19;
	v18 =	vmul.f32 v18, v34;
	v20 =	vmul.f32 v22, v36  }
0x175: {  	v22 =	vmul.f32 v23, v14  }
0x176: {  	v19 =	vadd.f32 v21, v19;
	v18 =	vadd.f32 v20, v18;
	v20 =	vmul.f32 v24, v35;
	_ =	sdelay $0x1  }
0x177: {  	v19 =	vadd.f32 v22, v19;
	v18 =	vadd.f32 v20, v18;
	v20 =	vmul.f32 v25, v37;
	_ =	sdelay $0x1  }
0x178: {  	[tilespmem:s22+$0xFFFFFF50] =	vst v19;
	v18 =	vadd.f32 v20, v18  }
0x179: {  	v19 =	vld [tilespmem:s26+$0x60]  }
0x17a: {  	v20 =	vld [tilespmem:s25+$0xA60];
	[tilespmem:s22+$0x60] =	vst v18  }
0x17b: {  	v18 =	vld [tilespmem:s7+$0x70]  }
0x17c: {  	v21 =	vld [tilespmem:s5+$0xA70];
	_ =	sdelay $0x1  }
0x17d: {  	v23 =	vld [tilespmem:s2+$0xA70]  }
0x17e: {  	v22 =	vld [tilespmem:s23+$0xA60]  }
0x17f: {  	v25 =	vld [tilespmem:s0+$0xA70];
	v19 =	vmul.f32 v19, v16;
	v20 =	vmul.f32 v20, v17  }
0x180: {  	v24 =	vld [tilespmem:s24+$0xA60];
	v18 =	vmul.f32 v18, v34;
	v21 =	vmul.f32 v21, v36;
	_ =	sdelay $0x1  }
0x181: {  	s21 =	simm.s32 $0x880;
	s10 =	simm.s32 $0x1100;
	v19 =	vadd.f32 v20, v19;
	v20 =	vmul.f32 v23, v35;
	v18 =	vadd.f32 v21, v18  }
0x182: {  	s19 =	simm.s32 $0xF80;
	s10 =	sand.u32 $0x1800, s10;
	s11 =	sand.u32 $0x380, s21;
	v22 =	vmul.f32 v22, v15  }
0x183: {  	s18 =	simm.s32 $0x1F00;
	s28 =	sor.u32 s11, s10;
	s10 =	simm.s32 $0x1680;
	v18 =	vadd.f32 v20, v18;
	v20 =	vmul.f32 v25, v37  }
0x184: {  	s11 =	simm.s32 $0x2D00;
	s6 =	sand.u32 $0x3800, s18;
	s8 =	sand.u32 $0x380, s19;
	v19 =	vadd.f32 v22, v19;
	v21 =	vmul.f32 v24, v14  }
0x185: {  	s29 =	sor.u32 s8, s6;
	s8 =	sand.u32 $0x3800, s11;
	s6 =	sand.u32 $0x380, s10;
	v20 =	vadd.f32 v20, v18  }
0x186: {  	v56 =	vld [tilespmem:s29+$0xA00];
	s6 =	sor.u32 s6, s8;
	v19 =	vadd.f32 v21, v19  }
0x187: {  	v39 =	vld [tilespmem:s6+$0xA00];
	[tilespmem:s22+$0x70] =	vst v20  }
0x188: {  	s15 =	simm.s32 $0x2;
	[tilespmem:s22+$0xFFFFFF60] =	vst v19;
	v19 =	vld [tilespmem:s7+$0x400]  }
0x189: {  	v26 =	vmov s15;
	v20 =	vld [tilespmem:s5+$0xE00]  }
0x18a: {  	s16 =	simm.s32 $0x3;
	v21 =	vor.u32 $0x30, v26;
	v24 =	vld [tilespmem:s26+$0x70]  }
0x18b: {  	v22 =	vmov s16;
	v23 =	vld [tilespmem:s2+$0xE00]  }
0x18c: {  	v29 =	vor.u32 $0x20, v22;
	v25 =	vld [tilespmem:s25+$0xA70]  }
0x18d: {  	v28 =	vor.u32 $0x30, v22;
	v30 =	vld [tilespmem:s0+$0xE00]  }
0x18e: {  	v27 =	vld [tilespmem:s23+$0xA70];
	v33 =	vmul.f32 v19, v34;
	v20 =	vmul.f32 v20, v36  }
0x18f: {  	v32 =	vor.u32 $0x10, v22;
	v19 =	vld.idx.msk [tilespmem:v21+s1+$0x0], $0xffff  }
0x190: {  	v21 =	vld.idx.msk [tilespmem:v22+s1+$0x0], $0xffff;
	v23 =	vmul.f32 v23, v35;
	v33 =	vadd.f32 v20, v33  }
0x191: {  	s20 =	simm.s32 $0x200;
	v22 =	vld.idx.msk [tilespmem:v29+s1+$0x0], $0xffff  }
0x192: {  	s17 =	simm.s32 $0x180;
	s9 =	sand.u32 $0x800, s20;
	v29 =	vmul.f32 v30, v37;
	v20 =	vld.idx.msk [tilespmem:v28+s1+$0x0], $0xffff;
	v28 =	vadd.f32 v23, v33  }
0x193: {  	s3 =	sand.u32 $0x380, s17;
	s9 =	sadd.s32 $0xA00, s9;
	v30 =	vld [tilespmem:s28+$0xA00]  }
0x194: {  	s3 =	sadd.s32 s3, s9;
	v23 =	vld.idx.msk [tilespmem:v32+s1+$0x0], $0xffff;
	v28 =	vadd.f32 v29, v28  }
0x195: {  	v29 =	vld [tilespmem:s3+$0x0]  }
0x196: {  	v31 =	vld [tilespmem:s24+$0xA70];
	[tilespmem:s22+$0x80] =	vst v28  }
0x197: {  	v28 =	vld [tilespmem:s7+$0x410]  }
0x198: {  	s13 =	simm.s32 $0x1000;
	s14 =	simm.s32 $0x800;
	v24 =	vmul.f32 v24, v16;
	v25 =	vmul.f32 v25, v17;
	v38 =	vld [tilespmem:s5+$0xE10]  }
0x199: {  	v55 =	vor.u32 $0x10, v26;
	s10 =	sand.u32 $0x1800, s13;
	s11 =	sand.u32 $0x300, s14;
	v18 =	vld.idx.msk [tilespmem:v26+s1+$0x0], $0xffff;
	v26 =	vor.u32 $0x20, v26;
	v27 =	vmul.f32 v27, v15  }
0x19a: {  	s12 =	simm.s32 $0x100;
	s14 =	sor.u32 s11, s10;
	v25 =	vadd.f32 v25, v24;
	v30 =	vmul.f32 v30, v23;
	v40 =	vld [tilespmem:s2+$0xE10];
	v29 =	vmul.f32 v29, v21  }
0x19b: {  	s8 =	sand.u32 $0x300, s12;
	v59 =	vld [tilespmem:s14+$0xA00];
	v31 =	vmul.f32 v31, v14  }
0x19c: {  	s9 =	sadd.s32 s8, s9;
	v25 =	vadd.f32 v27, v25;
	v27 =	vadd.f32 v30, v29;
	v29 =	vmul.f32 v56, v22;
	v30 =	vld [tilespmem:s0+$0xE10]  }
0x19d: {  	s15 =	simm.s32 $0x1E00;
	v57 =	vld [tilespmem:s9+$0x0];
	s16 =	simm.s32 $0xF00;
	v28 =	vmul.f32 v28, v34;
	v58 =	vmul.f32 v38, v36  }
0x19e: {  	s8 =	sand.u32 $0x3800, s15;
	s10 =	sand.u32 $0x300, s16;
	v24 =	vld.idx.msk [tilespmem:v55+s1+$0x0], $0xffff;
	v31 =	vadd.f32 v31, v25;
	v27 =	vadd.f32 v29, v27;
	v29 =	vmul.f32 v39, v20  }
0x19f: {  	s17 =	simm.s32 $0x2C00;
	s13 =	simm.s32 $0x1600;
	s12 =	sor.u32 s10, s8;
	v25 =	vld.idx.msk [tilespmem:v26+s1+$0x0], $0xffff;
	v26 =	vadd.f32 v58, v28;
	v28 =	vmul.f32 v40, v35  }
0x1a0: {  	s18 =	sand.u32 $0x3800, s17;
	s19 =	sand.u32 $0x300, s13;
	[tilespmem:s22+$0xFFFFFF70] =	vst v31;
	v31 =	vld [tilespmem:s12+$0xA00];
	v27 =	vadd.f32 v29, v27  }
0x1a1: {  	s31 =	simm.s32 $0x7D00;
	s11 =	sor.u32 s19, s18;
	v45 =	vld [tilespmem:s25+$0xE00];
	v26 =	vadd.f32 v28, v26;
	v28 =	vmul.f32 v30, v37  }
0x1a2: {  	v30 =	vld [tilespmem:s11+$0xA00];
	[tilespmem:s31+$0x0] =	vst v27  }
0x1a3: {  	v60 =	vmul.f32 v59, v24;
	v27 =	vmul.f32 v57, v18;
	v61 =	vld [tilespmem:s3+$0x10];
	v26 =	vadd.f32 v28, v26  }
0x1a4: {  	v28 =	vld [tilespmem:s28+$0xA10]  }
0x1a5: {  	v31 =	vmul.f32 v31, v25;
	v62 =	vld [tilespmem:s29+$0xA10];
	v27 =	vadd.f32 v60, v27;
	[tilespmem:s22+$0x90] =	vst v26  }
0x1a6: {  	v26 =	vld [tilespmem:s7+$0x420]  }
0x1a7: {  	v30 =	vmul.f32 v30, v19;
	v27 =	vadd.f32 v31, v27;
	v31 =	vld [tilespmem:s5+$0xE20]  }
0x1a8: {  	v63 =	vld [tilespmem:s6+$0xA10]  }
0x1a9: {  	v44 =	vld [tilespmem:s2+$0xE20];
	v27 =	vadd.f32 v30, v27;
	v30 =	vmul.f32 v61, v21;
	v28 =	vmul.f32 v28, v23  }
0x1aa: {  	v48 =	vld [tilespmem:s23+$0xE00]  }
0x1ab: {  	[tilespmem:s31+$0xFFFFFF00] =	vst v27;
	v27 =	vadd.f32 v28, v30;
	v28 =	vmul.f32 v62, v22;
	v30 =	vld [tilespmem:s0+$0xE20]  }
0x1ac: {  	v46 =	vld [tilespmem:s9+$0x10];
	v26 =	vmul.f32 v26, v34;
	v31 =	vmul.f32 v31, v36  }
0x1ad: {  	v47 =	vld [tilespmem:s14+$0xA10];
	v27 =	vadd.f32 v28, v27;
	v28 =	vmul.f32 v63, v20  }
0x1ae: {  	v29 =	vld [tilespmem:s26+$0x400];
	v26 =	vadd.f32 v31, v26;
	v31 =	vmul.f32 v44, v35  }
0x1af: {  	v49 =	vld [tilespmem:s12+$0xA10];
	v27 =	vadd.f32 v28, v27  }
0x1b0: {  	v28 =	vld [tilespmem:s24+$0xE00];
	v26 =	vadd.f32 v31, v26;
	v30 =	vmul.f32 v30, v37  }
0x1b1: {  	v31 =	vld [tilespmem:s11+$0xA10];
	[tilespmem:s31+$0x10] =	vst v27  }
0x1b2: {  	v27 =	vmul.f32 v46, v18;
	v50 =	vmul.f32 v47, v24;
	v51 =	vld [tilespmem:s3+$0x20];
	v26 =	vadd.f32 v30, v26  }
0x1b3: {  	v29 =	vmul.f32 v29, v16;
	v30 =	vmul.f32 v45, v17;
	v52 =	vld [tilespmem:s28+$0xA20]  }
0x1b4: {  	v33 =	vmul.f32 v49, v25;
	v53 =	vld [tilespmem:s29+$0xA20];
	v27 =	vadd.f32 v50, v27;
	[tilespmem:s22+$0xA0] =	vst v26  }
0x1b5: {  	v26 =	vadd.f32 v30, v29;
	v29 =	vmul.f32 v48, v15;
	v30 =	vld [tilespmem:s7+$0x430]  }
0x1b6: {  	v31 =	vmul.f32 v31, v19;
	v27 =	vadd.f32 v33, v27;
	v54 =	vld [tilespmem:s5+$0xE30]  }
0x1b7: {  	v28 =	vmul.f32 v28, v14;
	v26 =	vadd.f32 v29, v26;
	v29 =	vld [tilespmem:s6+$0xA20]  }
0x1b8: {  	v27 =	vadd.f32 v31, v27;
	v31 =	vmul.f32 v51, v21;
	v55 =	vmul.f32 v52, v23  }
0x1b9: {  	v56 =	vld [tilespmem:s2+$0xE30]  }
0x1ba: {  	v26 =	vadd.f32 v28, v26;
	v28 =	vmul.f32 v53, v22;
	[tilespmem:s31+$0xFFFFFF10] =	vst v27;
	v27 =	vadd.f32 v55, v31;
	v31 =	vld [tilespmem:s0+$0xE30]  }
0x1bb: {  	v57 =	vld [tilespmem:s9+$0x20];
	v30 =	vmul.f32 v30, v34  }
0x1bc: {  	v33 =	vmul.f32 v54, v36;
	[tilespmem:s22+$0xFFFFFF80] =	vst v26;
	v26 =	vld [tilespmem:s14+$0xA20];
	v27 =	vadd.f32 v28, v27;
	v28 =	vmul.f32 v29, v20  }
0x1bd: {  	v59 =	vld [tilespmem:s12+$0xA20]  }
0x1be: {  	v58 =	vmul.f32 v56, v35;
	v60 =	vld [tilespmem:s11+$0xA20];
	v30 =	vadd.f32 v33, v30;
	v27 =	vadd.f32 v28, v27  }
0x1bf: {  	v29 =	vld [tilespmem:s26+$0x410]  }
0x1c0: {  	v45 =	vld [tilespmem:s23+$0xE10];
	v30 =	vadd.f32 v58, v30;
	v31 =	vmul.f32 v31, v37;
	[tilespmem:s31+$0x20] =	vst v27  }
0x1c1: {  	v27 =	vmul.f32 v57, v18;
	v26 =	vmul.f32 v26, v24;
	v61 =	vld [tilespmem:s3+$0x30]  }
0x1c2: {  	v30 =	vadd.f32 v31, v30;
	v31 =	vld [tilespmem:s28+$0xA30]  }
0x1c3: {  	v38 =	vmul.f32 v59, v25;
	v63 =	vld [tilespmem:s6+$0xA30];
	v26 =	vadd.f32 v26, v27  }
0x1c4: {  	v27 =	vld [tilespmem:s29+$0xA30];
	[tilespmem:s22+$0xB0] =	vst v30  }
0x1c5: {  	v33 =	vmul.f32 v60, v19;
	v30 =	vld [tilespmem:s7+$0x440];
	v26 =	vadd.f32 v38, v26  }
0x1c6: {  	v62 =	vld [tilespmem:s5+$0xE40]  }
0x1c7: {  	v28 =	vld [tilespmem:s25+$0xE10];
	v26 =	vadd.f32 v33, v26;
	v32 =	vmul.f32 v61, v21;
	v31 =	vmul.f32 v31, v23  }
0x1c8: {  	v44 =	vld [tilespmem:s2+$0xE40]  }
0x1c9: {  	v27 =	vmul.f32 v27, v22;
	[tilespmem:s31+$0xFFFFFF20] =	vst v26;
	v26 =	vadd.f32 v31, v32;
	v31 =	vld [tilespmem:s0+$0xE40]  }
0x1ca: {  	v46 =	vld [tilespmem:s9+$0x30];
	v30 =	vmul.f32 v30, v34  }
0x1cb: {  	v38 =	vmul.f32 v62, v36;
	v41 =	vld [tilespmem:s14+$0xA30];
	v26 =	vadd.f32 v27, v26;
	v27 =	vmul.f32 v63, v20  }
0x1cc: {  	v47 =	vld [tilespmem:s24+$0xE10];
	v29 =	vmul.f32 v29, v16;
	v28 =	vmul.f32 v28, v17  }
0x1cd: {  	v33 =	vmul.f32 v44, v35;
	v48 =	vld [tilespmem:s12+$0xA30];
	v30 =	vadd.f32 v38, v30;
	v26 =	vadd.f32 v27, v26  }
0x1ce: {  	v28 =	vadd.f32 v28, v29  }
0x1cf: {  	v29 =	vmul.f32 v45, v15;
	v27 =	vadd.f32 v33, v30;
	v30 =	vmul.f32 v31, v37;
	v31 =	vld [tilespmem:s11+$0xA30];
	[tilespmem:s31+$0x30] =	vst v26  }
0x1d0: {  	v26 =	vmul.f32 v46, v18;
	v49 =	vmul.f32 v41, v24;
	v50 =	vld [tilespmem:s29+$0xA40]  }
0x1d1: {  	v28 =	vadd.f32 v29, v28;
	v27 =	vadd.f32 v30, v27;
	v29 =	vld [tilespmem:s3+$0x40]  }
0x1d2: {  	v38 =	vmul.f32 v48, v25;
	v30 =	vmul.f32 v47, v14;
	v51 =	vld [tilespmem:s28+$0xA40];
	v26 =	vadd.f32 v49, v26  }
0x1d3: {  	v52 =	vld [tilespmem:s6+$0xA40];
	[tilespmem:s22+$0xC0] =	vst v27  }
0x1d4: {  	v28 =	vadd.f32 v30, v28;
	v27 =	vld [tilespmem:s7+$0x450];
	v30 =	vmul.f32 v31, v19;
	v26 =	vadd.f32 v38, v26  }
0x1d5: {  	v31 =	vld [tilespmem:s5+$0xE50]  }
0x1d6: {  	v53 =	vld [tilespmem:s0+$0xE50];
	v26 =	vadd.f32 v30, v26  }
0x1d7: {  	[tilespmem:s22+$0xFFFFFF90] =	vst v28;
	v28 =	vld [tilespmem:s2+$0xE50];
	v29 =	vmul.f32 v29, v21;
	v32 =	vmul.f32 v51, v23  }
0x1d8: {  	v30 =	vld [tilespmem:s26+$0x420];
	[tilespmem:s31+$0xFFFFFF30] =	vst v26  }
0x1d9: {  	v26 =	vmul.f32 v50, v22;
	v29 =	vadd.f32 v32, v29;
	v54 =	vld [tilespmem:s9+$0x40]  }
0x1da: {  	v27 =	vmul.f32 v27, v34;
	v31 =	vmul.f32 v31, v36;
	v55 =	vld [tilespmem:s14+$0xA40]  }
0x1db: {  	v38 =	vmul.f32 v52, v20;
	v56 =	vld [tilespmem:s25+$0xE20];
	v26 =	vadd.f32 v26, v29  }
0x1dc: {  	v28 =	vmul.f32 v28, v35;
	v29 =	vld [tilespmem:s12+$0xA40];
	v27 =	vadd.f32 v31, v27  }
0x1dd: {  	v58 =	vld [tilespmem:s24+$0xE20];
	v26 =	vadd.f32 v38, v26  }
0x1de: {  	v57 =	vld [tilespmem:s11+$0xA40];
	v27 =	vadd.f32 v28, v27;
	v28 =	vmul.f32 v53, v37  }
0x1df: {  	v31 =	vld [tilespmem:s23+$0xE20];
	v39 =	vmul.f32 v54, v18;
	v32 =	vmul.f32 v55, v24;
	[tilespmem:s31+$0x40] =	vst v26  }
0x1e0: {  	v26 =	vadd.f32 v28, v27;
	v27 =	vld [tilespmem:s3+$0x50]  }
0x1e1: {  	v28 =	vmul.f32 v29, v25;
	v59 =	vld [tilespmem:s28+$0xA50];
	v29 =	vadd.f32 v32, v39  }
0x1e2: {  	v60 =	vmul.f32 v56, v17;
	v61 =	vld [tilespmem:s29+$0xA50];
	[tilespmem:s22+$0xD0] =	vst v26  }
0x1e3: {  	v33 =	vmul.f32 v57, v19;
	v26 =	vmul.f32 v30, v16;
	v30 =	vld [tilespmem:s7+$0x460];
	v28 =	vadd.f32 v28, v29  }
0x1e4: {  	v29 =	vld [tilespmem:s5+$0xE60]  }
0x1e5: {  	v63 =	vld [tilespmem:s6+$0xA50];
	v31 =	vmul.f32 v31, v15;
	v26 =	vadd.f32 v60, v26;
	v28 =	vadd.f32 v33, v28  }
0x1e6: {  	v62 =	vld [tilespmem:s2+$0xE60]  }
0x1e7: {  	v26 =	vadd.f32 v31, v26;
	v31 =	vmul.f32 v58, v14;
	[tilespmem:s31+$0xFFFFFF40] =	vst v28;
	v28 =	vld [tilespmem:s0+$0xE60]  }
0x1e8: {  	v27 =	vmul.f32 v27, v21;
	v32 =	vmul.f32 v59, v23;
	v44 =	vld [tilespmem:s9+$0x50]  }
0x1e9: {  	v26 =	vadd.f32 v31, v26;
	v30 =	vmul.f32 v30, v34;
	v29 =	vmul.f32 v29, v36;
	v31 =	vld [tilespmem:s14+$0xA50]  }
0x1ea: {  	v45 =	vmul.f32 v61, v22;
	v27 =	vadd.f32 v32, v27;
	v46 =	vld [tilespmem:s12+$0xA50]  }
0x1eb: {  	[tilespmem:s22+$0xFFFFFFA0] =	vst v26;
	v26 =	vadd.f32 v29, v30;
	v29 =	vmul.f32 v62, v35;
	v30 =	vld [tilespmem:s11+$0xA50]  }
0x1ec: {  	v47 =	vmul.f32 v63, v20;
	v27 =	vadd.f32 v45, v27;
	v48 =	vld [tilespmem:s26+$0x430]  }
0x1ed: {  	v26 =	vadd.f32 v29, v26;
	v28 =	vmul.f32 v28, v37;
	v29 =	vld [tilespmem:s25+$0xE30]  }
0x1ee: {  	v27 =	vadd.f32 v47, v27;
	v38 =	vmul.f32 v44, v18;
	v31 =	vmul.f32 v31, v24  }
0x1ef: {  	v49 =	vld [tilespmem:s23+$0xE30]  }
0x1f0: {  	[tilespmem:s31+$0x50] =	vst v27;
	v27 =	vld [tilespmem:s24+$0xE30];
	v26 =	vadd.f32 v28, v26;
	v28 =	vmul.f32 v46, v25;
	v31 =	vadd.f32 v31, v38  }
0x1f1: {  	v50 =	vld [tilespmem:s3+$0x60];
	v30 =	vmul.f32 v30, v19  }
0x1f2: {  	[tilespmem:s22+$0xE0] =	vst v26;
	v26 =	vmul.f32 v48, v16;
	v28 =	vadd.f32 v28, v31;
	v29 =	vmul.f32 v29, v17;
	v31 =	vld [tilespmem:s28+$0xA60]  }
0x1f3: {  	v39 =	vld [tilespmem:s7+$0x470]  }
0x1f4: {  	v32 =	vmul.f32 v49, v15;
	v28 =	vadd.f32 v30, v28;
	v26 =	vadd.f32 v29, v26;
	v29 =	vld [tilespmem:s29+$0xA60]  }
0x1f5: {  	v40 =	vld [tilespmem:s5+$0xE70]  }
0x1f6: {  	v27 =	vmul.f32 v27, v14;
	[tilespmem:s31+$0xFFFFFF50] =	vst v28;
	v26 =	vadd.f32 v32, v26;
	v28 =	vld [tilespmem:s6+$0xA60]  }
0x1f7: {  	v51 =	vmul.f32 v50, v21;
	v30 =	vld [tilespmem:s9+$0x60];
	v31 =	vmul.f32 v31, v23  }
0x1f8: {  	v26 =	vadd.f32 v27, v26;
	v27 =	vld [tilespmem:s14+$0xA60]  }
0x1f9: {  	v38 =	vld [tilespmem:s2+$0xE70];
	v31 =	vadd.f32 v31, v51;
	v29 =	vmul.f32 v29, v22  }
0x1fa: {  	v52 =	vld [tilespmem:s12+$0xA60]  }
0x1fb: {  	[tilespmem:s22+$0xFFFFFFB0] =	vst v26;
	v26 =	vld [tilespmem:s11+$0xA60];
	v29 =	vadd.f32 v29, v31;
	v28 =	vmul.f32 v28, v20  }
0x1fc: {  	v31 =	vld [tilespmem:s26+$0x440]  }
0x1fd: {  	v53 =	vld [tilespmem:s25+$0xE40];
	v30 =	vmul.f32 v30, v18;
	v27 =	vmul.f32 v27, v24;
	v28 =	vadd.f32 v28, v29  }
0x1fe: {  	v54 =	vld [tilespmem:s24+$0xE40]  }
0x1ff: {  	s20 =	simm.s32 $0x4;
	v33 =	vmul.f32 v52, v25;
	v29 =	vld [tilespmem:s23+$0xE40];
	v27 =	vadd.f32 v27, v30;
	[tilespmem:s31+$0x60] =	vst v28  }
0x200: {  	s17 =	simm.s32 $0x980;
	v42 =	vmov s20;
	s13 =	simm.s32 $0x1080;
	v30 =	vld [tilespmem:s3+$0x70]  }
0x201: {  	s20 =	sand.u32 $0x380, s13;
	s16 =	simm.s32 $0x1300;
	s5 =	simm.s32 $0x2100;
	v26 =	vmul.f32 v26, v19;
	v28 =	vmul.f32 v31, v16;
	v31 =	vld [tilespmem:s28+$0xA70];
	v27 =	vadd.f32 v33, v27  }
0x202: {  	s8 =	sand.u32 $0x1800, s16;
	s10 =	sand.u32 $0x380, s17;
	v43 =	vld [tilespmem:s0+$0xE70];
	s19 =	sand.u32 $0x3800, s5;
	v32 =	vmul.f32 v53, v17  }
0x203: {  	s10 =	sor.u32 s10, s8;
	s8 =	sor.u32 s20, s19;
	v26 =	vadd.f32 v26, v27;
	v27 =	vld [tilespmem:s29+$0xA70]  }
0x204: {  	v34 =	vmul.f32 v39, v34;
	v39 =	vld [tilespmem:s8+$0xA00];
	v29 =	vmul.f32 v29, v15;
	v32 =	vadd.f32 v32, v28  }
0x205: {  	v55 =	vmul.f32 v54, v14;
	[tilespmem:s31+$0xFFFFFF60] =	vst v26;
	v26 =	vld [tilespmem:s6+$0xA70]  }
0x206: {  	v28 =	vld.idx.msk [tilespmem:v42+s1+$0x0], $0xffff;
	v29 =	vadd.f32 v29, v32;
	v30 =	vmul.f32 v30, v21;
	v31 =	vmul.f32 v31, v23  }
0x207: {  	v56 =	vld [tilespmem:s9+$0x70]  }
0x208: {  	v57 =	vld [tilespmem:s14+$0xA70];
	v29 =	vadd.f32 v55, v29;
	v30 =	vadd.f32 v31, v30;
	v27 =	vmul.f32 v27, v22  }
0x209: {  	v58 =	vld [tilespmem:s12+$0xA70];
	v31 =	vor.u32 $0x30, v42  }
0x20a: {  	v44 =	vld [tilespmem:s11+$0xA70];
	[tilespmem:s22+$0xFFFFFFC0] =	vst v29;
	v27 =	vadd.f32 v27, v30;
	v26 =	vmul.f32 v26, v20  }
0x20b: {  	v45 =	vld [tilespmem:s26+$0x450]  }
0x20c: {  	v46 =	vld [tilespmem:s25+$0xE50];
	v27 =	vadd.f32 v26, v27  }
0x20d: {  	v41 =	vld [tilespmem:s23+$0xE50];
	v29 =	vmul.f32 v56, v18;
	v59 =	vmul.f32 v57, v24  }
0x20e: {  	v26 =	vld.idx.msk [tilespmem:v31+s1+$0x0], $0xffff;
	[tilespmem:s31+$0x70] =	vst v27  }
0x20f: {  	v33 =	vmul.f32 v58, v25;
	v29 =	vadd.f32 v59, v29;
	v31 =	vld [tilespmem:s3+$0x400]  }
0x210: {  	v30 =	vor.u32 $0x20, v42;
	v61 =	vld [tilespmem:s28+$0xE00]  }
0x211: {  	v47 =	vld [tilespmem:s24+$0xE50];
	v60 =	vmul.f32 v44, v19;
	v29 =	vadd.f32 v33, v29  }
0x212: {  	s15 =	simm.s32 $0x400;
	v42 =	vor.u32 $0x10, v42;
	v62 =	vld [tilespmem:s29+$0xE00]  }
0x213: {  	s2 =	simm.s32 $0x280;
	s7 =	sand.u32 $0x800, s15;
	v58 =	vld [tilespmem:s10+$0xA00];
	v29 =	vadd.f32 v60, v29  }
0x214: {  	s21 =	simm.s32 $0x5;
	s18 =	sadd.s32 $0xA00, s7;
	s0 =	sand.u32 $0x380, s2;
	v49 =	vld [tilespmem:s6+$0xE00]  }
0x215: {  	s30 =	sadd.s32 s0, s18;
	v27 =	vld.idx.msk [tilespmem:v30+s1+$0x0], $0xffff;
	v30 =	vmov s21;
	[tilespmem:s31+$0xFFFFFF70] =	vst v29;
	v29 =	vmul.f32 v31, v21;
	v31 =	vmul.f32 v61, v23  }
0x216: {  	v59 =	vld [tilespmem:s30+$0x0];
	v63 =	vor.u32 $0x30, v30  }
0x217: {  	v33 =	vld.idx.msk [tilespmem:v42+s1+$0x0], $0xffff;
	v50 =	vor.u32 $0x10, v30;
	v32 =	vmul.f32 v62, v22;
	v52 =	vadd.f32 v31, v29  }
0x218: {  	v48 =	vor.u32 $0x20, v30;
	v51 =	vld [tilespmem:s9+$0x400]  }
0x219: {  	v44 =	vld [tilespmem:s14+$0xE00];
	v57 =	vmul.f32 v49, v20;
	v56 =	vadd.f32 v32, v52  }
0x21a: {  	v30 =	vld.idx.msk [tilespmem:v30+s1+$0x0], $0xffff  }
0x21b: {  	v29 =	vld.idx.msk [tilespmem:v63+s1+$0x0], $0xffff;
	v42 =	vadd.f32 v57, v56  }
0x21c: {  	v32 =	vld.idx.msk [tilespmem:v50+s1+$0x0], $0xffff  }
0x21d: {  	s0 =	simm.s32 $0x1780;
	s20 =	simm.s32 $0x2F00;
	v36 =	vmul.f32 v40, v36;
	v31 =	vld.idx.msk [tilespmem:v48+s1+$0x0], $0xffff;
	[tilespmem:s31+$0x80] =	vst v42  }
0x21e: {  	s15 =	sand.u32 $0x3800, s20;
	s16 =	sand.u32 $0x380, s0;
	v60 =	vmul.f32 v45, v16;
	v61 =	vmul.f32 v46, v17;
	v62 =	vld [tilespmem:s3+$0x410]  }
0x21f: {  	s17 =	simm.s32 $0x1200;
	s7 =	sor.u32 s16, s15;
	v35 =	vmul.f32 v38, v35;
	v34 =	vadd.f32 v36, v34;
	s21 =	simm.s32 $0x200;
	v63 =	vld [tilespmem:s28+$0xE10]  }
0x220: {  	s5 =	sand.u32 $0x1800, s17;
	s19 =	simm.s32 $0x2000;
	v37 =	vmul.f32 v43, v37;
	v53 =	vld [tilespmem:s7+$0xA00];
	s2 =	sand.u32 $0x300, s21;
	v40 =	vadd.f32 v61, v60;
	v52 =	vmul.f32 v41, v15  }
0x221: {  	s19 =	sand.u32 $0x3800, s19;
	v34 =	vadd.f32 v35, v34;
	s2 =	sadd.s32 s2, s18;
	s18 =	simm.s32 $0x900;
	v54 =	vmul.f32 v59, v30;
	v55 =	vmul.f32 v58, v32;
	v56 =	vld [tilespmem:s29+$0xE10]  }
0x222: {  	s15 =	simm.s32 $0x2E00;
	s21 =	simm.s32 $0x1000;
	s13 =	sand.u32 $0x300, s18;
	v59 =	vld [tilespmem:s2+$0x0];
	v44 =	vmul.f32 v44, v24;
	v57 =	vmul.f32 v47, v14;
	v40 =	vadd.f32 v52, v40  }
0x223: {  	s18 =	simm.s32 $0x1700;
	s16 =	sor.u32 s13, s5;
	s13 =	sand.u32 $0x300, s21;
	v60 =	vmul.f32 v39, v31;
	v58 =	vmul.f32 v51, v18;
	v36 =	vld [tilespmem:s6+$0xE10];
	v35 =	vadd.f32 v55, v54  }
0x224: {  	s17 =	sand.u32 $0x3800, s15;
	v34 =	vadd.f32 v37, v34;
	s21 =	sor.u32 s13, s19;
	s19 =	sand.u32 $0x300, s18;
	v39 =	vld [tilespmem:s16+$0xA00];
	v61 =	vmul.f32 v62, v21;
	v38 =	vmul.f32 v63, v23  }
0x225: {  	s13 =	sor.u32 s19, s17;
	v35 =	vadd.f32 v60, v35;
	v62 =	vadd.f32 v57, v40;
	v40 =	vld [tilespmem:s21+$0xA00];
	v63 =	vmul.f32 v53, v29  }
0x226: {  	[tilespmem:s22+$0xF0] =	vst v34;
	v41 =	vld [tilespmem:s13+$0xA00];
	v37 =	vadd.f32 v38, v61;
	v38 =	vmul.f32 v56, v22  }
0x227: {  	s5 =	simm.s32 $0x7D00;
	s19 =	simm.s32 $0x6;
	v42 =	vmul.f32 v59, v28;
	v34 =	vadd.f32 v44, v58;
	[tilespmem:s22+$0xFFFFFFD0] =	vst v62;
	v43 =	vadd.f32 v63, v35;
	v35 =	vld [tilespmem:s12+$0xE00]  }
.LBB2_7:
0x228: {  	p1 =	slt.u32 s19, $0xC;
	v44 =	vld [tilespmem:s11+$0xE00];
	v37 =	vadd.f32 v38, v37;
	v36 =	vmul.f32 v36, v20;
	s31 =	sadd.s32 $0x200, s31  }
0x229: {  	v38 =	vmul.f32 v39, v33;
	[tilespmem:s31+$0x0] =	vst v43;
	v39 =	vld [tilespmem:s26+$0x460]  }
0x22a: {  	v40 =	vmul.f32 v40, v27;
	v43 =	vld [tilespmem:s30+$0x10];
	v36 =	vadd.f32 v36, v37  }
0x22b: {  	v37 =	vadd.f32 v38, v42;
	v38 =	vmul.f32 v41, v26;
	v41 =	vld [tilespmem:s10+$0xA10]  }
0x22c: {  	v42 =	vld [tilespmem:s8+$0xA10];
	v35 =	vmul.f32 v35, v25;
	[tilespmem:s5+$0x90] =	vst v36  }
0x22d: {  	v36 =	vadd.f32 v40, v37;
	v37 =	vmul.f32 v44, v19;
	v40 =	vld [tilespmem:s3+$0x420]  }
0x22e: {  	v34 =	vadd.f32 v35, v34;
	v35 =	vld [tilespmem:s28+$0xE20];
	v39 =	vmul.f32 v39, v16  }
0x22f: {  	v36 =	vadd.f32 v38, v36;
	v38 =	vld [tilespmem:s7+$0xA10]  }
0x230: {  	v43 =	vmul.f32 v43, v30;
	v41 =	vmul.f32 v41, v32;
	v34 =	vadd.f32 v37, v34;
	v37 =	vld [tilespmem:s29+$0xE20]  }
0x231: {  	[tilespmem:s31+$0xFFFFFF00] =	vst v36;
	v36 =	vld [tilespmem:s25+$0xE60]  }
0x232: {  	v42 =	vmul.f32 v42, v31;
	v41 =	vadd.f32 v41, v43;
	[tilespmem:s5+$0xFFFFFF80] =	vst v34;
	v34 =	vld [tilespmem:s6+$0xE20]  }
0x233: {  	v40 =	vmul.f32 v40, v21;
	v43 =	vld [tilespmem:s2+$0x10];
	v35 =	vmul.f32 v35, v23  }
0x234: {  	v44 =	vld [tilespmem:s16+$0xA10];
	v41 =	vadd.f32 v42, v41;
	v38 =	vmul.f32 v38, v29  }
0x235: {  	v42 =	vld [tilespmem:s21+$0xA10];
	v35 =	vadd.f32 v35, v40;
	v37 =	vmul.f32 v37, v22  }
0x236: {  	v40 =	vld [tilespmem:s13+$0xA10];
	v38 =	vadd.f32 v38, v41;
	v36 =	vmul.f32 v36, v17  }
0x237: {  	v41 =	vld [tilespmem:s9+$0x410];
	v35 =	vadd.f32 v37, v35;
	v34 =	vmul.f32 v34, v20  }
0x238: {  	v37 =	vmul.f32 v43, v28;
	[tilespmem:s31+$0x10] =	vst v38;
	v38 =	vld [tilespmem:s14+$0xE10];
	v36 =	vadd.f32 v36, v39  }
0x239: {  	v39 =	vmul.f32 v44, v33;
	v43 =	vld [tilespmem:s30+$0x20];
	v34 =	vadd.f32 v34, v35  }
0x23a: {  	v35 =	vmul.f32 v42, v27;
	v42 =	vld [tilespmem:s10+$0xA20]  }
0x23b: {  	v37 =	vadd.f32 v39, v37;
	v39 =	vmul.f32 v40, v26;
	v40 =	vld [tilespmem:s8+$0xA20];
	[tilespmem:s5+$0xA0] =	vst v34  }
0x23c: {  	v34 =	vmul.f32 v41, v18;
	v41 =	vld [tilespmem:s3+$0x430]  }
0x23d: {  	v35 =	vadd.f32 v35, v37;
	v37 =	vmul.f32 v38, v24;
	v38 =	vld [tilespmem:s28+$0xE30]  }
0x23e: {  	v44 =	vld [tilespmem:s7+$0xA20]  }
0x23f: {  	v35 =	vadd.f32 v39, v35;
	v39 =	vmul.f32 v43, v30;
	v42 =	vmul.f32 v42, v32;
	v43 =	vld [tilespmem:s29+$0xE30]  }
0x240: {  	v34 =	vadd.f32 v37, v34;
	v45 =	vld [tilespmem:s12+$0xE10]  }
0x241: {  	v37 =	vmul.f32 v40, v31;
	[tilespmem:s31+$0xFFFFFF10] =	vst v35;
	v35 =	vadd.f32 v42, v39;
	v39 =	vld [tilespmem:s6+$0xE30]  }
0x242: {  	v41 =	vmul.f32 v41, v21;
	v40 =	vld [tilespmem:s2+$0x20];
	v38 =	vmul.f32 v38, v23  }
0x243: {  	v42 =	vld [tilespmem:s16+$0xA20];
	v35 =	vadd.f32 v37, v35;
	v37 =	vmul.f32 v44, v29  }
0x244: {  	v44 =	vld [tilespmem:s21+$0xA20];
	v38 =	vadd.f32 v38, v41;
	v41 =	vmul.f32 v43, v22  }
0x245: {  	v43 =	vld [tilespmem:s13+$0xA20];
	v35 =	vadd.f32 v37, v35;
	v37 =	vmul.f32 v45, v25  }
0x246: {  	v45 =	vld [tilespmem:s11+$0xE10];
	v38 =	vadd.f32 v41, v38;
	v39 =	vmul.f32 v39, v20  }
0x247: {  	v40 =	vmul.f32 v40, v28;
	[tilespmem:s31+$0x20] =	vst v35;
	v34 =	vadd.f32 v37, v34;
	v35 =	vld [tilespmem:s23+$0xE60]  }
0x248: {  	v37 =	vmul.f32 v42, v33;
	v41 =	vld [tilespmem:s30+$0x30];
	v38 =	vadd.f32 v39, v38  }
0x249: {  	v39 =	vmul.f32 v44, v27;
	v42 =	vld [tilespmem:s10+$0xA30]  }
0x24a: {  	v37 =	vadd.f32 v37, v40;
	v40 =	vmul.f32 v43, v26;
	v43 =	vld [tilespmem:s8+$0xA30];
	[tilespmem:s5+$0xB0] =	vst v38  }
0x24b: {  	v38 =	vmul.f32 v45, v19;
	v44 =	vld [tilespmem:s3+$0x440]  }
0x24c: {  	v37 =	vadd.f32 v39, v37;
	v39 =	vld [tilespmem:s28+$0xE40];
	v35 =	vmul.f32 v35, v15  }
0x24d: {  	v45 =	vld [tilespmem:s7+$0xA30];
	v34 =	vadd.f32 v38, v34  }
0x24e: {  	v38 =	vmul.f32 v41, v30;
	v37 =	vadd.f32 v40, v37;
	v40 =	vmul.f32 v42, v32;
	v41 =	vld [tilespmem:s29+$0xE40]  }
0x24f: {  	v35 =	vadd.f32 v35, v36;
	[tilespmem:s5+$0xFFFFFF90] =	vst v34;
	v34 =	vld [tilespmem:s24+$0xE60]  }
0x250: {  	[tilespmem:s31+$0xFFFFFF20] =	vst v37;
	v36 =	vadd.f32 v40, v38;
	v37 =	vmul.f32 v43, v31;
	v38 =	vld [tilespmem:s6+$0xE40]  }
0x251: {  	v42 =	vmul.f32 v44, v21;
	v40 =	vld [tilespmem:s2+$0x30];
	v39 =	vmul.f32 v39, v23  }
0x252: {  	v43 =	vld [tilespmem:s16+$0xA30];
	v36 =	vadd.f32 v37, v36;
	v37 =	vmul.f32 v45, v29  }
0x253: {  	v44 =	vld [tilespmem:s21+$0xA30];
	v39 =	vadd.f32 v39, v42;
	v41 =	vmul.f32 v41, v22  }
0x254: {  	v42 =	vld [tilespmem:s13+$0xA30];
	v36 =	vadd.f32 v37, v36;
	v34 =	vmul.f32 v34, v14  }
0x255: {  	v37 =	vld [tilespmem:s9+$0x420];
	v39 =	vadd.f32 v41, v39;
	v38 =	vmul.f32 v38, v20  }
0x256: {  	v40 =	vmul.f32 v40, v28;
	[tilespmem:s31+$0x30] =	vst v36;
	v36 =	vld [tilespmem:s14+$0xE20];
	v34 =	vadd.f32 v34, v35  }
0x257: {  	v35 =	vmul.f32 v43, v33;
	v41 =	vld [tilespmem:s8+$0xA40];
	v38 =	vadd.f32 v38, v39  }
0x258: {  	v39 =	vmul.f32 v44, v27;
	v43 =	vld [tilespmem:s30+$0x40];
	[tilespmem:s22+$0xFFFFFFE0] =	vst v34  }
0x259: {  	v34 =	vadd.f32 v35, v40;
	v35 =	vmul.f32 v42, v26;
	v40 =	vld [tilespmem:s10+$0xA40];
	[tilespmem:s5+$0xC0] =	vst v38  }
0x25a: {  	v37 =	vmul.f32 v37, v18;
	v38 =	vld [tilespmem:s3+$0x450]  }
0x25b: {  	v34 =	vadd.f32 v39, v34;
	v36 =	vmul.f32 v36, v24;
	v39 =	vld [tilespmem:s28+$0xE50]  }
0x25c: {  	v42 =	vld [tilespmem:s7+$0xA40]  }
0x25d: {  	v34 =	vadd.f32 v35, v34;
	v35 =	vadd.f32 v36, v37;
	v36 =	vld [tilespmem:s29+$0xE50]  }
0x25e: {  	v37 =	vmul.f32 v43, v30;
	v40 =	vmul.f32 v40, v32;
	v43 =	vld [tilespmem:s12+$0xE20]  }
0x25f: {  	[tilespmem:s31+$0xFFFFFF30] =	vst v34;
	v34 =	vmul.f32 v41, v31;
	v41 =	vld [tilespmem:s6+$0xE50]  }
0x260: {  	v38 =	vmul.f32 v38, v21;
	v44 =	vld [tilespmem:s2+$0x40];
	v37 =	vadd.f32 v40, v37;
	v39 =	vmul.f32 v39, v23  }
0x261: {  	v40 =	vld [tilespmem:s16+$0xA40];
	v42 =	vmul.f32 v42, v29  }
0x262: {  	v45 =	vld [tilespmem:s21+$0xA40];
	v34 =	vadd.f32 v34, v37;
	v37 =	vadd.f32 v39, v38;
	v36 =	vmul.f32 v36, v22  }
0x263: {  	v38 =	vld [tilespmem:s13+$0xA40];
	v39 =	vmul.f32 v43, v25  }
0x264: {  	v34 =	vadd.f32 v42, v34;
	v42 =	vld [tilespmem:s11+$0xE20];
	v36 =	vadd.f32 v36, v37;
	v37 =	vmul.f32 v41, v20  }
0x265: {  	v41 =	vmul.f32 v44, v28;
	v35 =	vadd.f32 v39, v35;
	v39 =	vld [tilespmem:s26+$0x470];
	s26 =	smov.u32 s9;
	s9 =	smov.u32 s2  }
0x266: {  	v40 =	vmul.f32 v40, v33;
	[tilespmem:s31+$0x40] =	vst v34;
	v34 =	vadd.f32 v37, v36;
	v36 =	vld [tilespmem:s25+$0xE70];
	s25 =	smov.u32 s14;
	s14 =	smov.u32 s16  }
0x267: {  	v37 =	vmul.f32 v45, v27;
	v43 =	vld [tilespmem:s30+$0x50]  }
0x268: {  	v40 =	vadd.f32 v40, v41;
	v38 =	vmul.f32 v38, v26;
	v41 =	vld [tilespmem:s10+$0xA50];
	[tilespmem:s5+$0xD0] =	vst v34  }
0x269: {  	v34 =	vmul.f32 v42, v19;
	v42 =	vld [tilespmem:s3+$0x460]  }
0x26a: {  	v37 =	vadd.f32 v37, v40;
	v40 =	vld [tilespmem:s28+$0xE60];
	v39 =	vmul.f32 v39, v16;
	v16 =	vmovc v18;
	v18 =	vmov v28  }
0x26b: {  	v28 =	vld [tilespmem:s8+$0xA50];
	v34 =	vadd.f32 v34, v35;
	v35 =	vmul.f32 v36, v17;
	v17 =	vmovc v24;
	v24 =	vmov v33  }
0x26c: {  	v36 =	vadd.f32 v38, v37;
	v37 =	vld [tilespmem:s29+$0xE60]  }
0x26d: {  	v38 =	vld [tilespmem:s7+$0xA50];
	[tilespmem:s5+$0xFFFFFFA0] =	vst v34;
	v33 =	vadd.f32 v35, v39  }
0x26e: {  	v34 =	vmul.f32 v43, v30;
	v35 =	vmul.f32 v41, v32;
	[tilespmem:s31+$0xFFFFFF40] =	vst v36;
	v36 =	vld [tilespmem:s6+$0xE60]  }
0x26f: {  	v41 =	vmul.f32 v42, v21;
	v39 =	vld [tilespmem:s9+$0x50];
	v40 =	vmul.f32 v40, v23  }
0x270: {  	v34 =	vadd.f32 v35, v34;
	v42 =	vld [tilespmem:s14+$0xA50];
	v28 =	vmul.f32 v28, v31  }
0x271: {  	v35 =	vld [tilespmem:s21+$0xA50];
	v40 =	vadd.f32 v40, v41;
	v37 =	vmul.f32 v37, v22  }
0x272: {  	v41 =	vld [tilespmem:s13+$0xA50];
	v28 =	vadd.f32 v28, v34;
	v34 =	vmul.f32 v38, v29  }
0x273: {  	v38 =	vld [tilespmem:s26+$0x430];
	v37 =	vadd.f32 v37, v40;
	v36 =	vmul.f32 v36, v20  }
0x274: {  	v39 =	vmul.f32 v39, v18;
	v28 =	vadd.f32 v34, v28;
	v34 =	vld [tilespmem:s25+$0xE30]  }
0x275: {  	v40 =	vmul.f32 v42, v24;
	v42 =	vld [tilespmem:s12+$0xE30];
	v36 =	vadd.f32 v36, v37  }
0x276: {  	v35 =	vmul.f32 v35, v27;
	[tilespmem:s31+$0x50] =	vst v28;
	v28 =	vld [tilespmem:s11+$0xE30]  }
0x277: {  	v37 =	vadd.f32 v40, v39;
	v39 =	vmul.f32 v41, v26;
	v40 =	vld [tilespmem:s30+$0x60];
	[tilespmem:s5+$0xE0] =	vst v36  }
0x278: {  	v36 =	vmul.f32 v38, v16;
	v38 =	vld [tilespmem:s3+$0x470];
	s3 =	smov.u32 s30  }
0x279: {  	v35 =	vadd.f32 v35, v37;
	v34 =	vmul.f32 v34, v17;
	v37 =	vld [tilespmem:s28+$0xE70];
	s28 =	smov.u32 s10  }
0x27a: {  	v41 =	vld [tilespmem:s28+$0xA60];
	v42 =	vmul.f32 v42, v25  }
0x27b: {  	v35 =	vadd.f32 v39, v35;
	v34 =	vadd.f32 v34, v36;
	v28 =	vmul.f32 v28, v19;
	v36 =	vld [tilespmem:s29+$0xE70];
	s29 =	smov.u32 s8  }
0x27c: {  	v39 =	vld [tilespmem:s29+$0xA60]  }
0x27d: {  	[tilespmem:s31+$0xFFFFFF50] =	vst v35;
	v34 =	vadd.f32 v42, v34;
	v35 =	vld [tilespmem:s6+$0xE70];
	s6 =	smov.u32 s7  }
0x27e: {  	v38 =	vmul.f32 v38, v21;
	v21 =	vmovc v30;
	v42 =	vld [tilespmem:s6+$0xA60];
	v37 =	vmul.f32 v37, v23;
	v23 =	vmov v32  }
0x27f: {  	v32 =	vmul.f32 v40, v21;
	v30 =	vld [tilespmem:s9+$0x60];
	v40 =	vmul.f32 v41, v23;
	v28 =	vadd.f32 v28, v34  }
0x280: {  	v34 =	vld [tilespmem:s14+$0xA60];
	v37 =	vadd.f32 v37, v38;
	v36 =	vmul.f32 v36, v22;
	v22 =	vmov v31  }
0x281: {  	v31 =	vld [tilespmem:s21+$0xA60];
	v32 =	vadd.f32 v40, v32;
	v38 =	vmul.f32 v39, v22;
	[tilespmem:s5+$0xFFFFFFB0] =	vst v28  }
0x282: {  	v28 =	vld [tilespmem:s13+$0xA60];
	v36 =	vadd.f32 v36, v37;
	v35 =	vmul.f32 v35, v20;
	v20 =	vmov v29  }
0x283: {  	v29 =	vadd.f32 v38, v32;
	v32 =	vmul.f32 v42, v20;
	v37 =	vld [tilespmem:s26+$0x440]  }
0x284: {  	v30 =	vmul.f32 v30, v18;
	v38 =	vld [tilespmem:s25+$0xE40];
	v35 =	vadd.f32 v35, v36  }
0x285: {  	v34 =	vmul.f32 v34, v24;
	v29 =	vadd.f32 v32, v29;
	v32 =	vld [tilespmem:s12+$0xE40]  }
0x286: {  	v31 =	vmul.f32 v31, v27;
	v36 =	vld [tilespmem:s11+$0xE40];
	[tilespmem:s5+$0xF0] =	vst v35  }
0x287: {  	v35 =	vmov s19;
	v30 =	vadd.f32 v34, v30;
	v28 =	vmul.f32 v28, v26;
	[tilespmem:s31+$0x60] =	vst v29;
	v29 =	vld [tilespmem:s23+$0xE70];
	s23 =	smov.u32 s12;
	s12 =	smov.u32 s21  }
0x288: {  	v34 =	vld [tilespmem:s3+$0x70];
	v37 =	vmul.f32 v37, v16  }
0x289: {  	v30 =	vadd.f32 v31, v30;
	v31 =	vld [tilespmem:s28+$0xA70];
	v38 =	vmul.f32 v38, v17  }
0x28a: {  	v32 =	vmul.f32 v32, v25;
	v39 =	vld [tilespmem:s24+$0xE70];
	s24 =	smov.u32 s11;
	s11 =	smov.u32 s13  }
0x28b: {  	v30 =	vadd.f32 v28, v30;
	v40 =	vld [tilespmem:s29+$0xA70];
	v37 =	vadd.f32 v38, v37;
	v36 =	vmul.f32 v36, v19  }
0x28c: {  	v28 =	vld.idx.msk [tilespmem:v35+s1+$0x0], $0xffff;
	v29 =	vmul.f32 v29, v15;
	v15 =	vmov v25;
	v25 =	vmov v27  }
0x28d: {  	[tilespmem:s31+$0xFFFFFF60] =	vst v30;
	v27 =	vld [tilespmem:s6+$0xA70];
	v30 =	vadd.f32 v32, v37  }
0x28e: {  	v34 =	vmul.f32 v34, v21;
	v32 =	vld [tilespmem:s9+$0x70];
	v31 =	vmul.f32 v31, v23;
	v29 =	vadd.f32 v29, v33  }
0x28f: {  	v33 =	vld [tilespmem:s14+$0xA70];
	v30 =	vadd.f32 v36, v30;
	v36 =	vmul.f32 v39, v14;
	v14 =	vmovc v19;
	v19 =	vmov v26  }
0x290: {  	v26 =	vld [tilespmem:s12+$0xA70];
	v31 =	vadd.f32 v31, v34;
	v34 =	vmul.f32 v40, v22  }
0x291: {  	v37 =	vor.u32 $0x30, v35;
	v38 =	vld [tilespmem:s11+$0xA70];
	[tilespmem:s5+$0xFFFFFFC0] =	vst v30;
	v29 =	vadd.f32 v36, v29  }
0x292: {  	v30 =	vadd.f32 v34, v31;
	v27 =	vmul.f32 v27, v20;
	v31 =	vld [tilespmem:s26+$0x450]  }
0x293: {  	v32 =	vmul.f32 v32, v18;
	v34 =	vld [tilespmem:s25+$0xE50];
	[tilespmem:s22+$0xFFFFFFF0] =	vst v29;
	s22 =	smov.u32 s5;
	s5 =	smov.u32 s31  }
0x294: {  	v29 =	vor.u32 $0x20, v35;
	v33 =	vmul.f32 v33, v24;
	v27 =	vadd.f32 v27, v30;
	v30 =	vld [tilespmem:s23+$0xE50]  }
0x295: {  	v36 =	vmul.f32 v26, v25;
	v39 =	vld [tilespmem:s24+$0xE50]  }
0x296: {  	v35 =	vor.u32 $0x10, v35;
	v26 =	vld.idx.msk [tilespmem:v37+s1+$0x0], $0xffff;
	v32 =	vadd.f32 v33, v32;
	v33 =	vmul.f32 v38, v19;
	[tilespmem:s31+$0x70] =	vst v27  }
0x297: {  	v37 =	vld [tilespmem:s3+$0x400];
	v31 =	vmul.f32 v31, v16  }
0x298: {  	v32 =	vadd.f32 v36, v32;
	v36 =	vld [tilespmem:s28+$0xE00];
	v34 =	vmul.f32 v34, v17  }
0x299: {  	s2 =	sadd.s32 $0x1, s19;
	v27 =	vld.idx.msk [tilespmem:v29+s1+$0x0], $0xffff;
	v29 =	vmul.f32 v30, v15  }
0x29a: {  	v30 =	vmov s2;
	v32 =	vadd.f32 v33, v32;
	v38 =	vld [tilespmem:s29+$0xE00];
	v31 =	vadd.f32 v34, v31  }
0x29b: {  	v34 =	vor.u32 $0x30, v30;
	v33 =	vld.idx.msk [tilespmem:v35+s1+$0x0], $0xffff;
	v35 =	vmul.f32 v39, v14  }
0x29c: {  	v39 =	vor.u32 $0x20, v30;
	[tilespmem:s31+$0xFFFFFF70] =	vst v32;
	v32 =	vld [tilespmem:s6+$0xE00];
	v29 =	vadd.f32 v29, v31  }
0x29d: {  	v40 =	vor.u32 $0x10, v30;
	v31 =	vmul.f32 v37, v21;
	v41 =	vld [tilespmem:s9+$0x400];
	v36 =	vmul.f32 v36, v23  }
0x29e: {  	s0 =	sadd.s32 $0x100, s0;
	s20 =	sadd.s32 $0x200, s20;
	v37 =	vld [tilespmem:s14+$0xE00];
	v35 =	vadd.f32 v35, v29  }
0x29f: {  	s8 =	sadd.s32 $0xFFFFF900, s0;
	s7 =	sadd.s32 $0xFFFFF200, s20;
	s2 =	sadd.s32 $0xFFFFEB00, s0;
	v30 =	vld.idx.msk [tilespmem:v30+s1+$0x0], $0xffff;
	v36 =	vadd.f32 v36, v31;
	v38 =	vmul.f32 v38, v22  }
0x2a0: {  	s16 =	sadd.s32 $0xFFFFF200, s0;
	s10 =	sadd.s32 $0xFFFFD500, s20;
	s13 =	sadd.s32 $0xFFFFE400, s20;
	v29 =	vld.idx.msk [tilespmem:v34+s1+$0x0], $0xffff;
	[tilespmem:s22+$0xFFFFFFD0] =	vst v35  }
0x2a1: {  	s16 =	sand.u32 $0x380, s16;
	s10 =	sand.u32 $0x800, s10;
	s13 =	sand.u32 $0x1800, s13;
	v31 =	vld.idx.msk [tilespmem:v39+s1+$0x0], $0xffff;
	v34 =	vadd.f32 v38, v36;
	v35 =	vmul.f32 v32, v20  }
0x2a2: {  	s18 =	sadd.s32 $0xA00, s10;
	s10 =	sor.u32 s16, s13;
	s2 =	sand.u32 $0x380, s2;
	v32 =	vld.idx.msk [tilespmem:v40+s1+$0x0], $0xffff;
	v36 =	vmul.f32 v41, v18  }
0x2a3: {  	s30 =	sadd.s32 s2, s18;
	s2 =	sand.u32 $0x3800, s7;
	s7 =	sand.u32 $0x380, s8;
	v38 =	vld [tilespmem:s10+$0xA00];
	v37 =	vmul.f32 v37, v24;
	v35 =	vadd.f32 v35, v34  }
0x2a4: {  	s13 =	sadd.s32 $0xFFFFEA80, s0;
	s16 =	sadd.s32 $0xFFFFE300, s20;
	s8 =	sor.u32 s7, s2;
	v39 =	vld [tilespmem:s30+$0x0]  }
0x2a5: {  	s2 =	sand.u32 $0x300, s13;
	s7 =	sand.u32 $0x1800, s16;
	s13 =	sadd.s32 $0xFFFFF180, s0;
	v40 =	vld [tilespmem:s8+$0xA00];
	v34 =	vadd.f32 v37, v36;
	[tilespmem:s31+$0x80] =	vst v35  }
0x2a6: {  	s17 =	sand.u32 $0x380, s0;
	s21 =	sand.u32 $0x3800, s20;
	s13 =	sand.u32 $0x300, s13;
	v35 =	vld [tilespmem:s3+$0x410]  }
0x2a7: {  	s2 =	sadd.s32 s2, s18;
	s16 =	sor.u32 s13, s7;
	s7 =	sor.u32 s17, s21;
	v37 =	vld [tilespmem:s28+$0xE10]  }
0x2a8: {  	s18 =	sadd.s32 $0xFFFFFF00, s20;
	s13 =	sadd.s32 $0xFFFFF100, s20;
	s17 =	sadd.s32 $0xFFFFF880, s0;
	v41 =	vld [tilespmem:s7+$0xA00]  }
0x2a9: {  	s15 =	sadd.s32 $0xFFFFFF80, s0;
	s13 =	sand.u32 $0x3800, s13;
	s17 =	sand.u32 $0x300, s17;
	v38 =	vmul.f32 v38, v32;
	v36 =	vmul.f32 v39, v30;
	v42 =	vld [tilespmem:s29+$0xE10]  }
0x2aa: {  	s15 =	sand.u32 $0x300, s15;
	s21 =	sor.u32 s17, s13;
	s13 =	sand.u32 $0x3800, s18;
	v43 =	vld [tilespmem:s2+$0x0]  }
.Ltmp2:
0x2ab: {  	s13 =	sor.u32 s15, s13;
	v44 =	vmul.f32 v40, v31;
	v38 =	vadd.f32 v38, v36;
	v36 =	vld [tilespmem:s6+$0xE10];
	(pc) =	sbr.rel @p1 .LBB2_7-.Ltmp2, $4  }
0x2ac: {  	v35 =	vmul.f32 v35, v21;
	v39 =	vld [tilespmem:s16+$0xA00];
	v37 =	vmul.f32 v37, v23  }
0x2ad: {  	v40 =	vld [tilespmem:s21+$0xA00];
	v44 =	vadd.f32 v44, v38;
	v45 =	vmul.f32 v41, v29  }
0x2ae: {  	v41 =	vld [tilespmem:s13+$0xA00];
	v37 =	vadd.f32 v37, v35;
	v38 =	vmul.f32 v42, v22  }
0x2af: {  	s19 =	sadd.s32 $0x2, s19;
	v42 =	vmul.f32 v43, v28;
	v43 =	vadd.f32 v45, v44;
	v35 =	vld [tilespmem:s12+$0xE00]  }
0x2b0: {  	_ = 	snop  }
0x2b1: {  	v39 =	vmul.f32 v39, v33;
	_ =	sdelay $0x1  }
0x2b2: {  	s0 =	sadd.s32 $0x200, s31;
	v40 =	vmul.f32 v40, v27;
	v39 =	vadd.f32 v39, v42  }
0x2b3: {  	[tilespmem:s0+$0x0] =	vst v43  }
0x2b4: {  	v59 =	vld [tilespmem:s30+$0x10];
	v41 =	vmul.f32 v41, v26;
	v39 =	vadd.f32 v40, v39  }
0x2b5: {  	v60 =	vld [tilespmem:s10+$0xA10]  }
0x2b6: {  	v39 =	vadd.f32 v41, v39  }
0x2b7: {  	v61 =	vld [tilespmem:s8+$0xA10]  }
0x2b8: {  	v43 =	vld [tilespmem:s7+$0xA10];
	[tilespmem:s0+$0xFFFFFF00] =	vst v39  }
0x2b9: {  	v39 =	vld [tilespmem:s2+$0x10]  }
0x2ba: {  	v40 =	vmul.f32 v59, v30;
	v42 =	vmul.f32 v60, v32;
	v44 =	vld [tilespmem:s16+$0xA10];
	_ =	sdelay $0x1  }
0x2bb: {  	v41 =	vmul.f32 v61, v31;
	v40 =	vadd.f32 v42, v40;
	v45 =	vld [tilespmem:s21+$0xA10];
	_ =	sdelay $0x1  }
0x2bc: {  	v62 =	vmul.f32 v43, v29;
	v63 =	vld [tilespmem:s13+$0xA10];
	v40 =	vadd.f32 v41, v40  }
0x2bd: {  	v39 =	vmul.f32 v39, v28;
	v46 =	vmul.f32 v44, v33  }
0x2be: {  	v40 =	vadd.f32 v62, v40  }
0x2bf: {  	v47 =	vmul.f32 v45, v27;
	v39 =	vadd.f32 v46, v39  }
0x2c0: {  	[tilespmem:s0+$0x10] =	vst v40  }
0x2c1: {  	v48 =	vmul.f32 v63, v26;
	v49 =	vld [tilespmem:s30+$0x20];
	v39 =	vadd.f32 v47, v39  }
0x2c2: {  	v50 =	vld [tilespmem:s10+$0xA20]  }
0x2c3: {  	v39 =	vadd.f32 v48, v39  }
0x2c4: {  	v51 =	vld [tilespmem:s8+$0xA20]  }
0x2c5: {  	v52 =	vld [tilespmem:s7+$0xA20];
	[tilespmem:s0+$0xFFFFFF10] =	vst v39  }
0x2c6: {  	v39 =	vld [tilespmem:s2+$0x20]  }
0x2c7: {  	v41 =	vmul.f32 v49, v30;
	v42 =	vmul.f32 v50, v32;
	v53 =	vld [tilespmem:s16+$0xA20];
	_ =	sdelay $0x1  }
0x2c8: {  	v40 =	vmul.f32 v51, v31;
	v41 =	vadd.f32 v42, v41;
	v54 =	vld [tilespmem:s21+$0xA20];
	_ =	sdelay $0x1  }
0x2c9: {  	v55 =	vmul.f32 v52, v29;
	v56 =	vld [tilespmem:s13+$0xA20];
	v40 =	vadd.f32 v40, v41  }
0x2ca: {  	v39 =	vmul.f32 v39, v28;
	v57 =	vmul.f32 v53, v33  }
0x2cb: {  	v40 =	vadd.f32 v55, v40  }
0x2cc: {  	v58 =	vmul.f32 v54, v27;
	v39 =	vadd.f32 v57, v39  }
0x2cd: {  	[tilespmem:s0+$0x20] =	vst v40  }
0x2ce: {  	v59 =	vmul.f32 v56, v26;
	v60 =	vld [tilespmem:s30+$0x30];
	v39 =	vadd.f32 v58, v39  }
0x2cf: {  	v61 =	vld [tilespmem:s10+$0xA30]  }
0x2d0: {  	v39 =	vadd.f32 v59, v39  }
0x2d1: {  	v62 =	vld [tilespmem:s8+$0xA30]  }
0x2d2: {  	v63 =	vld [tilespmem:s7+$0xA30];
	[tilespmem:s0+$0xFFFFFF20] =	vst v39  }
0x2d3: {  	v39 =	vld [tilespmem:s2+$0x30]  }
0x2d4: {  	v41 =	vmul.f32 v60, v30;
	v42 =	vmul.f32 v61, v32;
	v48 =	vld [tilespmem:s16+$0xA30];
	_ =	sdelay $0x1  }
0x2d5: {  	v40 =	vmul.f32 v62, v31;
	v41 =	vadd.f32 v42, v41;
	v49 =	vld [tilespmem:s21+$0xA30];
	_ =	sdelay $0x1  }
0x2d6: {  	v50 =	vmul.f32 v63, v29;
	v51 =	vld [tilespmem:s13+$0xA30];
	v40 =	vadd.f32 v40, v41  }
0x2d7: {  	v39 =	vmul.f32 v39, v28;
	v52 =	vmul.f32 v48, v33  }
0x2d8: {  	v40 =	vadd.f32 v50, v40  }
0x2d9: {  	v53 =	vmul.f32 v49, v27;
	v39 =	vadd.f32 v52, v39  }
0x2da: {  	[tilespmem:s0+$0x30] =	vst v40  }
0x2db: {  	v54 =	vmul.f32 v51, v26;
	v55 =	vld [tilespmem:s30+$0x40];
	v39 =	vadd.f32 v53, v39  }
0x2dc: {  	v56 =	vld [tilespmem:s10+$0xA40]  }
0x2dd: {  	v39 =	vadd.f32 v54, v39  }
0x2de: {  	v57 =	vld [tilespmem:s8+$0xA40]  }
0x2df: {  	v58 =	vld [tilespmem:s7+$0xA40];
	[tilespmem:s0+$0xFFFFFF30] =	vst v39  }
0x2e0: {  	v39 =	vld [tilespmem:s2+$0x40]  }
0x2e1: {  	v41 =	vmul.f32 v55, v30;
	v42 =	vmul.f32 v56, v32;
	v59 =	vld [tilespmem:s16+$0xA40];
	_ =	sdelay $0x1  }
0x2e2: {  	v40 =	vmul.f32 v57, v31;
	v41 =	vadd.f32 v42, v41;
	v60 =	vld [tilespmem:s21+$0xA40];
	_ =	sdelay $0x1  }
0x2e3: {  	v61 =	vmul.f32 v58, v29;
	v62 =	vld [tilespmem:s13+$0xA40];
	v40 =	vadd.f32 v40, v41  }
0x2e4: {  	v39 =	vmul.f32 v39, v28;
	v63 =	vmul.f32 v59, v33  }
0x2e5: {  	v40 =	vadd.f32 v61, v40  }
0x2e6: {  	v46 =	vmul.f32 v60, v27;
	v39 =	vadd.f32 v63, v39  }
0x2e7: {  	[tilespmem:s0+$0x40] =	vst v40  }
0x2e8: {  	v47 =	vmul.f32 v62, v26;
	v48 =	vld [tilespmem:s30+$0x50];
	v39 =	vadd.f32 v46, v39  }
0x2e9: {  	v49 =	vld [tilespmem:s10+$0xA50]  }
0x2ea: {  	v39 =	vadd.f32 v47, v39  }
0x2eb: {  	v50 =	vld [tilespmem:s8+$0xA50]  }
0x2ec: {  	v51 =	vld [tilespmem:s7+$0xA50];
	[tilespmem:s0+$0xFFFFFF40] =	vst v39  }
0x2ed: {  	v39 =	vld [tilespmem:s2+$0x50]  }
0x2ee: {  	v41 =	vmul.f32 v48, v30;
	v42 =	vmul.f32 v49, v32;
	v52 =	vld [tilespmem:s16+$0xA50];
	_ =	sdelay $0x1  }
0x2ef: {  	v40 =	vmul.f32 v50, v31;
	v41 =	vadd.f32 v42, v41;
	v53 =	vld [tilespmem:s21+$0xA50];
	_ =	sdelay $0x1  }
0x2f0: {  	v43 =	vmul.f32 v51, v29;
	v54 =	vld [tilespmem:s13+$0xA50];
	v40 =	vadd.f32 v40, v41  }
0x2f1: {  	v39 =	vmul.f32 v39, v28;
	v55 =	vmul.f32 v52, v33  }
0x2f2: {  	v40 =	vadd.f32 v43, v40  }
0x2f3: {  	v56 =	vmul.f32 v53, v27;
	v39 =	vadd.f32 v55, v39  }
0x2f4: {  	[tilespmem:s0+$0x50] =	vst v40  }
0x2f5: {  	v57 =	vmul.f32 v54, v26;
	v58 =	vld [tilespmem:s30+$0x60];
	v39 =	vadd.f32 v56, v39  }
0x2f6: {  	v59 =	vld [tilespmem:s10+$0xA60]  }
0x2f7: {  	v39 =	vadd.f32 v57, v39  }
0x2f8: {  	v60 =	vld [tilespmem:s8+$0xA60]  }
0x2f9: {  	v61 =	vld [tilespmem:s7+$0xA60];
	[tilespmem:s0+$0xFFFFFF50] =	vst v39  }
0x2fa: {  	v36 =	vmul.f32 v36, v20;
	v62 =	vld [tilespmem:s2+$0x60]  }
0x2fb: {  	v37 =	vadd.f32 v38, v37;
	v48 =	vmul.f32 v58, v30;
	v49 =	vmul.f32 v59, v32;
	v63 =	vld [tilespmem:s16+$0xA60];
	_ =	sdelay $0x1  }
0x2fc: {  	v36 =	vadd.f32 v36, v37;
	v52 =	vmul.f32 v60, v31;
	v51 =	vadd.f32 v49, v48;
	v50 =	vld [tilespmem:s21+$0xA60]  }
0x2fd: {  	v41 =	vld [tilespmem:s11+$0xE00]  }
0x2fe: {  	[tilespmem:s5+$0x90] =	vst v36;
	v39 =	vmul.f32 v61, v29;
	v53 =	vld [tilespmem:s13+$0xA60];
	v54 =	vadd.f32 v52, v51  }
0x2ff: {  	v57 =	vld [tilespmem:s3+$0x420];
	v55 =	vmul.f32 v62, v28;
	v56 =	vmul.f32 v63, v33  }
0x300: {  	v58 =	vld [tilespmem:s28+$0xE20];
	v36 =	vadd.f32 v39, v54  }
0x301: {  	v60 =	vld [tilespmem:s29+$0xE20];
	v59 =	vmul.f32 v50, v27;
	v37 =	vadd.f32 v56, v55  }
0x302: {  	v61 =	vld [tilespmem:s6+$0xE20];
	[tilespmem:s0+$0x60] =	vst v36  }
0x303: {  	v40 =	vmul.f32 v53, v26;
	v63 =	vld [tilespmem:s30+$0x70];
	v62 =	vadd.f32 v59, v37  }
0x304: {  	v35 =	vmul.f32 v35, v25;
	v48 =	vld [tilespmem:s10+$0xA70]  }
0x305: {  	v49 =	vmul.f32 v57, v21;
	v50 =	vmul.f32 v58, v23;
	v36 =	vadd.f32 v40, v62  }
0x306: {  	v34 =	vadd.f32 v35, v34;
	v41 =	vmul.f32 v41, v19;
	v51 =	vld [tilespmem:s8+$0xA70]  }
0x307: {  	v38 =	vmul.f32 v60, v22;
	v52 =	vld [tilespmem:s7+$0xA70];
	v40 =	vadd.f32 v50, v49;
	[tilespmem:s0+$0xFFFFFF60] =	vst v36  }
0x308: {  	v34 =	vadd.f32 v41, v34;
	v54 =	vmul.f32 v61, v20;
	v53 =	vld [tilespmem:s2+$0x70]  }
0x309: {  	v37 =	vmul.f32 v63, v30;
	v39 =	vmul.f32 v48, v32;
	v38 =	vadd.f32 v38, v40;
	v55 =	vld [tilespmem:s16+$0xA70];
	_ =	sdelay $0x1  }
0x30a: {  	[tilespmem:s5+$0xFFFFFF80] =	vst v34;
	v57 =	vmul.f32 v51, v31;
	v37 =	vadd.f32 v39, v37;
	v56 =	vld [tilespmem:s21+$0xA70];
	v35 =	vadd.f32 v54, v38  }
0x30b: {  	v42 =	vld [tilespmem:s11+$0xE10]  }
0x30c: {  	v36 =	vmul.f32 v52, v29;
	v58 =	vld [tilespmem:s13+$0xA70];
	v59 =	vadd.f32 v57, v37;
	[tilespmem:s5+$0xA0] =	vst v35  }
0x30d: {  	v62 =	vld [tilespmem:s3+$0x430];
	v60 =	vmul.f32 v53, v28;
	v61 =	vmul.f32 v55, v33  }
0x30e: {  	v35 =	vadd.f32 v36, v59;
	v63 =	vld [tilespmem:s28+$0xE30]  }
0x30f: {  	v45 =	vld [tilespmem:s29+$0xE30];
	v44 =	vmul.f32 v56, v27;
	v37 =	vadd.f32 v61, v60  }
0x310: {  	v46 =	vld [tilespmem:s6+$0xE30];
	[tilespmem:s0+$0x70] =	vst v35  }
0x311: {  	v34 =	vmul.f32 v58, v26;
	v48 =	vld [tilespmem:s30+$0x400];
	v47 =	vadd.f32 v44, v37  }
0x312: {  	v49 =	vld [tilespmem:s10+$0xE00]  }
0x313: {  	v39 =	vld [tilespmem:s9+$0x410];
	v50 =	vmul.f32 v62, v21;
	v51 =	vmul.f32 v63, v23;
	v34 =	vadd.f32 v34, v47  }
0x314: {  	v52 =	vld [tilespmem:s8+$0xE00]  }
0x315: {  	v53 =	vld [tilespmem:s7+$0xE00];
	v38 =	vmul.f32 v45, v22;
	v35 =	vadd.f32 v51, v50;
	[tilespmem:s0+$0xFFFFFF70] =	vst v34  }
0x316: {  	v40 =	vmul.f32 v46, v20;
	v54 =	vld [tilespmem:s2+$0x400]  }
0x317: {  	v36 =	vmul.f32 v48, v30;
	v37 =	vmul.f32 v49, v32;
	v35 =	vadd.f32 v38, v35;
	v55 =	vld [tilespmem:s16+$0xE00]  }
0x318: {  	v56 =	vld [tilespmem:s14+$0xE10]  }
0x319: {  	v58 =	vmul.f32 v52, v31;
	v36 =	vadd.f32 v37, v36;
	v57 =	vld [tilespmem:s21+$0xE00];
	v35 =	vadd.f32 v40, v35  }
0x31a: {  	v45 =	vld [tilespmem:s12+$0xE10]  }
0x31b: {  	v34 =	vmul.f32 v53, v29;
	v59 =	vld [tilespmem:s13+$0xE00];
	v60 =	vadd.f32 v58, v36;
	[tilespmem:s5+$0xB0] =	vst v35  }
0x31c: {  	v63 =	vld [tilespmem:s3+$0x440];
	v61 =	vmul.f32 v54, v28;
	v62 =	vmul.f32 v55, v33  }
0x31d: {  	v34 =	vadd.f32 v34, v60;
	v48 =	vld [tilespmem:s28+$0xE40]  }
0x31e: {  	v51 =	vld [tilespmem:s29+$0xE40];
	v50 =	vmul.f32 v57, v27;
	v49 =	vadd.f32 v62, v61  }
0x31f: {  	v52 =	vld [tilespmem:s6+$0xE40];
	[tilespmem:s0+$0x80] =	vst v34  }
0x320: {  	v53 =	vmul.f32 v59, v26;
	v55 =	vmul.f32 v56, v24;
	v56 =	vld [tilespmem:s30+$0x410];
	v35 =	vadd.f32 v50, v49  }
0x321: {  	v54 =	vmul.f32 v39, v18;
	v57 =	vld [tilespmem:s10+$0xE10]  }
0x322: {  	v60 =	vld [tilespmem:s8+$0xE10];
	v34 =	vadd.f32 v53, v35  }
0x323: {  	v59 =	vmul.f32 v45, v25;
	v58 =	vadd.f32 v55, v54;
	v61 =	vld [tilespmem:s7+$0xE10]  }
0x324: {  	v42 =	vmul.f32 v42, v19;
	[tilespmem:s0+$0xFFFFFF80] =	vst v34;
	v34 =	vld [tilespmem:s26+$0x460]  }
0x325: {  	v41 =	vmul.f32 v63, v21;
	v43 =	vmul.f32 v48, v23;
	v35 =	vadd.f32 v59, v58;
	v62 =	vld [tilespmem:s2+$0x410]  }
0x326: {  	v40 =	vmul.f32 v56, v30;
	v44 =	vmul.f32 v57, v32;
	v63 =	vld [tilespmem:s16+$0xE10]  }
0x327: {  	v37 =	vmul.f32 v51, v22;
	v41 =	vadd.f32 v43, v41;
	v42 =	vadd.f32 v42, v35;
	v35 =	vld [tilespmem:s25+$0xE60]  }
0x328: {  	v39 =	vmul.f32 v60, v31;
	v40 =	vadd.f32 v44, v40;
	v48 =	vld [tilespmem:s21+$0xE10]  }
0x329: {  	v38 =	vmul.f32 v52, v20;
	v37 =	vadd.f32 v37, v41;
	v50 =	vld [tilespmem:s13+$0xE10];
	[tilespmem:s5+$0xFFFFFF90] =	vst v42  }
0x32a: {  	v49 =	vmul.f32 v61, v29;
	v39 =	vadd.f32 v39, v40;
	v51 =	vld [tilespmem:s9+$0x420]  }
0x32b: {  	v37 =	vadd.f32 v38, v37;
	v53 =	vld [tilespmem:s14+$0xE20];
	v36 =	vmul.f32 v62, v28;
	v52 =	vmul.f32 v63, v33  }
0x32c: {  	v55 =	vld [tilespmem:s12+$0xE20];
	v38 =	vadd.f32 v49, v39  }
0x32d: {  	v56 =	vld [tilespmem:s11+$0xE20];
	[tilespmem:s5+$0xC0] =	vst v37;
	v54 =	vmul.f32 v48, v27;
	v36 =	vadd.f32 v52, v36  }
0x32e: {  	v37 =	vld [tilespmem:s3+$0x450];
	[tilespmem:s0+$0x90] =	vst v38  }
0x32f: {  	v57 =	vmul.f32 v50, v26;
	v58 =	vld [tilespmem:s30+$0x420];
	v36 =	vadd.f32 v54, v36  }
0x330: {  	v59 =	vld [tilespmem:s10+$0xE20]  }
0x331: {  	v46 =	vld [tilespmem:s28+$0xE50];
	v60 =	vmul.f32 v51, v18;
	v43 =	vmul.f32 v53, v24;
	v36 =	vadd.f32 v57, v36  }
0x332: {  	v61 =	vld [tilespmem:s8+$0xE20]  }
0x333: {  	v62 =	vld [tilespmem:s7+$0xE20];
	v48 =	vmul.f32 v55, v25;
	v63 =	vadd.f32 v43, v60;
	[tilespmem:s0+$0xFFFFFF90] =	vst v36  }
0x334: {  	v41 =	vmul.f32 v56, v19;
	v49 =	vld [tilespmem:s2+$0x420]  }
0x335: {  	v51 =	vmul.f32 v58, v30;
	v52 =	vmul.f32 v59, v32;
	v36 =	vadd.f32 v48, v63;
	v50 =	vld [tilespmem:s16+$0xE20]  }
0x336: {  	v47 =	vld [tilespmem:s29+$0xE50]  }
0x337: {  	v54 =	vmul.f32 v61, v31;
	v38 =	vadd.f32 v52, v51;
	v53 =	vld [tilespmem:s21+$0xE20];
	v36 =	vadd.f32 v41, v36  }
0x338: {  	v45 =	vld [tilespmem:s6+$0xE50]  }
0x339: {  	v55 =	vmul.f32 v62, v29;
	v56 =	vld [tilespmem:s13+$0xE20];
	v57 =	vadd.f32 v54, v38;
	[tilespmem:s5+$0xFFFFFFA0] =	vst v36  }
0x33a: {  	v60 =	vld [tilespmem:s9+$0x430];
	v58 =	vmul.f32 v49, v28;
	v59 =	vmul.f32 v50, v33  }
0x33b: {  	v36 =	vadd.f32 v55, v57;
	v61 =	vld [tilespmem:s14+$0xE30]  }
0x33c: {  	v63 =	vld [tilespmem:s12+$0xE30];
	v62 =	vmul.f32 v53, v27;
	v38 =	vadd.f32 v59, v58  }
0x33d: {  	v48 =	vld [tilespmem:s11+$0xE30];
	[tilespmem:s0+$0xA0] =	vst v36  }
0x33e: {  	v50 =	vmul.f32 v56, v26;
	v51 =	vld [tilespmem:s30+$0x430];
	v49 =	vadd.f32 v62, v38  }
0x33f: {  	v37 =	vmul.f32 v37, v21;
	v52 =	vmul.f32 v46, v23;
	v53 =	vld [tilespmem:s10+$0xE30]  }
0x340: {  	v46 =	vld [tilespmem:s24+$0xE60];
	v54 =	vmul.f32 v60, v18;
	v55 =	vmul.f32 v61, v24;
	v36 =	vadd.f32 v50, v49  }
0x341: {  	v37 =	vadd.f32 v52, v37;
	v57 =	vmul.f32 v47, v22;
	v56 =	vld [tilespmem:s8+$0xE30]  }
0x342: {  	v58 =	vld [tilespmem:s7+$0xE30];
	v59 =	vmul.f32 v63, v25;
	v38 =	vadd.f32 v55, v54;
	[tilespmem:s0+$0xFFFFFFA0] =	vst v36  }
0x343: {  	v37 =	vadd.f32 v57, v37;
	v61 =	vmul.f32 v45, v20;
	v42 =	vmul.f32 v48, v19;
	v60 =	vld [tilespmem:s2+$0x430]  }
0x344: {  	v63 =	vmul.f32 v51, v30;
	v48 =	vmul.f32 v53, v32;
	v36 =	vadd.f32 v59, v38;
	v62 =	vld [tilespmem:s16+$0xE30]  }
0x345: {  	v45 =	vld [tilespmem:s23+$0xE60];
	v37 =	vadd.f32 v61, v37  }
0x346: {  	v50 =	vmul.f32 v56, v31;
	v38 =	vadd.f32 v48, v63;
	v49 =	vld [tilespmem:s21+$0xE30];
	v36 =	vadd.f32 v42, v36  }
0x347: {  	[tilespmem:s5+$0xD0] =	vst v37;
	v52 =	vld [tilespmem:s13+$0xE30]  }
0x348: {  	v51 =	vmul.f32 v58, v29;
	v43 =	vld [tilespmem:s3+$0x460];
	v53 =	vadd.f32 v50, v38;
	[tilespmem:s5+$0xFFFFFFB0] =	vst v36  }
0x349: {  	v56 =	vld [tilespmem:s9+$0x440];
	v54 =	vmul.f32 v60, v28;
	v55 =	vmul.f32 v62, v33  }
0x34a: {  	v36 =	vadd.f32 v51, v53;
	v57 =	vld [tilespmem:s14+$0xE40]  }
0x34b: {  	v59 =	vld [tilespmem:s12+$0xE40];
	v58 =	vmul.f32 v49, v27;
	v38 =	vadd.f32 v55, v54  }
0x34c: {  	v60 =	vld [tilespmem:s11+$0xE40];
	[tilespmem:s0+$0xB0] =	vst v36  }
0x34d: {  	v61 =	vmul.f32 v52, v26;
	v62 =	vld [tilespmem:s30+$0x440];
	v37 =	vadd.f32 v58, v38  }
0x34e: {  	v63 =	vld [tilespmem:s10+$0xE40]  }
0x34f: {  	v48 =	vld [tilespmem:s28+$0xE60];
	v52 =	vmul.f32 v56, v18;
	v53 =	vmul.f32 v57, v24;
	v36 =	vadd.f32 v61, v37  }
0x350: {  	v54 =	vld [tilespmem:s8+$0xE40]  }
0x351: {  	v55 =	vld [tilespmem:s7+$0xE40];
	v56 =	vmul.f32 v59, v25;
	v37 =	vadd.f32 v53, v52;
	[tilespmem:s0+$0xFFFFFFB0] =	vst v36  }
0x352: {  	v58 =	vmul.f32 v60, v19;
	v57 =	vld [tilespmem:s2+$0x440]  }
0x353: {  	v60 =	vmul.f32 v62, v30;
	v61 =	vmul.f32 v63, v32;
	v36 =	vadd.f32 v56, v37;
	v59 =	vld [tilespmem:s16+$0xE40]  }
0x354: {  	v40 =	vld [tilespmem:s29+$0xE60]  }
0x355: {  	v63 =	vmul.f32 v54, v31;
	v37 =	vadd.f32 v61, v60;
	v62 =	vld [tilespmem:s21+$0xE40];
	v36 =	vadd.f32 v58, v36  }
0x356: {  	v50 =	vld [tilespmem:s13+$0xE40]  }
0x357: {  	v49 =	vmul.f32 v55, v29;
	v37 =	vadd.f32 v63, v37;
	[tilespmem:s5+$0xFFFFFFC0] =	vst v36;
	v36 =	vld [tilespmem:s6+$0xE60]  }
0x358: {  	v53 =	vld [tilespmem:s9+$0x450];
	v51 =	vmul.f32 v57, v28;
	v52 =	vmul.f32 v59, v33  }
0x359: {  	v34 =	vmul.f32 v34, v16;
	v35 =	vmul.f32 v35, v17;
	v37 =	vadd.f32 v49, v37;
	v54 =	vld [tilespmem:s14+$0xE50]  }
0x35a: {  	v56 =	vld [tilespmem:s12+$0xE50];
	v42 =	vmul.f32 v62, v27;
	v38 =	vadd.f32 v52, v51  }
0x35b: {  	v34 =	vadd.f32 v35, v34;
	v57 =	vld [tilespmem:s11+$0xE50];
	[tilespmem:s0+$0xC0] =	vst v37  }
0x35c: {  	v55 =	vmul.f32 v45, v15;
	v58 =	vmul.f32 v50, v26;
	v60 =	vld [tilespmem:s30+$0x450];
	v38 =	vadd.f32 v42, v38  }
0x35d: {  	v43 =	vmul.f32 v43, v21;
	v61 =	vmul.f32 v48, v23;
	v62 =	vld [tilespmem:s10+$0xE50]  }
0x35e: {  	v34 =	vadd.f32 v55, v34;
	v59 =	vmul.f32 v46, v14;
	v37 =	vadd.f32 v58, v38  }
0x35f: {  	v40 =	vmul.f32 v40, v22;
	v50 =	vadd.f32 v61, v43;
	v49 =	vld [tilespmem:s8+$0xE50];
	v55 =	vmul.f32 v36, v20  }
0x360: {  	v34 =	vadd.f32 v59, v34;
	v51 =	vld [tilespmem:s7+$0xE50];
	v63 =	vmul.f32 v53, v18;
	v48 =	vmul.f32 v54, v24;
	[tilespmem:s0+$0xFFFFFFC0] =	vst v37  }
0x361: {  	v52 =	vmul.f32 v56, v25;
	v54 =	vadd.f32 v40, v50;
	v56 =	vmul.f32 v57, v19;
	v53 =	vld [tilespmem:s2+$0x450]  }
0x362: {  	[tilespmem:s22+$0xFFFFFFE0] =	vst v34;
	v38 =	vadd.f32 v48, v63;
	v58 =	vmul.f32 v60, v30;
	v59 =	vmul.f32 v62, v32;
	v57 =	vld [tilespmem:s16+$0xE50]  }
0x363: {  	v41 =	vld [tilespmem:s26+$0x470];
	v34 =	vadd.f32 v55, v54  }
0x364: {  	v62 =	vmul.f32 v49, v31;
	v37 =	vadd.f32 v52, v38;
	v61 =	vadd.f32 v59, v58;
	v60 =	vld [tilespmem:s21+$0xE50]  }
0x365: {  	v45 =	vld [tilespmem:s25+$0xE70]  }
0x366: {  	v63 =	vmul.f32 v51, v29;
	[tilespmem:s5+$0xE0] =	vst v34;
	v46 =	vld [tilespmem:s13+$0xE50];
	v36 =	vadd.f32 v56, v37;
	v47 =	vadd.f32 v62, v61  }
0x367: {  	v43 =	vld [tilespmem:s3+$0x470];
	v48 =	vmul.f32 v53, v28;
	v49 =	vmul.f32 v57, v33  }
0x368: {  	[tilespmem:s5+$0xFFFFFFD0] =	vst v36;
	v34 =	vadd.f32 v63, v47;
	v47 =	vld [tilespmem:s29+$0xE70]  }
0x369: {  	v50 =	vld [tilespmem:s9+$0x460];
	v35 =	vmul.f32 v60, v27;
	v52 =	vadd.f32 v49, v48  }
0x36a: {  	v51 =	vld [tilespmem:s14+$0xE60]  }
0x36b: {  	v54 =	vld [tilespmem:s11+$0xE60];
	v55 =	vmul.f32 v46, v26;
	v35 =	vadd.f32 v35, v52  }
0x36c: {  	v53 =	vld [tilespmem:s12+$0xE60];
	[tilespmem:s0+$0xD0] =	vst v34  }
0x36d: {  	v56 =	vld [tilespmem:s30+$0x460];
	v34 =	vadd.f32 v55, v35  }
0x36e: {  	v57 =	vld [tilespmem:s10+$0xE60]  }
0x36f: {  	v58 =	vld [tilespmem:s8+$0xE60];
	[tilespmem:s0+$0xFFFFFFD0] =	vst v34  }
0x370: {  	v39 =	vmul.f32 v50, v18;
	v40 =	vmul.f32 v51, v24;
	v34 =	vld [tilespmem:s2+$0x460]  }
0x371: {  	v60 =	vld [tilespmem:s16+$0xE60]  }
0x372: {  	v59 =	vld [tilespmem:s7+$0xE60];
	v37 =	vmul.f32 v53, v25;
	v39 =	vadd.f32 v40, v39  }
0x373: {  	v36 =	vmul.f32 v56, v30;
	v42 =	vmul.f32 v57, v32;
	v61 =	vld [tilespmem:s21+$0xE60]  }
0x374: {  	v46 =	vld [tilespmem:s28+$0xE70];
	v38 =	vmul.f32 v54, v19;
	v37 =	vadd.f32 v37, v39  }
0x375: {  	v35 =	vmul.f32 v58, v31;
	v36 =	vadd.f32 v42, v36;
	v63 =	vld [tilespmem:s13+$0xE60]  }
0x376: {  	v48 =	vld [tilespmem:s24+$0xE70];
	v37 =	vadd.f32 v38, v37;
	v34 =	vmul.f32 v34, v28;
	v53 =	vmul.f32 v60, v33  }
0x377: {  	v52 =	vld [tilespmem:s6+$0xE70];
	v62 =	vmul.f32 v59, v29  }
0x378: {  	v54 =	vld [tilespmem:s23+$0xE70];
	v35 =	vadd.f32 v35, v36;
	[tilespmem:s5+$0xFFFFFFE0] =	vst v37;
	v55 =	vmul.f32 v61, v27;
	v34 =	vadd.f32 v53, v34  }
0x379: {  	v37 =	vld [tilespmem:s9+$0x470]  }
0x37a: {  	v35 =	vadd.f32 v62, v35;
	v56 =	vld [tilespmem:s14+$0xE70];
	v57 =	vmul.f32 v63, v26;
	v34 =	vadd.f32 v55, v34  }
0x37b: {  	v49 =	vld [tilespmem:s11+$0xE70]  }
0x37c: {  	[tilespmem:s0+$0xE0] =	vst v35;
	v60 =	vld [tilespmem:s12+$0xE70];
	v34 =	vadd.f32 v57, v34  }
0x37d: {  	v45 =	vmul.f32 v45, v17;
	v58 =	vld [tilespmem:s30+$0x470]  }
0x37e: {  	v47 =	vmul.f32 v47, v22;
	v62 =	vmul.f32 v46, v23;
	v59 =	vld [tilespmem:s10+$0xE70];
	[tilespmem:s0+$0xFFFFFFE0] =	vst v34  }
0x37f: {  	v61 =	vmul.f32 v43, v21;
	v63 =	vmul.f32 v41, v16;
	v34 =	vld [tilespmem:s2+$0x470]  }
0x380: {  	v14 =	vmul.f32 v48, v14;
	v50 =	vmul.f32 v52, v20;
	v46 =	vld [tilespmem:s16+$0xE70]  }
0x381: {  	v15 =	vmul.f32 v54, v15;
	v35 =	vld [tilespmem:s8+$0xE70];
	v21 =	vadd.f32 v62, v61;
	v16 =	vadd.f32 v45, v63  }
0x382: {  	v52 =	vmul.f32 v37, v18;
	v53 =	vmul.f32 v56, v24;
	v51 =	vld [tilespmem:s21+$0xE70]  }
0x383: {  	v54 =	vld [tilespmem:s7+$0xE70];
	v21 =	vadd.f32 v47, v21;
	v15 =	vadd.f32 v15, v16;
	v55 =	vmul.f32 v58, v30;
	s24 =	rddreg [dreg:$0x5]  }
0x384: {  	v18 =	vadd.f32 v53, v52;
	v56 =	vmul.f32 v59, v32;
	v57 =	vmul.f32 v60, v25;
	v58 =	vld [tilespmem:s13+$0xE70];
	s25 =	rddreg [dreg:$0xe]  }
0x385: {  	v14 =	vadd.f32 v14, v15;
	s2 =	sadd.s32 s25, s24;
	v15 =	vmul.f32 v34, v28;
	v59 =	vmul.f32 v46, v33  }
0x386: {  	v61 =	vmul.f32 v49, v19;
	v60 =	vmul.f32 v35, v31;
	v16 =	vadd.f32 v56, v55;
	s2 =	smul.u32 $0xE, s2  }
0x387: {  	v18 =	vadd.f32 v57, v18;
	v20 =	vmul.f32 v51, v27;
	v15 =	vadd.f32 v59, v15  }
0x388: {  	v17 =	vadd.f32 v50, v21;
	v62 =	vmul.f32 v54, v29;
	v16 =	vadd.f32 v60, v16;
	[dreg:$0xd] =	wrdreg s2  }
0x389: {  	s26 =	rddreg [dreg:$0x10];
	[tilespmem:s22+$0xFFFFFFF0] =	vst v14;
	v14 =	vadd.f32 v61, v18;
	v63 =	vmul.f32 v58, v26;
	v15 =	vadd.f32 v20, v15  }
0x38a: {  	v16 =	vadd.f32 v62, v16;
	[tilespmem:s5+$0xF0] =	vst v17  }
0x38b: {  	[tilespmem:s5+$0xFFFFFFF0] =	vst v14;
	v14 =	vadd.f32 v63, v15  }
0x38c: {  	[tilespmem:s0+$0xF0] =	vst v16  }
0x38d: {  	s2 =	sadd.s32 s26, s2;
	[tilespmem:s0+$0xFFFFFFF0] =	vst v14  }
0x38e: {  	s3 =	sshrl.u32 s2, $0x3;
	s31 =	rddreg [dreg:$0xa]  }
0x38f: {  	s2 =	sshll.u32 s2, $0x7;
	s3 =	smul.u32 $0x7000, s3;
	p1 =	sne.s32 s31, $0x6F  }
.Ltmp3:
0x390: {  	s2 =	sand.u32 $0x300, s2;
	(pc) =	sbr.rel @p1 .LBB2_10-.Ltmp3, $4  }
0x391: {  	s2 =	sor.u32 s2, s3  }
0x392: {  	s29 =	simm.s32 $0x80;
	s28 =	rddreg [dreg:$0x3];
	s2 =	sshrl.u32 s2, $0x3  }
0x393: {  	s30 =	simm.s32 $0x7A00;
	s5 =	simm.s32 $0x400;
	s0 =	sadd.s32 s28, s2  }
0x394: {  	[hbm4b:s0+s29] =	stream.strided.scatter [tilespmem:s30], [sflag:$0x3], $0xE00, s5, s29, $0x38;
	[tilespmem:$0x9680] =	vst v63  }
.Ltmp4:
0x395: {  	(pc) =	sbr.rel .LBB2_11-.Ltmp4, $4  }
0x396: {  	s0 =	simm.s32 $0x2  }
0x397: {  	_ =	swait.ge [sflag:s0], $0x3800  }
0x398: {  	[sflag:s0] =	ssyncset.done $0x0  }
0x399: {  	[sflag:s0] =	ssyncadd.s32 $0xFFFFC800  }
.LBB2_10:
0x39a: {  	s0 =	rddreg [dreg:$0xf]  }
0x39b: {  	s0 =	sadd.s32 $0x2, s0  }
0x39c: {  	s2 =	smulhi.u32 $0x92492493, s0;
	_ =	sdelay $0x1  }
0x39d: {  	s2 =	sshrl.u32 s2, $0x3  }
0x39e: {  	s3 =	smul.u32 $0xE, s2;
	_ =	sdelay $0x1  }
0x39f: {  	s0 =	ssub.s32 s0, s3  }
0x3a0: {  	s0 =	sshll.u32 s0, $0x4  }
0x3a1: {  	s0 =	sadd.s32 s0, s2  }
0x3a2: {  	s0 =	sadd.s32 $0x10, s0  }
0x3a3: {  	v14 =	vmov s0;
	_ =	sdelay $0x2  }
0x3a4: {  	s19 =	sshll.u32 s2, $0x4  }
0x3a5: {  	s18 =	simm.s32 $0x100;
	v16 =	vld [tilespmem:s19+$0x500]  }
0x3a6: {  	v15 =	vld.idx.msk [tilespmem:v14+s18+$0x0], $0xffff  }
0x3a7: {  	s20 =	simm.s32 $0x200;
	v17 =	vld [tilespmem:s19+$0x600]  }
0x3a8: {  	v14 =	vld.idx.msk [tilespmem:v14+s20+$0x0], $0xffff;
	_ =	sdelay $0x2  }
0x3a9: {  	s21 =	simm.s32 $0x900;
	v18 =	vadd.s32 v15, v16  }
0x3aa: {  	v15 =	vadd.s32 v15, v17;
	[tilespmem:v0+s21+$0x0] =	vst.idx.msk $0x3fff, v18  }
0x3ab: {  	[tilespmem:v6+s21+$0x0] =	vst.idx.msk $0x3fff, v15;
	v15 =	vadd.s32 v14, v16  }
0x3ac: {  	v14 =	vadd.s32 v14, v17;
	[tilespmem:v7+s21+$0x0] =	vst.idx.msk $0x3fff, v15  }
0x3ad: {  	[tilespmem:v8+s21+$0x0] =	vst.idx.msk $0x3fff, v14  }
0x3ae: {  	v14 =	vld [tilespmem:$0x900];
	_ =	sdelay $0x4  }
0x3af: {  	v15 =	vshll.u32 v14, $0x1  }
0x3b0: {  	v14 =	vand.u32 $0x7, v14;
	v15 =	vand.u32 $0xFFFFFFF0, v15  }
0x3b1: {  	v14 =	vor.u32 v14, v15  }
0x3b2: {  	v15 =	vperm.xlane v14, v10;
	_ =	sdelay $0x1  }
0x3b3: {  	v14 =	vperm.xlane v14, v12;
	v15 =	vadd.s32 v11, v15;
	_ =	sdelay $0x1  }
0x3b4: {  	v14 =	vadd.s32 v11, v14;
	_ =	sdelay $0x1  }
0x3b5: {  	s22 =	rddreg [dreg:$0x0];
	s23 =	simm.s32 $0xA00  }
0x3b6: {  	[tilespmem:s23], [sflag:$0x1] =	stream.indirect_vreg.gather [hbm4b:s22+s4], $0x80, v15, vm0, $0xb8;
	[tilespmem:$0x9680] =	vst v63  }
0x3b7: {  	s24 =	simm.s32 $0x1200  }
0x3b8: {  	[tilespmem:s24], [sflag:$0x1] =	stream.indirect_vreg.gather [hbm4b:s22+s4], $0x80, v14, vm0, $0xb8;
	[tilespmem:$0x9680] =	vst v63  }
0x3b9: {  	v14 =	vld [tilespmem:$0x910];
	_ =	sdelay $0x4  }
0x3ba: {  	v15 =	vshll.u32 v14, $0x1  }
0x3bb: {  	v14 =	vand.u32 $0x7, v14;
	v15 =	vand.u32 $0xFFFFFFF0, v15  }
0x3bc: {  	v14 =	vor.u32 v14, v15  }
0x3bd: {  	v15 =	vperm.xlane v14, v10;
	_ =	sdelay $0x1  }
0x3be: {  	v14 =	vperm.xlane v14, v12;
	v15 =	vadd.s32 v11, v15;
	_ =	sdelay $0x1  }
0x3bf: {  	v14 =	vadd.s32 v11, v14;
	_ =	sdelay $0x1  }
0x3c0: {  	s25 =	simm.s32 $0x1A00  }
0x3c1: {  	[tilespmem:s25], [sflag:$0x1] =	stream.indirect_vreg.gather [hbm4b:s22+s4], $0x80, v15, vm0, $0xb8;
	[tilespmem:$0x9680] =	vst v63  }
0x3c2: {  	s26 =	simm.s32 $0x2200  }
0x3c3: {  	[tilespmem:s26], [sflag:$0x1] =	stream.indirect_vreg.gather [hbm4b:s22+s4], $0x80, v14, vm0, $0xb8;
	[tilespmem:$0x9680] =	vst v63  }
0x3c4: {  	v14 =	vld [tilespmem:$0x920];
	_ =	sdelay $0x4  }
0x3c5: {  	v15 =	vshll.u32 v14, $0x1  }
0x3c6: {  	v14 =	vand.u32 $0x7, v14;
	v15 =	vand.u32 $0xFFFFFFF0, v15  }
0x3c7: {  	v14 =	vor.u32 v14, v15  }
0x3c8: {  	v15 =	vperm.xlane v14, v10;
	_ =	sdelay $0x1  }
0x3c9: {  	v14 =	vperm.xlane v14, v12;
	v15 =	vadd.s32 v11, v15;
	_ =	sdelay $0x1  }
0x3ca: {  	v14 =	vadd.s32 v11, v14;
	_ =	sdelay $0x1  }
0x3cb: {  	s28 =	simm.s32 $0x2A00  }
0x3cc: {  	[tilespmem:s28], [sflag:$0x1] =	stream.indirect_vreg.gather [hbm4b:s22+s4], $0x80, v15, vm0, $0xb8;
	[tilespmem:$0x9680] =	vst v63  }
0x3cd: {  	s29 =	simm.s32 $0x3200  }
0x3ce: {  	[tilespmem:s29], [sflag:$0x1] =	stream.indirect_vreg.gather [hbm4b:s22+s4], $0x80, v14, vm0, $0xb8;
	[tilespmem:$0x9680] =	vst v63  }
0x3cf: {  	v14 =	vld.msk [tilespmem:$0x930], $0xff;
	_ =	sdelay $0x4  }
0x3d0: {  	v15 =	vshll.u32 v14, $0x1  }
0x3d1: {  	v14 =	vand.u32 $0x7, v14;
	v15 =	vand.u32 $0xFFFFFFF0, v15  }
0x3d2: {  	v14 =	vor.u32 v14, v15  }
0x3d3: {  	v14 =	vperm.xlane v14, v10;
	_ =	sdelay $0x1  }
0x3d4: {  	v14 =	vadd.s32 v11, v14;
	_ =	sdelay $0x3  }
.Ltmp5:
0x3d5: {  	s30 =	simm.s32 $0x3A00;
	s31 =	simm.s32 $0x2;
	(pc) =	sbr.rel @p0 .LBB2_12-.Ltmp5, $4  }
0x3d6: {  	[tilespmem:s30], [sflag:$0x1] =	stream.indirect_vreg.gather [hbm4b:s22+s4], $0x80, v14, vm0, $0xb8;
	[tilespmem:$0x9680] =	vst v63  }
0x3d7: {  	_ =	swait.ge [sflag:s31], $0x3800  }
0x3d8: {  	[sflag:s31] =	ssyncset.done $0x0  }
0x3d9: {  	[sflag:s31] =	ssyncadd.s32 $0xFFFFC800  }
.LBB2_11:
0x3da: {  	s0 =	simm.s32 $0x4  }
0x3db: {  	_ =	swait.ge [sflag:s0], $0xE00  }
0x3dc: {  	[sflag:s0] =	ssyncset.done $0x0  }
0x3dd: {  	[sflag:s0] =	ssyncadd.s32 $0xFFFFF200  }
.LBB2_12:
0x3de: {  	_ =	sdelay $0x2  }
0x3df: {  	s0 =	simm.s32 $0x300  }
0x3e0: {  	s25 =	rddreg [dreg:$0xc];
	v14 =	vld.idx.msk [tilespmem:v13+s0+$0x0], $0xffff  }
0x3e1: {  	v15 =	vld [tilespmem:s25+$0x700]  }
0x3e2: {  	v16 =	vld [tilespmem:s25+$0x800]  }
0x3e3: {  	v13 =	vld.idx.msk [tilespmem:v13+s5+$0x0], $0xffff;
	_ =	sdelay $0x2  }
0x3e4: {  	s26 =	simm.s32 $0x1;
	v17 =	vmul.f32 v15, v14  }
0x3e5: {  	v18 =	vmov s26;
	v14 =	vmul.f32 v16, v14  }
0x3e6: {  	v15 =	vmul.f32 v15, v13;
	[tilespmem:$0x9600] =	vst v17  }
0x3e7: {  	s31 =	simm.s32 $0x80;
	v13 =	vmul.f32 v16, v13;
	[tilespmem:$0x9610] =	vst v14  }
0x3e8: {  	s2 =	simm.s32 $0x0;
	s3 =	simm.s32 $0xF00;
	s7 =	simm.s32 $0x780;
	v17 =	vor.u32 $0x10, v18;
	[tilespmem:$0x9620] =	vst v15  }
0x3e9: {  	s2 =	sand.u32 $0x800, s2;
	s3 =	sand.u32 $0x1800, s3;
	s5 =	sand.u32 $0x380, s7;
	[tilespmem:$0x9630] =	vst v13;
	v13 =	vor.u32 $0x20, v18  }
0x3ea: {  	s0 =	sand.u32 $0x380, s31;
	s6 =	sor.u32 $0x4200, s2;
	s5 =	sor.u32 s5, s3;
	v33 =	vld.idx.msk [tilespmem:v18+s1+$0x0], $0xffff  }
0x3eb: {  	s8 =	simm.s32 $0x1D00;
	s7 =	sadd.s32 s0, s6;
	v15 =	vld [tilespmem:s5+$0x4200]  }
0x3ec: {  	s9 =	simm.s32 $0xE80;
	s10 =	simm.s32 $0x0;
	s2 =	sand.u32 $0x3800, s8;
	v14 =	vor.u32 $0x30, v18;
	v16 =	vld [tilespmem:s7+$0x0]  }
0x3ed: {  	s3 =	sand.u32 $0x380, s9;
	s8 =	simm.s32 $0x1580;
	s9 =	simm.s32 $0x2B00;
	v34 =	vld.idx.msk [tilespmem:v17+s1+$0x0], $0xffff  }
0x3ee: {  	s2 =	sor.u32 s3, s2;
	s11 =	sand.u32 $0x3800, s9;
	s12 =	sand.u32 $0x380, s8;
	v35 =	vld.idx.msk [tilespmem:v13+s1+$0x0], $0xffff  }
0x3ef: {  	s0 =	sor.u32 s12, s11;
	v13 =	vmov s10;
	v17 =	vld [tilespmem:s2+$0x4200]  }
0x3f0: {  	v19 =	vld [tilespmem:s0+$0x4200];
	v18 =	vor.u32 $0x30, v13  }
0x3f1: {  	v36 =	vld.idx.msk [tilespmem:v14+s1+$0x0], $0xffff;
	v14 =	vor.u32 $0x20, v13  }
0x3f2: {  	v16 =	vmul.f32 v16, v33;
	v21 =	vmul.f32 v15, v34  }
0x3f3: {  	v20 =	vor.u32 $0x10, v13  }
0x3f4: {  	s13 =	simm.s32 $0x0;
	v15 =	vld.idx.msk [tilespmem:v13+s1+$0x0], $0xffff;
	v17 =	vmul.f32 v17, v35;
	v16 =	vadd.f32 v21, v16  }
0x3f5: {  	s14 =	simm.s32 $0xE00;
	s3 =	sand.u32 $0x300, s13;
	v13 =	vld.idx.msk [tilespmem:v18+s1+$0x0], $0xffff  }
0x3f6: {  	s15 =	simm.s32 $0x700;
	s16 =	simm.s32 $0x1C00;
	s23 =	sadd.s32 s3, s6;
	v14 =	vld.idx.msk [tilespmem:v14+s1+$0x0], $0xffff;
	v18 =	vmul.f32 v19, v36;
	v17 =	vadd.f32 v17, v16  }
0x3f7: {  	s17 =	simm.s32 $0xE00;
	s8 =	sand.u32 $0x1800, s14;
	s9 =	sand.u32 $0x300, s15;
	v19 =	vld [tilespmem:s23+$0x0]  }
0x3f8: {  	s22 =	sor.u32 s9, s8;
	s3 =	sand.u32 $0x3800, s16;
	s6 =	sand.u32 $0x300, s17;
	v16 =	vld.idx.msk [tilespmem:v20+s1+$0x0], $0xffff;
	v17 =	vadd.f32 v18, v17  }
0x3f9: {  	s17 =	simm.s32 $0x8900;
	s19 =	sor.u32 s6, s3;
	v18 =	vld [tilespmem:s22+$0x4200]  }
0x3fa: {  	s18 =	simm.s32 $0x2A00;
	s20 =	simm.s32 $0x1500;
	v20 =	vld [tilespmem:s19+$0x4200];
	[tilespmem:s17+$0x0] =	vst v17  }
0x3fb: {  	s3 =	sand.u32 $0x3800, s18;
	s6 =	sand.u32 $0x300, s20;
	v17 =	vld [tilespmem:s7+$0x10]  }
0x3fc: {  	s20 =	sor.u32 s6, s3;
	v21 =	vld [tilespmem:s5+$0x4210]  }
0x3fd: {  	v22 =	vld [tilespmem:s20+$0x4200]  }
0x3fe: {  	v19 =	vmul.f32 v19, v15;
	v23 =	vld [tilespmem:s2+$0x4210];
	v18 =	vmul.f32 v18, v16;
	_ =	sdelay $0x1  }
0x3ff: {  	v20 =	vmul.f32 v20, v14;
	v18 =	vadd.f32 v18, v19;
	v19 =	vld [tilespmem:s0+$0x4210]  }
0x400: {  	v17 =	vmul.f32 v17, v33;
	v21 =	vmul.f32 v21, v34  }
0x401: {  	v22 =	vmul.f32 v22, v13;
	v18 =	vadd.f32 v20, v18  }
0x402: {  	v20 =	vmul.f32 v23, v35;
	v17 =	vadd.f32 v21, v17  }
0x403: {  	v18 =	vadd.f32 v22, v18  }
0x404: {  	v17 =	vadd.f32 v20, v17;
	v19 =	vmul.f32 v19, v36  }
0x405: {  	[tilespmem:s17+$0xFFFFFF00] =	vst v18  }
0x406: {  	v18 =	vld [tilespmem:s23+$0x10];
	v17 =	vadd.f32 v19, v17  }
0x407: {  	v19 =	vld [tilespmem:s22+$0x4210]  }
0x408: {  	v20 =	vld [tilespmem:s19+$0x4210];
	[tilespmem:s17+$0x10] =	vst v17  }
0x409: {  	v17 =	vld [tilespmem:s7+$0x20]  }
0x40a: {  	v21 =	vld [tilespmem:s5+$0x4220]  }
0x40b: {  	v22 =	vld [tilespmem:s20+$0x4210]  }
0x40c: {  	v23 =	vld [tilespmem:s2+$0x4220];
	v18 =	vmul.f32 v18, v15;
	v19 =	vmul.f32 v19, v16;
	_ =	sdelay $0x1  }
0x40d: {  	v20 =	vmul.f32 v20, v14;
	v18 =	vadd.f32 v19, v18;
	v19 =	vld [tilespmem:s0+$0x4220]  }
0x40e: {  	v17 =	vmul.f32 v17, v33;
	v21 =	vmul.f32 v21, v34  }
0x40f: {  	v22 =	vmul.f32 v22, v13;
	v18 =	vadd.f32 v20, v18  }
0x410: {  	v20 =	vmul.f32 v23, v35;
	v17 =	vadd.f32 v21, v17  }
0x411: {  	v18 =	vadd.f32 v22, v18  }
0x412: {  	v17 =	vadd.f32 v20, v17;
	v19 =	vmul.f32 v19, v36  }
0x413: {  	[tilespmem:s17+$0xFFFFFF10] =	vst v18  }
0x414: {  	v18 =	vld [tilespmem:s23+$0x20];
	v17 =	vadd.f32 v19, v17  }
0x415: {  	v19 =	vld [tilespmem:s22+$0x4220]  }
0x416: {  	v20 =	vld [tilespmem:s19+$0x4220];
	[tilespmem:s17+$0x20] =	vst v17  }
0x417: {  	v17 =	vld [tilespmem:s7+$0x30]  }
0x418: {  	v21 =	vld [tilespmem:s5+$0x4230]  }
0x419: {  	v22 =	vld [tilespmem:s20+$0x4220]  }
0x41a: {  	v23 =	vld [tilespmem:s2+$0x4230];
	v18 =	vmul.f32 v18, v15;
	v19 =	vmul.f32 v19, v16;
	_ =	sdelay $0x1  }
0x41b: {  	v20 =	vmul.f32 v20, v14;
	v18 =	vadd.f32 v19, v18;
	v19 =	vld [tilespmem:s0+$0x4230]  }
0x41c: {  	v17 =	vmul.f32 v17, v33;
	v21 =	vmul.f32 v21, v34  }
0x41d: {  	v22 =	vmul.f32 v22, v13;
	v18 =	vadd.f32 v20, v18  }
0x41e: {  	v20 =	vmul.f32 v23, v35;
	v17 =	vadd.f32 v21, v17  }
0x41f: {  	v18 =	vadd.f32 v22, v18  }
0x420: {  	v17 =	vadd.f32 v20, v17;
	v19 =	vmul.f32 v19, v36  }
0x421: {  	[tilespmem:s17+$0xFFFFFF20] =	vst v18  }
0x422: {  	v18 =	vld [tilespmem:s23+$0x30];
	v17 =	vadd.f32 v19, v17  }
0x423: {  	v19 =	vld [tilespmem:s22+$0x4230]  }
0x424: {  	v20 =	vld [tilespmem:s19+$0x4230];
	[tilespmem:s17+$0x30] =	vst v17  }
0x425: {  	v17 =	vld [tilespmem:s7+$0x40]  }
0x426: {  	v21 =	vld [tilespmem:s5+$0x4240]  }
0x427: {  	v22 =	vld [tilespmem:s20+$0x4230]  }
0x428: {  	v23 =	vld [tilespmem:s2+$0x4240];
	v18 =	vmul.f32 v18, v15;
	v19 =	vmul.f32 v19, v16;
	_ =	sdelay $0x1  }
0x429: {  	v20 =	vmul.f32 v20, v14;
	v18 =	vadd.f32 v19, v18;
	v19 =	vld [tilespmem:s0+$0x4240]  }
0x42a: {  	v17 =	vmul.f32 v17, v33;
	v21 =	vmul.f32 v21, v34  }
0x42b: {  	v22 =	vmul.f32 v22, v13;
	v18 =	vadd.f32 v20, v18  }
0x42c: {  	v20 =	vmul.f32 v23, v35;
	v17 =	vadd.f32 v21, v17  }
0x42d: {  	v18 =	vadd.f32 v22, v18  }
0x42e: {  	v19 =	vmul.f32 v19, v36;
	v17 =	vadd.f32 v20, v17  }
0x42f: {  	[tilespmem:s17+$0xFFFFFF30] =	vst v18  }
0x430: {  	v18 =	vld [tilespmem:s23+$0x40];
	v17 =	vadd.f32 v19, v17  }
0x431: {  	v19 =	vld [tilespmem:s22+$0x4240]  }
0x432: {  	v20 =	vld [tilespmem:s19+$0x4240];
	[tilespmem:s17+$0x40] =	vst v17  }
0x433: {  	v17 =	vld [tilespmem:s7+$0x50]  }
0x434: {  	v21 =	vld [tilespmem:s5+$0x4250]  }
0x435: {  	v22 =	vld [tilespmem:s20+$0x4240]  }
0x436: {  	v23 =	vld [tilespmem:s2+$0x4250];
	v18 =	vmul.f32 v18, v15;
	v19 =	vmul.f32 v19, v16;
	_ =	sdelay $0x1  }
0x437: {  	v20 =	vmul.f32 v20, v14;
	v18 =	vadd.f32 v19, v18;
	v19 =	vld [tilespmem:s0+$0x4250]  }
0x438: {  	v17 =	vmul.f32 v17, v33;
	v21 =	vmul.f32 v21, v34  }
0x439: {  	v22 =	vmul.f32 v22, v13;
	v18 =	vadd.f32 v20, v18  }
0x43a: {  	v20 =	vmul.f32 v23, v35;
	v17 =	vadd.f32 v21, v17  }
0x43b: {  	v18 =	vadd.f32 v22, v18  }
0x43c: {  	v17 =	vadd.f32 v20, v17;
	v19 =	vmul.f32 v19, v36  }
0x43d: {  	[tilespmem:s17+$0xFFFFFF40] =	vst v18  }
0x43e: {  	v18 =	vld [tilespmem:s23+$0x50];
	v17 =	vadd.f32 v19, v17  }
0x43f: {  	v19 =	vld [tilespmem:s22+$0x4250]  }
0x440: {  	v20 =	vld [tilespmem:s19+$0x4250];
	[tilespmem:s17+$0x50] =	vst v17  }
0x441: {  	v17 =	vld [tilespmem:s7+$0x60]  }
0x442: {  	v21 =	vld [tilespmem:s5+$0x4260]  }
0x443: {  	v22 =	vld [tilespmem:s20+$0x4250]  }
0x444: {  	v23 =	vld [tilespmem:s2+$0x4260]  }
0x445: {  	v18 =	vmul.f32 v18, v15;
	v19 =	vmul.f32 v19, v16  }
0x446: {  	v24 =	vld [tilespmem:s0+$0x4260];
	v20 =	vmul.f32 v20, v14  }
0x447: {  	v18 =	vadd.f32 v19, v18;
	v17 =	vmul.f32 v17, v33;
	v19 =	vmul.f32 v21, v34  }
0x448: {  	v21 =	vmul.f32 v22, v13  }
0x449: {  	v18 =	vadd.f32 v20, v18;
	v17 =	vadd.f32 v19, v17;
	v19 =	vmul.f32 v23, v35;
	_ =	sdelay $0x1  }
0x44a: {  	v18 =	vadd.f32 v21, v18;
	v17 =	vadd.f32 v19, v17;
	v19 =	vmul.f32 v24, v36;
	_ =	sdelay $0x1  }
0x44b: {  	[tilespmem:s17+$0xFFFFFF50] =	vst v18;
	v17 =	vadd.f32 v19, v17  }
0x44c: {  	v18 =	vld [tilespmem:s23+$0x60]  }
0x44d: {  	v19 =	vld [tilespmem:s22+$0x4260];
	[tilespmem:s17+$0x60] =	vst v17  }
0x44e: {  	v17 =	vld [tilespmem:s7+$0x70]  }
0x44f: {  	v20 =	vld [tilespmem:s5+$0x4270];
	_ =	sdelay $0x1  }
0x450: {  	v22 =	vld [tilespmem:s2+$0x4270]  }
0x451: {  	v21 =	vld [tilespmem:s19+$0x4260]  }
0x452: {  	v24 =	vld [tilespmem:s0+$0x4270];
	v18 =	vmul.f32 v18, v15;
	v19 =	vmul.f32 v19, v16  }
0x453: {  	v23 =	vld [tilespmem:s20+$0x4260];
	v17 =	vmul.f32 v17, v33;
	v20 =	vmul.f32 v20, v34;
	_ =	sdelay $0x1  }
0x454: {  	v18 =	vadd.f32 v19, v18;
	v19 =	vmul.f32 v22, v35;
	v17 =	vadd.f32 v20, v17  }
0x455: {  	s25 =	simm.s32 $0x180;
	s26 =	simm.s32 $0x1F00;
	v21 =	vmul.f32 v21, v14  }
0x456: {  	s31 =	simm.s32 $0xF80;
	s13 =	simm.s32 $0x1680;
	s14 =	simm.s32 $0x2D00;
	v17 =	vadd.f32 v19, v17;
	v19 =	vmul.f32 v24, v36  }
0x457: {  	s8 =	sand.u32 $0x380, s31;
	s3 =	sand.u32 $0x380, s25;
	s6 =	sand.u32 $0x3800, s26;
	v18 =	vadd.f32 v21, v18;
	v20 =	vmul.f32 v23, v13  }
0x458: {  	s25 =	sor.u32 s8, s6;
	s8 =	sand.u32 $0x3800, s14;
	s6 =	sand.u32 $0x380, s13;
	v19 =	vadd.f32 v19, v17  }
0x459: {  	s6 =	sor.u32 s6, s8;
	v43 =	vld [tilespmem:s25+$0x4200];
	v18 =	vadd.f32 v20, v18  }
0x45a: {  	v38 =	vld [tilespmem:s6+$0x4200];
	[tilespmem:s17+$0x70] =	vst v19  }
0x45b: {  	s21 =	simm.s32 $0x2;
	[tilespmem:s17+$0xFFFFFF60] =	vst v18;
	v18 =	vld [tilespmem:s7+$0x400]  }
0x45c: {  	v25 =	vmov s21;
	v19 =	vld [tilespmem:s5+$0x4600]  }
0x45d: {  	s24 =	simm.s32 $0x3;
	v20 =	vor.u32 $0x30, v25;
	v23 =	vld [tilespmem:s23+$0x70]  }
0x45e: {  	v21 =	vmov s24;
	v22 =	vld [tilespmem:s2+$0x4600]  }
0x45f: {  	v28 =	vor.u32 $0x20, v21;
	v24 =	vld [tilespmem:s22+$0x4270]  }
0x460: {  	v27 =	vor.u32 $0x30, v21;
	v29 =	vld [tilespmem:s0+$0x4600]  }
0x461: {  	v26 =	vld [tilespmem:s19+$0x4270];
	v32 =	vmul.f32 v18, v33;
	v19 =	vmul.f32 v19, v34  }
0x462: {  	v31 =	vor.u32 $0x10, v21;
	v18 =	vld.idx.msk [tilespmem:v20+s1+$0x0], $0xffff  }
0x463: {  	s11 =	simm.s32 $0x880;
	s10 =	simm.s32 $0x1100;
	v20 =	vld.idx.msk [tilespmem:v21+s1+$0x0], $0xffff;
	v22 =	vmul.f32 v22, v35;
	v32 =	vadd.f32 v19, v32  }
0x464: {  	s12 =	simm.s32 $0x200;
	s11 =	sand.u32 $0x380, s11;
	s10 =	sand.u32 $0x1800, s10;
	v21 =	vld.idx.msk [tilespmem:v28+s1+$0x0], $0xffff  }
0x465: {  	s9 =	sand.u32 $0x800, s12;
	s24 =	sor.u32 s11, s10;
	v28 =	vmul.f32 v29, v36;
	v19 =	vld.idx.msk [tilespmem:v27+s1+$0x0], $0xffff;
	v27 =	vadd.f32 v22, v32  }
0x466: {  	s9 =	sor.u32 $0x4200, s9;
	v29 =	vld [tilespmem:s24+$0x4200]  }
0x467: {  	s3 =	sadd.s32 s3, s9;
	v22 =	vld.idx.msk [tilespmem:v31+s1+$0x0], $0xffff;
	v27 =	vadd.f32 v28, v27  }
0x468: {  	v28 =	vld [tilespmem:s3+$0x0]  }
0x469: {  	v30 =	vld [tilespmem:s20+$0x4270];
	[tilespmem:s17+$0x80] =	vst v27  }
0x46a: {  	v23 =	vmul.f32 v23, v15;
	v24 =	vmul.f32 v24, v16;
	v27 =	vld [tilespmem:s7+$0x410]  }
0x46b: {  	s16 =	simm.s32 $0x1000;
	s18 =	simm.s32 $0x800;
	v31 =	vor.u32 $0x10, v25;
	v37 =	vld [tilespmem:s5+$0x4610]  }
0x46c: {  	s10 =	sand.u32 $0x1800, s16;
	s11 =	sand.u32 $0x300, s18;
	v17 =	vld.idx.msk [tilespmem:v25+s1+$0x0], $0xffff;
	v26 =	vmul.f32 v26, v14;
	v24 =	vadd.f32 v24, v23  }
0x46d: {  	s14 =	sor.u32 s11, s10;
	v25 =	vor.u32 $0x20, v25;
	v29 =	vmul.f32 v29, v22;
	v39 =	vld [tilespmem:s2+$0x4610];
	v28 =	vmul.f32 v28, v20  }
0x46e: {  	s15 =	simm.s32 $0x100;
	v45 =	vld [tilespmem:s14+$0x4200];
	v30 =	vmul.f32 v30, v13  }
0x46f: {  	s8 =	sand.u32 $0x300, s15;
	v24 =	vadd.f32 v26, v24;
	v26 =	vadd.f32 v29, v28;
	v28 =	vmul.f32 v43, v21;
	v29 =	vld [tilespmem:s0+$0x4610]  }
0x470: {  	s21 =	simm.s32 $0x1E00;
	s26 =	simm.s32 $0xF00;
	s9 =	sadd.s32 s8, s9;
	v23 =	vld.idx.msk [tilespmem:v31+s1+$0x0], $0xffff;
	v27 =	vmul.f32 v27, v33;
	v44 =	vmul.f32 v37, v34  }
0x471: {  	s8 =	sand.u32 $0x3800, s21;
	s10 =	sand.u32 $0x300, s26;
	v30 =	vadd.f32 v30, v24;
	v31 =	vld [tilespmem:s9+$0x0];
	v26 =	vadd.f32 v28, v26;
	v28 =	vmul.f32 v38, v19  }
0x472: {  	s31 =	simm.s32 $0x2C00;
	s13 =	simm.s32 $0x1600;
	s12 =	sor.u32 s10, s8;
	v24 =	vld.idx.msk [tilespmem:v25+s1+$0x0], $0xffff;
	v25 =	vadd.f32 v44, v27;
	v27 =	vmul.f32 v39, v35  }
0x473: {  	s13 =	sand.u32 $0x300, s13;
	s11 =	sand.u32 $0x3800, s31;
	[tilespmem:s17+$0xFFFFFF70] =	vst v30;
	v30 =	vld [tilespmem:s12+$0x4200];
	v26 =	vadd.f32 v28, v26  }
0x474: {  	s26 =	simm.s32 $0x8B00;
	s11 =	sor.u32 s13, s11;
	v49 =	vld [tilespmem:s22+$0x4600];
	v25 =	vadd.f32 v27, v25;
	v27 =	vmul.f32 v29, v36  }
0x475: {  	v29 =	vld [tilespmem:s11+$0x4200];
	[tilespmem:s26+$0x0] =	vst v26  }
0x476: {  	v26 =	vmul.f32 v31, v17;
	v31 =	vmul.f32 v45, v23;
	v46 =	vld [tilespmem:s3+$0x10];
	v25 =	vadd.f32 v27, v25  }
0x477: {  	v27 =	vld [tilespmem:s24+$0x4210]  }
0x478: {  	v30 =	vmul.f32 v30, v24;
	v26 =	vadd.f32 v31, v26;
	v31 =	vld [tilespmem:s25+$0x4210];
	[tilespmem:s17+$0x90] =	vst v25  }
0x479: {  	v25 =	vld [tilespmem:s7+$0x420]  }
0x47a: {  	v29 =	vmul.f32 v29, v18;
	v26 =	vadd.f32 v30, v26;
	v30 =	vld [tilespmem:s5+$0x4620]  }
0x47b: {  	v47 =	vld [tilespmem:s6+$0x4210]  }
0x47c: {  	v48 =	vld [tilespmem:s2+$0x4620];
	v26 =	vadd.f32 v29, v26;
	v29 =	vmul.f32 v46, v20;
	v27 =	vmul.f32 v27, v22  }
0x47d: {  	v51 =	vld [tilespmem:s19+$0x4600]  }
0x47e: {  	[tilespmem:s26+$0xFFFFFF00] =	vst v26;
	v26 =	vadd.f32 v27, v29;
	v27 =	vmul.f32 v31, v21;
	v29 =	vld [tilespmem:s0+$0x4620]  }
0x47f: {  	v31 =	vld [tilespmem:s9+$0x10];
	v25 =	vmul.f32 v25, v33;
	v30 =	vmul.f32 v30, v34  }
0x480: {  	v50 =	vld [tilespmem:s14+$0x4210];
	v26 =	vadd.f32 v27, v26;
	v27 =	vmul.f32 v47, v19  }
0x481: {  	v28 =	vld [tilespmem:s23+$0x400];
	v25 =	vadd.f32 v30, v25;
	v30 =	vmul.f32 v48, v35  }
0x482: {  	v52 =	vld [tilespmem:s12+$0x4210];
	v26 =	vadd.f32 v27, v26  }
0x483: {  	v27 =	vld [tilespmem:s20+$0x4600];
	v25 =	vadd.f32 v30, v25;
	v29 =	vmul.f32 v29, v36  }
0x484: {  	v30 =	vld [tilespmem:s11+$0x4210];
	[tilespmem:s26+$0x10] =	vst v26  }
0x485: {  	v26 =	vmul.f32 v31, v17;
	v31 =	vmul.f32 v50, v23;
	v53 =	vld [tilespmem:s3+$0x20];
	v25 =	vadd.f32 v29, v25  }
0x486: {  	v28 =	vmul.f32 v28, v15;
	v29 =	vmul.f32 v49, v16;
	v54 =	vld [tilespmem:s24+$0x4220]  }
0x487: {  	v32 =	vmul.f32 v52, v24;
	v26 =	vadd.f32 v31, v26;
	v31 =	vld [tilespmem:s25+$0x4220];
	[tilespmem:s17+$0xA0] =	vst v25  }
0x488: {  	v25 =	vadd.f32 v29, v28;
	v28 =	vmul.f32 v51, v14;
	v29 =	vld [tilespmem:s7+$0x430]  }
0x489: {  	v30 =	vmul.f32 v30, v18;
	v26 =	vadd.f32 v32, v26;
	v55 =	vld [tilespmem:s5+$0x4630]  }
0x48a: {  	v27 =	vmul.f32 v27, v13;
	v25 =	vadd.f32 v28, v25;
	v28 =	vld [tilespmem:s6+$0x4220]  }
0x48b: {  	v26 =	vadd.f32 v30, v26;
	v30 =	vmul.f32 v53, v20;
	v56 =	vmul.f32 v54, v22  }
0x48c: {  	v57 =	vld [tilespmem:s2+$0x4630]  }
0x48d: {  	v25 =	vadd.f32 v27, v25;
	v27 =	vmul.f32 v31, v21;
	[tilespmem:s26+$0xFFFFFF10] =	vst v26;
	v26 =	vadd.f32 v56, v30;
	v30 =	vld [tilespmem:s0+$0x4630]  }
0x48e: {  	v31 =	vld [tilespmem:s9+$0x20];
	v29 =	vmul.f32 v29, v33  }
0x48f: {  	v32 =	vmul.f32 v55, v34;
	[tilespmem:s17+$0xFFFFFF80] =	vst v25;
	v25 =	vld [tilespmem:s14+$0x4220];
	v26 =	vadd.f32 v27, v26;
	v27 =	vmul.f32 v28, v19  }
0x490: {  	v59 =	vld [tilespmem:s12+$0x4220]  }
0x491: {  	v58 =	vmul.f32 v57, v35;
	v60 =	vld [tilespmem:s11+$0x4220];
	v29 =	vadd.f32 v32, v29;
	v26 =	vadd.f32 v27, v26  }
0x492: {  	v28 =	vld [tilespmem:s23+$0x410]  }
0x493: {  	v44 =	vld [tilespmem:s19+$0x4610];
	v29 =	vadd.f32 v58, v29;
	v30 =	vmul.f32 v30, v36;
	[tilespmem:s26+$0x20] =	vst v26  }
0x494: {  	v26 =	vmul.f32 v31, v17;
	v25 =	vmul.f32 v25, v23;
	v31 =	vld [tilespmem:s3+$0x30]  }
0x495: {  	v29 =	vadd.f32 v30, v29;
	v30 =	vld [tilespmem:s24+$0x4230]  }
0x496: {  	v37 =	vmul.f32 v59, v24;
	v62 =	vld [tilespmem:s6+$0x4230];
	v25 =	vadd.f32 v25, v26  }
0x497: {  	v26 =	vld [tilespmem:s25+$0x4230];
	[tilespmem:s17+$0xB0] =	vst v29  }
0x498: {  	v32 =	vmul.f32 v60, v18;
	v29 =	vld [tilespmem:s7+$0x440];
	v25 =	vadd.f32 v37, v25  }
0x499: {  	v61 =	vld [tilespmem:s5+$0x4640]  }
0x49a: {  	v27 =	vld [tilespmem:s22+$0x4610];
	v25 =	vadd.f32 v32, v25;
	v31 =	vmul.f32 v31, v20;
	v30 =	vmul.f32 v30, v22  }
0x49b: {  	v63 =	vld [tilespmem:s2+$0x4640]  }
0x49c: {  	v26 =	vmul.f32 v26, v21;
	[tilespmem:s26+$0xFFFFFF20] =	vst v25;
	v25 =	vadd.f32 v30, v31;
	v30 =	vld [tilespmem:s0+$0x4640]  }
0x49d: {  	v31 =	vld [tilespmem:s9+$0x30];
	v29 =	vmul.f32 v29, v33  }
0x49e: {  	v37 =	vmul.f32 v61, v34;
	v40 =	vld [tilespmem:s14+$0x4230];
	v25 =	vadd.f32 v26, v25;
	v26 =	vmul.f32 v62, v19  }
0x49f: {  	v45 =	vld [tilespmem:s20+$0x4610];
	v28 =	vmul.f32 v28, v15;
	v27 =	vmul.f32 v27, v16  }
0x4a0: {  	v32 =	vmul.f32 v63, v35;
	v46 =	vld [tilespmem:s12+$0x4230];
	v29 =	vadd.f32 v37, v29;
	v25 =	vadd.f32 v26, v25  }
0x4a1: {  	v27 =	vadd.f32 v27, v28  }
0x4a2: {  	v28 =	vmul.f32 v44, v14;
	v26 =	vadd.f32 v32, v29;
	v29 =	vmul.f32 v30, v36;
	v30 =	vld [tilespmem:s11+$0x4230];
	[tilespmem:s26+$0x30] =	vst v25  }
0x4a3: {  	v25 =	vmul.f32 v31, v17;
	v31 =	vmul.f32 v40, v23;
	v47 =	vld [tilespmem:s25+$0x4240]  }
0x4a4: {  	v27 =	vadd.f32 v28, v27;
	v26 =	vadd.f32 v29, v26;
	v28 =	vld [tilespmem:s3+$0x40]  }
0x4a5: {  	v37 =	vmul.f32 v46, v24;
	v29 =	vmul.f32 v45, v13;
	v25 =	vadd.f32 v31, v25;
	v31 =	vld [tilespmem:s24+$0x4240]  }
0x4a6: {  	v48 =	vld [tilespmem:s6+$0x4240];
	[tilespmem:s17+$0xC0] =	vst v26  }
0x4a7: {  	v27 =	vadd.f32 v29, v27;
	v26 =	vld [tilespmem:s7+$0x450];
	v29 =	vmul.f32 v30, v18;
	v25 =	vadd.f32 v37, v25  }
0x4a8: {  	v30 =	vld [tilespmem:s5+$0x4650]  }
0x4a9: {  	v49 =	vld [tilespmem:s0+$0x4650];
	v25 =	vadd.f32 v29, v25  }
0x4aa: {  	[tilespmem:s17+$0xFFFFFF90] =	vst v27;
	v27 =	vld [tilespmem:s2+$0x4650];
	v28 =	vmul.f32 v28, v20;
	v31 =	vmul.f32 v31, v22  }
0x4ab: {  	v29 =	vld [tilespmem:s23+$0x420];
	[tilespmem:s26+$0xFFFFFF30] =	vst v25  }
0x4ac: {  	v25 =	vmul.f32 v47, v21;
	v50 =	vld [tilespmem:s9+$0x40];
	v28 =	vadd.f32 v31, v28  }
0x4ad: {  	v26 =	vmul.f32 v26, v33;
	v30 =	vmul.f32 v30, v34;
	v31 =	vld [tilespmem:s14+$0x4240]  }
0x4ae: {  	v37 =	vmul.f32 v48, v19;
	v51 =	vld [tilespmem:s22+$0x4620];
	v25 =	vadd.f32 v25, v28  }
0x4af: {  	v27 =	vmul.f32 v27, v35;
	v26 =	vadd.f32 v30, v26;
	v28 =	vld [tilespmem:s12+$0x4240]  }
0x4b0: {  	v53 =	vld [tilespmem:s20+$0x4620];
	v25 =	vadd.f32 v37, v25  }
0x4b1: {  	v52 =	vld [tilespmem:s11+$0x4240];
	v26 =	vadd.f32 v27, v26;
	v27 =	vmul.f32 v49, v36  }
0x4b2: {  	v30 =	vld [tilespmem:s19+$0x4620];
	v38 =	vmul.f32 v50, v17;
	v31 =	vmul.f32 v31, v23;
	[tilespmem:s26+$0x40] =	vst v25  }
0x4b3: {  	v25 =	vadd.f32 v27, v26;
	v26 =	vld [tilespmem:s3+$0x50]  }
0x4b4: {  	v27 =	vmul.f32 v28, v24;
	v28 =	vadd.f32 v31, v38;
	v31 =	vld [tilespmem:s24+$0x4250]  }
0x4b5: {  	v54 =	vmul.f32 v51, v16;
	v55 =	vld [tilespmem:s25+$0x4250];
	[tilespmem:s17+$0xD0] =	vst v25  }
0x4b6: {  	v32 =	vmul.f32 v52, v18;
	v25 =	vmul.f32 v29, v15;
	v29 =	vld [tilespmem:s7+$0x460];
	v27 =	vadd.f32 v27, v28  }
0x4b7: {  	v28 =	vld [tilespmem:s5+$0x4660]  }
0x4b8: {  	v30 =	vmul.f32 v30, v14;
	v57 =	vld [tilespmem:s6+$0x4250];
	v25 =	vadd.f32 v54, v25;
	v27 =	vadd.f32 v32, v27  }
0x4b9: {  	v56 =	vld [tilespmem:s2+$0x4660]  }
0x4ba: {  	v25 =	vadd.f32 v30, v25;
	v30 =	vmul.f32 v53, v13;
	[tilespmem:s26+$0xFFFFFF40] =	vst v27;
	v27 =	vld [tilespmem:s0+$0x4660]  }
0x4bb: {  	v26 =	vmul.f32 v26, v20;
	v31 =	vmul.f32 v31, v22;
	v58 =	vld [tilespmem:s9+$0x50]  }
0x4bc: {  	v25 =	vadd.f32 v30, v25;
	v29 =	vmul.f32 v29, v33;
	v28 =	vmul.f32 v28, v34;
	v30 =	vld [tilespmem:s14+$0x4250]  }
0x4bd: {  	v26 =	vadd.f32 v31, v26;
	v31 =	vmul.f32 v55, v21;
	v59 =	vld [tilespmem:s12+$0x4250]  }
0x4be: {  	[tilespmem:s17+$0xFFFFFFA0] =	vst v25;
	v25 =	vadd.f32 v28, v29;
	v28 =	vmul.f32 v56, v35;
	v29 =	vld [tilespmem:s11+$0x4250]  }
0x4bf: {  	v26 =	vadd.f32 v31, v26;
	v31 =	vmul.f32 v57, v19;
	v60 =	vld [tilespmem:s23+$0x430]  }
0x4c0: {  	v25 =	vadd.f32 v28, v25;
	v27 =	vmul.f32 v27, v36;
	v28 =	vld [tilespmem:s22+$0x4630]  }
0x4c1: {  	v26 =	vadd.f32 v31, v26;
	v37 =	vmul.f32 v58, v17;
	v30 =	vmul.f32 v30, v23  }
0x4c2: {  	v31 =	vld [tilespmem:s19+$0x4630]  }
0x4c3: {  	v25 =	vadd.f32 v27, v25;
	v27 =	vmul.f32 v59, v24;
	[tilespmem:s26+$0x50] =	vst v26;
	v26 =	vld [tilespmem:s20+$0x4630];
	v30 =	vadd.f32 v30, v37  }
0x4c4: {  	v29 =	vmul.f32 v29, v18;
	v61 =	vld [tilespmem:s3+$0x60]  }
0x4c5: {  	[tilespmem:s17+$0xE0] =	vst v25;
	v25 =	vmul.f32 v60, v15;
	v27 =	vadd.f32 v27, v30;
	v28 =	vmul.f32 v28, v16;
	v30 =	vld [tilespmem:s24+$0x4260]  }
0x4c6: {  	v62 =	vld [tilespmem:s7+$0x470]  }
0x4c7: {  	v31 =	vmul.f32 v31, v14;
	v27 =	vadd.f32 v29, v27;
	v25 =	vadd.f32 v28, v25;
	v28 =	vld [tilespmem:s25+$0x4260]  }
0x4c8: {  	v63 =	vld [tilespmem:s5+$0x4670]  }
0x4c9: {  	v26 =	vmul.f32 v26, v13;
	[tilespmem:s26+$0xFFFFFF50] =	vst v27;
	v25 =	vadd.f32 v31, v25;
	v27 =	vld [tilespmem:s6+$0x4260]  }
0x4ca: {  	v31 =	vmul.f32 v61, v20;
	v29 =	vld [tilespmem:s9+$0x60];
	v30 =	vmul.f32 v30, v22  }
0x4cb: {  	v25 =	vadd.f32 v26, v25;
	v26 =	vld [tilespmem:s14+$0x4260]  }
0x4cc: {  	v37 =	vld [tilespmem:s2+$0x4670];
	v30 =	vadd.f32 v30, v31;
	v28 =	vmul.f32 v28, v21  }
0x4cd: {  	v49 =	vld [tilespmem:s12+$0x4260]  }
0x4ce: {  	[tilespmem:s17+$0xFFFFFFB0] =	vst v25;
	v25 =	vld [tilespmem:s11+$0x4260];
	v28 =	vadd.f32 v28, v30;
	v27 =	vmul.f32 v27, v19  }
0x4cf: {  	v30 =	vld [tilespmem:s23+$0x440]  }
0x4d0: {  	v31 =	vld [tilespmem:s22+$0x4640];
	v29 =	vmul.f32 v29, v17;
	v26 =	vmul.f32 v26, v23;
	v27 =	vadd.f32 v27, v28  }
0x4d1: {  	v50 =	vld [tilespmem:s20+$0x4640]  }
0x4d2: {  	v32 =	vmul.f32 v49, v24;
	v28 =	vld [tilespmem:s19+$0x4640];
	v26 =	vadd.f32 v26, v29;
	[tilespmem:s26+$0x60] =	vst v27  }
0x4d3: {  	s13 =	simm.s32 $0x400;
	v29 =	vld [tilespmem:s3+$0x70]  }
0x4d4: {  	s18 =	simm.s32 $0x280;
	s7 =	sand.u32 $0x800, s13;
	v25 =	vmul.f32 v25, v18;
	v27 =	vmul.f32 v30, v15;
	v30 =	vld [tilespmem:s24+$0x4270];
	v26 =	vadd.f32 v32, v26  }
0x4d5: {  	s15 =	simm.s32 $0x4;
	v42 =	vld [tilespmem:s0+$0x4670];
	s0 =	sand.u32 $0x380, s18;
	s13 =	sor.u32 $0x4200, s7;
	v31 =	vmul.f32 v31, v16  }
0x4d6: {  	v41 =	vmov s15;
	s28 =	sadd.s32 s0, s13;
	v25 =	vadd.f32 v25, v26;
	v26 =	vld [tilespmem:s25+$0x4270]  }
0x4d7: {  	v59 =	vld [tilespmem:s28+$0x0];
	v28 =	vmul.f32 v28, v14;
	v31 =	vadd.f32 v31, v27  }
0x4d8: {  	v51 =	vmul.f32 v50, v13;
	[tilespmem:s26+$0xFFFFFF60] =	vst v25;
	v25 =	vld [tilespmem:s6+$0x4270]  }
0x4d9: {  	v28 =	vadd.f32 v28, v31;
	v29 =	vmul.f32 v29, v20;
	v30 =	vmul.f32 v30, v22;
	v31 =	vld [tilespmem:s9+$0x70]  }
0x4da: {  	v52 =	vld [tilespmem:s14+$0x4270]  }
0x4db: {  	v27 =	vld.idx.msk [tilespmem:v41+s1+$0x0], $0xffff;
	v28 =	vadd.f32 v51, v28;
	v29 =	vadd.f32 v30, v29;
	v26 =	vmul.f32 v26, v21  }
0x4dc: {  	v53 =	vld [tilespmem:s12+$0x4270];
	v30 =	vor.u32 $0x30, v41  }
0x4dd: {  	v43 =	vld [tilespmem:s11+$0x4270];
	[tilespmem:s17+$0xFFFFFFC0] =	vst v28;
	v26 =	vadd.f32 v26, v29;
	v25 =	vmul.f32 v25, v19  }
0x4de: {  	v44 =	vld [tilespmem:s23+$0x450]  }
0x4df: {  	v45 =	vld [tilespmem:s22+$0x4650];
	v28 =	vmul.f32 v31, v17;
	v31 =	vmul.f32 v52, v23;
	v26 =	vadd.f32 v25, v26  }
0x4e0: {  	v40 =	vld [tilespmem:s19+$0x4650]  }
0x4e1: {  	v29 =	vor.u32 $0x20, v41;
	v32 =	vmul.f32 v53, v24;
	v25 =	vld.idx.msk [tilespmem:v30+s1+$0x0], $0xffff;
	v28 =	vadd.f32 v31, v28;
	[tilespmem:s26+$0x70] =	vst v26  }
0x4e2: {  	v30 =	vld [tilespmem:s3+$0x400]  }
0x4e3: {  	v41 =	vor.u32 $0x10, v41;
	v31 =	vmul.f32 v43, v18;
	v28 =	vadd.f32 v32, v28;
	v54 =	vld [tilespmem:s24+$0x4600]  }
0x4e4: {  	v46 =	vld [tilespmem:s20+$0x4650]  }
0x4e5: {  	s29 =	simm.s32 $0x2F00;
	s21 =	simm.s32 $0x2100;
	s16 =	simm.s32 $0x5;
	v28 =	vadd.f32 v31, v28;
	v31 =	vld [tilespmem:s25+$0x4600]  }
0x4e6: {  	s15 =	simm.s32 $0x1300;
	s31 =	simm.s32 $0x1080;
	v26 =	vld.idx.msk [tilespmem:v29+s1+$0x0], $0xffff;
	v29 =	vmov s16;
	s16 =	simm.s32 $0x980  }
0x4e7: {  	s8 =	sand.u32 $0x1800, s15;
	s18 =	sand.u32 $0x3800, s21;
	v48 =	vld [tilespmem:s6+$0x4600];
	s10 =	sand.u32 $0x380, s16  }
0x4e8: {  	s21 =	sand.u32 $0x380, s31;
	s0 =	simm.s32 $0x1780;
	v32 =	vld.idx.msk [tilespmem:v41+s1+$0x0], $0xffff;
	s10 =	sor.u32 s10, s8;
	[tilespmem:s26+$0xFFFFFF70] =	vst v28;
	v28 =	vmul.f32 v30, v20;
	v30 =	vmul.f32 v54, v22  }
0x4e9: {  	s7 =	sand.u32 $0x3800, s29;
	s8 =	sor.u32 s21, s18;
	s18 =	sand.u32 $0x380, s0;
	v58 =	vld [tilespmem:s10+$0x4200]  }
0x4ea: {  	v49 =	vor.u32 $0x10, v29;
	v60 =	vld [tilespmem:s8+$0x4200];
	s7 =	sor.u32 s18, s7;
	v51 =	vadd.f32 v30, v28;
	v31 =	vmul.f32 v31, v21  }
0x4eb: {  	v47 =	vor.u32 $0x20, v29;
	v53 =	vld [tilespmem:s7+$0x4200]  }
0x4ec: {  	v50 =	vld [tilespmem:s9+$0x400];
	v57 =	vmul.f32 v48, v19;
	v56 =	vadd.f32 v31, v51  }
0x4ed: {  	v43 =	vld [tilespmem:s14+$0x4600]  }
0x4ee: {  	v55 =	vor.u32 $0x30, v29;
	v29 =	vld.idx.msk [tilespmem:v29+s1+$0x0], $0xffff;
	v41 =	vadd.f32 v57, v56  }
0x4ef: {  	v31 =	vld.idx.msk [tilespmem:v49+s1+$0x0], $0xffff  }
0x4f0: {  	v33 =	vmul.f32 v62, v33;
	v34 =	vmul.f32 v63, v34;
	v30 =	vld.idx.msk [tilespmem:v47+s1+$0x0], $0xffff;
	[tilespmem:s26+$0x80] =	vst v41  }
0x4f1: {  	v61 =	vmul.f32 v44, v15;
	v62 =	vmul.f32 v45, v16;
	v63 =	vld [tilespmem:s3+$0x410]  }
0x4f2: {  	s30 =	simm.s32 $0x1700;
	s31 =	simm.s32 $0x200;
	v33 =	vadd.f32 v34, v33;
	v49 =	vmul.f32 v37, v35;
	v51 =	vld [tilespmem:s24+$0x4610]  }
0x4f3: {  	s15 =	simm.s32 $0x1200;
	s2 =	sand.u32 $0x300, s31;
	v36 =	vmul.f32 v42, v36;
	v52 =	vmul.f32 v40, v14;
	s16 =	simm.s32 $0x900;
	v39 =	vadd.f32 v62, v61;
	v28 =	vld.idx.msk [tilespmem:v55+s1+$0x0], $0xffff  }
0x4f4: {  	s21 =	sand.u32 $0x1800, s15;
	s31 =	sand.u32 $0x300, s16;
	s16 =	sadd.s32 s2, s13;
	v54 =	vmul.f32 v59, v29;
	v33 =	vadd.f32 v49, v33;
	v55 =	vmul.f32 v58, v31;
	v56 =	vld [tilespmem:s25+$0x4610]  }
0x4f5: {  	s2 =	sor.u32 s31, s21;
	v39 =	vadd.f32 v52, v39;
	s18 =	simm.s32 $0x2000;
	s21 =	simm.s32 $0x1000;
	v59 =	vld [tilespmem:s16+$0x0];
	v43 =	vmul.f32 v43, v23;
	v57 =	vmul.f32 v46, v13  }
0x4f6: {  	s31 =	simm.s32 $0x2E00;
	s5 =	sand.u32 $0x3800, s18;
	s13 =	sand.u32 $0x300, s21;
	v60 =	vmul.f32 v60, v30;
	v33 =	vadd.f32 v36, v33;
	v35 =	vld [tilespmem:s6+$0x4610];
	v34 =	vadd.f32 v55, v54  }
0x4f7: {  	s18 =	sand.u32 $0x3800, s31;
	s31 =	sand.u32 $0x300, s30;
	v38 =	vld [tilespmem:s2+$0x4200];
	s21 =	sor.u32 s13, s5;
	v62 =	vadd.f32 v57, v39;
	v61 =	vmul.f32 v63, v20;
	v37 =	vmul.f32 v51, v22  }
0x4f8: {  	s13 =	sor.u32 s31, s18;
	v39 =	vld [tilespmem:s21+$0x4200];
	v58 =	vmul.f32 v50, v17;
	v34 =	vadd.f32 v60, v34;
	v63 =	vmul.f32 v53, v28  }
0x4f9: {  	v40 =	vld [tilespmem:s13+$0x4200];
	[tilespmem:s17+$0xF0] =	vst v33;
	v36 =	vadd.f32 v37, v61;
	v37 =	vmul.f32 v56, v21  }
0x4fa: {  	s30 =	simm.s32 $0x6;
	s5 =	simm.s32 $0x8B00;
	[tilespmem:s17+$0xFFFFFFD0] =	vst v62;
	v41 =	vmul.f32 v59, v27;
	v33 =	vadd.f32 v43, v58;
	v42 =	vadd.f32 v63, v34;
	v34 =	vld [tilespmem:s12+$0x4600]  }
.LBB2_13:
0x4fb: {  	p0 =	slt.u32 s30, $0xC;
	v43 =	vld [tilespmem:s11+$0x4600];
	v36 =	vadd.f32 v37, v36;
	v35 =	vmul.f32 v35, v19;
	s26 =	sadd.s32 $0x200, s26  }
0x4fc: {  	v37 =	vmul.f32 v38, v32;
	[tilespmem:s26+$0x0] =	vst v42;
	v38 =	vld [tilespmem:s23+$0x460]  }
0x4fd: {  	v39 =	vmul.f32 v39, v26;
	v42 =	vld [tilespmem:s28+$0x10];
	v35 =	vadd.f32 v35, v36  }
0x4fe: {  	v36 =	vadd.f32 v37, v41;
	v37 =	vmul.f32 v40, v25;
	v40 =	vld [tilespmem:s10+$0x4210]  }
0x4ff: {  	v41 =	vld [tilespmem:s8+$0x4210];
	v34 =	vmul.f32 v34, v24;
	[tilespmem:s5+$0x90] =	vst v35  }
0x500: {  	v35 =	vadd.f32 v39, v36;
	v36 =	vmul.f32 v43, v18;
	v39 =	vld [tilespmem:s3+$0x420]  }
0x501: {  	v33 =	vadd.f32 v34, v33;
	v34 =	vld [tilespmem:s24+$0x4620];
	v38 =	vmul.f32 v38, v15  }
0x502: {  	v35 =	vadd.f32 v37, v35;
	v37 =	vld [tilespmem:s7+$0x4210]  }
0x503: {  	v42 =	vmul.f32 v42, v29;
	v40 =	vmul.f32 v40, v31;
	v33 =	vadd.f32 v36, v33;
	v36 =	vld [tilespmem:s25+$0x4620]  }
0x504: {  	[tilespmem:s26+$0xFFFFFF00] =	vst v35;
	v35 =	vld [tilespmem:s22+$0x4660]  }
0x505: {  	v41 =	vmul.f32 v41, v30;
	v40 =	vadd.f32 v40, v42;
	[tilespmem:s5+$0xFFFFFF80] =	vst v33;
	v33 =	vld [tilespmem:s6+$0x4620]  }
0x506: {  	v39 =	vmul.f32 v39, v20;
	v42 =	vld [tilespmem:s16+$0x10];
	v34 =	vmul.f32 v34, v22  }
0x507: {  	v43 =	vld [tilespmem:s2+$0x4210];
	v40 =	vadd.f32 v41, v40;
	v37 =	vmul.f32 v37, v28  }
0x508: {  	v41 =	vld [tilespmem:s21+$0x4210];
	v34 =	vadd.f32 v34, v39;
	v36 =	vmul.f32 v36, v21  }
0x509: {  	v39 =	vld [tilespmem:s13+$0x4210];
	v37 =	vadd.f32 v37, v40;
	v35 =	vmul.f32 v35, v16  }
0x50a: {  	v40 =	vld [tilespmem:s9+$0x410];
	v34 =	vadd.f32 v36, v34;
	v33 =	vmul.f32 v33, v19  }
0x50b: {  	v36 =	vmul.f32 v42, v27;
	[tilespmem:s26+$0x10] =	vst v37;
	v37 =	vld [tilespmem:s14+$0x4610];
	v35 =	vadd.f32 v35, v38  }
0x50c: {  	v38 =	vmul.f32 v43, v32;
	v42 =	vld [tilespmem:s28+$0x20];
	v33 =	vadd.f32 v33, v34  }
0x50d: {  	v34 =	vmul.f32 v41, v26;
	v41 =	vld [tilespmem:s10+$0x4220]  }
0x50e: {  	v36 =	vadd.f32 v38, v36;
	v38 =	vmul.f32 v39, v25;
	v39 =	vld [tilespmem:s8+$0x4220];
	[tilespmem:s5+$0xA0] =	vst v33  }
0x50f: {  	v33 =	vmul.f32 v40, v17;
	v40 =	vld [tilespmem:s3+$0x430]  }
0x510: {  	v34 =	vadd.f32 v34, v36;
	v36 =	vmul.f32 v37, v23;
	v37 =	vld [tilespmem:s24+$0x4630]  }
0x511: {  	v43 =	vld [tilespmem:s7+$0x4220]  }
0x512: {  	v34 =	vadd.f32 v38, v34;
	v38 =	vmul.f32 v42, v29;
	v41 =	vmul.f32 v41, v31;
	v42 =	vld [tilespmem:s25+$0x4630]  }
0x513: {  	v33 =	vadd.f32 v36, v33;
	v44 =	vld [tilespmem:s12+$0x4610]  }
0x514: {  	v36 =	vmul.f32 v39, v30;
	[tilespmem:s26+$0xFFFFFF10] =	vst v34;
	v34 =	vadd.f32 v41, v38;
	v38 =	vld [tilespmem:s6+$0x4630]  }
0x515: {  	v40 =	vmul.f32 v40, v20;
	v39 =	vld [tilespmem:s16+$0x20];
	v37 =	vmul.f32 v37, v22  }
0x516: {  	v41 =	vld [tilespmem:s2+$0x4220];
	v34 =	vadd.f32 v36, v34;
	v36 =	vmul.f32 v43, v28  }
0x517: {  	v43 =	vld [tilespmem:s21+$0x4220];
	v37 =	vadd.f32 v37, v40;
	v40 =	vmul.f32 v42, v21  }
0x518: {  	v42 =	vld [tilespmem:s13+$0x4220];
	v34 =	vadd.f32 v36, v34;
	v36 =	vmul.f32 v44, v24  }
0x519: {  	v44 =	vld [tilespmem:s11+$0x4610];
	v37 =	vadd.f32 v40, v37;
	v38 =	vmul.f32 v38, v19  }
0x51a: {  	v39 =	vmul.f32 v39, v27;
	[tilespmem:s26+$0x20] =	vst v34;
	v33 =	vadd.f32 v36, v33;
	v34 =	vld [tilespmem:s19+$0x4660]  }
0x51b: {  	v36 =	vmul.f32 v41, v32;
	v40 =	vld [tilespmem:s28+$0x30];
	v37 =	vadd.f32 v38, v37  }
0x51c: {  	v38 =	vmul.f32 v43, v26;
	v41 =	vld [tilespmem:s10+$0x4230]  }
0x51d: {  	v36 =	vadd.f32 v36, v39;
	v39 =	vmul.f32 v42, v25;
	v42 =	vld [tilespmem:s8+$0x4230];
	[tilespmem:s5+$0xB0] =	vst v37  }
0x51e: {  	v37 =	vmul.f32 v44, v18;
	v43 =	vld [tilespmem:s3+$0x440]  }
0x51f: {  	v36 =	vadd.f32 v38, v36;
	v38 =	vld [tilespmem:s24+$0x4640];
	v34 =	vmul.f32 v34, v14  }
0x520: {  	v44 =	vld [tilespmem:s7+$0x4230];
	v33 =	vadd.f32 v37, v33  }
0x521: {  	v37 =	vmul.f32 v40, v29;
	v36 =	vadd.f32 v39, v36;
	v39 =	vmul.f32 v41, v31;
	v40 =	vld [tilespmem:s25+$0x4640]  }
0x522: {  	v34 =	vadd.f32 v34, v35;
	[tilespmem:s5+$0xFFFFFF90] =	vst v33;
	v33 =	vld [tilespmem:s20+$0x4660]  }
0x523: {  	[tilespmem:s26+$0xFFFFFF20] =	vst v36;
	v35 =	vadd.f32 v39, v37;
	v36 =	vmul.f32 v42, v30;
	v37 =	vld [tilespmem:s6+$0x4640]  }
0x524: {  	v41 =	vmul.f32 v43, v20;
	v39 =	vld [tilespmem:s16+$0x30];
	v38 =	vmul.f32 v38, v22  }
0x525: {  	v42 =	vld [tilespmem:s2+$0x4230];
	v35 =	vadd.f32 v36, v35;
	v36 =	vmul.f32 v44, v28  }
0x526: {  	v43 =	vld [tilespmem:s21+$0x4230];
	v38 =	vadd.f32 v38, v41;
	v40 =	vmul.f32 v40, v21  }
0x527: {  	v41 =	vld [tilespmem:s13+$0x4230];
	v35 =	vadd.f32 v36, v35;
	v33 =	vmul.f32 v33, v13  }
0x528: {  	v36 =	vld [tilespmem:s9+$0x420];
	v38 =	vadd.f32 v40, v38;
	v37 =	vmul.f32 v37, v19  }
0x529: {  	v39 =	vmul.f32 v39, v27;
	[tilespmem:s26+$0x30] =	vst v35;
	v35 =	vld [tilespmem:s14+$0x4620];
	v33 =	vadd.f32 v33, v34  }
0x52a: {  	v34 =	vmul.f32 v42, v32;
	v40 =	vld [tilespmem:s8+$0x4240];
	v37 =	vadd.f32 v37, v38  }
0x52b: {  	v38 =	vmul.f32 v43, v26;
	v42 =	vld [tilespmem:s28+$0x40];
	[tilespmem:s17+$0xFFFFFFE0] =	vst v33  }
0x52c: {  	v33 =	vadd.f32 v34, v39;
	v34 =	vmul.f32 v41, v25;
	v39 =	vld [tilespmem:s10+$0x4240];
	[tilespmem:s5+$0xC0] =	vst v37  }
0x52d: {  	v36 =	vmul.f32 v36, v17;
	v37 =	vld [tilespmem:s3+$0x450]  }
0x52e: {  	v33 =	vadd.f32 v38, v33;
	v35 =	vmul.f32 v35, v23;
	v38 =	vld [tilespmem:s24+$0x4650]  }
0x52f: {  	v41 =	vld [tilespmem:s7+$0x4240]  }
0x530: {  	v33 =	vadd.f32 v34, v33;
	v34 =	vadd.f32 v35, v36;
	v35 =	vld [tilespmem:s25+$0x4650]  }
0x531: {  	v36 =	vmul.f32 v42, v29;
	v39 =	vmul.f32 v39, v31;
	v42 =	vld [tilespmem:s12+$0x4620]  }
0x532: {  	[tilespmem:s26+$0xFFFFFF30] =	vst v33;
	v33 =	vmul.f32 v40, v30;
	v40 =	vld [tilespmem:s6+$0x4650]  }
0x533: {  	v37 =	vmul.f32 v37, v20;
	v43 =	vld [tilespmem:s16+$0x40];
	v36 =	vadd.f32 v39, v36;
	v38 =	vmul.f32 v38, v22  }
0x534: {  	v39 =	vld [tilespmem:s2+$0x4240];
	v41 =	vmul.f32 v41, v28  }
0x535: {  	v44 =	vld [tilespmem:s21+$0x4240];
	v33 =	vadd.f32 v33, v36;
	v36 =	vadd.f32 v38, v37;
	v35 =	vmul.f32 v35, v21  }
0x536: {  	v37 =	vld [tilespmem:s13+$0x4240];
	v38 =	vmul.f32 v42, v24  }
0x537: {  	v33 =	vadd.f32 v41, v33;
	v41 =	vld [tilespmem:s11+$0x4620];
	v35 =	vadd.f32 v35, v36;
	v36 =	vmul.f32 v40, v19  }
0x538: {  	v40 =	vmul.f32 v43, v27;
	v34 =	vadd.f32 v38, v34;
	v38 =	vld [tilespmem:s23+$0x470];
	s23 =	smov.u32 s9;
	s9 =	smov.u32 s16  }
0x539: {  	v39 =	vmul.f32 v39, v32;
	[tilespmem:s26+$0x40] =	vst v33;
	v33 =	vadd.f32 v36, v35;
	v35 =	vld [tilespmem:s22+$0x4670];
	s22 =	smov.u32 s14;
	s14 =	smov.u32 s2  }
0x53a: {  	v36 =	vmul.f32 v44, v26;
	v42 =	vld [tilespmem:s28+$0x50]  }
0x53b: {  	v39 =	vadd.f32 v39, v40;
	v37 =	vmul.f32 v37, v25;
	v40 =	vld [tilespmem:s10+$0x4250];
	[tilespmem:s5+$0xD0] =	vst v33  }
0x53c: {  	v33 =	vmul.f32 v41, v18;
	v41 =	vld [tilespmem:s3+$0x460]  }
0x53d: {  	v36 =	vadd.f32 v36, v39;
	v39 =	vld [tilespmem:s24+$0x4660];
	v38 =	vmul.f32 v38, v15;
	v15 =	vmovc v17;
	v17 =	vmov v27  }
0x53e: {  	v27 =	vld [tilespmem:s8+$0x4250];
	v33 =	vadd.f32 v33, v34;
	v34 =	vmul.f32 v35, v16;
	v16 =	vmovc v23;
	v23 =	vmov v32  }
0x53f: {  	v35 =	vadd.f32 v37, v36;
	v36 =	vld [tilespmem:s25+$0x4660]  }
0x540: {  	v37 =	vld [tilespmem:s7+$0x4250];
	[tilespmem:s5+$0xFFFFFFA0] =	vst v33;
	v32 =	vadd.f32 v34, v38  }
0x541: {  	v33 =	vmul.f32 v42, v29;
	v34 =	vmul.f32 v40, v31;
	[tilespmem:s26+$0xFFFFFF40] =	vst v35;
	v35 =	vld [tilespmem:s6+$0x4660]  }
0x542: {  	v40 =	vmul.f32 v41, v20;
	v38 =	vld [tilespmem:s9+$0x50];
	v39 =	vmul.f32 v39, v22  }
0x543: {  	v33 =	vadd.f32 v34, v33;
	v41 =	vld [tilespmem:s14+$0x4250];
	v27 =	vmul.f32 v27, v30  }
0x544: {  	v34 =	vld [tilespmem:s21+$0x4250];
	v39 =	vadd.f32 v39, v40;
	v36 =	vmul.f32 v36, v21  }
0x545: {  	v40 =	vld [tilespmem:s13+$0x4250];
	v27 =	vadd.f32 v27, v33;
	v33 =	vmul.f32 v37, v28  }
0x546: {  	v37 =	vld [tilespmem:s23+$0x430];
	v36 =	vadd.f32 v36, v39;
	v35 =	vmul.f32 v35, v19  }
0x547: {  	v38 =	vmul.f32 v38, v17;
	v27 =	vadd.f32 v33, v27;
	v33 =	vld [tilespmem:s22+$0x4630]  }
0x548: {  	v39 =	vmul.f32 v41, v23;
	v41 =	vld [tilespmem:s12+$0x4630];
	v35 =	vadd.f32 v35, v36  }
0x549: {  	v34 =	vmul.f32 v34, v26;
	[tilespmem:s26+$0x50] =	vst v27;
	v27 =	vld [tilespmem:s11+$0x4630]  }
0x54a: {  	v36 =	vadd.f32 v39, v38;
	v38 =	vmul.f32 v40, v25;
	v39 =	vld [tilespmem:s28+$0x60];
	[tilespmem:s5+$0xE0] =	vst v35  }
0x54b: {  	v35 =	vmul.f32 v37, v15;
	v37 =	vld [tilespmem:s3+$0x470];
	s3 =	smov.u32 s28  }
0x54c: {  	v34 =	vadd.f32 v34, v36;
	v33 =	vmul.f32 v33, v16;
	v36 =	vld [tilespmem:s24+$0x4670];
	s24 =	smov.u32 s10  }
0x54d: {  	v40 =	vld [tilespmem:s24+$0x4260];
	v41 =	vmul.f32 v41, v24  }
0x54e: {  	v34 =	vadd.f32 v38, v34;
	v33 =	vadd.f32 v33, v35;
	v27 =	vmul.f32 v27, v18;
	v35 =	vld [tilespmem:s25+$0x4670];
	s25 =	smov.u32 s8  }
0x54f: {  	v38 =	vld [tilespmem:s25+$0x4260]  }
0x550: {  	[tilespmem:s26+$0xFFFFFF50] =	vst v34;
	v33 =	vadd.f32 v41, v33;
	v34 =	vld [tilespmem:s6+$0x4670];
	s6 =	smov.u32 s7  }
0x551: {  	v37 =	vmul.f32 v37, v20;
	v20 =	vmovc v29;
	v41 =	vld [tilespmem:s6+$0x4260];
	v36 =	vmul.f32 v36, v22;
	v22 =	vmov v31  }
0x552: {  	v31 =	vmul.f32 v39, v20;
	v29 =	vld [tilespmem:s9+$0x60];
	v39 =	vmul.f32 v40, v22;
	v27 =	vadd.f32 v27, v33  }
0x553: {  	v33 =	vld [tilespmem:s14+$0x4260];
	v36 =	vadd.f32 v36, v37;
	v35 =	vmul.f32 v35, v21;
	v21 =	vmov v30  }
0x554: {  	v30 =	vld [tilespmem:s21+$0x4260];
	v31 =	vadd.f32 v39, v31;
	v37 =	vmul.f32 v38, v21;
	[tilespmem:s5+$0xFFFFFFB0] =	vst v27  }
0x555: {  	v27 =	vld [tilespmem:s13+$0x4260];
	v35 =	vadd.f32 v35, v36;
	v34 =	vmul.f32 v34, v19;
	v19 =	vmov v28  }
0x556: {  	v28 =	vadd.f32 v37, v31;
	v31 =	vmul.f32 v41, v19;
	v36 =	vld [tilespmem:s23+$0x440]  }
0x557: {  	v29 =	vmul.f32 v29, v17;
	v37 =	vld [tilespmem:s22+$0x4640];
	v34 =	vadd.f32 v34, v35  }
0x558: {  	v33 =	vmul.f32 v33, v23;
	v28 =	vadd.f32 v31, v28;
	v31 =	vld [tilespmem:s12+$0x4640]  }
0x559: {  	v30 =	vmul.f32 v30, v26;
	v35 =	vld [tilespmem:s11+$0x4640];
	[tilespmem:s5+$0xF0] =	vst v34  }
0x55a: {  	v34 =	vmov s30;
	v29 =	vadd.f32 v33, v29;
	v27 =	vmul.f32 v27, v25;
	[tilespmem:s26+$0x60] =	vst v28;
	v28 =	vld [tilespmem:s19+$0x4670];
	s19 =	smov.u32 s12;
	s12 =	smov.u32 s21  }
0x55b: {  	v33 =	vld [tilespmem:s3+$0x70];
	v36 =	vmul.f32 v36, v15  }
0x55c: {  	v29 =	vadd.f32 v30, v29;
	v30 =	vld [tilespmem:s24+$0x4270];
	v37 =	vmul.f32 v37, v16  }
0x55d: {  	v31 =	vmul.f32 v31, v24;
	v38 =	vld [tilespmem:s20+$0x4670];
	s20 =	smov.u32 s11;
	s11 =	smov.u32 s13  }
0x55e: {  	v29 =	vadd.f32 v27, v29;
	v39 =	vld [tilespmem:s25+$0x4270];
	v36 =	vadd.f32 v37, v36;
	v35 =	vmul.f32 v35, v18  }
0x55f: {  	v27 =	vld.idx.msk [tilespmem:v34+s1+$0x0], $0xffff;
	v28 =	vmul.f32 v28, v14;
	v14 =	vmov v24;
	v24 =	vmov v26  }
0x560: {  	[tilespmem:s26+$0xFFFFFF60] =	vst v29;
	v26 =	vld [tilespmem:s6+$0x4270];
	v29 =	vadd.f32 v31, v36  }
0x561: {  	v33 =	vmul.f32 v33, v20;
	v31 =	vld [tilespmem:s9+$0x70];
	v30 =	vmul.f32 v30, v22;
	v28 =	vadd.f32 v28, v32  }
0x562: {  	v32 =	vld [tilespmem:s14+$0x4270];
	v29 =	vadd.f32 v35, v29;
	v35 =	vmul.f32 v38, v13;
	v13 =	vmovc v18;
	v18 =	vmov v25  }
0x563: {  	v25 =	vld [tilespmem:s12+$0x4270];
	v30 =	vadd.f32 v30, v33;
	v33 =	vmul.f32 v39, v21  }
0x564: {  	v36 =	vor.u32 $0x30, v34;
	v37 =	vld [tilespmem:s11+$0x4270];
	[tilespmem:s5+$0xFFFFFFC0] =	vst v29;
	v28 =	vadd.f32 v35, v28  }
0x565: {  	v29 =	vadd.f32 v33, v30;
	v26 =	vmul.f32 v26, v19;
	v30 =	vld [tilespmem:s23+$0x450]  }
0x566: {  	v31 =	vmul.f32 v31, v17;
	v33 =	vld [tilespmem:s22+$0x4650];
	[tilespmem:s17+$0xFFFFFFF0] =	vst v28;
	s17 =	smov.u32 s5;
	s5 =	smov.u32 s26  }
0x567: {  	v28 =	vor.u32 $0x20, v34;
	v32 =	vmul.f32 v32, v23;
	v26 =	vadd.f32 v26, v29;
	v29 =	vld [tilespmem:s19+$0x4650]  }
0x568: {  	v35 =	vmul.f32 v25, v24;
	v38 =	vld [tilespmem:s20+$0x4650]  }
0x569: {  	v34 =	vor.u32 $0x10, v34;
	v25 =	vld.idx.msk [tilespmem:v36+s1+$0x0], $0xffff;
	v31 =	vadd.f32 v32, v31;
	v32 =	vmul.f32 v37, v18;
	[tilespmem:s26+$0x70] =	vst v26  }
0x56a: {  	v36 =	vld [tilespmem:s3+$0x400];
	v30 =	vmul.f32 v30, v15  }
0x56b: {  	v31 =	vadd.f32 v35, v31;
	v35 =	vld [tilespmem:s24+$0x4600];
	v33 =	vmul.f32 v33, v16  }
0x56c: {  	s2 =	sadd.s32 $0x1, s30;
	v26 =	vld.idx.msk [tilespmem:v28+s1+$0x0], $0xffff;
	v28 =	vmul.f32 v29, v14  }
0x56d: {  	v29 =	vmov s2;
	v31 =	vadd.f32 v32, v31;
	v37 =	vld [tilespmem:s25+$0x4600];
	v30 =	vadd.f32 v33, v30  }
0x56e: {  	v33 =	vor.u32 $0x30, v29;
	v32 =	vld.idx.msk [tilespmem:v34+s1+$0x0], $0xffff;
	v34 =	vmul.f32 v38, v13  }
0x56f: {  	v38 =	vor.u32 $0x20, v29;
	[tilespmem:s26+$0xFFFFFF70] =	vst v31;
	v31 =	vld [tilespmem:s6+$0x4600];
	v28 =	vadd.f32 v28, v30  }
0x570: {  	v39 =	vor.u32 $0x10, v29;
	v30 =	vmul.f32 v36, v20;
	v40 =	vld [tilespmem:s9+$0x400];
	v35 =	vmul.f32 v35, v22  }
0x571: {  	s0 =	sadd.s32 $0x100, s0;
	s29 =	sadd.s32 $0x200, s29;
	v36 =	vld [tilespmem:s14+$0x4600];
	v34 =	vadd.f32 v34, v28  }
0x572: {  	s8 =	sadd.s32 $0xFFFFF900, s0;
	s7 =	sadd.s32 $0xFFFFF200, s29;
	s2 =	sadd.s32 $0xFFFFEB00, s0;
	v29 =	vld.idx.msk [tilespmem:v29+s1+$0x0], $0xffff;
	v35 =	vadd.f32 v35, v30;
	v37 =	vmul.f32 v37, v21  }
0x573: {  	s15 =	sadd.s32 $0xFFFFF200, s0;
	s10 =	sadd.s32 $0xFFFFD500, s29;
	s13 =	sadd.s32 $0xFFFFE400, s29;
	v28 =	vld.idx.msk [tilespmem:v33+s1+$0x0], $0xffff;
	[tilespmem:s17+$0xFFFFFFD0] =	vst v34  }
0x574: {  	s15 =	sand.u32 $0x380, s15;
	s10 =	sand.u32 $0x800, s10;
	s13 =	sand.u32 $0x1800, s13;
	v30 =	vld.idx.msk [tilespmem:v38+s1+$0x0], $0xffff;
	v33 =	vadd.f32 v37, v35;
	v34 =	vmul.f32 v31, v19  }
0x575: {  	s16 =	sor.u32 $0x4200, s10;
	s10 =	sor.u32 s15, s13;
	s2 =	sand.u32 $0x380, s2;
	v31 =	vld.idx.msk [tilespmem:v39+s1+$0x0], $0xffff;
	v35 =	vmul.f32 v40, v17  }
0x576: {  	s28 =	sadd.s32 s2, s16;
	s2 =	sand.u32 $0x3800, s7;
	s7 =	sand.u32 $0x380, s8;
	v37 =	vld [tilespmem:s10+$0x4200];
	v36 =	vmul.f32 v36, v23;
	v34 =	vadd.f32 v34, v33  }
0x577: {  	s13 =	sadd.s32 $0xFFFFEA80, s0;
	s15 =	sadd.s32 $0xFFFFE300, s29;
	s8 =	sor.u32 s7, s2;
	v38 =	vld [tilespmem:s28+$0x0]  }
0x578: {  	s2 =	sand.u32 $0x300, s13;
	s7 =	sand.u32 $0x1800, s15;
	s13 =	sadd.s32 $0xFFFFF180, s0;
	v39 =	vld [tilespmem:s8+$0x4200];
	v33 =	vadd.f32 v36, v35;
	[tilespmem:s26+$0x80] =	vst v34  }
0x579: {  	s21 =	sand.u32 $0x380, s0;
	s15 =	sand.u32 $0x3800, s29;
	s13 =	sand.u32 $0x300, s13;
	v34 =	vld [tilespmem:s3+$0x410]  }
0x57a: {  	s16 =	sadd.s32 s2, s16;
	s2 =	sor.u32 s13, s7;
	s7 =	sor.u32 s21, s15;
	v36 =	vld [tilespmem:s24+$0x4610]  }
0x57b: {  	s31 =	sadd.s32 $0xFFFFFF00, s29;
	s13 =	sadd.s32 $0xFFFFF100, s29;
	s15 =	sadd.s32 $0xFFFFF880, s0;
	v40 =	vld [tilespmem:s7+$0x4200]  }
0x57c: {  	s18 =	sadd.s32 $0xFFFFFF80, s0;
	s13 =	sand.u32 $0x3800, s13;
	s15 =	sand.u32 $0x300, s15;
	v37 =	vmul.f32 v37, v31;
	v35 =	vmul.f32 v38, v29;
	v41 =	vld [tilespmem:s25+$0x4610]  }
0x57d: {  	s21 =	sor.u32 s15, s13;
	s13 =	sand.u32 $0x3800, s31;
	s15 =	sand.u32 $0x300, s18;
	v42 =	vld [tilespmem:s16+$0x0]  }
.Ltmp6:
0x57e: {  	s13 =	sor.u32 s15, s13;
	v43 =	vmul.f32 v39, v30;
	v37 =	vadd.f32 v37, v35;
	v35 =	vld [tilespmem:s6+$0x4610];
	(pc) =	sbr.rel @p0 .LBB2_13-.Ltmp6, $4  }
0x57f: {  	v34 =	vmul.f32 v34, v20;
	v38 =	vld [tilespmem:s2+$0x4200];
	v36 =	vmul.f32 v36, v22  }
0x580: {  	v39 =	vld [tilespmem:s21+$0x4200];
	v43 =	vadd.f32 v43, v37;
	v44 =	vmul.f32 v40, v28  }
0x581: {  	v40 =	vld [tilespmem:s13+$0x4200];
	v36 =	vadd.f32 v36, v34;
	v37 =	vmul.f32 v41, v21  }
0x582: {  	s30 =	sadd.s32 $0x2, s30;
	v41 =	vmul.f32 v42, v27;
	v42 =	vadd.f32 v44, v43;
	v34 =	vld [tilespmem:s12+$0x4600]  }
0x583: {  	_ = 	snop  }
0x584: {  	v38 =	vmul.f32 v38, v32;
	_ =	sdelay $0x1  }
0x585: {  	s0 =	sadd.s32 $0x200, s26;
	v39 =	vmul.f32 v39, v26;
	v38 =	vadd.f32 v38, v41  }
0x586: {  	[tilespmem:s0+$0x0] =	vst v42  }
0x587: {  	v47 =	vld [tilespmem:s28+$0x10];
	v40 =	vmul.f32 v40, v25;
	v38 =	vadd.f32 v39, v38  }
0x588: {  	v48 =	vld [tilespmem:s10+$0x4210]  }
0x589: {  	v38 =	vadd.f32 v40, v38  }
0x58a: {  	v49 =	vld [tilespmem:s8+$0x4210]  }
0x58b: {  	v42 =	vld [tilespmem:s7+$0x4210];
	[tilespmem:s0+$0xFFFFFF00] =	vst v38  }
0x58c: {  	v38 =	vld [tilespmem:s16+$0x10]  }
0x58d: {  	v39 =	vmul.f32 v47, v29;
	v41 =	vmul.f32 v48, v31;
	v43 =	vld [tilespmem:s2+$0x4210];
	_ =	sdelay $0x1  }
0x58e: {  	v40 =	vmul.f32 v49, v30;
	v39 =	vadd.f32 v41, v39;
	v44 =	vld [tilespmem:s21+$0x4210];
	_ =	sdelay $0x1  }
0x58f: {  	v50 =	vmul.f32 v42, v28;
	v51 =	vld [tilespmem:s13+$0x4210];
	v39 =	vadd.f32 v40, v39  }
0x590: {  	v38 =	vmul.f32 v38, v27;
	v52 =	vmul.f32 v43, v32  }
0x591: {  	v39 =	vadd.f32 v50, v39  }
0x592: {  	v53 =	vmul.f32 v44, v26;
	v38 =	vadd.f32 v52, v38  }
0x593: {  	[tilespmem:s0+$0x10] =	vst v39  }
0x594: {  	v54 =	vmul.f32 v51, v25;
	v55 =	vld [tilespmem:s28+$0x20];
	v38 =	vadd.f32 v53, v38  }
0x595: {  	v56 =	vld [tilespmem:s10+$0x4220]  }
0x596: {  	v38 =	vadd.f32 v54, v38  }
0x597: {  	v57 =	vld [tilespmem:s8+$0x4220]  }
0x598: {  	v58 =	vld [tilespmem:s7+$0x4220];
	[tilespmem:s0+$0xFFFFFF10] =	vst v38  }
0x599: {  	v38 =	vld [tilespmem:s16+$0x20]  }
0x59a: {  	v40 =	vmul.f32 v55, v29;
	v41 =	vmul.f32 v56, v31;
	v59 =	vld [tilespmem:s2+$0x4220];
	_ =	sdelay $0x1  }
0x59b: {  	v39 =	vmul.f32 v57, v30;
	v40 =	vadd.f32 v41, v40;
	v60 =	vld [tilespmem:s21+$0x4220];
	_ =	sdelay $0x1  }
0x59c: {  	v61 =	vmul.f32 v58, v28;
	v62 =	vld [tilespmem:s13+$0x4220];
	v39 =	vadd.f32 v39, v40  }
0x59d: {  	v38 =	vmul.f32 v38, v27;
	v63 =	vmul.f32 v59, v32  }
0x59e: {  	v39 =	vadd.f32 v61, v39  }
0x59f: {  	v45 =	vmul.f32 v60, v26;
	v38 =	vadd.f32 v63, v38  }
0x5a0: {  	[tilespmem:s0+$0x20] =	vst v39  }
0x5a1: {  	v46 =	vmul.f32 v62, v25;
	v47 =	vld [tilespmem:s28+$0x30];
	v38 =	vadd.f32 v45, v38  }
0x5a2: {  	v48 =	vld [tilespmem:s10+$0x4230]  }
0x5a3: {  	v38 =	vadd.f32 v46, v38  }
0x5a4: {  	v49 =	vld [tilespmem:s8+$0x4230]  }
0x5a5: {  	v50 =	vld [tilespmem:s7+$0x4230];
	[tilespmem:s0+$0xFFFFFF20] =	vst v38  }
0x5a6: {  	v38 =	vld [tilespmem:s16+$0x30]  }
0x5a7: {  	v40 =	vmul.f32 v47, v29;
	v41 =	vmul.f32 v48, v31;
	v51 =	vld [tilespmem:s2+$0x4230];
	_ =	sdelay $0x1  }
0x5a8: {  	v39 =	vmul.f32 v49, v30;
	v40 =	vadd.f32 v41, v40;
	v52 =	vld [tilespmem:s21+$0x4230];
	_ =	sdelay $0x1  }
0x5a9: {  	v53 =	vmul.f32 v50, v28;
	v54 =	vld [tilespmem:s13+$0x4230];
	v39 =	vadd.f32 v39, v40  }
0x5aa: {  	v38 =	vmul.f32 v38, v27;
	v55 =	vmul.f32 v51, v32  }
0x5ab: {  	v39 =	vadd.f32 v53, v39  }
0x5ac: {  	v56 =	vmul.f32 v52, v26;
	v38 =	vadd.f32 v55, v38  }
0x5ad: {  	[tilespmem:s0+$0x30] =	vst v39  }
0x5ae: {  	v57 =	vmul.f32 v54, v25;
	v58 =	vld [tilespmem:s28+$0x40];
	v38 =	vadd.f32 v56, v38  }
0x5af: {  	v59 =	vld [tilespmem:s10+$0x4240]  }
0x5b0: {  	v38 =	vadd.f32 v57, v38  }
0x5b1: {  	v60 =	vld [tilespmem:s8+$0x4240]  }
0x5b2: {  	v61 =	vld [tilespmem:s7+$0x4240];
	[tilespmem:s0+$0xFFFFFF30] =	vst v38  }
0x5b3: {  	v38 =	vld [tilespmem:s16+$0x40]  }
0x5b4: {  	v40 =	vmul.f32 v58, v29;
	v41 =	vmul.f32 v59, v31;
	v62 =	vld [tilespmem:s2+$0x4240];
	_ =	sdelay $0x1  }
0x5b5: {  	v39 =	vmul.f32 v60, v30;
	v40 =	vadd.f32 v41, v40;
	v63 =	vld [tilespmem:s21+$0x4240];
	_ =	sdelay $0x1  }
0x5b6: {  	v48 =	vmul.f32 v61, v28;
	v49 =	vld [tilespmem:s13+$0x4240];
	v39 =	vadd.f32 v39, v40  }
0x5b7: {  	v38 =	vmul.f32 v38, v27;
	v50 =	vmul.f32 v62, v32  }
0x5b8: {  	v39 =	vadd.f32 v48, v39  }
0x5b9: {  	v51 =	vmul.f32 v63, v26;
	v38 =	vadd.f32 v50, v38  }
0x5ba: {  	[tilespmem:s0+$0x40] =	vst v39  }
0x5bb: {  	v52 =	vmul.f32 v49, v25;
	v53 =	vld [tilespmem:s28+$0x50];
	v38 =	vadd.f32 v51, v38  }
0x5bc: {  	v54 =	vld [tilespmem:s10+$0x4250]  }
0x5bd: {  	v38 =	vadd.f32 v52, v38  }
0x5be: {  	v55 =	vld [tilespmem:s8+$0x4250]  }
0x5bf: {  	v56 =	vld [tilespmem:s7+$0x4250];
	[tilespmem:s0+$0xFFFFFF40] =	vst v38  }
0x5c0: {  	v38 =	vld [tilespmem:s16+$0x50]  }
0x5c1: {  	v40 =	vmul.f32 v53, v29;
	v41 =	vmul.f32 v54, v31;
	v57 =	vld [tilespmem:s2+$0x4250];
	_ =	sdelay $0x1  }
0x5c2: {  	v39 =	vmul.f32 v55, v30;
	v40 =	vadd.f32 v41, v40;
	v58 =	vld [tilespmem:s21+$0x4250];
	_ =	sdelay $0x1  }
0x5c3: {  	v42 =	vmul.f32 v56, v28;
	v59 =	vld [tilespmem:s13+$0x4250];
	v39 =	vadd.f32 v39, v40  }
0x5c4: {  	v38 =	vmul.f32 v38, v27;
	v60 =	vmul.f32 v57, v32  }
0x5c5: {  	v39 =	vadd.f32 v42, v39  }
0x5c6: {  	v61 =	vmul.f32 v58, v26;
	v38 =	vadd.f32 v60, v38  }
0x5c7: {  	[tilespmem:s0+$0x50] =	vst v39  }
0x5c8: {  	v62 =	vmul.f32 v59, v25;
	v63 =	vld [tilespmem:s28+$0x60];
	v38 =	vadd.f32 v61, v38  }
0x5c9: {  	v45 =	vld [tilespmem:s10+$0x4260]  }
0x5ca: {  	v38 =	vadd.f32 v62, v38  }
0x5cb: {  	v46 =	vld [tilespmem:s8+$0x4260]  }
0x5cc: {  	v47 =	vld [tilespmem:s7+$0x4260];
	[tilespmem:s0+$0xFFFFFF50] =	vst v38  }
0x5cd: {  	v35 =	vmul.f32 v35, v19;
	v48 =	vld [tilespmem:s16+$0x60]  }
0x5ce: {  	v36 =	vadd.f32 v37, v36;
	v50 =	vmul.f32 v63, v29;
	v51 =	vmul.f32 v45, v31;
	v49 =	vld [tilespmem:s2+$0x4260];
	_ =	sdelay $0x1  }
0x5cf: {  	v35 =	vadd.f32 v35, v36;
	v54 =	vmul.f32 v46, v30;
	v53 =	vadd.f32 v51, v50;
	v52 =	vld [tilespmem:s21+$0x4260]  }
0x5d0: {  	v56 =	vld [tilespmem:s11+$0x4600]  }
0x5d1: {  	[tilespmem:s5+$0x90] =	vst v35;
	v38 =	vmul.f32 v47, v28;
	v55 =	vld [tilespmem:s13+$0x4260];
	v57 =	vadd.f32 v54, v53  }
0x5d2: {  	v60 =	vld [tilespmem:s3+$0x420];
	v58 =	vmul.f32 v48, v27;
	v59 =	vmul.f32 v49, v32  }
0x5d3: {  	v61 =	vld [tilespmem:s24+$0x4620];
	v35 =	vadd.f32 v38, v57  }
0x5d4: {  	v63 =	vld [tilespmem:s25+$0x4620];
	v62 =	vmul.f32 v52, v26;
	v36 =	vadd.f32 v59, v58  }
0x5d5: {  	v45 =	vld [tilespmem:s6+$0x4620];
	[tilespmem:s0+$0x60] =	vst v35  }
0x5d6: {  	v39 =	vmul.f32 v55, v25;
	v47 =	vld [tilespmem:s28+$0x70];
	v46 =	vadd.f32 v62, v36  }
0x5d7: {  	v34 =	vmul.f32 v34, v24;
	v48 =	vld [tilespmem:s10+$0x4270]  }
0x5d8: {  	v50 =	vmul.f32 v61, v22;
	v49 =	vmul.f32 v60, v20;
	v35 =	vadd.f32 v39, v46  }
0x5d9: {  	v33 =	vadd.f32 v34, v33;
	v40 =	vmul.f32 v56, v18;
	v51 =	vld [tilespmem:s8+$0x4270]  }
0x5da: {  	v37 =	vmul.f32 v63, v21;
	v52 =	vld [tilespmem:s7+$0x4270];
	v39 =	vadd.f32 v50, v49;
	[tilespmem:s0+$0xFFFFFF60] =	vst v35  }
0x5db: {  	v33 =	vadd.f32 v40, v33;
	v54 =	vmul.f32 v45, v19;
	v53 =	vld [tilespmem:s16+$0x70]  }
0x5dc: {  	v36 =	vmul.f32 v47, v29;
	v38 =	vmul.f32 v48, v31;
	v37 =	vadd.f32 v37, v39;
	v55 =	vld [tilespmem:s2+$0x4270];
	_ =	sdelay $0x1  }
0x5dd: {  	[tilespmem:s5+$0xFFFFFF80] =	vst v33;
	v57 =	vmul.f32 v51, v30;
	v36 =	vadd.f32 v38, v36;
	v56 =	vld [tilespmem:s21+$0x4270];
	v34 =	vadd.f32 v54, v37  }
0x5de: {  	v41 =	vld [tilespmem:s11+$0x4610]  }
0x5df: {  	v35 =	vmul.f32 v52, v28;
	v58 =	vld [tilespmem:s13+$0x4270];
	v59 =	vadd.f32 v57, v36;
	[tilespmem:s5+$0xA0] =	vst v34  }
0x5e0: {  	v62 =	vld [tilespmem:s3+$0x430];
	v60 =	vmul.f32 v53, v27;
	v61 =	vmul.f32 v55, v32  }
0x5e1: {  	v34 =	vadd.f32 v35, v59;
	v63 =	vld [tilespmem:s24+$0x4630]  }
0x5e2: {  	v44 =	vld [tilespmem:s25+$0x4630];
	v43 =	vmul.f32 v56, v26;
	v36 =	vadd.f32 v61, v60  }
0x5e3: {  	v45 =	vld [tilespmem:s6+$0x4630];
	[tilespmem:s0+$0x70] =	vst v34  }
0x5e4: {  	v33 =	vmul.f32 v58, v25;
	v47 =	vld [tilespmem:s28+$0x400];
	v46 =	vadd.f32 v43, v36  }
0x5e5: {  	v48 =	vld [tilespmem:s10+$0x4600]  }
0x5e6: {  	v38 =	vld [tilespmem:s9+$0x410];
	v49 =	vmul.f32 v62, v20;
	v50 =	vmul.f32 v63, v22;
	v33 =	vadd.f32 v33, v46  }
0x5e7: {  	v51 =	vld [tilespmem:s8+$0x4600]  }
0x5e8: {  	v52 =	vld [tilespmem:s7+$0x4600];
	v37 =	vmul.f32 v44, v21;
	v34 =	vadd.f32 v50, v49;
	[tilespmem:s0+$0xFFFFFF70] =	vst v33  }
0x5e9: {  	v39 =	vmul.f32 v45, v19;
	v53 =	vld [tilespmem:s16+$0x400]  }
0x5ea: {  	v35 =	vmul.f32 v47, v29;
	v36 =	vmul.f32 v48, v31;
	v34 =	vadd.f32 v37, v34;
	v54 =	vld [tilespmem:s2+$0x4600]  }
0x5eb: {  	v57 =	vld [tilespmem:s12+$0x4610]  }
0x5ec: {  	v58 =	vmul.f32 v51, v30;
	v35 =	vadd.f32 v36, v35;
	v56 =	vld [tilespmem:s21+$0x4600];
	v34 =	vadd.f32 v39, v34  }
0x5ed: {  	v55 =	vld [tilespmem:s14+$0x4610]  }
0x5ee: {  	v33 =	vmul.f32 v52, v28;
	v59 =	vld [tilespmem:s13+$0x4600];
	v60 =	vadd.f32 v58, v35;
	[tilespmem:s5+$0xB0] =	vst v34  }
0x5ef: {  	v63 =	vld [tilespmem:s3+$0x440];
	v61 =	vmul.f32 v53, v27;
	v62 =	vmul.f32 v54, v32  }
0x5f0: {  	v33 =	vadd.f32 v33, v60;
	v45 =	vld [tilespmem:s24+$0x4640]  }
0x5f1: {  	v48 =	vld [tilespmem:s25+$0x4640];
	v47 =	vmul.f32 v56, v26;
	v46 =	vadd.f32 v62, v61  }
0x5f2: {  	v49 =	vld [tilespmem:s6+$0x4640];
	[tilespmem:s0+$0x80] =	vst v33  }
0x5f3: {  	v50 =	vmul.f32 v59, v25;
	v53 =	vld [tilespmem:s28+$0x410];
	v34 =	vadd.f32 v47, v46  }
0x5f4: {  	v51 =	vmul.f32 v38, v17;
	v52 =	vmul.f32 v55, v23;
	v54 =	vld [tilespmem:s10+$0x4610]  }
0x5f5: {  	v56 =	vmul.f32 v57, v24;
	v57 =	vld [tilespmem:s8+$0x4610];
	v33 =	vadd.f32 v50, v34  }
0x5f6: {  	v55 =	vadd.f32 v52, v51;
	v58 =	vld [tilespmem:s7+$0x4610]  }
0x5f7: {  	v41 =	vmul.f32 v41, v18;
	[tilespmem:s0+$0xFFFFFF80] =	vst v33;
	v33 =	vld [tilespmem:s23+$0x460]  }
0x5f8: {  	v40 =	vmul.f32 v63, v20;
	v42 =	vmul.f32 v45, v22;
	v34 =	vadd.f32 v56, v55;
	v59 =	vld [tilespmem:s16+$0x410]  }
0x5f9: {  	v39 =	vmul.f32 v53, v29;
	v43 =	vmul.f32 v54, v31;
	v60 =	vld [tilespmem:s2+$0x4610]  }
0x5fa: {  	v36 =	vmul.f32 v48, v21;
	v40 =	vadd.f32 v42, v40;
	v41 =	vadd.f32 v41, v34;
	v34 =	vld [tilespmem:s22+$0x4660]  }
0x5fb: {  	v38 =	vmul.f32 v57, v30;
	v39 =	vadd.f32 v43, v39;
	v61 =	vld [tilespmem:s21+$0x4610]  }
0x5fc: {  	v37 =	vmul.f32 v49, v19;
	v36 =	vadd.f32 v36, v40;
	v63 =	vld [tilespmem:s13+$0x4610];
	[tilespmem:s5+$0xFFFFFF90] =	vst v41  }
0x5fd: {  	v62 =	vmul.f32 v58, v28;
	v38 =	vadd.f32 v38, v39;
	v45 =	vld [tilespmem:s9+$0x420]  }
0x5fe: {  	v36 =	vadd.f32 v37, v36;
	v47 =	vld [tilespmem:s14+$0x4620];
	v35 =	vmul.f32 v59, v27;
	v46 =	vmul.f32 v60, v32  }
0x5ff: {  	v49 =	vld [tilespmem:s12+$0x4620];
	v37 =	vadd.f32 v62, v38  }
0x600: {  	v50 =	vld [tilespmem:s11+$0x4620];
	[tilespmem:s5+$0xC0] =	vst v36;
	v48 =	vmul.f32 v61, v26;
	v35 =	vadd.f32 v46, v35  }
0x601: {  	v36 =	vld [tilespmem:s3+$0x450];
	[tilespmem:s0+$0x90] =	vst v37  }
0x602: {  	v51 =	vmul.f32 v63, v25;
	v52 =	vld [tilespmem:s28+$0x420];
	v35 =	vadd.f32 v48, v35  }
0x603: {  	v53 =	vld [tilespmem:s10+$0x4620]  }
0x604: {  	v44 =	vld [tilespmem:s6+$0x4650];
	v54 =	vmul.f32 v45, v17;
	v42 =	vmul.f32 v47, v23;
	v35 =	vadd.f32 v51, v35  }
0x605: {  	v55 =	vld [tilespmem:s8+$0x4620]  }
0x606: {  	v56 =	vld [tilespmem:s7+$0x4620];
	v58 =	vmul.f32 v49, v24;
	v57 =	vadd.f32 v42, v54;
	[tilespmem:s0+$0xFFFFFF90] =	vst v35  }
0x607: {  	v40 =	vmul.f32 v50, v18;
	v59 =	vld [tilespmem:s16+$0x420]  }
0x608: {  	v61 =	vmul.f32 v52, v29;
	v62 =	vmul.f32 v53, v31;
	v35 =	vadd.f32 v58, v57;
	v60 =	vld [tilespmem:s2+$0x4620]  }
0x609: {  	v45 =	vld [tilespmem:s24+$0x4650]  }
0x60a: {  	v48 =	vmul.f32 v55, v30;
	v37 =	vadd.f32 v62, v61;
	v63 =	vld [tilespmem:s21+$0x4620];
	v35 =	vadd.f32 v40, v35  }
0x60b: {  	v46 =	vld [tilespmem:s25+$0x4650]  }
0x60c: {  	v49 =	vmul.f32 v56, v28;
	v50 =	vld [tilespmem:s13+$0x4620];
	v51 =	vadd.f32 v48, v37;
	[tilespmem:s5+$0xFFFFFFA0] =	vst v35  }
0x60d: {  	v54 =	vld [tilespmem:s9+$0x430];
	v52 =	vmul.f32 v59, v27;
	v53 =	vmul.f32 v60, v32  }
0x60e: {  	v35 =	vadd.f32 v49, v51;
	v55 =	vld [tilespmem:s14+$0x4630]  }
0x60f: {  	v57 =	vld [tilespmem:s12+$0x4630];
	v56 =	vmul.f32 v63, v26;
	v37 =	vadd.f32 v53, v52  }
0x610: {  	v58 =	vld [tilespmem:s11+$0x4630];
	[tilespmem:s0+$0xA0] =	vst v35  }
0x611: {  	v60 =	vmul.f32 v50, v25;
	v61 =	vld [tilespmem:s28+$0x430];
	v59 =	vadd.f32 v56, v37  }
0x612: {  	v36 =	vmul.f32 v36, v20;
	v62 =	vmul.f32 v45, v22;
	v63 =	vld [tilespmem:s10+$0x4630]  }
0x613: {  	v45 =	vld [tilespmem:s20+$0x4660];
	v48 =	vmul.f32 v54, v17;
	v49 =	vmul.f32 v55, v23;
	v35 =	vadd.f32 v60, v59  }
0x614: {  	v36 =	vadd.f32 v62, v36;
	v51 =	vmul.f32 v46, v21;
	v50 =	vld [tilespmem:s8+$0x4630]  }
0x615: {  	v52 =	vld [tilespmem:s7+$0x4630];
	v53 =	vmul.f32 v57, v24;
	v37 =	vadd.f32 v49, v48;
	[tilespmem:s0+$0xFFFFFFA0] =	vst v35  }
0x616: {  	v36 =	vadd.f32 v51, v36;
	v55 =	vmul.f32 v44, v19;
	v41 =	vmul.f32 v58, v18;
	v54 =	vld [tilespmem:s16+$0x430]  }
0x617: {  	v57 =	vmul.f32 v61, v29;
	v58 =	vmul.f32 v63, v31;
	v35 =	vadd.f32 v53, v37;
	v56 =	vld [tilespmem:s2+$0x4630]  }
0x618: {  	v44 =	vld [tilespmem:s19+$0x4660];
	v36 =	vadd.f32 v55, v36  }
0x619: {  	v60 =	vmul.f32 v50, v30;
	v37 =	vadd.f32 v58, v57;
	v59 =	vld [tilespmem:s21+$0x4630];
	v35 =	vadd.f32 v41, v35  }
0x61a: {  	[tilespmem:s5+$0xD0] =	vst v36;
	v62 =	vld [tilespmem:s13+$0x4630]  }
0x61b: {  	v61 =	vmul.f32 v52, v28;
	v42 =	vld [tilespmem:s3+$0x460];
	v63 =	vadd.f32 v60, v37;
	[tilespmem:s5+$0xFFFFFFB0] =	vst v35  }
0x61c: {  	v48 =	vld [tilespmem:s9+$0x440];
	v46 =	vmul.f32 v54, v27;
	v47 =	vmul.f32 v56, v32  }
0x61d: {  	v35 =	vadd.f32 v61, v63;
	v49 =	vld [tilespmem:s14+$0x4640]  }
0x61e: {  	v51 =	vld [tilespmem:s12+$0x4640];
	v50 =	vmul.f32 v59, v26;
	v37 =	vadd.f32 v47, v46  }
0x61f: {  	v52 =	vld [tilespmem:s11+$0x4640];
	[tilespmem:s0+$0xB0] =	vst v35  }
0x620: {  	v53 =	vmul.f32 v62, v25;
	v54 =	vld [tilespmem:s28+$0x440];
	v36 =	vadd.f32 v50, v37  }
0x621: {  	v55 =	vld [tilespmem:s10+$0x4640]  }
0x622: {  	v39 =	vld [tilespmem:s25+$0x4660];
	v56 =	vmul.f32 v48, v17;
	v57 =	vmul.f32 v49, v23;
	v35 =	vadd.f32 v53, v36  }
0x623: {  	v58 =	vld [tilespmem:s8+$0x4640]  }
0x624: {  	v59 =	vld [tilespmem:s7+$0x4640];
	v60 =	vmul.f32 v51, v24;
	v36 =	vadd.f32 v57, v56;
	[tilespmem:s0+$0xFFFFFFB0] =	vst v35  }
0x625: {  	v62 =	vmul.f32 v52, v18;
	v61 =	vld [tilespmem:s16+$0x440]  }
0x626: {  	v48 =	vmul.f32 v54, v29;
	v49 =	vmul.f32 v55, v31;
	v35 =	vadd.f32 v60, v36;
	v63 =	vld [tilespmem:s2+$0x4640]  }
0x627: {  	v47 =	vld [tilespmem:s24+$0x4660]  }
0x628: {  	v51 =	vmul.f32 v58, v30;
	v36 =	vadd.f32 v49, v48;
	v50 =	vld [tilespmem:s21+$0x4640];
	v35 =	vadd.f32 v62, v35  }
0x629: {  	v53 =	vld [tilespmem:s13+$0x4640]  }
0x62a: {  	v52 =	vmul.f32 v59, v28;
	v36 =	vadd.f32 v51, v36;
	[tilespmem:s5+$0xFFFFFFC0] =	vst v35;
	v35 =	vld [tilespmem:s6+$0x4660]  }
0x62b: {  	v56 =	vld [tilespmem:s9+$0x450];
	v54 =	vmul.f32 v61, v27;
	v55 =	vmul.f32 v63, v32  }
0x62c: {  	v33 =	vmul.f32 v33, v15;
	v34 =	vmul.f32 v34, v16;
	v36 =	vadd.f32 v52, v36;
	v57 =	vld [tilespmem:s14+$0x4650]  }
0x62d: {  	v59 =	vld [tilespmem:s12+$0x4650];
	v41 =	vmul.f32 v50, v26;
	v37 =	vadd.f32 v55, v54  }
0x62e: {  	v33 =	vadd.f32 v34, v33;
	v60 =	vld [tilespmem:s11+$0x4650];
	[tilespmem:s0+$0xC0] =	vst v36  }
0x62f: {  	v58 =	vmul.f32 v44, v14;
	v61 =	vmul.f32 v53, v25;
	v63 =	vld [tilespmem:s28+$0x450];
	v37 =	vadd.f32 v41, v37  }
0x630: {  	v42 =	vmul.f32 v42, v20;
	v48 =	vmul.f32 v47, v22;
	v49 =	vld [tilespmem:s10+$0x4650]  }
0x631: {  	v33 =	vadd.f32 v58, v33;
	v62 =	vmul.f32 v45, v13;
	v36 =	vadd.f32 v61, v37  }
0x632: {  	v39 =	vmul.f32 v39, v21;
	v53 =	vadd.f32 v48, v42;
	v52 =	vld [tilespmem:s8+$0x4650];
	v58 =	vmul.f32 v35, v19  }
0x633: {  	v33 =	vadd.f32 v62, v33;
	v54 =	vld [tilespmem:s7+$0x4650];
	v50 =	vmul.f32 v56, v17;
	v51 =	vmul.f32 v57, v23;
	[tilespmem:s0+$0xFFFFFFC0] =	vst v36  }
0x634: {  	v55 =	vmul.f32 v59, v24;
	v57 =	vadd.f32 v39, v53;
	v59 =	vmul.f32 v60, v18;
	v56 =	vld [tilespmem:s16+$0x450]  }
0x635: {  	[tilespmem:s17+$0xFFFFFFE0] =	vst v33;
	v37 =	vadd.f32 v51, v50;
	v61 =	vmul.f32 v63, v29;
	v62 =	vmul.f32 v49, v31;
	v60 =	vld [tilespmem:s2+$0x4650]  }
0x636: {  	v40 =	vld [tilespmem:s23+$0x470];
	v33 =	vadd.f32 v58, v57  }
0x637: {  	v46 =	vmul.f32 v52, v30;
	v36 =	vadd.f32 v55, v37;
	v45 =	vadd.f32 v62, v61;
	v63 =	vld [tilespmem:s21+$0x4650]  }
0x638: {  	v44 =	vld [tilespmem:s22+$0x4670]  }
0x639: {  	v47 =	vmul.f32 v54, v28;
	[tilespmem:s5+$0xE0] =	vst v33;
	v48 =	vld [tilespmem:s13+$0x4650];
	v35 =	vadd.f32 v59, v36;
	v49 =	vadd.f32 v46, v45  }
0x63a: {  	v42 =	vld [tilespmem:s3+$0x470];
	v50 =	vmul.f32 v56, v27;
	v51 =	vmul.f32 v60, v32  }
0x63b: {  	[tilespmem:s5+$0xFFFFFFD0] =	vst v35;
	v33 =	vadd.f32 v47, v49;
	v49 =	vld [tilespmem:s25+$0x4670]  }
0x63c: {  	v52 =	vld [tilespmem:s9+$0x460];
	v34 =	vmul.f32 v63, v26;
	v54 =	vadd.f32 v51, v50  }
0x63d: {  	v53 =	vld [tilespmem:s14+$0x4660]  }
0x63e: {  	v55 =	vld [tilespmem:s12+$0x4660];
	v57 =	vmul.f32 v48, v25;
	v34 =	vadd.f32 v34, v54  }
0x63f: {  	v56 =	vld [tilespmem:s11+$0x4660];
	[tilespmem:s0+$0xD0] =	vst v33  }
0x640: {  	v58 =	vld [tilespmem:s28+$0x460];
	v33 =	vadd.f32 v57, v34  }
0x641: {  	v59 =	vld [tilespmem:s10+$0x4660]  }
0x642: {  	v60 =	vld [tilespmem:s8+$0x4660];
	[tilespmem:s0+$0xFFFFFFD0] =	vst v33  }
0x643: {  	v38 =	vmul.f32 v52, v17;
	v39 =	vmul.f32 v53, v23;
	v33 =	vld [tilespmem:s16+$0x460]  }
0x644: {  	v62 =	vld [tilespmem:s2+$0x4660]  }
0x645: {  	v61 =	vld [tilespmem:s7+$0x4660];
	v36 =	vmul.f32 v55, v24;
	v38 =	vadd.f32 v39, v38  }
0x646: {  	v35 =	vmul.f32 v58, v29;
	v41 =	vmul.f32 v59, v31;
	v48 =	vld [tilespmem:s21+$0x4660]  }
0x647: {  	v47 =	vld [tilespmem:s20+$0x4670];
	v37 =	vmul.f32 v56, v18;
	v36 =	vadd.f32 v36, v38  }
0x648: {  	v34 =	vmul.f32 v60, v30;
	v35 =	vadd.f32 v41, v35;
	v51 =	vld [tilespmem:s13+$0x4660]  }
0x649: {  	v63 =	vld [tilespmem:s24+$0x4670];
	v36 =	vadd.f32 v37, v36;
	v33 =	vmul.f32 v33, v27;
	v53 =	vmul.f32 v62, v32  }
0x64a: {  	v52 =	vld [tilespmem:s6+$0x4670];
	v50 =	vmul.f32 v61, v28  }
0x64b: {  	v54 =	vld [tilespmem:s19+$0x4670];
	v34 =	vadd.f32 v34, v35;
	[tilespmem:s5+$0xFFFFFFE0] =	vst v36;
	v55 =	vmul.f32 v48, v26;
	v33 =	vadd.f32 v53, v33  }
0x64c: {  	v36 =	vld [tilespmem:s9+$0x470]  }
0x64d: {  	v34 =	vadd.f32 v50, v34;
	v56 =	vld [tilespmem:s14+$0x4670];
	v57 =	vmul.f32 v51, v25;
	v33 =	vadd.f32 v55, v33  }
0x64e: {  	v61 =	vld [tilespmem:s12+$0x4670]  }
0x64f: {  	v50 =	vld [tilespmem:s11+$0x4670];
	[tilespmem:s0+$0xE0] =	vst v34;
	v33 =	vadd.f32 v57, v33  }
0x650: {  	v15 =	vmul.f32 v40, v15;
	v45 =	vmul.f32 v44, v16;
	v58 =	vld [tilespmem:s28+$0x470]  }
0x651: {  	v59 =	vld [tilespmem:s10+$0x4670];
	[tilespmem:s0+$0xFFFFFFE0] =	vst v33  }
0x652: {  	v15 =	vadd.f32 v45, v15;
	v14 =	vmul.f32 v54, v14;
	v33 =	vld [tilespmem:s16+$0x470]  }
0x653: {  	v63 =	vmul.f32 v63, v22;
	v62 =	vmul.f32 v42, v20;
	v48 =	vld [tilespmem:s2+$0x4670]  }
0x654: {  	v49 =	vmul.f32 v49, v21;
	v13 =	vmul.f32 v47, v13;
	v14 =	vadd.f32 v14, v15;
	v60 =	vld [tilespmem:s8+$0x4670]  }
0x655: {  	v51 =	vmul.f32 v52, v19;
	v20 =	vadd.f32 v63, v62;
	v53 =	vmul.f32 v36, v17;
	v52 =	vld [tilespmem:s21+$0x4670]  }
0x656: {  	v13 =	vadd.f32 v13, v14;
	v54 =	vmul.f32 v56, v23;
	v55 =	vld [tilespmem:s7+$0x4670];
	v15 =	vmul.f32 v58, v29  }
0x657: {  	v20 =	vadd.f32 v49, v20;
	v57 =	vmul.f32 v59, v31;
	v58 =	vmul.f32 v61, v24;
	v56 =	vld [tilespmem:s13+$0x4670]  }
0x658: {  	v17 =	vadd.f32 v54, v53;
	v14 =	vmul.f32 v33, v27;
	v59 =	vmul.f32 v48, v32  }
0x659: {  	v60 =	vmul.f32 v60, v30;
	v61 =	vmul.f32 v50, v18;
	v15 =	vadd.f32 v57, v15  }
0x65a: {  	v17 =	vadd.f32 v58, v17;
	v19 =	vmul.f32 v52, v26;
	v14 =	vadd.f32 v59, v14  }
0x65b: {  	v16 =	vadd.f32 v51, v20;
	s25 =	rddreg [dreg:$0xb];
	v62 =	vmul.f32 v55, v28;
	v15 =	vadd.f32 v60, v15  }
0x65c: {  	s26 =	rddreg [dreg:$0xd];
	[tilespmem:s17+$0xFFFFFFF0] =	vst v13;
	v13 =	vadd.f32 v61, v17;
	v63 =	vmul.f32 v56, v25;
	v14 =	vadd.f32 v19, v14  }
0x65d: {  	[tilespmem:s5+$0xF0] =	vst v16;
	v15 =	vadd.f32 v62, v15  }
0x65e: {  	[tilespmem:s5+$0xFFFFFFF0] =	vst v13;
	v13 =	vadd.f32 v63, v14  }
0x65f: {  	[tilespmem:s0+$0xF0] =	vst v15  }
0x660: {  	[tilespmem:s0+$0xFFFFFFF0] =	vst v13  }
0x661: {  	s2 =	sadd.s32 s25, s26;
	s31 =	rddreg [dreg:$0xa]  }
0x662: {  	s3 =	sshrl.u32 s2, $0x3;
	s6 =	sadd.s32 $0x1, s31  }
0x663: {  	s2 =	sshll.u32 s2, $0x7;
	s3 =	smul.u32 $0x7000, s3;
	p0 =	sne.s32 s6, $0x70  }
.Ltmp7:
0x664: {  	s2 =	sand.u32 $0x380, s2;
	(pc) =	sbr.rel @p0 .LBB2_6-.Ltmp7, $4  }
0x665: {  	s2 =	sor.u32 s2, s3  }
0x666: {  	s29 =	simm.s32 $0x80;
	s28 =	rddreg [dreg:$0x3];
	s2 =	sshrl.u32 s2, $0x3  }
0x667: {  	s30 =	simm.s32 $0x8800;
	s11 =	simm.s32 $0x400;
	s0 =	sadd.s32 s28, s2  }
0x668: {  	[hbm4b:s0+s29] =	stream.strided.scatter [tilespmem:s30], [sflag:$0x4], $0xE00, s11, s29, $0x38;
	[tilespmem:$0x9680] =	vst v63  }
0x669: {  	s0 =	simm.s32 $0x3  }
0x66a: {  	_ =	swait.ge [sflag:s0], $0xE00  }
0x66b: {  	[sflag:s0] =	ssyncset.done $0x0  }
0x66c: {  	s2 =	simm.s32 $0x4;
	[sflag:s0] =	ssyncadd.s32 $0xFFFFF200  }
0x66d: {  	_ =	swait.ge [sflag:s2], $0xE00  }
0x66e: {  	s3 =	rddreg [dreg:$0x9]  }
0x66f: {  	s31 =	rddreg [dreg:$0x8];
	s3 =	sadd.s32 $0x1, s3  }
0x670: {  	p0 =	sne.s32 s3, s31  }
.Ltmp8:
0x671: {  	_ = 	snop;
	(pc) =	sbr.rel @p0 .LBB2_1-.Ltmp8, $3  }
0x672: {  	_ =	sdelay $0x1  }
0x673: {  	[sflag:s2] =	ssyncset.done $0x0  }
0x674: {  	[sflag:s2] =	ssyncadd.s32 $0xFFFFF200  }
0x675: {  	_ =	sfence.sel $0x180000  }
0x676: {  	[bflag:$0x0] =	sbarrier.arrive $0xFFFF  }
0x677: {  	_ =	strace $0x90000047  }
0x678: {  	s0 =	stileid.u32;
	[bflag:$0x2] =	sbarrier.arrive $0xFFFF  }
0x679: {  	p0 =	sne.s32 s0, $0x0;
	s0 =	rddreg [dreg:$0x4]  }
0x67a: {  	s0 =	sadd.s32 @!p0 $0x100000, s0  }
0x67b: {  	[sflag:s0] =	ssyncadd.tile.s32 @!p0 $0x1;
	_ =	shalt  }
.Lfunc_end2:
_tile_overlayer_lowered:
.L_overlay_start_2:
0x67c: {  	(tag) =	ssettag $0x2  }
0x67d: {  	s0 =	rddreg [dreg:$0x0];
	s2 =	stileid.u32  }
0x67e: {  	s1 =	rddreg [dreg:$0x1];
	p0 =	sne.s32 s2, $0x0  }
0x67f: {  	s3 =	rddreg [dreg:$0x2];
	[bflag:$0x3] =	sbarrier.arrive $0xFFFF;
	s2 =	simm.s32 @!p0 $0x1C05  }
0x680: {  	[timem:s3], [sflag:s2] =	dma.local @!p0 [hbm:s0], s1  }
0x681: {  	s0 =	simm.s32 @!p0 $0x5  }
0x682: {  	_ =	swait.ge @!p0 [sflag:s0], s1  }
0x683: {  	s1 =	ssub.s32 @!p0 $0x0, s1;
	[sflag:s0] =	ssyncset.done @!p0 $0x0  }
0x684: {  	[sflag:s0] =	ssyncadd.s32 @!p0 s1  }
0x685: {  	[bflag:$0x3] =	sbarrier.arrive $0xFFFF  }
0x686: {  	_ =	shalt  }

// kernel: sparse-core-data-format-call.cloned.1.call-start
scs
called_computation_lowered:
.L_overlay_start_0:
0x0: {  	s2 =	sld [smem:$0x3FD9]  }
0x1: {  	s3 =	sld [smem:$0x3FFE];
	_ =	sdelay $0x1  }
0x2: {  	s1 =	srdreg.scid  }
0x3: {  	s0 =	sand.u32 $0x1, s1  }
0x4: {  	s18 =	sshll.u32 s0, $0xA;
	s2 =	sadd.s32 s3, s2  }
0x5: {  	s2 =	sadd.s32 s2, s18  }
0x6: {  	[smem:$0x3FC5] =	sst s2  }
0x7: {  	_ = 	snop  }
0x8: {  	s2 =	sld [smem:$0x3FD0];
	(tm) =	ssettm $0x1  }
0x9: {  	s19 =	sld [smem:$0x3FFB];
	_ =	sdelay $0x3  }
0xa: {  	_ =	strace s19  }
0xb: {  	s3 =	sld [smem:$0x3FFC];
	_ =	sdelay $0x3  }
0xc: {  	_ =	strace s3  }
0xd: {  	s3 =	sld [smem:$0x3FFD];
	_ =	sdelay $0x3  }
0xe: {  	_ =	strace s3  }
0xf: {  	_ =	strace $0x8FFFFFFF  }
0x10: {  	s20 =	sld [smem:$0x3FDB];
	_ =	sdelay $0x1  }
0x11: {  	s4 =	simm.s32 $_scs_section_size  }
0x12: {  	s5 =	simm.s32 $_size__tile_overlayer_lowered;
	s6 =	simm.s32 $_tile_overlayer_lowered  }
0x13: {  	s23 =	simm.s32 $0x1BFF;
	s22 =	sshll.u32 s6, $0x1;
	s3 =	sadd.s32 s4, s20  }
0x14: {  	s7 =	simm.s32 $0x0;
	s21 =	sshll.u32 s5, $0x1;
	s5 =	sadd.s32 s22, s3  }
0x15: {  	[timem:s7], [sflag:s23] =	dma.local [hbm:s5], s21  }
0x16: {  	_ =	swait.ge [sflag:s23], s21  }
0x17: {  	s4 =	ssub.s32 $0x0, s21;
	[sflag:s23] =	ssyncset.done $0x0  }
0x18: {  	[sflag:s23] =	ssyncadd.s32 s4;
	_ =	sdelay $0x1  }
0x19: {  	s24 =	simm.s32 $0x1B8B  }
0x1a: {  	_ =	swait.ge [sflag:s24], $0x1  }
0x1b: {  	[sflag:s24] =	ssyncset.done $0x0  }
0x1c: {  	s26 =	simm.s32 $0x1B8E;
	s25 =	sld [smem:$0x3FFE];
	[sflag:s24] =	ssyncadd.s32 $0xFFFFFFFF  }
0x1d: {  	s27 =	simm.s32 $execute0_lowered;
	[smem:$0x3FD2] =	sst s26  }
0x1e: {  	s5 =	sshll.u32 s27, $0x1;
	_ =	strace $0x80000049;
	[dreg:$0x1] =	wrdreg $0xFFFFFFFF  }
0x1f: {  	s28 =	simm.s32 $_size_execute0_lowered;
	s3 =	sadd.s32 s3, s5;
	[dreg:$0x0] =	wrdreg $0x0  }
0x20: {  	s5 =	sshll.u32 s28, $0x1;
	[dreg:$0x2] =	wrdreg s3  }
0x21: {  	[dreg:$0x3] =	wrdreg s5  }
0x22: {  	[dreg:$0x4] =	wrdreg $0xC0  }
0x23: {  	_ =	task [dreg:s7], $0x5FFFF  }
0x24: {  	[dreg:$0x1] =	wrdreg $0xFFFFFFFF  }
0x25: {  	[dreg:$0x0] =	wrdreg $0x60  }
0x26: {  	[dreg:$0x2] =	wrdreg s25  }
0x27: {  	[dreg:$0x3] =	wrdreg s2  }
0x28: {  	[dreg:$0x4] =	wrdreg $0x9  }
0x29: {  	_ =	task.clear_ibuf [dreg:s7], $0x5FFFF;
	_ =	strace $0x90000049  }
0x2a: {  	s29 =	simm.s32 $0x9;
	_ =	strace $0x8000004B  }
0x2b: {  	_ =	swait.ge [sflag:s29], $0x1  }
0x2c: {  	[sflag:s29] =	ssyncadd.s32 $0xFFFFFFFF  }
0x2d: {  	_ =	strace $0x9000004B  }
0x2e: {  	_ =	sfence  }
0x2f: {  	s30 =	sld [smem:$0x0];
	_ =	sdelay $0x2  }
0x30: {  	s31 =	sshll.u32 s1, $0xD;
	s1 =	sshrl.u32 s1, $0x2  }
0x31: {  	s3 =	sand.u32 $0x4000, s31;
	s1 =	sadd.s32 s1, s30  }
0x32: {  	s0 =	sor.u32 s3, s0;
	s1 =	sshll.u32 s1, $0x11  }
0x33: {  	s0 =	sor.u32 s1, s0  }
0x34: {  	s0 =	sadd.s32 $0x8F2B, s0  }
0x35: {  	[sflag:s0] =	ssyncadd.remote.s32 $0x1  }
0x36: {  	_ =	sfence.sel $0xFFFF  }
0x37: {  	[dreg:$0x0] =	wrdreg $0xFFFFFFFF;
	(pc) =	sbr.abs _section_cstart, $3  }
0x38: {  	[dreg:$0x1] =	wrdreg $0xFFFFFFFF  }
0x39: {  	_ =	task.clear_ibuf [dreg:s7], $0x2FFFF;
	_ =	strace $0x9FFFFFFF  }
0x3a: {  	(tm) =	ssettm $0x7FFFFFFF  }
0x3b: {  	_ =	shalt  }
tec
execute0_lowered:
.L_overlay_start_1:
0x0: {  	(tag) =	ssettag $0x1  }
0x1: {  	s0 =	stileid.u32;
	s2 =	srdreg.scid  }
0x2: {  	s8 =	rddreg [dreg:$0x0];
	s9 =	simm.s32 $0x2;
	s1 =	sshll.u32 s0, $0x7  }
0x3: {  	s21 =	simm.s32 $0x0;
	s11 =	simm.s32 $0x400;
	s1 =	sand.u32 $0x180, s1  }
0x4: {  	s12 =	simm.s32 $0x800;
	s3 =	sshll.u32 s2, $0x7;
	s4 =	ssub.s32 $0x200, s1  }
0x5: {  	s2 =	sshrl.u32 s0, $0x2;
	s3 =	sand.u32 $0x80, s3;
	s5 =	sand.u32 $0x180, s4  }
0x6: {  	s6 =	ssub.s32 $0x11, s2;
	p0 =	sne.s32 s5, $0x0;
	s5 =	simm.s32 $0x1  }
0x7: {  	s7 =	ssub.s32 $0x100, s3;
	s4 =	sshrl.u32 s4, $0x9;
	s5 =	simm.s32 @!p0 $0x0  }
0x8: {  	s30 =	sshrl.u32 s6, $0x2;
	s31 =	sshrl.u32 s7, $0x7;
	s4 =	sadd.s32 s5, s4  }
0x9: {  	s7 =	sshrl.u32 s7, $0x8;
	s6 =	sand.u32 $0x1, s31;
	s4 =	smul.u32 s4, s30  }
0xa: {  	s13 =	simm.s32 $0x0;
	s18 =	simm.s32 $0x0;
	s6 =	sadd.s32 s7, s6  }
0xb: {  	s20 =	simm.s32 $0x0;
	s19 =	simm.s32 $0x0;
	s7 =	smul.u32 s6, s4  }
.Ltmp0:
0xc: {  	s14 =	simm.s32 $0x0;
	s5 =	rddreg [dreg:$0x1];
	(pc) =	sbr.rel .LBB1_1-.Ltmp0, $4  }
0xd: {  	s17 =	simm.s32 $0x0;
	s8 =	sadd.s32 $0x800, s8;
	s4 =	rddreg [dreg:$0x2]  }
0xe: {  	_ =	strace $0x8000004A;
	s6 =	simm.s32 $0x1;
	s7 =	smul.u32 $0xE, s7  }
0xf: {  	s15 =	smov.u32 s2;
	s16 =	smov.u32 s1;
	[sflag:s6] =	ssyncpa.u1 $0x0  }
0x10: {  	[sflag:s9] =	ssyncpa.u1 $0x0;
	s9 =	sshll.u32 s3, $0x3;
	s10 =	sor.u32 $0x1, s7  }
.LBB1_4:
0x11: {  	_ =	sdelay $0x3  }
0x12: {  	[tilespmem:v0+s24+$0xFFFFFFD0 ss:$0x1] =	vst.idx.msk $0xffff, v6  }
0x13: {  	v56 =	vld.idx.msk [tilespmem:v1+s23+$0x0 ss:$0x1], $0xffff;
	[tilespmem:v0+s24+$0xFFFFFFE0 ss:$0x1] =	vst.idx.msk $0xffff, v4  }
0x14: {  	v57 =	vld.idx.msk [tilespmem:v1+s23+$0xFFFFFF90 ss:$0x1], $0xffff;
	[tilespmem:v0+s24+$0xFFFFFFF0 ss:$0x1] =	vst.idx.msk $0xffff, v2  }
0x15: {  	v58 =	vld.idx.msk [tilespmem:v1+s23+$0xFFFFFFA0 ss:$0x1], $0xffff;
	[tilespmem:v0+s24+$0x0 ss:$0x1] =	vst.idx.msk $0xffff, v3  }
0x16: {  	v59 =	vld.idx.msk [tilespmem:v1+s23+$0xFFFFFFB0 ss:$0x1], $0xffff;
	[tilespmem:v0+s24+$0x10 ss:$0x1] =	vst.idx.msk $0xffff, v5  }
0x17: {  	v60 =	vld.idx.msk [tilespmem:v1+s23+$0xFFFFFFC0 ss:$0x1], $0xffff;
	[tilespmem:v0+s24+$0x20 ss:$0x1] =	vst.idx.msk $0xffff, v7  }
0x18: {  	v61 =	vld.idx.msk [tilespmem:v1+s23+$0xFFFFFFD0 ss:$0x1], $0xffff;
	[tilespmem:v0+s23+$0x30 ss:$0x1] =	vst.idx.msk $0xffff, v56  }
0x19: {  	s28 =	sshll.u32 s19, $0x8;
	v62 =	vld.idx.msk [tilespmem:v1+s23+$0xFFFFFFE0 ss:$0x1], $0xffff;
	s21 =	sshll.u32 s21, $0x3;
	[tilespmem:v0+s23+$0xFFFFFFC0 ss:$0x1] =	vst.idx.msk $0xffff, v57  }
0x1a: {  	s25 =	sshll.u32 s19, $0x7;
	v63 =	vld.idx.msk [tilespmem:v1+s23+$0xFFFFFFF0 ss:$0x1], $0xffff;
	s20 =	smul.u32 $0x38000, s20;
	s24 =	sand.u32 $0x1F800, s28;
	[tilespmem:v0+s23+$0xFFFFFFD0 ss:$0x1] =	vst.idx.msk $0xffff, v58  }
0x1b: {  	s18 =	sshll.u32 s18, $0xE;
	s29 =	sand.u32 $0x300, s25;
	s21 =	sor.u32 s24, s21;
	[tilespmem:v0+s23+$0xFFFFFFE0 ss:$0x1] =	vst.idx.msk $0xffff, v59  }
0x1c: {  	s30 =	sshll.u32 s19, $0x4;
	s20 =	sadd.s32 s5, s20;
	s21 =	sor.u32 s29, s21;
	[tilespmem:v0+s23+$0xFFFFFFF0 ss:$0x1] =	vst.idx.msk $0xffff, v60  }
0x1d: {  	s19 =	sand.u32 $0x10, s30;
	s18 =	sadd.s32 s18, s20;
	s21 =	sshrl.u32 s21, $0x3;
	[tilespmem:v0+s23+$0x0 ss:$0x1] =	vst.idx.msk $0xffff, v61  }
0x1e: {  	s18 =	sadd.s32 s19, s18;
	[tilespmem:v0+s23+$0x10 ss:$0x1] =	vst.idx.msk $0xffff, v62;
	s31 =	sand.u32 $0x3FE0, s21  }
0x1f: {  	[tilespmem:v0+s23+$0x20 ss:$0x1] =	vst.idx.msk $0xffff, v63;
	s18 =	sadd.s32 s31, s18  }
0x20: {  	[hbm4b:s18+s11] =	stream.strided.scatter [tilespmem:s22], [sflag:$0x2], $0x4000, s12, s11, $0x38;
	[tilespmem:$0x10000] =	vst v63  }
.LBB1_5:
0x21: {  	s22 =	sadd.s32 $0x1, s14  }
0x22: {  	s18 =	sadd.s32 $0x4, s15;
	s23 =	smov.u32 s15;
	p1 =	sgt.s32 s22, $0xD  }
0x23: {  	s23 =	smov.u32 @p1 s18  }
0x24: {  	s24 =	smov.u32 s16;
	s18 =	sadd.s32 $0x200, s16;
	p2 =	sgt.s32 s23, $0xD  }
0x25: {  	s24 =	smov.u32 @p2 s18  }
0x26: {  	s22 =	simm.s32 @p1 $0x0;
	p1 =	sgt.s32 s24, $0x1FF  }
0x27: {  	p0 =	slt.u32 s17, $0x2;
	s24 =	smov.u32 @p1 s1;
	p1 =	sne.s32 s17, s10  }
.Ltmp1:
0x28: {  	s20 =	smov.u32 s15;
	s21 =	simm.s32 @!p0 $0x2;
	(pc) =	sbr.rel @!p1 .LBB1_6-.Ltmp1, $4  }
0x29: {  	s19 =	smov.u32 s16;
	s13 =	sadd.s32 $0x4000, s13;
	_ =	swait.ge @!p0 [sflag:s21], $0x4000  }
0x2a: {  	[sflag:s21] =	ssyncset.done @!p0 $0x0;
	s23 =	smov.u32 @p2 s2;
	s18 =	smov.u32 s14  }
0x2b: {  	[sflag:s21] =	ssyncadd.s32 @!p0 $0xFFFFC000;
	s21 =	smov.u32 s3;
	s14 =	smov.u32 s22  }
0x2c: {  	s15 =	smov.u32 s23;
	s17 =	sadd.s32 $0x1, s17;
	s16 =	smov.u32 s24  }
.LBB1_1:
0x2d: {  	p0 =	sge.u32 s17, s7  }
0x2e: {  	s31 =	sadd.s32 $0xFFFFFFFF, s17;
	s22 =	sshll.u32 @!p0 s14, $0x8;
	s23 =	sshll.u32 @!p0 s14, $0x7  }
0x2f: {  	s24 =	smul.u32 @!p0 $0x1C00, s16;
	s25 =	sxor.u32 @!p0 $0xFFFFFFFF, s17;
	s22 =	sand.u32 @!p0 $0x800, s22  }
0x30: {  	s26 =	sshll.u32 @!p0 s14, $0x4;
	s23 =	sand.u32 @!p0 $0x300, s23;
	s22 =	sor.u32 @!p0 s9, s22  }
0x31: {  	s24 =	sadd.s32 @!p0 s8, s24;
	s22 =	sor.u32 @!p0 s23, s22;
	s23 =	sshll.u32 @!p0 s15, $0x9  }
0x32: {  	s25 =	sshll.u32 @!p0 s25, $0xE;
	s26 =	sand.u32 @!p0 $0x10, s26;
	s23 =	sadd.s32 @!p0 s23, s24  }
0x33: {  	s24 =	sand.u32 @!p0 $0x4000, s25;
	s22 =	sshrl.u32 @!p0 s22, $0x3;
	s23 =	sadd.s32 @!p0 s26, s23  }
0x34: {  	s25 =	simm.s32 @!p0 $0xE000;
	s22 =	sadd.s32 @!p0 s22, s23;
	s23 =	simm.s32 @!p0 $0x80  }
0x35: {  	[tilespmem:s24], [sflag:$0x1] =	stream.strided.gather @!p0 [hbm4b:s22+s23], $0x4000, s25, s23, $0x38;
	[tilespmem:$0x10000] =	vst v63  }
0x36: {  	p0 =	sge.u32 s31, s7  }
.Ltmp2:
0x37: {  	_ = 	snop;
	(pc) =	sbr.rel @p0 .LBB1_5-.Ltmp2, $1  }
0x38: {  	_ =	sdelay $0x3  }
0x39: {  	s22 =	sand.u32 $0x4000, s13  }
0x3a: {  	s23 =	sor.u32 $0x70, s22  }
0x3b: {  	v1 =	vmov s23;
	_ =	sdelay $0x1  }
0x3c: {  	_ =	swait.ge [sflag:s6], $0x4000  }
0x3d: {  	[sflag:s6] =	ssyncset.done $0x0  }
0x3e: {  	s24 =	simm.s32 $0x0;
	[sflag:s6] =	ssyncadd.s32 $0xFFFFC000  }
0x3f: {  	s22 =	sor.u32 $0x8040, s22;
	v7 =	vld.idx.msk [tilespmem:v1+s24+$0x0 ss:$0x1], $0xffff  }
0x40: {  	v0 =	vmov s22;
	v8 =	vld.idx.msk [tilespmem:v1+s24+$0xFFFFFF90 ss:$0x1], $0xffff  }
0x41: {  	v6 =	vld.idx.msk [tilespmem:v1+s24+$0xFFFFFFA0 ss:$0x1], $0xffff  }
0x42: {  	v4 =	vld.idx.msk [tilespmem:v1+s24+$0xFFFFFFB0 ss:$0x1], $0xffff  }
0x43: {  	v2 =	vld.idx.msk [tilespmem:v1+s24+$0xFFFFFFC0 ss:$0x1], $0xffff  }
0x44: {  	s31 =	sshll.u32 s17, $0xE;
	v3 =	vld.idx.msk [tilespmem:v1+s24+$0xFFFFFFD0 ss:$0x1], $0xffff  }
0x45: {  	s22 =	sand.u32 $0x4000, s31;
	v5 =	vld.idx.msk [tilespmem:v1+s24+$0xFFFFFFE0 ss:$0x1], $0xffff;
	[tilespmem:v0+s24+$0x30 ss:$0x1] =	vst.idx.msk $0xffff, v7  }
0x46: {  	s25 =	simm.s32 $0x400;
	s23 =	simm.s32 $0x80;
	s22 =	sor.u32 $0x8000, s22;
	[tilespmem:v0+s24+$0xFFFFFFC0 ss:$0x1] =	vst.idx.msk $0xffff, v8;
	v7 =	vld.idx.msk [tilespmem:v1+s24+$0xFFFFFFF0 ss:$0x1], $0xffff  }
.LBB1_3:
0x47: {  	p0 =	sne.s32 s25, $0xFE00;
	v8 =	vld.idx.msk [tilespmem:v1+s23+$0x0 ss:$0x1], $0xffff;
	[tilespmem:v0+s24+$0xFFFFFFD0 ss:$0x1] =	vst.idx.msk $0xffff, v6  }
0x48: {  	v9 =	vld.idx.msk [tilespmem:v1+s23+$0xFFFFFF90 ss:$0x1], $0xffff;
	[tilespmem:v0+s24+$0xFFFFFFE0 ss:$0x1] =	vst.idx.msk $0xffff, v4  }
0x49: {  	v6 =	vld.idx.msk [tilespmem:v1+s23+$0xFFFFFFA0 ss:$0x1], $0xffff;
	[tilespmem:v0+s24+$0xFFFFFFF0 ss:$0x1] =	vst.idx.msk $0xffff, v2  }
.Ltmp3:
0x4a: {  	v4 =	vld.idx.msk [tilespmem:v1+s23+$0xFFFFFFB0 ss:$0x1], $0xffff;
	[tilespmem:v0+s24+$0x0 ss:$0x1] =	vst.idx.msk $0xffff, v3;
	(pc) =	sbr.rel @p0 .LBB1_3-.Ltmp3, $4  }
0x4b: {  	v2 =	vld.idx.msk [tilespmem:v1+s23+$0xFFFFFFC0 ss:$0x1], $0xffff;
	[tilespmem:v0+s24+$0x10 ss:$0x1] =	vst.idx.msk $0xffff, v5  }
0x4c: {  	v3 =	vld.idx.msk [tilespmem:v1+s23+$0xFFFFFFD0 ss:$0x1], $0xffff;
	[tilespmem:v0+s24+$0x20 ss:$0x1] =	vst.idx.msk $0xffff, v7;
	s24 =	smov.u32 s23  }
0x4d: {  	v5 =	vld.idx.msk [tilespmem:v1+s24+$0xFFFFFFE0 ss:$0x1], $0xffff;
	[tilespmem:v0+s24+$0x30 ss:$0x1] =	vst.idx.msk $0xffff, v8  }
0x4e: {  	s23 =	sshra.s32 s25, $0x2;
	s25 =	sadd.s32 $0x200, s25;
	[tilespmem:v0+s24+$0xFFFFFFC0 ss:$0x1] =	vst.idx.msk $0xffff, v9;
	v7 =	vld.idx.msk [tilespmem:v1+s24+$0xFFFFFFF0 ss:$0x1], $0xffff  }
.Ltmp4:
0x4f: {  	_ = 	snop;
	(pc) =	sbr.rel .LBB1_4-.Ltmp4, $1  }
0x50: {  	_ =	sdelay $0x3  }
.LBB1_6:
0x51: {  	_ =	sfence.sel $0x180000  }
0x52: {  	s1 =	simm.s32 $0x1;
	[bflag:$0x0] =	sbarrier.arrive $0xFFFF  }
0x53: {  	s31 =	simm.s32 $0x2;
	[sflag:s1] =	ssyncpa.u1 $0x1  }
0x54: {  	[sflag:s31] =	ssyncpa.u1 $0x1  }
0x55: {  	p0 =	sne.s32 s0, $0x0;
	_ =	strace $0x9000004A  }
0x56: {  	s0 =	sadd.s32 @!p0 $0x100000, s4;
	[bflag:$0x2] =	sbarrier.arrive $0xFFFF  }
0x57: {  	[sflag:s0] =	ssyncadd.tile.s32 @!p0 $0x1;
	_ =	shalt  }
.Lfunc_end1:
_tile_overlayer_lowered:
.L_overlay_start_2:
0x58: {  	(tag) =	ssettag $0x2  }
0x59: {  	s0 =	rddreg [dreg:$0x0];
	s2 =	stileid.u32  }
0x5a: {  	s1 =	rddreg [dreg:$0x1];
	p0 =	sne.s32 s2, $0x0  }
0x5b: {  	s3 =	rddreg [dreg:$0x2];
	[bflag:$0x3] =	sbarrier.arrive $0xFFFF;
	s2 =	simm.s32 @!p0 $0x1C01  }
0x5c: {  	[timem:s3], [sflag:s2] =	dma.local @!p0 [hbm:s0], s1  }
0x5d: {  	s0 =	simm.s32 @!p0 $0x1  }
0x5e: {  	_ =	swait.ge @!p0 [sflag:s0], s1  }
0x5f: {  	s1 =	ssub.s32 @!p0 $0x0, s1;
	[sflag:s0] =	ssyncset.done @!p0 $0x0  }
0x60: {  	[sflag:s0] =	ssyncadd.s32 @!p0 s1  }
0x61: {  	[bflag:$0x3] =	sbarrier.arrive $0xFFFF  }
0x62: {  	_ =	shalt  }

</sc_bundles>
